<compile_context>
chip_gen: v7x
topology: tpu7x:2x2x1
jax: 0.10.2.dev20260603
libtpu: 0.0.44.dev20260713+nightly
codegen_flags: <defaults>
</compile_context>

<pallas_src>
import functools

import jax
import jax.numpy as jnp
from jax import lax
from jax.experimental import pallas as pl
from jax.experimental.pallas import tpu as pltpu
from jax.experimental.pallas import tpu_sc as plsc

_HI = jax.lax.Precision.HIGHEST


def _dot(a, b):
    return jnp.dot(a, b, precision=_HI)


def _full(shape):
    return pl.BlockSpec(shape, lambda i: (0,) * len(shape))


def _rows(bn, d):
    return pl.BlockSpec((bn, d), lambda i: (i, 0))


def _make_edge_kernel(n, e, h):
    nc, ns = 2, 16
    nw = nc * ns
    epw = e // nw
    assert epw * nw == e
    c = 80
    nch = epw // c
    assert nch * c == epw
    stripe = (n // ns) // 8 * 8
    rem = n - stripe * ns
    mesh = plsc.VectorSubcoreMesh(core_axis_name="c", subcore_axis_name="s")

    @functools.partial(
        pl.kernel,
        out_type=jax.ShapeDtypeStruct((nc, n, h), jnp.float32),
        mesh=mesh,
        scratch_types=[
            pltpu.VMEM((c,), jnp.int32),
            pltpu.VMEM((c,), jnp.int32),
            pltpu.VMEM((c, h), jnp.float32),
            pltpu.VMEM((c, h), jnp.float32),
            pltpu.VMEM_SHARED((n, h), jnp.float32),
            pltpu.SemaphoreType.DMA,
            pltpu.SemaphoreType.DMA,
        ],
    )
    def edge_kernel(p_hbm, q_hbm, dst_hbm, src_hbm, z_hbm, out_hbm,
                    dsti, srci, pbuf, qbuf, rsh, sem_p, sem_q):
        cid = lax.axis_index("c")
        sid = lax.axis_index("s")
        pltpu.sync_copy(z_hbm.at[pl.ds(sid * stripe, stripe)],
                        rsh.at[pl.ds(sid * stripe, stripe)])
        if rem:
            @pl.when(sid == 0)
            def _zero_rem():
                pltpu.sync_copy(z_hbm.at[pl.ds(ns * stripe, rem)],
                                rsh.at[pl.ds(ns * stripe, rem)])
        plsc.subcore_barrier()

        wid = sid * nc + cid
        base0 = wid * epw

        def chunk(i, carry):
            base = base0 + i * c
            pltpu.sync_copy(dst_hbm.at[pl.ds(base, c)], dsti)
            pltpu.sync_copy(src_hbm.at[pl.ds(base, c)], srci)
            cp = pltpu.async_copy(p_hbm.at[dsti], pbuf, sem_p)
            cq = pltpu.async_copy(q_hbm.at[srci], qbuf, sem_q)
            cp.wait()
            cq.wait()

            def row(r, rc):
                for k in range(h // 16):
                    s = pl.ds(k * 16, 16)
                    pbuf[r, s] = jnp.maximum(pbuf[r, s] + qbuf[r, s], 0.0)
                return rc

            lax.fori_loop(0, c, row, 0)
            pltpu.sync_copy(pbuf, rsh.at[dsti], add=True)
            return carry

        lax.fori_loop(0, nch, chunk, 0)
        plsc.subcore_barrier()
        pltpu.sync_copy(rsh.at[pl.ds(sid * stripe, stripe)],
                        out_hbm.at[cid, pl.ds(sid * stripe, stripe)])
        if rem:
            @pl.when(sid == 0)
            def _out_rem():
                pltpu.sync_copy(rsh.at[pl.ds(ns * stripe, rem)],
                                out_hbm.at[cid, pl.ds(ns * stripe, rem)])

    return edge_kernel


def _tc_pre(x, ew0, eb0, ew1, eb1, w0a, b0, w0b, bn):
    n, d = x.shape
    h = ew1.shape[1]

    def body(x_r, ew0_r, eb0_r, ew1_r, eb1_r, wa_r, b0_r, wb_r, h_r, p_r, q_r):
        h1 = jnp.maximum(_dot(x_r[...], ew0_r[...]) + eb0_r[...], 0.0)
        hv = _dot(h1, ew1_r[...]) + eb1_r[...]
        h_r[...] = hv
        p_r[...] = _dot(hv, wa_r[...]) + b0_r[...]
        q_r[...] = _dot(hv, wb_r[...])

    return pl.pallas_call(
        body,
        grid=(n // bn,),
        in_specs=[_rows(bn, d), _full(ew0.shape), _full((1, h)),
                  _full(ew1.shape), _full((1, h)),
                  _full(w0a.shape), _full((1, h)), _full(w0b.shape)],
        out_specs=[_rows(bn, h), _rows(bn, h), _rows(bn, h)],
        out_shape=[jax.ShapeDtypeStruct((n, h), jnp.float32)] * 3,
    )(x, ew0, eb0.reshape(1, -1), ew1, eb1.reshape(1, -1),
      w0a, b0.reshape(1, -1), w0b)


def _tc_mid(hcur, r0, r1, mw1, ua, ub, ub0, uw1, ub1, w0a, b0, w0b, bn):
    n, h = hcur.shape

    def body(h_r, r0_r, r1_r, mw1_r, ua_r, ubm_r, b0u_r, uw1_r, b1u_r,
             wa_r, b0m_r, wb_r, ho_r, p_r, q_r):
        agg = _dot(r0_r[...] + r1_r[...], mw1_r[...])
        pre = _dot(h_r[...], ua_r[...]) + _dot(agg, ubm_r[...]) + b0u_r[...]
        hn = _dot(jnp.maximum(pre, 0.0), uw1_r[...]) + b1u_r[...]
        ho_r[...] = hn
        p_r[...] = _dot(hn, wa_r[...]) + b0m_r[...]
        q_r[...] = _dot(hn, wb_r[...])

    return pl.pallas_call(
        body,
        grid=(n // bn,),
        in_specs=[_rows(bn, h), _rows(bn, h), _rows(bn, h),
                  _full(mw1.shape), _full(ua.shape), _full(ub.shape),
                  _full((1, h)), _full(uw1.shape), _full((1, h)),
                  _full(w0a.shape), _full((1, h)), _full(w0b.shape)],
        out_specs=[_rows(bn, h), _rows(bn, h), _rows(bn, h)],
        out_shape=[jax.ShapeDtypeStruct((n, h), jnp.float32)] * 3,
    )(hcur, r0, r1, mw1, ua, ub, ub0.reshape(1, -1), uw1, ub1.reshape(1, -1),
      w0a, b0.reshape(1, -1), w0b)


def _tc_fin(hcur, r0, r1, mw1, ua, ub, ub0, uw1, ub1, hw0, hb0, hw1, hb1, bn):
    n, h = hcur.shape
    out_d = hw1.shape[1]

    def body(h_r, r0_r, r1_r, mw1_r, ua_r, ubm_r, b0u_r, uw1_r, b1u_r,
             hw0_r, hb0_r, hw1_r, hb1_r, o_r):
        agg = _dot(r0_r[...] + r1_r[...], mw1_r[...])
        pre = _dot(h_r[...], ua_r[...]) + _dot(agg, ubm_r[...]) + b0u_r[...]
        hn = _dot(jnp.maximum(pre, 0.0), uw1_r[...]) + b1u_r[...]
        hh = jnp.maximum(_dot(hn, hw0_r[...]) + hb0_r[...], 0.0)
        o_r[...] = _dot(hh, hw1_r[...]) + hb1_r[...]

    return pl.pallas_call(
        body,
        grid=(n // bn,),
        in_specs=[_rows(bn, h), _rows(bn, h), _rows(bn, h),
                  _full(mw1.shape), _full(ua.shape), _full(ub.shape),
                  _full((1, h)), _full(uw1.shape), _full((1, h)),
                  _full(hw0.shape), _full((1, h)), _full(hw1.shape),
                  _full((1, out_d))],
        out_specs=[pl.BlockSpec((bn, out_d), lambda i: (i, 0))],
        out_shape=[jax.ShapeDtypeStruct((n, out_d), jnp.float32)],
    )(hcur, r0, r1, mw1, ua, ub, ub0.reshape(1, -1), uw1, ub1.reshape(1, -1),
      hw0, hb0.reshape(1, -1), hw1, hb1.reshape(1, -1))[0]


def kernel(x, edge_index, emb_W0, emb_b0, emb_W1, emb_b1,
           msg_W0, msg_b0, msg_W1, msg_b1,
           upd_W0, upd_b0, upd_W1, upd_b1,
           head_W0, head_b0, head_W1, head_b1):
    n = x.shape[0]
    e = edge_index.shape[1]
    num_layers, two_h, h = msg_W0.shape
    assert two_h == 2 * h

    src = edge_index[0]
    dst = edge_index[1]
    zeros_nh = jnp.zeros((n, h), jnp.float32)

    edge_k = _make_edge_kernel(n, e, h)
    bn = 1000

    hcur, p, q = _tc_pre(x, emb_W0, emb_b0, emb_W1, emb_b1,
                         msg_W0[0, :h], msg_b0[0], msg_W0[0, h:], bn)
    for i in range(num_layers):
        rpair = edge_k(p, q, dst, src, zeros_nh)
        if i < num_layers - 1:
            hcur, p, q = _tc_mid(hcur, rpair[0], rpair[1], msg_W1[i],
                                 upd_W0[i, :h], upd_W0[i, h:], upd_b0[i],
                                 upd_W1[i], upd_b1[i],
                                 msg_W0[i + 1, :h], msg_b0[i + 1],
                                 msg_W0[i + 1, h:], bn)
        else:
            out = _tc_fin(hcur, rpair[0], rpair[1], msg_W1[i],
                          upd_W0[i, :h], upd_W0[i, h:], upd_b0[i],
                          upd_W1[i], upd_b1[i],
                          head_W0, head_b0, head_W1, head_b1, bn)
    return out

# --- scband reference (transcript-rebuilt; emitter-appended) ---
"""Pipeline reference for scband-mpnn-md17-2774548873305 (READ-ONLY COPY).

The authoritative reference and input builder live on the scoring server;
editing this copy changes nothing except your own understanding.
"""

import jax, jax.numpy as jnp
import numpy as np

N = 10000
E = 320000
D_IN = 128
H = 128
OUT = 30
L = 7


def setup_inputs(seed: int = 0) -> dict:
    key = jax.random.key(seed)
    ks = jax.random.split(key, 16)
    s = 0.05
    inp = {}
    inp["x"] = jax.random.normal(ks[0], (N, D_IN), dtype=jnp.float32)
    inp["edge_index"] = jax.random.randint(ks[1], (2, E), 0, N, dtype=jnp.int32)
    inp["emb_W0"] = jax.random.normal(ks[2], (D_IN, H), dtype=jnp.float32) * s
    inp["emb_b0"] = jnp.zeros((H,), dtype=jnp.float32)
    inp["emb_W1"] = jax.random.normal(ks[3], (H, H), dtype=jnp.float32) * s
    inp["emb_b1"] = jnp.zeros((H,), dtype=jnp.float32)
    inp["msg_W0"] = jax.random.normal(ks[4], (L, 2 * H, H), dtype=jnp.float32) * s
    inp["msg_b0"] = jnp.zeros((L, H), dtype=jnp.float32)
    inp["msg_W1"] = jax.random.normal(ks[5], (L, H, H), dtype=jnp.float32) * s
    inp["msg_b1"] = jnp.zeros((L, H), dtype=jnp.float32)
    inp["upd_W0"] = jax.random.normal(ks[6], (L, 2 * H, H), dtype=jnp.float32) * s
    inp["upd_b0"] = jnp.zeros((L, H), dtype=jnp.float32)
    inp["upd_W1"] = jax.random.normal(ks[7], (L, H, H), dtype=jnp.float32) * s
    inp["upd_b1"] = jnp.zeros((L, H), dtype=jnp.float32)
    inp["head_W0"] = jax.random.normal(ks[8], (H, H), dtype=jnp.float32) * s
    inp["head_b0"] = jnp.zeros((H,), dtype=jnp.float32)
    inp["head_W1"] = jax.random.normal(ks[9], (H, OUT), dtype=jnp.float32) * s
    inp["head_b1"] = jnp.zeros((OUT,), dtype=jnp.float32)
    return inp


def reference(x, edge_index, emb_W0, emb_b0, emb_W1, emb_b1, msg_W0, msg_b0, msg_W1, msg_b1, upd_W0, upd_b0, upd_W1, upd_b1, head_W0, head_b0, head_W1, head_b1):
    # embedder: Linear -> ReLU -> Linear
    h = jax.nn.relu(x @ emb_W0 + emb_b0) @ emb_W1 + emb_b1
    src = edge_index[0]  # j (source) nodes
    dst = edge_index[1]  # i (target) nodes, PyG source_to_target flow
    n = x.shape[0]
    num_layers = msg_W0.shape[0]
    for i in range(num_layers):
        x_i = h[dst]  # gather target features per edge
        x_j = h[src]  # gather source features per edge
        m = jnp.concatenate([x_i, x_j], axis=-1)
        m = jax.nn.relu(m @ msg_W0[i] + msg_b0[i]) @ msg_W1[i] + msg_b1[i]
        agg = jax.ops.segment_sum(m, dst, num_segments=n)  # aggr='add'
        u = jnp.concatenate([h, agg], axis=-1)
        h = jax.nn.relu(u @ upd_W0[i] + upd_b0[i]) @ upd_W1[i] + upd_b1[i]
    out = jax.nn.relu(h @ head_W0 + head_b0) @ head_W1 + head_b1
    return out

if __name__ == "__main__":
    import jax
    _d = setup_inputs()
    print(jax.jit(kernel)(*tuple(_d.values())))

</pallas_src>

<mosaic_0001>
#map = affine_map<(d0, d1) -> (0, 0)>
#map1 = affine_map<(d0, d1) -> (0)>
#map2 = affine_map<(d0, d1) -> (0, 0, 0)>
module attributes {stable_mosaic.version = 14 : i64} {
  func.func @edge_kernel(%arg0: i32, %arg1: i32, %arg2: memref<10000x128xf32, #tpu.memory_space<hbm>>, %arg3: memref<10000x128xf32, #tpu.memory_space<hbm>>, %arg4: memref<320000xi32, #tpu.memory_space<hbm>>, %arg5: memref<320000xi32, #tpu.memory_space<hbm>>, %arg6: memref<10000x128xf32, #tpu.memory_space<hbm>>, %arg7: memref<2x10000x128xf32, #tpu.memory_space<hbm>>, %arg8: memref<80xi32, #tpu.memory_space<vmem>>, %arg9: memref<80xi32, #tpu.memory_space<vmem>>, %arg10: memref<80x128xf32, #tpu.memory_space<vmem>>, %arg11: memref<80x128xf32, #tpu.memory_space<vmem>>, %arg12: memref<10000x128xf32, #tpu.memory_space<vmem_shared>>, %arg13: memref<!tpu.dma_semaphore, #tpu.memory_space<semaphore_mem>>, %arg14: memref<!tpu.dma_semaphore, #tpu.memory_space<semaphore_mem>>) attributes {dimension_semantics = [#tpu.dimension_semantics<core_parallel>, #tpu.dimension_semantics<subcore_parallel>], iteration_bounds = array<i64: 2, 16>, scalar_prefetch = 0 : i64, scratch_operands = 7 : i64, tpu.core_type = #tpu.core_type<sc_vector_subcore>, window_params = [{transform_indices = #map}, {transform_indices = #map}, {transform_indices = #map1}, {transform_indices = #map1}, {transform_indices = #map}, {transform_indices = #map2}]} {
    %mul3A = arith.constant 624 : i32
    %mul3A_0 = arith.muli %arg1, %mul3A : i32
    %mul3A_1 = arith.constant 624 : i32
    %mul3A_2 = arith.muli %arg1, %mul3A_1 : i32
    "tpu.region"() ({
      %run_scoped3A = tpu.sem_alloc : memref<!tpu.dma_semaphore, #tpu.memory_space<semaphore_mem>>
      %dma_start3A = arith.constant 0 : i32
      %dma_start3A_24 = tpu.memref_slice %arg12[%mul3A_2, %dma_start3A] : memref<10000x128xf32, #tpu.memory_space<vmem_shared>> -> memref<624x128xf32, #tpu.memory_space<vmem_shared>>
      %dma_start3A_25 = arith.constant 0 : i32
      %dma_start3A_26 = tpu.memref_slice %arg6[%mul3A_0, %dma_start3A_25] : memref<10000x128xf32, #tpu.memory_space<hbm>> -> memref<624x128xf32, #tpu.memory_space<hbm>>
      tpu.enqueue_dma source(%dma_start3A_26 : memref<624x128xf32, #tpu.memory_space<hbm>>) target(%dma_start3A_24 : memref<624x128xf32, #tpu.memory_space<vmem_shared>>) target_semaphore(%run_scoped3A : memref<!tpu.dma_semaphore, #tpu.memory_space<semaphore_mem>>)
      %dma_wait3A = arith.constant 0 : i32
      %dma_wait3A_27 = tpu.memref_slice %arg12[%mul3A_2, %dma_wait3A] : memref<10000x128xf32, #tpu.memory_space<vmem_shared>> -> memref<624x128xf32, #tpu.memory_space<vmem_shared>>
      %dma_wait3A_28 = arith.constant 0 : i32
      %dma_wait3A_29 = tpu.memref_slice %arg6[%mul3A_0, %dma_wait3A_28] : memref<10000x128xf32, #tpu.memory_space<hbm>> -> memref<624x128xf32, #tpu.memory_space<hbm>>
      tpu.wait_dma2 semaphore(%run_scoped3A : memref<!tpu.dma_semaphore, #tpu.memory_space<semaphore_mem>>) src(%dma_wait3A_29 : memref<624x128xf32, #tpu.memory_space<hbm>>) dst(%dma_wait3A_27 : memref<624x128xf32, #tpu.memory_space<vmem_shared>>)
      tpu.yield
    }) : () -> ()
    %eq3A = arith.constant 0 : i32
    %eq3A_3 = arith.cmpi eq, %arg1, %eq3A : i32
    %convert_element_type3A = arith.extui %eq3A_3 : i1 to i32
    %cond3A = arith.constant 0 : i32
    %cond3A_4 = arith.cmpi ne, %convert_element_type3A, %cond3A : i32
    scf.if %cond3A_4 {
      "tpu.region"() ({
        %run_scoped3A = tpu.sem_alloc : memref<!tpu.dma_semaphore, #tpu.memory_space<semaphore_mem>>
        %dma_start3A = arith.constant 9984 : i32
        %dma_start3A_24 = arith.constant 0 : i32
        %dma_start3A_25 = tpu.memref_slice %arg12[%dma_start3A, %dma_start3A_24] : memref<10000x128xf32, #tpu.memory_space<vmem_shared>> -> memref<16x128xf32, #tpu.memory_space<vmem_shared>>
        %dma_start3A_26 = arith.constant 9984 : i32
        %dma_start3A_27 = arith.constant 0 : i32
        %dma_start3A_28 = tpu.memref_slice %arg6[%dma_start3A_26, %dma_start3A_27] : memref<10000x128xf32, #tpu.memory_space<hbm>> -> memref<16x128xf32, #tpu.memory_space<hbm>>
        tpu.enqueue_dma source(%dma_start3A_28 : memref<16x128xf32, #tpu.memory_space<hbm>>) target(%dma_start3A_25 : memref<16x128xf32, #tpu.memory_space<vmem_shared>>) target_semaphore(%run_scoped3A : memref<!tpu.dma_semaphore, #tpu.memory_space<semaphore_mem>>)
        %dma_wait3A = arith.constant 9984 : i32
        %dma_wait3A_29 = arith.constant 0 : i32
        %dma_wait3A_30 = tpu.memref_slice %arg12[%dma_wait3A, %dma_wait3A_29] : memref<10000x128xf32, #tpu.memory_space<vmem_shared>> -> memref<16x128xf32, #tpu.memory_space<vmem_shared>>
        %dma_wait3A_31 = arith.constant 9984 : i32
        %dma_wait3A_32 = arith.constant 0 : i32
        %dma_wait3A_33 = tpu.memref_slice %arg6[%dma_wait3A_31, %dma_wait3A_32] : memref<10000x128xf32, #tpu.memory_space<hbm>> -> memref<16x128xf32, #tpu.memory_space<hbm>>
        tpu.wait_dma2 semaphore(%run_scoped3A : memref<!tpu.dma_semaphore, #tpu.memory_space<semaphore_mem>>) src(%dma_wait3A_33 : memref<16x128xf32, #tpu.memory_space<hbm>>) dst(%dma_wait3A_30 : memref<16x128xf32, #tpu.memory_space<vmem_shared>>)
        tpu.yield
      }) : () -> ()
    } else {
    }
    %barrier3A = arith.constant 0 : index
    tpu.barrier barrier_id(%barrier3A)
    %mul3A_5 = arith.constant 2 : i32
    %mul3A_6 = arith.muli %arg1, %mul3A_5 : i32
    %add3A = arith.addi %mul3A_6, %arg0 : i32
    %mul3A_7 = arith.constant 10000 : i32
    %mul3A_8 = arith.muli %add3A, %mul3A_7 : i32
    %scan3A = arith.constant 0 : i32
    %scan3A_9 = arith.constant 0 : i32
    %scan3A_10 = arith.constant 125 : i32
    %scan3A_11 = arith.addi %scan3A_9, %scan3A_10 : i32
    %scan3A_12 = arith.constant 1 : i32
    scf.for %scan3A_24 = %scan3A_9 to %scan3A_11 step %scan3A_12  : i32 {
      %mul3A_25 = arith.constant 80 : i32
      %mul3A_26 = arith.muli %scan3A_24, %mul3A_25 : i32
      %add3A_27 = arith.addi %mul3A_8, %mul3A_26 : i32
      "tpu.region"() ({
        %run_scoped3A = tpu.sem_alloc : memref<!tpu.dma_semaphore, #tpu.memory_space<semaphore_mem>>
        %dma_start3A_44 = tpu.memref_slice %arg4[%add3A_27] : memref<320000xi32, #tpu.memory_space<hbm>> -> memref<80xi32, #tpu.memory_space<hbm>>
        %dma_start3A_45 = tpu.memref_slice %arg4[%add3A_27] : memref<320000xi32, #tpu.memory_space<hbm>> -> memref<80xi32, #tpu.memory_space<hbm>>
        tpu.enqueue_dma source(%dma_start3A_45 : memref<80xi32, #tpu.memory_space<hbm>>) target(%arg8 : memref<80xi32, #tpu.memory_space<vmem>>) target_semaphore(%run_scoped3A : memref<!tpu.dma_semaphore, #tpu.memory_space<semaphore_mem>>)
        %dma_wait3A_46 = tpu.memref_slice %arg4[%add3A_27] : memref<320000xi32, #tpu.memory_space<hbm>> -> memref<80xi32, #tpu.memory_space<hbm>>
        %dma_wait3A_47 = tpu.memref_slice %arg4[%add3A_27] : memref<320000xi32, #tpu.memory_space<hbm>> -> memref<80xi32, #tpu.memory_space<hbm>>
        tpu.wait_dma2 semaphore(%run_scoped3A : memref<!tpu.dma_semaphore, #tpu.memory_space<semaphore_mem>>) src(%dma_wait3A_47 : memref<80xi32, #tpu.memory_space<hbm>>) dst(%arg8 : memref<80xi32, #tpu.memory_space<vmem>>)
        tpu.yield
      }) : () -> ()
      "tpu.region"() ({
        %run_scoped3A = tpu.sem_alloc : memref<!tpu.dma_semaphore, #tpu.memory_space<semaphore_mem>>
        %dma_start3A_44 = tpu.memref_slice %arg5[%add3A_27] : memref<320000xi32, #tpu.memory_space<hbm>> -> memref<80xi32, #tpu.memory_space<hbm>>
        %dma_start3A_45 = tpu.memref_slice %arg5[%add3A_27] : memref<320000xi32, #tpu.memory_space<hbm>> -> memref<80xi32, #tpu.memory_space<hbm>>
        tpu.enqueue_dma source(%dma_start3A_45 : memref<80xi32, #tpu.memory_space<hbm>>) target(%arg9 : memref<80xi32, #tpu.memory_space<vmem>>) target_semaphore(%run_scoped3A : memref<!tpu.dma_semaphore, #tpu.memory_space<semaphore_mem>>)
        %dma_wait3A_46 = tpu.memref_slice %arg5[%add3A_27] : memref<320000xi32, #tpu.memory_space<hbm>> -> memref<80xi32, #tpu.memory_space<hbm>>
        %dma_wait3A_47 = tpu.memref_slice %arg5[%add3A_27] : memref<320000xi32, #tpu.memory_space<hbm>> -> memref<80xi32, #tpu.memory_space<hbm>>
        tpu.wait_dma2 semaphore(%run_scoped3A : memref<!tpu.dma_semaphore, #tpu.memory_space<semaphore_mem>>) src(%dma_wait3A_47 : memref<80xi32, #tpu.memory_space<hbm>>) dst(%arg9 : memref<80xi32, #tpu.memory_space<vmem>>)
        tpu.yield
      }) : () -> ()
      %dma_start3A = arith.constant 0 : i32
      %dma_start3A_28 = arith.constant 0 : i32
      %dma_start3A_29 = tpu.memref_slice %arg2[%dma_start3A, %dma_start3A_28] : memref<10000x128xf32, #tpu.memory_space<hbm>> -> memref<10000x128xf32, #tpu.memory_space<hbm>>
      tpu.enqueue_indirect_dma source(%dma_start3A_29 : memref<10000x128xf32, #tpu.memory_space<hbm>>) target(%arg10 : memref<80x128xf32, #tpu.memory_space<vmem>>) offsets(%arg8 : memref<80xi32, #tpu.memory_space<vmem>>) semaphore(%arg13 : memref<!tpu.dma_semaphore, #tpu.memory_space<semaphore_mem>>)
      %dma_start3A_30 = arith.constant 0 : i32
      %dma_start3A_31 = arith.constant 0 : i32
      %dma_start3A_32 = tpu.memref_slice %arg3[%dma_start3A_30, %dma_start3A_31] : memref<10000x128xf32, #tpu.memory_space<hbm>> -> memref<10000x128xf32, #tpu.memory_space<hbm>>
      tpu.enqueue_indirect_dma source(%dma_start3A_32 : memref<10000x128xf32, #tpu.memory_space<hbm>>) target(%arg11 : memref<80x128xf32, #tpu.memory_space<vmem>>) offsets(%arg9 : memref<80xi32, #tpu.memory_space<vmem>>) semaphore(%arg14 : memref<!tpu.dma_semaphore, #tpu.memory_space<semaphore_mem>>)
      %dma_wait3A = arith.constant 0 : i32
      %dma_wait3A_33 = arith.constant 0 : i32
      %dma_wait3A_34 = tpu.memref_slice %arg2[%dma_wait3A, %dma_wait3A_33] : memref<10000x128xf32, #tpu.memory_space<hbm>> -> memref<10000x128xf32, #tpu.memory_space<hbm>>
      tpu.wait_indirect_dma semaphore(%arg13 : memref<!tpu.dma_semaphore, #tpu.memory_space<semaphore_mem>>) src(%dma_wait3A_34 : memref<10000x128xf32, #tpu.memory_space<hbm>>) dst(%arg10 : memref<80x128xf32, #tpu.memory_space<vmem>>)
      %dma_wait3A_35 = arith.constant 0 : i32
      %dma_wait3A_36 = arith.constant 0 : i32
      %dma_wait3A_37 = tpu.memref_slice %arg3[%dma_wait3A_35, %dma_wait3A_36] : memref<10000x128xf32, #tpu.memory_space<hbm>> -> memref<10000x128xf32, #tpu.memory_space<hbm>>
      tpu.wait_indirect_dma semaphore(%arg14 : memref<!tpu.dma_semaphore, #tpu.memory_space<semaphore_mem>>) src(%dma_wait3A_37 : memref<10000x128xf32, #tpu.memory_space<hbm>>) dst(%arg11 : memref<80x128xf32, #tpu.memory_space<vmem>>)
      %scan3A_38 = arith.constant 0 : i32
      %scan3A_39 = arith.constant 0 : i32
      %scan3A_40 = arith.constant 80 : i32
      %scan3A_41 = arith.addi %scan3A_39, %scan3A_40 : i32
      %scan3A_42 = arith.constant 1 : i32
      scf.for %scan3A_44 = %scan3A_39 to %scan3A_41 step %scan3A_42  : i32 {
        %get3A = arith.index_cast %scan3A_44 : i32 to index
        %get3A_45 = arith.constant 0 : index
        %get3A_46 = tpu.vector_load %arg10[%get3A, %get3A_45] {strides = array<i32>} : memref<80x128xf32, #tpu.memory_space<vmem>>, vector<1x16xf32>,
        %get3A_47 = vector.shape_cast %get3A_46 : vector<1x16xf32> to vector<16xf32>
        %get3A_48 = arith.index_cast %scan3A_44 : i32 to index
        %get3A_49 = arith.constant 0 : index
        %get3A_50 = tpu.vector_load %arg11[%get3A_48, %get3A_49] {strides = array<i32>} : memref<80x128xf32, #tpu.memory_space<vmem>>, vector<1x16xf32>,
        %get3A_51 = vector.shape_cast %get3A_50 : vector<1x16xf32> to vector<16xf32>
        %add3A_52 = arith.addf %get3A_47, %get3A_51 : vector<16xf32>
        %max3A = arith.constant 0.000000e+00 : f32
        %max3A_53 = vector.broadcast %max3A : f32 to vector<16xf32>
        %max3A_54 = arith.maximumf %add3A_52, %max3A_53 : vector<16xf32>
        %swap3A = arith.index_cast %scan3A_44 : i32 to index
        %swap3A_55 = arith.constant 0 : index
        %swap3A_56 = tpu.vector_load %arg10[%swap3A, %swap3A_55] {strides = array<i32>} : memref<80x128xf32, #tpu.memory_space<vmem>>, vector<1x16xf32>,
        %swap3A_57 = vector.shape_cast %swap3A_56 : vector<1x16xf32> to vector<16xf32>
        %swap3A_58 = vector.shape_cast %max3A_54 : vector<16xf32> to vector<1x16xf32>
        tpu.vector_store %arg10[%swap3A, %swap3A_55], %swap3A_58 {strides = array<i32>} : memref<80x128xf32, #tpu.memory_space<vmem>>, vector<1x16xf32>,
        %get3A_59 = arith.index_cast %scan3A_44 : i32 to index
        %get3A_60 = arith.constant 16 : index
        %get3A_61 = tpu.vector_load %arg10[%get3A_59, %get3A_60] {strides = array<i32>} : memref<80x128xf32, #tpu.memory_space<vmem>>, vector<1x16xf32>,
        %get3A_62 = vector.shape_cast %get3A_61 : vector<1x16xf32> to vector<16xf32>
        %get3A_63 = arith.index_cast %scan3A_44 : i32 to index
        %get3A_64 = arith.constant 16 : index
        %get3A_65 = tpu.vector_load %arg11[%get3A_63, %get3A_64] {strides = array<i32>} : memref<80x128xf32, #tpu.memory_space<vmem>>, vector<1x16xf32>,
        %get3A_66 = vector.shape_cast %get3A_65 : vector<1x16xf32> to vector<16xf32>
        %add3A_67 = arith.addf %get3A_62, %get3A_66 : vector<16xf32>
        %max3A_68 = arith.constant 0.000000e+00 : f32
        %max3A_69 = vector.broadcast %max3A_68 : f32 to vector<16xf32>
        %max3A_70 = arith.maximumf %add3A_67, %max3A_69 : vector<16xf32>
        %swap3A_71 = arith.index_cast %scan3A_44 : i32 to index
        %swap3A_72 = arith.constant 16 : index
        %swap3A_73 = tpu.vector_load %arg10[%swap3A_71, %swap3A_72] {strides = array<i32>} : memref<80x128xf32, #tpu.memory_space<vmem>>, vector<1x16xf32>,
        %swap3A_74 = vector.shape_cast %swap3A_73 : vector<1x16xf32> to vector<16xf32>
        %swap3A_75 = vector.shape_cast %max3A_70 : vector<16xf32> to vector<1x16xf32>
        tpu.vector_store %arg10[%swap3A_71, %swap3A_72], %swap3A_75 {strides = array<i32>} : memref<80x128xf32, #tpu.memory_space<vmem>>, vector<1x16xf32>,
        %get3A_76 = arith.index_cast %scan3A_44 : i32 to index
        %get3A_77 = arith.constant 32 : index
        %get3A_78 = tpu.vector_load %arg10[%get3A_76, %get3A_77] {strides = array<i32>} : memref<80x128xf32, #tpu.memory_space<vmem>>, vector<1x16xf32>,
        %get3A_79 = vector.shape_cast %get3A_78 : vector<1x16xf32> to vector<16xf32>
        %get3A_80 = arith.index_cast %scan3A_44 : i32 to index
        %get3A_81 = arith.constant 32 : index
        %get3A_82 = tpu.vector_load %arg11[%get3A_80, %get3A_81] {strides = array<i32>} : memref<80x128xf32, #tpu.memory_space<vmem>>, vector<1x16xf32>,
        %get3A_83 = vector.shape_cast %get3A_82 : vector<1x16xf32> to vector<16xf32>
        %add3A_84 = arith.addf %get3A_79, %get3A_83 : vector<16xf32>
        %max3A_85 = arith.constant 0.000000e+00 : f32
        %max3A_86 = vector.broadcast %max3A_85 : f32 to vector<16xf32>
        %max3A_87 = arith.maximumf %add3A_84, %max3A_86 : vector<16xf32>
        %swap3A_88 = arith.index_cast %scan3A_44 : i32 to index
        %swap3A_89 = arith.constant 32 : index
        %swap3A_90 = tpu.vector_load %arg10[%swap3A_88, %swap3A_89] {strides = array<i32>} : memref<80x128xf32, #tpu.memory_space<vmem>>, vector<1x16xf32>,
        %swap3A_91 = vector.shape_cast %swap3A_90 : vector<1x16xf32> to vector<16xf32>
        %swap3A_92 = vector.shape_cast %max3A_87 : vector<16xf32> to vector<1x16xf32>
        tpu.vector_store %arg10[%swap3A_88, %swap3A_89], %swap3A_92 {strides = array<i32>} : memref<80x128xf32, #tpu.memory_space<vmem>>, vector<1x16xf32>,
        %get3A_93 = arith.index_cast %scan3A_44 : i32 to index
        %get3A_94 = arith.constant 48 : index
        %get3A_95 = tpu.vector_load %arg10[%get3A_93, %get3A_94] {strides = array<i32>} : memref<80x128xf32, #tpu.memory_space<vmem>>, vector<1x16xf32>,
        %get3A_96 = vector.shape_cast %get3A_95 : vector<1x16xf32> to vector<16xf32>
        %get3A_97 = arith.index_cast %scan3A_44 : i32 to index
        %get3A_98 = arith.constant 48 : index
        %get3A_99 = tpu.vector_load %arg11[%get3A_97, %get3A_98] {strides = array<i32>} : memref<80x128xf32, #tpu.memory_space<vmem>>, vector<1x16xf32>,
        %get3A_100 = vector.shape_cast %get3A_99 : vector<1x16xf32> to vector<16xf32>
        %add3A_101 = arith.addf %get3A_96, %get3A_100 : vector<16xf32>
        %max3A_102 = arith.constant 0.000000e+00 : f32
        %max3A_103 = vector.broadcast %max3A_102 : f32 to vector<16xf32>
        %max3A_104 = arith.maximumf %add3A_101, %max3A_103 : vector<16xf32>
        %swap3A_105 = arith.index_cast %scan3A_44 : i32 to index
        %swap3A_106 = arith.constant 48 : index
        %swap3A_107 = tpu.vector_load %arg10[%swap3A_105, %swap3A_106] {strides = array<i32>} : memref<80x128xf32, #tpu.memory_space<vmem>>, vector<1x16xf32>,
        %swap3A_108 = vector.shape_cast %swap3A_107 : vector<1x16xf32> to vector<16xf32>
        %swap3A_109 = vector.shape_cast %max3A_104 : vector<16xf32> to vector<1x16xf32>
        tpu.vector_store %arg10[%swap3A_105, %swap3A_106], %swap3A_109 {strides = array<i32>} : memref<80x128xf32, #tpu.memory_space<vmem>>, vector<1x16xf32>,
        %get3A_110 = arith.index_cast %scan3A_44 : i32 to index
        %get3A_111 = arith.constant 64 : index
        %get3A_112 = tpu.vector_load %arg10[%get3A_110, %get3A_111] {strides = array<i32>} : memref<80x128xf32, #tpu.memory_space<vmem>>, vector<1x16xf32>,
        %get3A_113 = vector.shape_cast %get3A_112 : vector<1x16xf32> to vector<16xf32>
        %get3A_114 = arith.index_cast %scan3A_44 : i32 to index
        %get3A_115 = arith.constant 64 : index
        %get3A_116 = tpu.vector_load %arg11[%get3A_114, %get3A_115] {strides = array<i32>} : memref<80x128xf32, #tpu.memory_space<vmem>>, vector<1x16xf32>,
        %get3A_117 = vector.shape_cast %get3A_116 : vector<1x16xf32> to vector<16xf32>
        %add3A_118 = arith.addf %get3A_113, %get3A_117 : vector<16xf32>
        %max3A_119 = arith.constant 0.000000e+00 : f32
        %max3A_120 = vector.broadcast %max3A_119 : f32 to vector<16xf32>
        %max3A_121 = arith.maximumf %add3A_118, %max3A_120 : vector<16xf32>
        %swap3A_122 = arith.index_cast %scan3A_44 : i32 to index
        %swap3A_123 = arith.constant 64 : index
        %swap3A_124 = tpu.vector_load %arg10[%swap3A_122, %swap3A_123] {strides = array<i32>} : memref<80x128xf32, #tpu.memory_space<vmem>>, vector<1x16xf32>,
        %swap3A_125 = vector.shape_cast %swap3A_124 : vector<1x16xf32> to vector<16xf32>
        %swap3A_126 = vector.shape_cast %max3A_121 : vector<16xf32> to vector<1x16xf32>
        tpu.vector_store %arg10[%swap3A_122, %swap3A_123], %swap3A_126 {strides = array<i32>} : memref<80x128xf32, #tpu.memory_space<vmem>>, vector<1x16xf32>,
        %get3A_127 = arith.index_cast %scan3A_44 : i32 to index
        %get3A_128 = arith.constant 80 : index
        %get3A_129 = tpu.vector_load %arg10[%get3A_127, %get3A_128] {strides = array<i32>} : memref<80x128xf32, #tpu.memory_space<vmem>>, vector<1x16xf32>,
        %get3A_130 = vector.shape_cast %get3A_129 : vector<1x16xf32> to vector<16xf32>
        %get3A_131 = arith.index_cast %scan3A_44 : i32 to index
        %get3A_132 = arith.constant 80 : index
        %get3A_133 = tpu.vector_load %arg11[%get3A_131, %get3A_132] {strides = array<i32>} : memref<80x128xf32, #tpu.memory_space<vmem>>, vector<1x16xf32>,
        %get3A_134 = vector.shape_cast %get3A_133 : vector<1x16xf32> to vector<16xf32>
        %add3A_135 = arith.addf %get3A_130, %get3A_134 : vector<16xf32>
        %max3A_136 = arith.constant 0.000000e+00 : f32
        %max3A_137 = vector.broadcast %max3A_136 : f32 to vector<16xf32>
        %max3A_138 = arith.maximumf %add3A_135, %max3A_137 : vector<16xf32>
        %swap3A_139 = arith.index_cast %scan3A_44 : i32 to index
        %swap3A_140 = arith.constant 80 : index
        %swap3A_141 = tpu.vector_load %arg10[%swap3A_139, %swap3A_140] {strides = array<i32>} : memref<80x128xf32, #tpu.memory_space<vmem>>, vector<1x16xf32>,
        %swap3A_142 = vector.shape_cast %swap3A_141 : vector<1x16xf32> to vector<16xf32>
        %swap3A_143 = vector.shape_cast %max3A_138 : vector<16xf32> to vector<1x16xf32>
        tpu.vector_store %arg10[%swap3A_139, %swap3A_140], %swap3A_143 {strides = array<i32>} : memref<80x128xf32, #tpu.memory_space<vmem>>, vector<1x16xf32>,
        %get3A_144 = arith.index_cast %scan3A_44 : i32 to index
        %get3A_145 = arith.constant 96 : index
        %get3A_146 = tpu.vector_load %arg10[%get3A_144, %get3A_145] {strides = array<i32>} : memref<80x128xf32, #tpu.memory_space<vmem>>, vector<1x16xf32>,
        %get3A_147 = vector.shape_cast %get3A_146 : vector<1x16xf32> to vector<16xf32>
        %get3A_148 = arith.index_cast %scan3A_44 : i32 to index
        %get3A_149 = arith.constant 96 : index
        %get3A_150 = tpu.vector_load %arg11[%get3A_148, %get3A_149] {strides = array<i32>} : memref<80x128xf32, #tpu.memory_space<vmem>>, vector<1x16xf32>,
        %get3A_151 = vector.shape_cast %get3A_150 : vector<1x16xf32> to vector<16xf32>
        %add3A_152 = arith.addf %get3A_147, %get3A_151 : vector<16xf32>
        %max3A_153 = arith.constant 0.000000e+00 : f32
        %max3A_154 = vector.broadcast %max3A_153 : f32 to vector<16xf32>
        %max3A_155 = arith.maximumf %add3A_152, %max3A_154 : vector<16xf32>
        %swap3A_156 = arith.index_cast %scan3A_44 : i32 to index
        %swap3A_157 = arith.constant 96 : index
        %swap3A_158 = tpu.vector_load %arg10[%swap3A_156, %swap3A_157] {strides = array<i32>} : memref<80x128xf32, #tpu.memory_space<vmem>>, vector<1x16xf32>,
        %swap3A_159 = vector.shape_cast %swap3A_158 : vector<1x16xf32> to vector<16xf32>
        %swap3A_160 = vector.shape_cast %max3A_155 : vector<16xf32> to vector<1x16xf32>
        tpu.vector_store %arg10[%swap3A_156, %swap3A_157], %swap3A_160 {strides = array<i32>} : memref<80x128xf32, #tpu.memory_space<vmem>>, vector<1x16xf32>,
        %get3A_161 = arith.index_cast %scan3A_44 : i32 to index
        %get3A_162 = arith.constant 112 : index
        %get3A_163 = tpu.vector_load %arg10[%get3A_161, %get3A_162] {strides = array<i32>} : memref<80x128xf32, #tpu.memory_space<vmem>>, vector<1x16xf32>,
        %get3A_164 = vector.shape_cast %get3A_163 : vector<1x16xf32> to vector<16xf32>
        %get3A_165 = arith.index_cast %scan3A_44 : i32 to index
        %get3A_166 = arith.constant 112 : index
        %get3A_167 = tpu.vector_load %arg11[%get3A_165, %get3A_166] {strides = array<i32>} : memref<80x128xf32, #tpu.memory_space<vmem>>, vector<1x16xf32>,
        %get3A_168 = vector.shape_cast %get3A_167 : vector<1x16xf32> to vector<16xf32>
        %add3A_169 = arith.addf %get3A_164, %get3A_168 : vector<16xf32>
        %max3A_170 = arith.constant 0.000000e+00 : f32
        %max3A_171 = vector.broadcast %max3A_170 : f32 to vector<16xf32>
        %max3A_172 = arith.maximumf %add3A_169, %max3A_171 : vector<16xf32>
        %swap3A_173 = arith.index_cast %scan3A_44 : i32 to index
        %swap3A_174 = arith.constant 112 : index
        %swap3A_175 = tpu.vector_load %arg10[%swap3A_173, %swap3A_174] {strides = array<i32>} : memref<80x128xf32, #tpu.memory_space<vmem>>, vector<1x16xf32>,
        %swap3A_176 = vector.shape_cast %swap3A_175 : vector<1x16xf32> to vector<16xf32>
        %swap3A_177 = vector.shape_cast %max3A_172 : vector<16xf32> to vector<1x16xf32>
        tpu.vector_store %arg10[%swap3A_173, %swap3A_174], %swap3A_177 {strides = array<i32>} : memref<80x128xf32, #tpu.memory_space<vmem>>, vector<1x16xf32>,
      }
      %scan3A_43 = arith.constant 80 : i32
      "tpu.region"() ({
        %run_scoped3A = tpu.sem_alloc : memref<!tpu.dma_semaphore, #tpu.memory_space<semaphore_mem>>
        %dma_start3A_44 = arith.constant 0 : i32
        %dma_start3A_45 = arith.constant 0 : i32
        %dma_start3A_46 = tpu.memref_slice %arg12[%dma_start3A_44, %dma_start3A_45] : memref<10000x128xf32, #tpu.memory_space<vmem_shared>> -> memref<10000x128xf32, #tpu.memory_space<vmem_shared>>
        tpu.enqueue_indirect_dma source(%arg10 : memref<80x128xf32, #tpu.memory_space<vmem>>) target(%dma_start3A_46 : memref<10000x128xf32, #tpu.memory_space<vmem_shared>>) offsets(%arg8 : memref<80xi32, #tpu.memory_space<vmem>>) semaphore(%run_scoped3A : memref<!tpu.dma_semaphore, #tpu.memory_space<semaphore_mem>>) {add = true}
        %dma_wait3A_47 = arith.constant 0 : i32
        %dma_wait3A_48 = arith.constant 0 : i32
        %dma_wait3A_49 = tpu.memref_slice %arg12[%dma_wait3A_47, %dma_wait3A_48] : memref<10000x128xf32, #tpu.memory_space<vmem_shared>> -> memref<10000x128xf32, #tpu.memory_space<vmem_shared>>
        tpu.wait_indirect_dma semaphore(%run_scoped3A : memref<!tpu.dma_semaphore, #tpu.memory_space<semaphore_mem>>) src(%arg10 : memref<80x128xf32, #tpu.memory_space<vmem>>) dst(%dma_wait3A_49 : memref<10000x128xf32, #tpu.memory_space<vmem_shared>>)
        tpu.yield
      }) : () -> ()
    }
    %scan3A_13 = arith.constant 125 : i32
    %barrier3A_14 = arith.constant 0 : index
    tpu.barrier barrier_id(%barrier3A_14)
    %mul3A_15 = arith.constant 624 : i32
    %mul3A_16 = arith.muli %arg1, %mul3A_15 : i32
    %mul3A_17 = arith.constant 624 : i32
    %mul3A_18 = arith.muli %arg1, %mul3A_17 : i32
    "tpu.region"() ({
      %run_scoped3A = tpu.sem_alloc : memref<!tpu.dma_semaphore, #tpu.memory_space<semaphore_mem>>
      %dma_start3A = arith.constant 0 : i32
      %dma_start3A_24 = tpu.memref_slice %arg7[%arg0, %mul3A_18, %dma_start3A] : memref<2x10000x128xf32, #tpu.memory_space<hbm>> -> memref<1x624x128xf32, #tpu.memory_space<hbm>>
      %dma_start3A_25 = tpu.memref_squeeze %dma_start3A_24 : memref<1x624x128xf32, #tpu.memory_space<hbm>> -> memref<624x128xf32, #tpu.memory_space<hbm>>
      %dma_start3A_26 = arith.constant 0 : i32
      %dma_start3A_27 = tpu.memref_slice %arg12[%mul3A_16, %dma_start3A_26] : memref<10000x128xf32, #tpu.memory_space<vmem_shared>> -> memref<624x128xf32, #tpu.memory_space<vmem_shared>>
      tpu.enqueue_dma source(%dma_start3A_27 : memref<624x128xf32, #tpu.memory_space<vmem_shared>>) target(%dma_start3A_25 : memref<624x128xf32, #tpu.memory_space<hbm>>) target_semaphore(%run_scoped3A : memref<!tpu.dma_semaphore, #tpu.memory_space<semaphore_mem>>)
      %dma_wait3A = arith.constant 0 : i32
      %dma_wait3A_28 = tpu.memref_slice %arg7[%arg0, %mul3A_18, %dma_wait3A] : memref<2x10000x128xf32, #tpu.memory_space<hbm>> -> memref<1x624x128xf32, #tpu.memory_space<hbm>>
      %dma_wait3A_29 = tpu.memref_squeeze %dma_wait3A_28 : memref<1x624x128xf32, #tpu.memory_space<hbm>> -> memref<624x128xf32, #tpu.memory_space<hbm>>
      %dma_wait3A_30 = arith.constant 0 : i32
      %dma_wait3A_31 = tpu.memref_slice %arg12[%mul3A_16, %dma_wait3A_30] : memref<10000x128xf32, #tpu.memory_space<vmem_shared>> -> memref<624x128xf32, #tpu.memory_space<vmem_shared>>
      tpu.wait_dma2 semaphore(%run_scoped3A : memref<!tpu.dma_semaphore, #tpu.memory_space<semaphore_mem>>) src(%dma_wait3A_31 : memref<624x128xf32, #tpu.memory_space<vmem_shared>>) dst(%dma_wait3A_29 : memref<624x128xf32, #tpu.memory_space<hbm>>)
      tpu.yield
    }) : () -> ()
    %eq3A_19 = arith.constant 0 : i32
    %eq3A_20 = arith.cmpi eq, %arg1, %eq3A_19 : i32
    %convert_element_type3A_21 = arith.extui %eq3A_20 : i1 to i32
    %cond3A_22 = arith.constant 0 : i32
    %cond3A_23 = arith.cmpi ne, %convert_element_type3A_21, %cond3A_22 : i32
    scf.if %cond3A_23 {
      "tpu.region"() ({
        %run_scoped3A = tpu.sem_alloc : memref<!tpu.dma_semaphore, #tpu.memory_space<semaphore_mem>>
        %dma_start3A = arith.constant 9984 : i32
        %dma_start3A_24 = arith.constant 0 : i32
        %dma_start3A_25 = tpu.memref_slice %arg7[%arg0, %dma_start3A, %dma_start3A_24] : memref<2x10000x128xf32, #tpu.memory_space<hbm>> -> memref<1x16x128xf32, #tpu.memory_space<hbm>>
        %dma_start3A_26 = tpu.memref_squeeze %dma_start3A_25 : memref<1x16x128xf32, #tpu.memory_space<hbm>> -> memref<16x128xf32, #tpu.memory_space<hbm>>
        %dma_start3A_27 = arith.constant 9984 : i32
        %dma_start3A_28 = arith.constant 0 : i32
        %dma_start3A_29 = tpu.memref_slice %arg12[%dma_start3A_27, %dma_start3A_28] : memref<10000x128xf32, #tpu.memory_space<vmem_shared>> -> memref<16x128xf32, #tpu.memory_space<vmem_shared>>
        tpu.enqueue_dma source(%dma_start3A_29 : memref<16x128xf32, #tpu.memory_space<vmem_shared>>) target(%dma_start3A_26 : memref<16x128xf32, #tpu.memory_space<hbm>>) target_semaphore(%run_scoped3A : memref<!tpu.dma_semaphore, #tpu.memory_space<semaphore_mem>>)
        %dma_wait3A = arith.constant 9984 : i32
        %dma_wait3A_30 = arith.constant 0 : i32
        %dma_wait3A_31 = tpu.memref_slice %arg7[%arg0, %dma_wait3A, %dma_wait3A_30] : memref<2x10000x128xf32, #tpu.memory_space<hbm>> -> memref<1x16x128xf32, #tpu.memory_space<hbm>>
        %dma_wait3A_32 = tpu.memref_squeeze %dma_wait3A_31 : memref<1x16x128xf32, #tpu.memory_space<hbm>> -> memref<16x128xf32, #tpu.memory_space<hbm>>
        %dma_wait3A_33 = arith.constant 9984 : i32
        %dma_wait3A_34 = arith.constant 0 : i32
        %dma_wait3A_35 = tpu.memref_slice %arg12[%dma_wait3A_33, %dma_wait3A_34] : memref<10000x128xf32, #tpu.memory_space<vmem_shared>> -> memref<16x128xf32, #tpu.memory_space<vmem_shared>>
        tpu.wait_dma2 semaphore(%run_scoped3A : memref<!tpu.dma_semaphore, #tpu.memory_space<semaphore_mem>>) src(%dma_wait3A_35 : memref<16x128xf32, #tpu.memory_space<vmem_shared>>) dst(%dma_wait3A_32 : memref<16x128xf32, #tpu.memory_space<hbm>>)
        tpu.yield
      }) : () -> ()
    } else {
    }
    return
  }
}

#map = affine_map<(d0, d1) -> (0, 0)>
#map1 = affine_map<(d0, d1) -> (0)>
#map2 = affine_map<(d0, d1) -> (0, 0, 0)>
module attributes {stable_mosaic.version = 14 : i64} {
  func.func @edge_kernel(%arg0: i32, %arg1: i32, %arg2: memref<10000x128xf32, #tpu.memory_space<hbm>>, %arg3: memref<10000x128xf32, #tpu.memory_space<hbm>>, %arg4: memref<320000xi32, #tpu.memory_space<hbm>>, %arg5: memref<320000xi32, #tpu.memory_space<hbm>>, %arg6: memref<10000x128xf32, #tpu.memory_space<hbm>>, %arg7: memref<2x10000x128xf32, #tpu.memory_space<hbm>>, %arg8: memref<80xi32, #tpu.memory_space<vmem>>, %arg9: memref<80xi32, #tpu.memory_space<vmem>>, %arg10: memref<80x128xf32, #tpu.memory_space<vmem>>, %arg11: memref<80x128xf32, #tpu.memory_space<vmem>>, %arg12: memref<10000x128xf32, #tpu.memory_space<vmem_shared>>, %arg13: memref<!tpu.dma_semaphore, #tpu.memory_space<semaphore_mem>>, %arg14: memref<!tpu.dma_semaphore, #tpu.memory_space<semaphore_mem>>) attributes {dimension_semantics = [#tpu.dimension_semantics<core_parallel>, #tpu.dimension_semantics<subcore_parallel>], iteration_bounds = array<i64: 2, 16>, scalar_prefetch = 0 : i64, scratch_operands = 7 : i64, tpu.core_type = #tpu.core_type<sc_vector_subcore>, window_params = [{transform_indices = #map}, {transform_indices = #map}, {transform_indices = #map1}, {transform_indices = #map1}, {transform_indices = #map}, {transform_indices = #map2}]} {
    %mul3A = arith.constant 624 : i32
    %mul3A_0 = arith.muli %arg1, %mul3A : i32
    %mul3A_1 = arith.constant 624 : i32
    %mul3A_2 = arith.muli %arg1, %mul3A_1 : i32
    "tpu.region"() ({
      %run_scoped3A = tpu.sem_alloc : memref<!tpu.dma_semaphore, #tpu.memory_space<semaphore_mem>>
      %dma_start3A = arith.constant 0 : i32
      %dma_start3A_24 = tpu.memref_slice %arg12[%mul3A_2, %dma_start3A] : memref<10000x128xf32, #tpu.memory_space<vmem_shared>> -> memref<624x128xf32, #tpu.memory_space<vmem_shared>>
      %dma_start3A_25 = arith.constant 0 : i32
      %dma_start3A_26 = tpu.memref_slice %arg6[%mul3A_0, %dma_start3A_25] : memref<10000x128xf32, #tpu.memory_space<hbm>> -> memref<624x128xf32, #tpu.memory_space<hbm>>
      tpu.enqueue_dma source(%dma_start3A_26 : memref<624x128xf32, #tpu.memory_space<hbm>>) target(%dma_start3A_24 : memref<624x128xf32, #tpu.memory_space<vmem_shared>>) target_semaphore(%run_scoped3A : memref<!tpu.dma_semaphore, #tpu.memory_space<semaphore_mem>>)
      %dma_wait3A = arith.constant 0 : i32
      %dma_wait3A_27 = tpu.memref_slice %arg12[%mul3A_2, %dma_wait3A] : memref<10000x128xf32, #tpu.memory_space<vmem_shared>> -> memref<624x128xf32, #tpu.memory_space<vmem_shared>>
      %dma_wait3A_28 = arith.constant 0 : i32
      %dma_wait3A_29 = tpu.memref_slice %arg6[%mul3A_0, %dma_wait3A_28] : memref<10000x128xf32, #tpu.memory_space<hbm>> -> memref<624x128xf32, #tpu.memory_space<hbm>>
      tpu.wait_dma2 semaphore(%run_scoped3A : memref<!tpu.dma_semaphore, #tpu.memory_space<semaphore_mem>>) src(%dma_wait3A_29 : memref<624x128xf32, #tpu.memory_space<hbm>>) dst(%dma_wait3A_27 : memref<624x128xf32, #tpu.memory_space<vmem_shared>>)
      tpu.yield
    }) : () -> ()
    %eq3A = arith.constant 0 : i32
    %eq3A_3 = arith.cmpi eq, %arg1, %eq3A : i32
    %convert_element_type3A = arith.extui %eq3A_3 : i1 to i32
    %cond3A = arith.constant 0 : i32
    %cond3A_4 = arith.cmpi ne, %convert_element_type3A, %cond3A : i32
    scf.if %cond3A_4 {
      "tpu.region"() ({
        %run_scoped3A = tpu.sem_alloc : memref<!tpu.dma_semaphore, #tpu.memory_space<semaphore_mem>>
        %dma_start3A = arith.constant 9984 : i32
        %dma_start3A_24 = arith.constant 0 : i32
        %dma_start3A_25 = tpu.memref_slice %arg12[%dma_start3A, %dma_start3A_24] : memref<10000x128xf32, #tpu.memory_space<vmem_shared>> -> memref<16x128xf32, #tpu.memory_space<vmem_shared>>
        %dma_start3A_26 = arith.constant 9984 : i32
        %dma_start3A_27 = arith.constant 0 : i32
        %dma_start3A_28 = tpu.memref_slice %arg6[%dma_start3A_26, %dma_start3A_27] : memref<10000x128xf32, #tpu.memory_space<hbm>> -> memref<16x128xf32, #tpu.memory_space<hbm>>
        tpu.enqueue_dma source(%dma_start3A_28 : memref<16x128xf32, #tpu.memory_space<hbm>>) target(%dma_start3A_25 : memref<16x128xf32, #tpu.memory_space<vmem_shared>>) target_semaphore(%run_scoped3A : memref<!tpu.dma_semaphore, #tpu.memory_space<semaphore_mem>>)
        %dma_wait3A = arith.constant 9984 : i32
        %dma_wait3A_29 = arith.constant 0 : i32
        %dma_wait3A_30 = tpu.memref_slice %arg12[%dma_wait3A, %dma_wait3A_29] : memref<10000x128xf32, #tpu.memory_space<vmem_shared>> -> memref<16x128xf32, #tpu.memory_space<vmem_shared>>
        %dma_wait3A_31 = arith.constant 9984 : i32
        %dma_wait3A_32 = arith.constant 0 : i32
        %dma_wait3A_33 = tpu.memref_slice %arg6[%dma_wait3A_31, %dma_wait3A_32] : memref<10000x128xf32, #tpu.memory_space<hbm>> -> memref<16x128xf32, #tpu.memory_space<hbm>>
        tpu.wait_dma2 semaphore(%run_scoped3A : memref<!tpu.dma_semaphore, #tpu.memory_space<semaphore_mem>>) src(%dma_wait3A_33 : memref<16x128xf32, #tpu.memory_space<hbm>>) dst(%dma_wait3A_30 : memref<16x128xf32, #tpu.memory_space<vmem_shared>>)
        tpu.yield
      }) : () -> ()
    } else {
    }
    %barrier3A = arith.constant 0 : index
    tpu.barrier barrier_id(%barrier3A)
    %mul3A_5 = arith.constant 2 : i32
    %mul3A_6 = arith.muli %arg1, %mul3A_5 : i32
    %add3A = arith.addi %mul3A_6, %arg0 : i32
    %mul3A_7 = arith.constant 10000 : i32
    %mul3A_8 = arith.muli %add3A, %mul3A_7 : i32
    %scan3A = arith.constant 0 : i32
    %scan3A_9 = arith.constant 0 : i32
    %scan3A_10 = arith.constant 125 : i32
    %scan3A_11 = arith.addi %scan3A_9, %scan3A_10 : i32
    %scan3A_12 = arith.constant 1 : i32
    scf.for %scan3A_24 = %scan3A_9 to %scan3A_11 step %scan3A_12  : i32 {
      %mul3A_25 = arith.constant 80 : i32
      %mul3A_26 = arith.muli %scan3A_24, %mul3A_25 : i32
      %add3A_27 = arith.addi %mul3A_8, %mul3A_26 : i32
      "tpu.region"() ({
        %run_scoped3A = tpu.sem_alloc : memref<!tpu.dma_semaphore, #tpu.memory_space<semaphore_mem>>
        %dma_start3A_44 = tpu.memref_slice %arg4[%add3A_27] : memref<320000xi32, #tpu.memory_space<hbm>> -> memref<80xi32, #tpu.memory_space<hbm>>
        %dma_start3A_45 = tpu.memref_slice %arg4[%add3A_27] : memref<320000xi32, #tpu.memory_space<hbm>> -> memref<80xi32, #tpu.memory_space<hbm>>
        tpu.enqueue_dma source(%dma_start3A_45 : memref<80xi32, #tpu.memory_space<hbm>>) target(%arg8 : memref<80xi32, #tpu.memory_space<vmem>>) target_semaphore(%run_scoped3A : memref<!tpu.dma_semaphore, #tpu.memory_space<semaphore_mem>>)
        %dma_wait3A_46 = tpu.memref_slice %arg4[%add3A_27] : memref<320000xi32, #tpu.memory_space<hbm>> -> memref<80xi32, #tpu.memory_space<hbm>>
        %dma_wait3A_47 = tpu.memref_slice %arg4[%add3A_27] : memref<320000xi32, #tpu.memory_space<hbm>> -> memref<80xi32, #tpu.memory_space<hbm>>
        tpu.wait_dma2 semaphore(%run_scoped3A : memref<!tpu.dma_semaphore, #tpu.memory_space<semaphore_mem>>) src(%dma_wait3A_47 : memref<80xi32, #tpu.memory_space<hbm>>) dst(%arg8 : memref<80xi32, #tpu.memory_space<vmem>>)
        tpu.yield
      }) : () -> ()
      "tpu.region"() ({
        %run_scoped3A = tpu.sem_alloc : memref<!tpu.dma_semaphore, #tpu.memory_space<semaphore_mem>>
        %dma_start3A_44 = tpu.memref_slice %arg5[%add3A_27] : memref<320000xi32, #tpu.memory_space<hbm>> -> memref<80xi32, #tpu.memory_space<hbm>>
        %dma_start3A_45 = tpu.memref_slice %arg5[%add3A_27] : memref<320000xi32, #tpu.memory_space<hbm>> -> memref<80xi32, #tpu.memory_space<hbm>>
        tpu.enqueue_dma source(%dma_start3A_45 : memref<80xi32, #tpu.memory_space<hbm>>) target(%arg9 : memref<80xi32, #tpu.memory_space<vmem>>) target_semaphore(%run_scoped3A : memref<!tpu.dma_semaphore, #tpu.memory_space<semaphore_mem>>)
        %dma_wait3A_46 = tpu.memref_slice %arg5[%add3A_27] : memref<320000xi32, #tpu.memory_space<hbm>> -> memref<80xi32, #tpu.memory_space<hbm>>
        %dma_wait3A_47 = tpu.memref_slice %arg5[%add3A_27] : memref<320000xi32, #tpu.memory_space<hbm>> -> memref<80xi32, #tpu.memory_space<hbm>>
        tpu.wait_dma2 semaphore(%run_scoped3A : memref<!tpu.dma_semaphore, #tpu.memory_space<semaphore_mem>>) src(%dma_wait3A_47 : memref<80xi32, #tpu.memory_space<hbm>>) dst(%arg9 : memref<80xi32, #tpu.memory_space<vmem>>)
        tpu.yield
      }) : () -> ()
      %dma_start3A = arith.constant 0 : i32
      %dma_start3A_28 = arith.constant 0 : i32
      %dma_start3A_29 = tpu.memref_slice %arg2[%dma_start3A, %dma_start3A_28] : memref<10000x128xf32, #tpu.memory_space<hbm>> -> memref<10000x128xf32, #tpu.memory_space<hbm>>
      tpu.enqueue_indirect_dma source(%dma_start3A_29 : memref<10000x128xf32, #tpu.memory_space<hbm>>) target(%arg10 : memref<80x128xf32, #tpu.memory_space<vmem>>) offsets(%arg8 : memref<80xi32, #tpu.memory_space<vmem>>) semaphore(%arg13 : memref<!tpu.dma_semaphore, #tpu.memory_space<semaphore_mem>>)
      %dma_start3A_30 = arith.constant 0 : i32
      %dma_start3A_31 = arith.constant 0 : i32
      %dma_start3A_32 = tpu.memref_slice %arg3[%dma_start3A_30, %dma_start3A_31] : memref<10000x128xf32, #tpu.memory_space<hbm>> -> memref<10000x128xf32, #tpu.memory_space<hbm>>
      tpu.enqueue_indirect_dma source(%dma_start3A_32 : memref<10000x128xf32, #tpu.memory_space<hbm>>) target(%arg11 : memref<80x128xf32, #tpu.memory_space<vmem>>) offsets(%arg9 : memref<80xi32, #tpu.memory_space<vmem>>) semaphore(%arg14 : memref<!tpu.dma_semaphore, #tpu.memory_space<semaphore_mem>>)
      %dma_wait3A = arith.constant 0 : i32
      %dma_wait3A_33 = arith.constant 0 : i32
      %dma_wait3A_34 = tpu.memref_slice %arg2[%dma_wait3A, %dma_wait3A_33] : memref<10000x128xf32, #tpu.memory_space<hbm>> -> memref<10000x128xf32, #tpu.memory_space<hbm>>
      tpu.wait_indirect_dma semaphore(%arg13 : memref<!tpu.dma_semaphore, #tpu.memory_space<semaphore_mem>>) src(%dma_wait3A_34 : memref<10000x128xf32, #tpu.memory_space<hbm>>) dst(%arg10 : memref<80x128xf32, #tpu.memory_space<vmem>>)
      %dma_wait3A_35 = arith.constant 0 : i32
      %dma_wait3A_36 = arith.constant 0 : i32
      %dma_wait3A_37 = tpu.memref_slice %arg3[%dma_wait3A_35, %dma_wait3A_36] : memref<10000x128xf32, #tpu.memory_space<hbm>> -> memref<10000x128xf32, #tpu.memory_space<hbm>>
      tpu.wait_indirect_dma semaphore(%arg14 : memref<!tpu.dma_semaphore, #tpu.memory_space<semaphore_mem>>) src(%dma_wait3A_37 : memref<10000x128xf32, #tpu.memory_space<hbm>>) dst(%arg11 : memref<80x128xf32, #tpu.memory_space<vmem>>)
      %scan3A_38 = arith.constant 0 : i32
      %scan3A_39 = arith.constant 0 : i32
      %scan3A_40 = arith.constant 80 : i32
      %scan3A_41 = arith.addi %scan3A_39, %scan3A_40 : i32
      %scan3A_42 = arith.constant 1 : i32
      scf.for %scan3A_44 = %scan3A_39 to %scan3A_41 step %scan3A_42  : i32 {
        %get3A = arith.index_cast %scan3A_44 : i32 to index
        %get3A_45 = arith.constant 0 : index
        %get3A_46 = tpu.vector_load %arg10[%get3A, %get3A_45] {strides = array<i32>} : memref<80x128xf32, #tpu.memory_space<vmem>>, vector<1x16xf32>,
        %get3A_47 = vector.shape_cast %get3A_46 : vector<1x16xf32> to vector<16xf32>
        %get3A_48 = arith.index_cast %scan3A_44 : i32 to index
        %get3A_49 = arith.constant 0 : index
        %get3A_50 = tpu.vector_load %arg11[%get3A_48, %get3A_49] {strides = array<i32>} : memref<80x128xf32, #tpu.memory_space<vmem>>, vector<1x16xf32>,
        %get3A_51 = vector.shape_cast %get3A_50 : vector<1x16xf32> to vector<16xf32>
        %add3A_52 = arith.addf %get3A_47, %get3A_51 : vector<16xf32>
        %max3A = arith.constant 0.000000e+00 : f32
        %max3A_53 = vector.broadcast %max3A : f32 to vector<16xf32>
        %max3A_54 = arith.maximumf %add3A_52, %max3A_53 : vector<16xf32>
        %swap3A = arith.index_cast %scan3A_44 : i32 to index
        %swap3A_55 = arith.constant 0 : index
        %swap3A_56 = tpu.vector_load %arg10[%swap3A, %swap3A_55] {strides = array<i32>} : memref<80x128xf32, #tpu.memory_space<vmem>>, vector<1x16xf32>,
        %swap3A_57 = vector.shape_cast %swap3A_56 : vector<1x16xf32> to vector<16xf32>
        %swap3A_58 = vector.shape_cast %max3A_54 : vector<16xf32> to vector<1x16xf32>
        tpu.vector_store %arg10[%swap3A, %swap3A_55], %swap3A_58 {strides = array<i32>} : memref<80x128xf32, #tpu.memory_space<vmem>>, vector<1x16xf32>,
        %get3A_59 = arith.index_cast %scan3A_44 : i32 to index
        %get3A_60 = arith.constant 16 : index
        %get3A_61 = tpu.vector_load %arg10[%get3A_59, %get3A_60] {strides = array<i32>} : memref<80x128xf32, #tpu.memory_space<vmem>>, vector<1x16xf32>,
        %get3A_62 = vector.shape_cast %get3A_61 : vector<1x16xf32> to vector<16xf32>
        %get3A_63 = arith.index_cast %scan3A_44 : i32 to index
        %get3A_64 = arith.constant 16 : index
        %get3A_65 = tpu.vector_load %arg11[%get3A_63, %get3A_64] {strides = array<i32>} : memref<80x128xf32, #tpu.memory_space<vmem>>, vector<1x16xf32>,
        %get3A_66 = vector.shape_cast %get3A_65 : vector<1x16xf32> to vector<16xf32>
        %add3A_67 = arith.addf %get3A_62, %get3A_66 : vector<16xf32>
        %max3A_68 = arith.constant 0.000000e+00 : f32
        %max3A_69 = vector.broadcast %max3A_68 : f32 to vector<16xf32>
        %max3A_70 = arith.maximumf %add3A_67, %max3A_69 : vector<16xf32>
        %swap3A_71 = arith.index_cast %scan3A_44 : i32 to index
        %swap3A_72 = arith.constant 16 : index
        %swap3A_73 = tpu.vector_load %arg10[%swap3A_71, %swap3A_72] {strides = array<i32>} : memref<80x128xf32, #tpu.memory_space<vmem>>, vector<1x16xf32>,
        %swap3A_74 = vector.shape_cast %swap3A_73 : vector<1x16xf32> to vector<16xf32>
        %swap3A_75 = vector.shape_cast %max3A_70 : vector<16xf32> to vector<1x16xf32>
        tpu.vector_store %arg10[%swap3A_71, %swap3A_72], %swap3A_75 {strides = array<i32>} : memref<80x128xf32, #tpu.memory_space<vmem>>, vector<1x16xf32>,
        %get3A_76 = arith.index_cast %scan3A_44 : i32 to index
        %get3A_77 = arith.constant 32 : index
        %get3A_78 = tpu.vector_load %arg10[%get3A_76, %get3A_77] {strides = array<i32>} : memref<80x128xf32, #tpu.memory_space<vmem>>, vector<1x16xf32>,
        %get3A_79 = vector.shape_cast %get3A_78 : vector<1x16xf32> to vector<16xf32>
        %get3A_80 = arith.index_cast %scan3A_44 : i32 to index
        %get3A_81 = arith.constant 32 : index
        %get3A_82 = tpu.vector_load %arg11[%get3A_80, %get3A_81] {strides = array<i32>} : memref<80x128xf32, #tpu.memory_space<vmem>>, vector<1x16xf32>,
        %get3A_83 = vector.shape_cast %get3A_82 : vector<1x16xf32> to vector<16xf32>
        %add3A_84 = arith.addf %get3A_79, %get3A_83 : vector<16xf32>
        %max3A_85 = arith.constant 0.000000e+00 : f32
        %max3A_86 = vector.broadcast %max3A_85 : f32 to vector<16xf32>
        %max3A_87 = arith.maximumf %add3A_84, %max3A_86 : vector<16xf32>
        %swap3A_88 = arith.index_cast %scan3A_44 : i32 to index
        %swap3A_89 = arith.constant 32 : index
        %swap3A_90 = tpu.vector_load %arg10[%swap3A_88, %swap3A_89] {strides = array<i32>} : memref<80x128xf32, #tpu.memory_space<vmem>>, vector<1x16xf32>,
        %swap3A_91 = vector.shape_cast %swap3A_90 : vector<1x16xf32> to vector<16xf32>
        %swap3A_92 = vector.shape_cast %max3A_87 : vector<16xf32> to vector<1x16xf32>
        tpu.vector_store %arg10[%swap3A_88, %swap3A_89], %swap3A_92 {strides = array<i32>} : memref<80x128xf32, #tpu.memory_space<vmem>>, vector<1x16xf32>,
        %get3A_93 = arith.index_cast %scan3A_44 : i32 to index
        %get3A_94 = arith.constant 48 : index
        %get3A_95 = tpu.vector_load %arg10[%get3A_93, %get3A_94] {strides = array<i32>} : memref<80x128xf32, #tpu.memory_space<vmem>>, vector<1x16xf32>,
        %get3A_96 = vector.shape_cast %get3A_95 : vector<1x16xf32> to vector<16xf32>
        %get3A_97 = arith.index_cast %scan3A_44 : i32 to index
        %get3A_98 = arith.constant 48 : index
        %get3A_99 = tpu.vector_load %arg11[%get3A_97, %get3A_98] {strides = array<i32>} : memref<80x128xf32, #tpu.memory_space<vmem>>, vector<1x16xf32>,
        %get3A_100 = vector.shape_cast %get3A_99 : vector<1x16xf32> to vector<16xf32>
        %add3A_101 = arith.addf %get3A_96, %get3A_100 : vector<16xf32>
        %max3A_102 = arith.constant 0.000000e+00 : f32
        %max3A_103 = vector.broadcast %max3A_102 : f32 to vector<16xf32>
        %max3A_104 = arith.maximumf %add3A_101, %max3A_103 : vector<16xf32>
        %swap3A_105 = arith.index_cast %scan3A_44 : i32 to index
        %swap3A_106 = arith.constant 48 : index
        %swap3A_107 = tpu.vector_load %arg10[%swap3A_105, %swap3A_106] {strides = array<i32>} : memref<80x128xf32, #tpu.memory_space<vmem>>, vector<1x16xf32>,
        %swap3A_108 = vector.shape_cast %swap3A_107 : vector<1x16xf32> to vector<16xf32>
        %swap3A_109 = vector.shape_cast %max3A_104 : vector<16xf32> to vector<1x16xf32>
        tpu.vector_store %arg10[%swap3A_105, %swap3A_106], %swap3A_109 {strides = array<i32>} : memref<80x128xf32, #tpu.memory_space<vmem>>, vector<1x16xf32>,
        %get3A_110 = arith.index_cast %scan3A_44 : i32 to index
        %get3A_111 = arith.constant 64 : index
        %get3A_112 = tpu.vector_load %arg10[%get3A_110, %get3A_111] {strides = array<i32>} : memref<80x128xf32, #tpu.memory_space<vmem>>, vector<1x16xf32>,
        %get3A_113 = vector.shape_cast %get3A_112 : vector<1x16xf32> to vector<16xf32>
        %get3A_114 = arith.index_cast %scan3A_44 : i32 to index
        %get3A_115 = arith.constant 64 : index
        %get3A_116 = tpu.vector_load %arg11[%get3A_114, %get3A_115] {strides = array<i32>} : memref<80x128xf32, #tpu.memory_space<vmem>>, vector<1x16xf32>,
        %get3A_117 = vector.shape_cast %get3A_116 : vector<1x16xf32> to vector<16xf32>
        %add3A_118 = arith.addf %get3A_113, %get3A_117 : vector<16xf32>
        %max3A_119 = arith.constant 0.000000e+00 : f32
        %max3A_120 = vector.broadcast %max3A_119 : f32 to vector<16xf32>
        %max3A_121 = arith.maximumf %add3A_118, %max3A_120 : vector<16xf32>
        %swap3A_122 = arith.index_cast %scan3A_44 : i32 to index
        %swap3A_123 = arith.constant 64 : index
        %swap3A_124 = tpu.vector_load %arg10[%swap3A_122, %swap3A_123] {strides = array<i32>} : memref<80x128xf32, #tpu.memory_space<vmem>>, vector<1x16xf32>,
        %swap3A_125 = vector.shape_cast %swap3A_124 : vector<1x16xf32> to vector<16xf32>
        %swap3A_126 = vector.shape_cast %max3A_121 : vector<16xf32> to vector<1x16xf32>
        tpu.vector_store %arg10[%swap3A_122, %swap3A_123], %swap3A_126 {strides = array<i32>} : memref<80x128xf32, #tpu.memory_space<vmem>>, vector<1x16xf32>,
        %get3A_127 = arith.index_cast %scan3A_44 : i32 to index
        %get3A_128 = arith.constant 80 : index
        %get3A_129 = tpu.vector_load %arg10[%get3A_127, %get3A_128] {strides = array<i32>} : memref<80x128xf32, #tpu.memory_space<vmem>>, vector<1x16xf32>,
        %get3A_130 = vector.shape_cast %get3A_129 : vector<1x16xf32> to vector<16xf32>
        %get3A_131 = arith.index_cast %scan3A_44 : i32 to index
        %get3A_132 = arith.constant 80 : index
        %get3A_133 = tpu.vector_load %arg11[%get3A_131, %get3A_132] {strides = array<i32>} : memref<80x128xf32, #tpu.memory_space<vmem>>, vector<1x16xf32>,
        %get3A_134 = vector.shape_cast %get3A_133 : vector<1x16xf32> to vector<16xf32>
        %add3A_135 = arith.addf %get3A_130, %get3A_134 : vector<16xf32>
        %max3A_136 = arith.constant 0.000000e+00 : f32
        %max3A_137 = vector.broadcast %max3A_136 : f32 to vector<16xf32>
        %max3A_138 = arith.maximumf %add3A_135, %max3A_137 : vector<16xf32>
        %swap3A_139 = arith.index_cast %scan3A_44 : i32 to index
        %swap3A_140 = arith.constant 80 : index
        %swap3A_141 = tpu.vector_load %arg10[%swap3A_139, %swap3A_140] {strides = array<i32>} : memref<80x128xf32, #tpu.memory_space<vmem>>, vector<1x16xf32>,
        %swap3A_142 = vector.shape_cast %swap3A_141 : vector<1x16xf32> to vector<16xf32>
        %swap3A_143 = vector.shape_cast %max3A_138 : vector<16xf32> to vector<1x16xf32>
        tpu.vector_store %arg10[%swap3A_139, %swap3A_140], %swap3A_143 {strides = array<i32>} : memref<80x128xf32, #tpu.memory_space<vmem>>, vector<1x16xf32>,
        %get3A_144 = arith.index_cast %scan3A_44 : i32 to index
        %get3A_145 = arith.constant 96 : index
        %get3A_146 = tpu.vector_load %arg10[%get3A_144, %get3A_145] {strides = array<i32>} : memref<80x128xf32, #tpu.memory_space<vmem>>, vector<1x16xf32>,
        %get3A_147 = vector.shape_cast %get3A_146 : vector<1x16xf32> to vector<16xf32>
        %get3A_148 = arith.index_cast %scan3A_44 : i32 to index
        %get3A_149 = arith.constant 96 : index
        %get3A_150 = tpu.vector_load %arg11[%get3A_148, %get3A_149] {strides = array<i32>} : memref<80x128xf32, #tpu.memory_space<vmem>>, vector<1x16xf32>,
        %get3A_151 = vector.shape_cast %get3A_150 : vector<1x16xf32> to vector<16xf32>
        %add3A_152 = arith.addf %get3A_147, %get3A_151 : vector<16xf32>
        %max3A_153 = arith.constant 0.000000e+00 : f32
        %max3A_154 = vector.broadcast %max3A_153 : f32 to vector<16xf32>
        %max3A_155 = arith.maximumf %add3A_152, %max3A_154 : vector<16xf32>
        %swap3A_156 = arith.index_cast %scan3A_44 : i32 to index
        %swap3A_157 = arith.constant 96 : index
        %swap3A_158 = tpu.vector_load %arg10[%swap3A_156, %swap3A_157] {strides = array<i32>} : memref<80x128xf32, #tpu.memory_space<vmem>>, vector<1x16xf32>,
        %swap3A_159 = vector.shape_cast %swap3A_158 : vector<1x16xf32> to vector<16xf32>
        %swap3A_160 = vector.shape_cast %max3A_155 : vector<16xf32> to vector<1x16xf32>
        tpu.vector_store %arg10[%swap3A_156, %swap3A_157], %swap3A_160 {strides = array<i32>} : memref<80x128xf32, #tpu.memory_space<vmem>>, vector<1x16xf32>,
        %get3A_161 = arith.index_cast %scan3A_44 : i32 to index
        %get3A_162 = arith.constant 112 : index
        %get3A_163 = tpu.vector_load %arg10[%get3A_161, %get3A_162] {strides = array<i32>} : memref<80x128xf32, #tpu.memory_space<vmem>>, vector<1x16xf32>,
        %get3A_164 = vector.shape_cast %get3A_163 : vector<1x16xf32> to vector<16xf32>
        %get3A_165 = arith.index_cast %scan3A_44 : i32 to index
        %get3A_166 = arith.constant 112 : index
        %get3A_167 = tpu.vector_load %arg11[%get3A_165, %get3A_166] {strides = array<i32>} : memref<80x128xf32, #tpu.memory_space<vmem>>, vector<1x16xf32>,
        %get3A_168 = vector.shape_cast %get3A_167 : vector<1x16xf32> to vector<16xf32>
        %add3A_169 = arith.addf %get3A_164, %get3A_168 : vector<16xf32>
        %max3A_170 = arith.constant 0.000000e+00 : f32
        %max3A_171 = vector.broadcast %max3A_170 : f32 to vector<16xf32>
        %max3A_172 = arith.maximumf %add3A_169, %max3A_171 : vector<16xf32>
        %swap3A_173 = arith.index_cast %scan3A_44 : i32 to index
        %swap3A_174 = arith.constant 112 : index
        %swap3A_175 = tpu.vector_load %arg10[%swap3A_173, %swap3A_174] {strides = array<i32>} : memref<80x128xf32, #tpu.memory_space<vmem>>, vector<1x16xf32>,
        %swap3A_176 = vector.shape_cast %swap3A_175 : vector<1x16xf32> to vector<16xf32>
        %swap3A_177 = vector.shape_cast %max3A_172 : vector<16xf32> to vector<1x16xf32>
        tpu.vector_store %arg10[%swap3A_173, %swap3A_174], %swap3A_177 {strides = array<i32>} : memref<80x128xf32, #tpu.memory_space<vmem>>, vector<1x16xf32>,
      }
      %scan3A_43 = arith.constant 80 : i32
      "tpu.region"() ({
        %run_scoped3A = tpu.sem_alloc : memref<!tpu.dma_semaphore, #tpu.memory_space<semaphore_mem>>
        %dma_start3A_44 = arith.constant 0 : i32
        %dma_start3A_45 = arith.constant 0 : i32
        %dma_start3A_46 = tpu.memref_slice %arg12[%dma_start3A_44, %dma_start3A_45] : memref<10000x128xf32, #tpu.memory_space<vmem_shared>> -> memref<10000x128xf32, #tpu.memory_space<vmem_shared>>
        tpu.enqueue_indirect_dma source(%arg10 : memref<80x128xf32, #tpu.memory_space<vmem>>) target(%dma_start3A_46 : memref<10000x128xf32, #tpu.memory_space<vmem_shared>>) offsets(%arg8 : memref<80xi32, #tpu.memory_space<vmem>>) semaphore(%run_scoped3A : memref<!tpu.dma_semaphore, #tpu.memory_space<semaphore_mem>>) {add = true}
        %dma_wait3A_47 = arith.constant 0 : i32
        %dma_wait3A_48 = arith.constant 0 : i32
        %dma_wait3A_49 = tpu.memref_slice %arg12[%dma_wait3A_47, %dma_wait3A_48] : memref<10000x128xf32, #tpu.memory_space<vmem_shared>> -> memref<10000x128xf32, #tpu.memory_space<vmem_shared>>
        tpu.wait_indirect_dma semaphore(%run_scoped3A : memref<!tpu.dma_semaphore, #tpu.memory_space<semaphore_mem>>) src(%arg10 : memref<80x128xf32, #tpu.memory_space<vmem>>) dst(%dma_wait3A_49 : memref<10000x128xf32, #tpu.memory_space<vmem_shared>>)
        tpu.yield
      }) : () -> ()
    }
    %scan3A_13 = arith.constant 125 : i32
    %barrier3A_14 = arith.constant 0 : index
    tpu.barrier barrier_id(%barrier3A_14)
    %mul3A_15 = arith.constant 624 : i32
    %mul3A_16 = arith.muli %arg1, %mul3A_15 : i32
    %mul3A_17 = arith.constant 624 : i32
    %mul3A_18 = arith.muli %arg1, %mul3A_17 : i32
    "tpu.region"() ({
      %run_scoped3A = tpu.sem_alloc : memref<!tpu.dma_semaphore, #tpu.memory_space<semaphore_mem>>
      %dma_start3A = arith.constant 0 : i32
      %dma_start3A_24 = tpu.memref_slice %arg7[%arg0, %mul3A_18, %dma_start3A] : memref<2x10000x128xf32, #tpu.memory_space<hbm>> -> memref<1x624x128xf32, #tpu.memory_space<hbm>>
      %dma_start3A_25 = tpu.memref_squeeze %dma_start3A_24 : memref<1x624x128xf32, #tpu.memory_space<hbm>> -> memref<624x128xf32, #tpu.memory_space<hbm>>
      %dma_start3A_26 = arith.constant 0 : i32
      %dma_start3A_27 = tpu.memref_slice %arg12[%mul3A_16, %dma_start3A_26] : memref<10000x128xf32, #tpu.memory_space<vmem_shared>> -> memref<624x128xf32, #tpu.memory_space<vmem_shared>>
      tpu.enqueue_dma source(%dma_start3A_27 : memref<624x128xf32, #tpu.memory_space<vmem_shared>>) target(%dma_start3A_25 : memref<624x128xf32, #tpu.memory_space<hbm>>) target_semaphore(%run_scoped3A : memref<!tpu.dma_semaphore, #tpu.memory_space<semaphore_mem>>)
      %dma_wait3A = arith.constant 0 : i32
      %dma_wait3A_28 = tpu.memref_slice %arg7[%arg0, %mul3A_18, %dma_wait3A] : memref<2x10000x128xf32, #tpu.memory_space<hbm>> -> memref<1x624x128xf32, #tpu.memory_space<hbm>>
      %dma_wait3A_29 = tpu.memref_squeeze %dma_wait3A_28 : memref<1x624x128xf32, #tpu.memory_space<hbm>> -> memref<624x128xf32, #tpu.memory_space<hbm>>
      %dma_wait3A_30 = arith.constant 0 : i32
      %dma_wait3A_31 = tpu.memref_slice %arg12[%mul3A_16, %dma_wait3A_30] : memref<10000x128xf32, #tpu.memory_space<vmem_shared>> -> memref<624x128xf32, #tpu.memory_space<vmem_shared>>
      tpu.wait_dma2 semaphore(%run_scoped3A : memref<!tpu.dma_semaphore, #tpu.memory_space<semaphore_mem>>) src(%dma_wait3A_31 : memref<624x128xf32, #tpu.memory_space<vmem_shared>>) dst(%dma_wait3A_29 : memref<624x128xf32, #tpu.memory_space<hbm>>)
      tpu.yield
    }) : () -> ()
    %eq3A_19 = arith.constant 0 : i32
    %eq3A_20 = arith.cmpi eq, %arg1, %eq3A_19 : i32
    %convert_element_type3A_21 = arith.extui %eq3A_20 : i1 to i32
    %cond3A_22 = arith.constant 0 : i32
    %cond3A_23 = arith.cmpi ne, %convert_element_type3A_21, %cond3A_22 : i32
    scf.if %cond3A_23 {
      "tpu.region"() ({
        %run_scoped3A = tpu.sem_alloc : memref<!tpu.dma_semaphore, #tpu.memory_space<semaphore_mem>>
        %dma_start3A = arith.constant 9984 : i32
        %dma_start3A_24 = arith.constant 0 : i32
        %dma_start3A_25 = tpu.memref_slice %arg7[%arg0, %dma_start3A, %dma_start3A_24] : memref<2x10000x128xf32, #tpu.memory_space<hbm>> -> memref<1x16x128xf32, #tpu.memory_space<hbm>>
        %dma_start3A_26 = tpu.memref_squeeze %dma_start3A_25 : memref<1x16x128xf32, #tpu.memory_space<hbm>> -> memref<16x128xf32, #tpu.memory_space<hbm>>
        %dma_start3A_27 = arith.constant 9984 : i32
        %dma_start3A_28 = arith.constant 0 : i32
        %dma_start3A_29 = tpu.memref_slice %arg12[%dma_start3A_27, %dma_start3A_28] : memref<10000x128xf32, #tpu.memory_space<vmem_shared>> -> memref<16x128xf32, #tpu.memory_space<vmem_shared>>
        tpu.enqueue_dma source(%dma_start3A_29 : memref<16x128xf32, #tpu.memory_space<vmem_shared>>) target(%dma_start3A_26 : memref<16x128xf32, #tpu.memory_space<hbm>>) target_semaphore(%run_scoped3A : memref<!tpu.dma_semaphore, #tpu.memory_space<semaphore_mem>>)
        %dma_wait3A = arith.constant 9984 : i32
        %dma_wait3A_30 = arith.constant 0 : i32
        %dma_wait3A_31 = tpu.memref_slice %arg7[%arg0, %dma_wait3A, %dma_wait3A_30] : memref<2x10000x128xf32, #tpu.memory_space<hbm>> -> memref<1x16x128xf32, #tpu.memory_space<hbm>>
        %dma_wait3A_32 = tpu.memref_squeeze %dma_wait3A_31 : memref<1x16x128xf32, #tpu.memory_space<hbm>> -> memref<16x128xf32, #tpu.memory_space<hbm>>
        %dma_wait3A_33 = arith.constant 9984 : i32
        %dma_wait3A_34 = arith.constant 0 : i32
        %dma_wait3A_35 = tpu.memref_slice %arg12[%dma_wait3A_33, %dma_wait3A_34] : memref<10000x128xf32, #tpu.memory_space<vmem_shared>> -> memref<16x128xf32, #tpu.memory_space<vmem_shared>>
        tpu.wait_dma2 semaphore(%run_scoped3A : memref<!tpu.dma_semaphore, #tpu.memory_space<semaphore_mem>>) src(%dma_wait3A_35 : memref<16x128xf32, #tpu.memory_space<vmem_shared>>) dst(%dma_wait3A_32 : memref<16x128xf32, #tpu.memory_space<hbm>>)
        tpu.yield
      }) : () -> ()
    } else {
    }
    return
  }
}

#map = affine_map<(d0, d1) -> (0, 0)>
#map1 = affine_map<(d0, d1) -> (0)>
#map2 = affine_map<(d0, d1) -> (0, 0, 0)>
module attributes {stable_mosaic.version = 14 : i64} {
  func.func @edge_kernel(%arg0: i32, %arg1: i32, %arg2: memref<10000x128xf32, #tpu.memory_space<hbm>>, %arg3: memref<10000x128xf32, #tpu.memory_space<hbm>>, %arg4: memref<320000xi32, #tpu.memory_space<hbm>>, %arg5: memref<320000xi32, #tpu.memory_space<hbm>>, %arg6: memref<10000x128xf32, #tpu.memory_space<hbm>>, %arg7: memref<2x10000x128xf32, #tpu.memory_space<hbm>>, %arg8: memref<80xi32, #tpu.memory_space<vmem>>, %arg9: memref<80xi32, #tpu.memory_space<vmem>>, %arg10: memref<80x128xf32, #tpu.memory_space<vmem>>, %arg11: memref<80x128xf32, #tpu.memory_space<vmem>>, %arg12: memref<10000x128xf32, #tpu.memory_space<vmem_shared>>, %arg13: memref<!tpu.dma_semaphore, #tpu.memory_space<semaphore_mem>>, %arg14: memref<!tpu.dma_semaphore, #tpu.memory_space<semaphore_mem>>) attributes {dimension_semantics = [#tpu.dimension_semantics<core_parallel>, #tpu.dimension_semantics<subcore_parallel>], iteration_bounds = array<i64: 2, 16>, scalar_prefetch = 0 : i64, scratch_operands = 7 : i64, tpu.core_type = #tpu.core_type<sc_vector_subcore>, window_params = [{transform_indices = #map}, {transform_indices = #map}, {transform_indices = #map1}, {transform_indices = #map1}, {transform_indices = #map}, {transform_indices = #map2}]} {
    %mul3A = arith.constant 624 : i32
    %mul3A_0 = arith.muli %arg1, %mul3A : i32
    %mul3A_1 = arith.constant 624 : i32
    %mul3A_2 = arith.muli %arg1, %mul3A_1 : i32
    "tpu.region"() ({
      %run_scoped3A = tpu.sem_alloc : memref<!tpu.dma_semaphore, #tpu.memory_space<semaphore_mem>>
      %dma_start3A = arith.constant 0 : i32
      %dma_start3A_24 = tpu.memref_slice %arg12[%mul3A_2, %dma_start3A] : memref<10000x128xf32, #tpu.memory_space<vmem_shared>> -> memref<624x128xf32, #tpu.memory_space<vmem_shared>>
      %dma_start3A_25 = arith.constant 0 : i32
      %dma_start3A_26 = tpu.memref_slice %arg6[%mul3A_0, %dma_start3A_25] : memref<10000x128xf32, #tpu.memory_space<hbm>> -> memref<624x128xf32, #tpu.memory_space<hbm>>
      tpu.enqueue_dma source(%dma_start3A_26 : memref<624x128xf32, #tpu.memory_space<hbm>>) target(%dma_start3A_24 : memref<624x128xf32, #tpu.memory_space<vmem_shared>>) target_semaphore(%run_scoped3A : memref<!tpu.dma_semaphore, #tpu.memory_space<semaphore_mem>>)
      %dma_wait3A = arith.constant 0 : i32
      %dma_wait3A_27 = tpu.memref_slice %arg12[%mul3A_2, %dma_wait3A] : memref<10000x128xf32, #tpu.memory_space<vmem_shared>> -> memref<624x128xf32, #tpu.memory_space<vmem_shared>>
      %dma_wait3A_28 = arith.constant 0 : i32
      %dma_wait3A_29 = tpu.memref_slice %arg6[%mul3A_0, %dma_wait3A_28] : memref<10000x128xf32, #tpu.memory_space<hbm>> -> memref<624x128xf32, #tpu.memory_space<hbm>>
      tpu.wait_dma2 semaphore(%run_scoped3A : memref<!tpu.dma_semaphore, #tpu.memory_space<semaphore_mem>>) src(%dma_wait3A_29 : memref<624x128xf32, #tpu.memory_space<hbm>>) dst(%dma_wait3A_27 : memref<624x128xf32, #tpu.memory_space<vmem_shared>>)
      tpu.yield
    }) : () -> ()
    %eq3A = arith.constant 0 : i32
    %eq3A_3 = arith.cmpi eq, %arg1, %eq3A : i32
    %convert_element_type3A = arith.extui %eq3A_3 : i1 to i32
    %cond3A = arith.constant 0 : i32
    %cond3A_4 = arith.cmpi ne, %convert_element_type3A, %cond3A : i32
    scf.if %cond3A_4 {
      "tpu.region"() ({
        %run_scoped3A = tpu.sem_alloc : memref<!tpu.dma_semaphore, #tpu.memory_space<semaphore_mem>>
        %dma_start3A = arith.constant 9984 : i32
        %dma_start3A_24 = arith.constant 0 : i32
        %dma_start3A_25 = tpu.memref_slice %arg12[%dma_start3A, %dma_start3A_24] : memref<10000x128xf32, #tpu.memory_space<vmem_shared>> -> memref<16x128xf32, #tpu.memory_space<vmem_shared>>
        %dma_start3A_26 = arith.constant 9984 : i32
        %dma_start3A_27 = arith.constant 0 : i32
        %dma_start3A_28 = tpu.memref_slice %arg6[%dma_start3A_26, %dma_start3A_27] : memref<10000x128xf32, #tpu.memory_space<hbm>> -> memref<16x128xf32, #tpu.memory_space<hbm>>
        tpu.enqueue_dma source(%dma_start3A_28 : memref<16x128xf32, #tpu.memory_space<hbm>>) target(%dma_start3A_25 : memref<16x128xf32, #tpu.memory_space<vmem_shared>>) target_semaphore(%run_scoped3A : memref<!tpu.dma_semaphore, #tpu.memory_space<semaphore_mem>>)
        %dma_wait3A = arith.constant 9984 : i32
        %dma_wait3A_29 = arith.constant 0 : i32
        %dma_wait3A_30 = tpu.memref_slice %arg12[%dma_wait3A, %dma_wait3A_29] : memref<10000x128xf32, #tpu.memory_space<vmem_shared>> -> memref<16x128xf32, #tpu.memory_space<vmem_shared>>
        %dma_wait3A_31 = arith.constant 9984 : i32
        %dma_wait3A_32 = arith.constant 0 : i32
        %dma_wait3A_33 = tpu.memref_slice %arg6[%dma_wait3A_31, %dma_wait3A_32] : memref<10000x128xf32, #tpu.memory_space<hbm>> -> memref<16x128xf32, #tpu.memory_space<hbm>>
        tpu.wait_dma2 semaphore(%run_scoped3A : memref<!tpu.dma_semaphore, #tpu.memory_space<semaphore_mem>>) src(%dma_wait3A_33 : memref<16x128xf32, #tpu.memory_space<hbm>>) dst(%dma_wait3A_30 : memref<16x128xf32, #tpu.memory_space<vmem_shared>>)
        tpu.yield
      }) : () -> ()
    } else {
    }
    %barrier3A = arith.constant 0 : index
    tpu.barrier barrier_id(%barrier3A)
    %mul3A_5 = arith.constant 2 : i32
    %mul3A_6 = arith.muli %arg1, %mul3A_5 : i32
    %add3A = arith.addi %mul3A_6, %arg0 : i32
    %mul3A_7 = arith.constant 10000 : i32
    %mul3A_8 = arith.muli %add3A, %mul3A_7 : i32
    %scan3A = arith.constant 0 : i32
    %scan3A_9 = arith.constant 0 : i32
    %scan3A_10 = arith.constant 125 : i32
    %scan3A_11 = arith.addi %scan3A_9, %scan3A_10 : i32
    %scan3A_12 = arith.constant 1 : i32
    scf.for %scan3A_24 = %scan3A_9 to %scan3A_11 step %scan3A_12  : i32 {
      %mul3A_25 = arith.constant 80 : i32
      %mul3A_26 = arith.muli %scan3A_24, %mul3A_25 : i32
      %add3A_27 = arith.addi %mul3A_8, %mul3A_26 : i32
      "tpu.region"() ({
        %run_scoped3A = tpu.sem_alloc : memref<!tpu.dma_semaphore, #tpu.memory_space<semaphore_mem>>
        %dma_start3A_44 = tpu.memref_slice %arg4[%add3A_27] : memref<320000xi32, #tpu.memory_space<hbm>> -> memref<80xi32, #tpu.memory_space<hbm>>
        %dma_start3A_45 = tpu.memref_slice %arg4[%add3A_27] : memref<320000xi32, #tpu.memory_space<hbm>> -> memref<80xi32, #tpu.memory_space<hbm>>
        tpu.enqueue_dma source(%dma_start3A_45 : memref<80xi32, #tpu.memory_space<hbm>>) target(%arg8 : memref<80xi32, #tpu.memory_space<vmem>>) target_semaphore(%run_scoped3A : memref<!tpu.dma_semaphore, #tpu.memory_space<semaphore_mem>>)
        %dma_wait3A_46 = tpu.memref_slice %arg4[%add3A_27] : memref<320000xi32, #tpu.memory_space<hbm>> -> memref<80xi32, #tpu.memory_space<hbm>>
        %dma_wait3A_47 = tpu.memref_slice %arg4[%add3A_27] : memref<320000xi32, #tpu.memory_space<hbm>> -> memref<80xi32, #tpu.memory_space<hbm>>
        tpu.wait_dma2 semaphore(%run_scoped3A : memref<!tpu.dma_semaphore, #tpu.memory_space<semaphore_mem>>) src(%dma_wait3A_47 : memref<80xi32, #tpu.memory_space<hbm>>) dst(%arg8 : memref<80xi32, #tpu.memory_space<vmem>>)
        tpu.yield
      }) : () -> ()
      "tpu.region"() ({
        %run_scoped3A = tpu.sem_alloc : memref<!tpu.dma_semaphore, #tpu.memory_space<semaphore_mem>>
        %dma_start3A_44 = tpu.memref_slice %arg5[%add3A_27] : memref<320000xi32, #tpu.memory_space<hbm>> -> memref<80xi32, #tpu.memory_space<hbm>>
        %dma_start3A_45 = tpu.memref_slice %arg5[%add3A_27] : memref<320000xi32, #tpu.memory_space<hbm>> -> memref<80xi32, #tpu.memory_space<hbm>>
        tpu.enqueue_dma source(%dma_start3A_45 : memref<80xi32, #tpu.memory_space<hbm>>) target(%arg9 : memref<80xi32, #tpu.memory_space<vmem>>) target_semaphore(%run_scoped3A : memref<!tpu.dma_semaphore, #tpu.memory_space<semaphore_mem>>)
        %dma_wait3A_46 = tpu.memref_slice %arg5[%add3A_27] : memref<320000xi32, #tpu.memory_space<hbm>> -> memref<80xi32, #tpu.memory_space<hbm>>
        %dma_wait3A_47 = tpu.memref_slice %arg5[%add3A_27] : memref<320000xi32, #tpu.memory_space<hbm>> -> memref<80xi32, #tpu.memory_space<hbm>>
        tpu.wait_dma2 semaphore(%run_scoped3A : memref<!tpu.dma_semaphore, #tpu.memory_space<semaphore_mem>>) src(%dma_wait3A_47 : memref<80xi32, #tpu.memory_space<hbm>>) dst(%arg9 : memref<80xi32, #tpu.memory_space<vmem>>)
        tpu.yield
      }) : () -> ()
      %dma_start3A = arith.constant 0 : i32
      %dma_start3A_28 = arith.constant 0 : i32
      %dma_start3A_29 = tpu.memref_slice %arg2[%dma_start3A, %dma_start3A_28] : memref<10000x128xf32, #tpu.memory_space<hbm>> -> memref<10000x128xf32, #tpu.memory_space<hbm>>
      tpu.enqueue_indirect_dma source(%dma_start3A_29 : memref<10000x128xf32, #tpu.memory_space<hbm>>) target(%arg10 : memref<80x128xf32, #tpu.memory_space<vmem>>) offsets(%arg8 : memref<80xi32, #tpu.memory_space<vmem>>) semaphore(%arg13 : memref<!tpu.dma_semaphore, #tpu.memory_space<semaphore_mem>>)
      %dma_start3A_30 = arith.constant 0 : i32
      %dma_start3A_31 = arith.constant 0 : i32
      %dma_start3A_32 = tpu.memref_slice %arg3[%dma_start3A_30, %dma_start3A_31] : memref<10000x128xf32, #tpu.memory_space<hbm>> -> memref<10000x128xf32, #tpu.memory_space<hbm>>
      tpu.enqueue_indirect_dma source(%dma_start3A_32 : memref<10000x128xf32, #tpu.memory_space<hbm>>) target(%arg11 : memref<80x128xf32, #tpu.memory_space<vmem>>) offsets(%arg9 : memref<80xi32, #tpu.memory_space<vmem>>) semaphore(%arg14 : memref<!tpu.dma_semaphore, #tpu.memory_space<semaphore_mem>>)
      %dma_wait3A = arith.constant 0 : i32
      %dma_wait3A_33 = arith.constant 0 : i32
      %dma_wait3A_34 = tpu.memref_slice %arg2[%dma_wait3A, %dma_wait3A_33] : memref<10000x128xf32, #tpu.memory_space<hbm>> -> memref<10000x128xf32, #tpu.memory_space<hbm>>
      tpu.wait_indirect_dma semaphore(%arg13 : memref<!tpu.dma_semaphore, #tpu.memory_space<semaphore_mem>>) src(%dma_wait3A_34 : memref<10000x128xf32, #tpu.memory_space<hbm>>) dst(%arg10 : memref<80x128xf32, #tpu.memory_space<vmem>>)
      %dma_wait3A_35 = arith.constant 0 : i32
      %dma_wait3A_36 = arith.constant 0 : i32
      %dma_wait3A_37 = tpu.memref_slice %arg3[%dma_wait3A_35, %dma_wait3A_36] : memref<10000x128xf32, #tpu.memory_space<hbm>> -> memref<10000x128xf32, #tpu.memory_space<hbm>>
      tpu.wait_indirect_dma semaphore(%arg14 : memref<!tpu.dma_semaphore, #tpu.memory_space<semaphore_mem>>) src(%dma_wait3A_37 : memref<10000x128xf32, #tpu.memory_space<hbm>>) dst(%arg11 : memref<80x128xf32, #tpu.memory_space<vmem>>)
      %scan3A_38 = arith.constant 0 : i32
      %scan3A_39 = arith.constant 0 : i32
      %scan3A_40 = arith.constant 80 : i32
      %scan3A_41 = arith.addi %scan3A_39, %scan3A_40 : i32
      %scan3A_42 = arith.constant 1 : i32
      scf.for %scan3A_44 = %scan3A_39 to %scan3A_41 step %scan3A_42  : i32 {
        %get3A = arith.index_cast %scan3A_44 : i32 to index
        %get3A_45 = arith.constant 0 : index
        %get3A_46 = tpu.vector_load %arg10[%get3A, %get3A_45] {strides = array<i32>} : memref<80x128xf32, #tpu.memory_space<vmem>>, vector<1x16xf32>,
        %get3A_47 = vector.shape_cast %get3A_46 : vector<1x16xf32> to vector<16xf32>
        %get3A_48 = arith.index_cast %scan3A_44 : i32 to index
        %get3A_49 = arith.constant 0 : index
        %get3A_50 = tpu.vector_load %arg11[%get3A_48, %get3A_49] {strides = array<i32>} : memref<80x128xf32, #tpu.memory_space<vmem>>, vector<1x16xf32>,
        %get3A_51 = vector.shape_cast %get3A_50 : vector<1x16xf32> to vector<16xf32>
        %add3A_52 = arith.addf %get3A_47, %get3A_51 : vector<16xf32>
        %max3A = arith.constant 0.000000e+00 : f32
        %max3A_53 = vector.broadcast %max3A : f32 to vector<16xf32>
        %max3A_54 = arith.maximumf %add3A_52, %max3A_53 : vector<16xf32>
        %swap3A = arith.index_cast %scan3A_44 : i32 to index
        %swap3A_55 = arith.constant 0 : index
        %swap3A_56 = tpu.vector_load %arg10[%swap3A, %swap3A_55] {strides = array<i32>} : memref<80x128xf32, #tpu.memory_space<vmem>>, vector<1x16xf32>,
        %swap3A_57 = vector.shape_cast %swap3A_56 : vector<1x16xf32> to vector<16xf32>
        %swap3A_58 = vector.shape_cast %max3A_54 : vector<16xf32> to vector<1x16xf32>
        tpu.vector_store %arg10[%swap3A, %swap3A_55], %swap3A_58 {strides = array<i32>} : memref<80x128xf32, #tpu.memory_space<vmem>>, vector<1x16xf32>,
        %get3A_59 = arith.index_cast %scan3A_44 : i32 to index
        %get3A_60 = arith.constant 16 : index
        %get3A_61 = tpu.vector_load %arg10[%get3A_59, %get3A_60] {strides = array<i32>} : memref<80x128xf32, #tpu.memory_space<vmem>>, vector<1x16xf32>,
        %get3A_62 = vector.shape_cast %get3A_61 : vector<1x16xf32> to vector<16xf32>
        %get3A_63 = arith.index_cast %scan3A_44 : i32 to index
        %get3A_64 = arith.constant 16 : index
        %get3A_65 = tpu.vector_load %arg11[%get3A_63, %get3A_64] {strides = array<i32>} : memref<80x128xf32, #tpu.memory_space<vmem>>, vector<1x16xf32>,
        %get3A_66 = vector.shape_cast %get3A_65 : vector<1x16xf32> to vector<16xf32>
        %add3A_67 = arith.addf %get3A_62, %get3A_66 : vector<16xf32>
        %max3A_68 = arith.constant 0.000000e+00 : f32
        %max3A_69 = vector.broadcast %max3A_68 : f32 to vector<16xf32>
        %max3A_70 = arith.maximumf %add3A_67, %max3A_69 : vector<16xf32>
        %swap3A_71 = arith.index_cast %scan3A_44 : i32 to index
        %swap3A_72 = arith.constant 16 : index
        %swap3A_73 = tpu.vector_load %arg10[%swap3A_71, %swap3A_72] {strides = array<i32>} : memref<80x128xf32, #tpu.memory_space<vmem>>, vector<1x16xf32>,
        %swap3A_74 = vector.shape_cast %swap3A_73 : vector<1x16xf32> to vector<16xf32>
        %swap3A_75 = vector.shape_cast %max3A_70 : vector<16xf32> to vector<1x16xf32>
        tpu.vector_store %arg10[%swap3A_71, %swap3A_72], %swap3A_75 {strides = array<i32>} : memref<80x128xf32, #tpu.memory_space<vmem>>, vector<1x16xf32>,
        %get3A_76 = arith.index_cast %scan3A_44 : i32 to index
        %get3A_77 = arith.constant 32 : index
        %get3A_78 = tpu.vector_load %arg10[%get3A_76, %get3A_77] {strides = array<i32>} : memref<80x128xf32, #tpu.memory_space<vmem>>, vector<1x16xf32>,
        %get3A_79 = vector.shape_cast %get3A_78 : vector<1x16xf32> to vector<16xf32>
        %get3A_80 = arith.index_cast %scan3A_44 : i32 to index
        %get3A_81 = arith.constant 32 : index
        %get3A_82 = tpu.vector_load %arg11[%get3A_80, %get3A_81] {strides = array<i32>} : memref<80x128xf32, #tpu.memory_space<vmem>>, vector<1x16xf32>,
        %get3A_83 = vector.shape_cast %get3A_82 : vector<1x16xf32> to vector<16xf32>
        %add3A_84 = arith.addf %get3A_79, %get3A_83 : vector<16xf32>
        %max3A_85 = arith.constant 0.000000e+00 : f32
        %max3A_86 = vector.broadcast %max3A_85 : f32 to vector<16xf32>
        %max3A_87 = arith.maximumf %add3A_84, %max3A_86 : vector<16xf32>
        %swap3A_88 = arith.index_cast %scan3A_44 : i32 to index
        %swap3A_89 = arith.constant 32 : index
        %swap3A_90 = tpu.vector_load %arg10[%swap3A_88, %swap3A_89] {strides = array<i32>} : memref<80x128xf32, #tpu.memory_space<vmem>>, vector<1x16xf32>,
        %swap3A_91 = vector.shape_cast %swap3A_90 : vector<1x16xf32> to vector<16xf32>
        %swap3A_92 = vector.shape_cast %max3A_87 : vector<16xf32> to vector<1x16xf32>
        tpu.vector_store %arg10[%swap3A_88, %swap3A_89], %swap3A_92 {strides = array<i32>} : memref<80x128xf32, #tpu.memory_space<vmem>>, vector<1x16xf32>,
        %get3A_93 = arith.index_cast %scan3A_44 : i32 to index
        %get3A_94 = arith.constant 48 : index
        %get3A_95 = tpu.vector_load %arg10[%get3A_93, %get3A_94] {strides = array<i32>} : memref<80x128xf32, #tpu.memory_space<vmem>>, vector<1x16xf32>,
        %get3A_96 = vector.shape_cast %get3A_95 : vector<1x16xf32> to vector<16xf32>
        %get3A_97 = arith.index_cast %scan3A_44 : i32 to index
        %get3A_98 = arith.constant 48 : index
        %get3A_99 = tpu.vector_load %arg11[%get3A_97, %get3A_98] {strides = array<i32>} : memref<80x128xf32, #tpu.memory_space<vmem>>, vector<1x16xf32>,
        %get3A_100 = vector.shape_cast %get3A_99 : vector<1x16xf32> to vector<16xf32>
        %add3A_101 = arith.addf %get3A_96, %get3A_100 : vector<16xf32>
        %max3A_102 = arith.constant 0.000000e+00 : f32
        %max3A_103 = vector.broadcast %max3A_102 : f32 to vector<16xf32>
        %max3A_104 = arith.maximumf %add3A_101, %max3A_103 : vector<16xf32>
        %swap3A_105 = arith.index_cast %scan3A_44 : i32 to index
        %swap3A_106 = arith.constant 48 : index
        %swap3A_107 = tpu.vector_load %arg10[%swap3A_105, %swap3A_106] {strides = array<i32>} : memref<80x128xf32, #tpu.memory_space<vmem>>, vector<1x16xf32>,
        %swap3A_108 = vector.shape_cast %swap3A_107 : vector<1x16xf32> to vector<16xf32>
        %swap3A_109 = vector.shape_cast %max3A_104 : vector<16xf32> to vector<1x16xf32>
        tpu.vector_store %arg10[%swap3A_105, %swap3A_106], %swap3A_109 {strides = array<i32>} : memref<80x128xf32, #tpu.memory_space<vmem>>, vector<1x16xf32>,
        %get3A_110 = arith.index_cast %scan3A_44 : i32 to index
        %get3A_111 = arith.constant 64 : index
        %get3A_112 = tpu.vector_load %arg10[%get3A_110, %get3A_111] {strides = array<i32>} : memref<80x128xf32, #tpu.memory_space<vmem>>, vector<1x16xf32>,
        %get3A_113 = vector.shape_cast %get3A_112 : vector<1x16xf32> to vector<16xf32>
        %get3A_114 = arith.index_cast %scan3A_44 : i32 to index
        %get3A_115 = arith.constant 64 : index
        %get3A_116 = tpu.vector_load %arg11[%get3A_114, %get3A_115] {strides = array<i32>} : memref<80x128xf32, #tpu.memory_space<vmem>>, vector<1x16xf32>,
        %get3A_117 = vector.shape_cast %get3A_116 : vector<1x16xf32> to vector<16xf32>
        %add3A_118 = arith.addf %get3A_113, %get3A_117 : vector<16xf32>
        %max3A_119 = arith.constant 0.000000e+00 : f32
        %max3A_120 = vector.broadcast %max3A_119 : f32 to vector<16xf32>
        %max3A_121 = arith.maximumf %add3A_118, %max3A_120 : vector<16xf32>
        %swap3A_122 = arith.index_cast %scan3A_44 : i32 to index
        %swap3A_123 = arith.constant 64 : index
        %swap3A_124 = tpu.vector_load %arg10[%swap3A_122, %swap3A_123] {strides = array<i32>} : memref<80x128xf32, #tpu.memory_space<vmem>>, vector<1x16xf32>,
        %swap3A_125 = vector.shape_cast %swap3A_124 : vector<1x16xf32> to vector<16xf32>
        %swap3A_126 = vector.shape_cast %max3A_121 : vector<16xf32> to vector<1x16xf32>
        tpu.vector_store %arg10[%swap3A_122, %swap3A_123], %swap3A_126 {strides = array<i32>} : memref<80x128xf32, #tpu.memory_space<vmem>>, vector<1x16xf32>,
        %get3A_127 = arith.index_cast %scan3A_44 : i32 to index
        %get3A_128 = arith.constant 80 : index
        %get3A_129 = tpu.vector_load %arg10[%get3A_127, %get3A_128] {strides = array<i32>} : memref<80x128xf32, #tpu.memory_space<vmem>>, vector<1x16xf32>,
        %get3A_130 = vector.shape_cast %get3A_129 : vector<1x16xf32> to vector<16xf32>
        %get3A_131 = arith.index_cast %scan3A_44 : i32 to index
        %get3A_132 = arith.constant 80 : index
        %get3A_133 = tpu.vector_load %arg11[%get3A_131, %get3A_132] {strides = array<i32>} : memref<80x128xf32, #tpu.memory_space<vmem>>, vector<1x16xf32>,
        %get3A_134 = vector.shape_cast %get3A_133 : vector<1x16xf32> to vector<16xf32>
        %add3A_135 = arith.addf %get3A_130, %get3A_134 : vector<16xf32>
        %max3A_136 = arith.constant 0.000000e+00 : f32
        %max3A_137 = vector.broadcast %max3A_136 : f32 to vector<16xf32>
        %max3A_138 = arith.maximumf %add3A_135, %max3A_137 : vector<16xf32>
        %swap3A_139 = arith.index_cast %scan3A_44 : i32 to index
        %swap3A_140 = arith.constant 80 : index
        %swap3A_141 = tpu.vector_load %arg10[%swap3A_139, %swap3A_140] {strides = array<i32>} : memref<80x128xf32, #tpu.memory_space<vmem>>, vector<1x16xf32>,
        %swap3A_142 = vector.shape_cast %swap3A_141 : vector<1x16xf32> to vector<16xf32>
        %swap3A_143 = vector.shape_cast %max3A_138 : vector<16xf32> to vector<1x16xf32>
        tpu.vector_store %arg10[%swap3A_139, %swap3A_140], %swap3A_143 {strides = array<i32>} : memref<80x128xf32, #tpu.memory_space<vmem>>, vector<1x16xf32>,
        %get3A_144 = arith.index_cast %scan3A_44 : i32 to index
        %get3A_145 = arith.constant 96 : index
        %get3A_146 = tpu.vector_load %arg10[%get3A_144, %get3A_145] {strides = array<i32>} : memref<80x128xf32, #tpu.memory_space<vmem>>, vector<1x16xf32>,
        %get3A_147 = vector.shape_cast %get3A_146 : vector<1x16xf32> to vector<16xf32>
        %get3A_148 = arith.index_cast %scan3A_44 : i32 to index
        %get3A_149 = arith.constant 96 : index
        %get3A_150 = tpu.vector_load %arg11[%get3A_148, %get3A_149] {strides = array<i32>} : memref<80x128xf32, #tpu.memory_space<vmem>>, vector<1x16xf32>,
        %get3A_151 = vector.shape_cast %get3A_150 : vector<1x16xf32> to vector<16xf32>
        %add3A_152 = arith.addf %get3A_147, %get3A_151 : vector<16xf32>
        %max3A_153 = arith.constant 0.000000e+00 : f32
        %max3A_154 = vector.broadcast %max3A_153 : f32 to vector<16xf32>
        %max3A_155 = arith.maximumf %add3A_152, %max3A_154 : vector<16xf32>
        %swap3A_156 = arith.index_cast %scan3A_44 : i32 to index
        %swap3A_157 = arith.constant 96 : index
        %swap3A_158 = tpu.vector_load %arg10[%swap3A_156, %swap3A_157] {strides = array<i32>} : memref<80x128xf32, #tpu.memory_space<vmem>>, vector<1x16xf32>,
        %swap3A_159 = vector.shape_cast %swap3A_158 : vector<1x16xf32> to vector<16xf32>
        %swap3A_160 = vector.shape_cast %max3A_155 : vector<16xf32> to vector<1x16xf32>
        tpu.vector_store %arg10[%swap3A_156, %swap3A_157], %swap3A_160 {strides = array<i32>} : memref<80x128xf32, #tpu.memory_space<vmem>>, vector<1x16xf32>,
        %get3A_161 = arith.index_cast %scan3A_44 : i32 to index
        %get3A_162 = arith.constant 112 : index
        %get3A_163 = tpu.vector_load %arg10[%get3A_161, %get3A_162] {strides = array<i32>} : memref<80x128xf32, #tpu.memory_space<vmem>>, vector<1x16xf32>,
        %get3A_164 = vector.shape_cast %get3A_163 : vector<1x16xf32> to vector<16xf32>
        %get3A_165 = arith.index_cast %scan3A_44 : i32 to index
        %get3A_166 = arith.constant 112 : index
        %get3A_167 = tpu.vector_load %arg11[%get3A_165, %get3A_166] {strides = array<i32>} : memref<80x128xf32, #tpu.memory_space<vmem>>, vector<1x16xf32>,
        %get3A_168 = vector.shape_cast %get3A_167 : vector<1x16xf32> to vector<16xf32>
        %add3A_169 = arith.addf %get3A_164, %get3A_168 : vector<16xf32>
        %max3A_170 = arith.constant 0.000000e+00 : f32
        %max3A_171 = vector.broadcast %max3A_170 : f32 to vector<16xf32>
        %max3A_172 = arith.maximumf %add3A_169, %max3A_171 : vector<16xf32>
        %swap3A_173 = arith.index_cast %scan3A_44 : i32 to index
        %swap3A_174 = arith.constant 112 : index
        %swap3A_175 = tpu.vector_load %arg10[%swap3A_173, %swap3A_174] {strides = array<i32>} : memref<80x128xf32, #tpu.memory_space<vmem>>, vector<1x16xf32>,
        %swap3A_176 = vector.shape_cast %swap3A_175 : vector<1x16xf32> to vector<16xf32>
        %swap3A_177 = vector.shape_cast %max3A_172 : vector<16xf32> to vector<1x16xf32>
        tpu.vector_store %arg10[%swap3A_173, %swap3A_174], %swap3A_177 {strides = array<i32>} : memref<80x128xf32, #tpu.memory_space<vmem>>, vector<1x16xf32>,
      }
      %scan3A_43 = arith.constant 80 : i32
      "tpu.region"() ({
        %run_scoped3A = tpu.sem_alloc : memref<!tpu.dma_semaphore, #tpu.memory_space<semaphore_mem>>
        %dma_start3A_44 = arith.constant 0 : i32
        %dma_start3A_45 = arith.constant 0 : i32
        %dma_start3A_46 = tpu.memref_slice %arg12[%dma_start3A_44, %dma_start3A_45] : memref<10000x128xf32, #tpu.memory_space<vmem_shared>> -> memref<10000x128xf32, #tpu.memory_space<vmem_shared>>
        tpu.enqueue_indirect_dma source(%arg10 : memref<80x128xf32, #tpu.memory_space<vmem>>) target(%dma_start3A_46 : memref<10000x128xf32, #tpu.memory_space<vmem_shared>>) offsets(%arg8 : memref<80xi32, #tpu.memory_space<vmem>>) semaphore(%run_scoped3A : memref<!tpu.dma_semaphore, #tpu.memory_space<semaphore_mem>>) {add = true}
        %dma_wait3A_47 = arith.constant 0 : i32
        %dma_wait3A_48 = arith.constant 0 : i32
        %dma_wait3A_49 = tpu.memref_slice %arg12[%dma_wait3A_47, %dma_wait3A_48] : memref<10000x128xf32, #tpu.memory_space<vmem_shared>> -> memref<10000x128xf32, #tpu.memory_space<vmem_shared>>
        tpu.wait_indirect_dma semaphore(%run_scoped3A : memref<!tpu.dma_semaphore, #tpu.memory_space<semaphore_mem>>) src(%arg10 : memref<80x128xf32, #tpu.memory_space<vmem>>) dst(%dma_wait3A_49 : memref<10000x128xf32, #tpu.memory_space<vmem_shared>>)
        tpu.yield
      }) : () -> ()
    }
    %scan3A_13 = arith.constant 125 : i32
    %barrier3A_14 = arith.constant 0 : index
    tpu.barrier barrier_id(%barrier3A_14)
    %mul3A_15 = arith.constant 624 : i32
    %mul3A_16 = arith.muli %arg1, %mul3A_15 : i32
    %mul3A_17 = arith.constant 624 : i32
    %mul3A_18 = arith.muli %arg1, %mul3A_17 : i32
    "tpu.region"() ({
      %run_scoped3A = tpu.sem_alloc : memref<!tpu.dma_semaphore, #tpu.memory_space<semaphore_mem>>
      %dma_start3A = arith.constant 0 : i32
      %dma_start3A_24 = tpu.memref_slice %arg7[%arg0, %mul3A_18, %dma_start3A] : memref<2x10000x128xf32, #tpu.memory_space<hbm>> -> memref<1x624x128xf32, #tpu.memory_space<hbm>>
      %dma_start3A_25 = tpu.memref_squeeze %dma_start3A_24 : memref<1x624x128xf32, #tpu.memory_space<hbm>> -> memref<624x128xf32, #tpu.memory_space<hbm>>
      %dma_start3A_26 = arith.constant 0 : i32
      %dma_start3A_27 = tpu.memref_slice %arg12[%mul3A_16, %dma_start3A_26] : memref<10000x128xf32, #tpu.memory_space<vmem_shared>> -> memref<624x128xf32, #tpu.memory_space<vmem_shared>>
      tpu.enqueue_dma source(%dma_start3A_27 : memref<624x128xf32, #tpu.memory_space<vmem_shared>>) target(%dma_start3A_25 : memref<624x128xf32, #tpu.memory_space<hbm>>) target_semaphore(%run_scoped3A : memref<!tpu.dma_semaphore, #tpu.memory_space<semaphore_mem>>)
      %dma_wait3A = arith.constant 0 : i32
      %dma_wait3A_28 = tpu.memref_slice %arg7[%arg0, %mul3A_18, %dma_wait3A] : memref<2x10000x128xf32, #tpu.memory_space<hbm>> -> memref<1x624x128xf32, #tpu.memory_space<hbm>>
      %dma_wait3A_29 = tpu.memref_squeeze %dma_wait3A_28 : memref<1x624x128xf32, #tpu.memory_space<hbm>> -> memref<624x128xf32, #tpu.memory_space<hbm>>
      %dma_wait3A_30 = arith.constant 0 : i32
      %dma_wait3A_31 = tpu.memref_slice %arg12[%mul3A_16, %dma_wait3A_30] : memref<10000x128xf32, #tpu.memory_space<vmem_shared>> -> memref<624x128xf32, #tpu.memory_space<vmem_shared>>
      tpu.wait_dma2 semaphore(%run_scoped3A : memref<!tpu.dma_semaphore, #tpu.memory_space<semaphore_mem>>) src(%dma_wait3A_31 : memref<624x128xf32, #tpu.memory_space<vmem_shared>>) dst(%dma_wait3A_29 : memref<624x128xf32, #tpu.memory_space<hbm>>)
      tpu.yield
    }) : () -> ()
    %eq3A_19 = arith.constant 0 : i32
    %eq3A_20 = arith.cmpi eq, %arg1, %eq3A_19 : i32
    %convert_element_type3A_21 = arith.extui %eq3A_20 : i1 to i32
    %cond3A_22 = arith.constant 0 : i32
    %cond3A_23 = arith.cmpi ne, %convert_element_type3A_21, %cond3A_22 : i32
    scf.if %cond3A_23 {
      "tpu.region"() ({
        %run_scoped3A = tpu.sem_alloc : memref<!tpu.dma_semaphore, #tpu.memory_space<semaphore_mem>>
        %dma_start3A = arith.constant 9984 : i32
        %dma_start3A_24 = arith.constant 0 : i32
        %dma_start3A_25 = tpu.memref_slice %arg7[%arg0, %dma_start3A, %dma_start3A_24] : memref<2x10000x128xf32, #tpu.memory_space<hbm>> -> memref<1x16x128xf32, #tpu.memory_space<hbm>>
        %dma_start3A_26 = tpu.memref_squeeze %dma_start3A_25 : memref<1x16x128xf32, #tpu.memory_space<hbm>> -> memref<16x128xf32, #tpu.memory_space<hbm>>
        %dma_start3A_27 = arith.constant 9984 : i32
        %dma_start3A_28 = arith.constant 0 : i32
        %dma_start3A_29 = tpu.memref_slice %arg12[%dma_start3A_27, %dma_start3A_28] : memref<10000x128xf32, #tpu.memory_space<vmem_shared>> -> memref<16x128xf32, #tpu.memory_space<vmem_shared>>
        tpu.enqueue_dma source(%dma_start3A_29 : memref<16x128xf32, #tpu.memory_space<vmem_shared>>) target(%dma_start3A_26 : memref<16x128xf32, #tpu.memory_space<hbm>>) target_semaphore(%run_scoped3A : memref<!tpu.dma_semaphore, #tpu.memory_space<semaphore_mem>>)
        %dma_wait3A = arith.constant 9984 : i32
        %dma_wait3A_30 = arith.constant 0 : i32
        %dma_wait3A_31 = tpu.memref_slice %arg7[%arg0, %dma_wait3A, %dma_wait3A_30] : memref<2x10000x128xf32, #tpu.memory_space<hbm>> -> memref<1x16x128xf32, #tpu.memory_space<hbm>>
        %dma_wait3A_32 = tpu.memref_squeeze %dma_wait3A_31 : memref<1x16x128xf32, #tpu.memory_space<hbm>> -> memref<16x128xf32, #tpu.memory_space<hbm>>
        %dma_wait3A_33 = arith.constant 9984 : i32
        %dma_wait3A_34 = arith.constant 0 : i32
        %dma_wait3A_35 = tpu.memref_slice %arg12[%dma_wait3A_33, %dma_wait3A_34] : memref<10000x128xf32, #tpu.memory_space<vmem_shared>> -> memref<16x128xf32, #tpu.memory_space<vmem_shared>>
        tpu.wait_dma2 semaphore(%run_scoped3A : memref<!tpu.dma_semaphore, #tpu.memory_space<semaphore_mem>>) src(%dma_wait3A_35 : memref<16x128xf32, #tpu.memory_space<vmem_shared>>) dst(%dma_wait3A_32 : memref<16x128xf32, #tpu.memory_space<hbm>>)
        tpu.yield
      }) : () -> ()
    } else {
    }
    return
  }
}

#map = affine_map<(d0, d1) -> (0, 0)>
#map1 = affine_map<(d0, d1) -> (0)>
#map2 = affine_map<(d0, d1) -> (0, 0, 0)>
module attributes {stable_mosaic.version = 14 : i64} {
  func.func @edge_kernel(%arg0: i32, %arg1: i32, %arg2: memref<10000x128xf32, #tpu.memory_space<hbm>>, %arg3: memref<10000x128xf32, #tpu.memory_space<hbm>>, %arg4: memref<320000xi32, #tpu.memory_space<hbm>>, %arg5: memref<320000xi32, #tpu.memory_space<hbm>>, %arg6: memref<10000x128xf32, #tpu.memory_space<hbm>>, %arg7: memref<2x10000x128xf32, #tpu.memory_space<hbm>>, %arg8: memref<80xi32, #tpu.memory_space<vmem>>, %arg9: memref<80xi32, #tpu.memory_space<vmem>>, %arg10: memref<80x128xf32, #tpu.memory_space<vmem>>, %arg11: memref<80x128xf32, #tpu.memory_space<vmem>>, %arg12: memref<10000x128xf32, #tpu.memory_space<vmem_shared>>, %arg13: memref<!tpu.dma_semaphore, #tpu.memory_space<semaphore_mem>>, %arg14: memref<!tpu.dma_semaphore, #tpu.memory_space<semaphore_mem>>) attributes {dimension_semantics = [#tpu.dimension_semantics<core_parallel>, #tpu.dimension_semantics<subcore_parallel>], iteration_bounds = array<i64: 2, 16>, scalar_prefetch = 0 : i64, scratch_operands = 7 : i64, tpu.core_type = #tpu.core_type<sc_vector_subcore>, window_params = [{transform_indices = #map}, {transform_indices = #map}, {transform_indices = #map1}, {transform_indices = #map1}, {transform_indices = #map}, {transform_indices = #map2}]} {
    %mul3A = arith.constant 624 : i32
    %mul3A_0 = arith.muli %arg1, %mul3A : i32
    %mul3A_1 = arith.constant 624 : i32
    %mul3A_2 = arith.muli %arg1, %mul3A_1 : i32
    "tpu.region"() ({
      %run_scoped3A = tpu.sem_alloc : memref<!tpu.dma_semaphore, #tpu.memory_space<semaphore_mem>>
      %dma_start3A = arith.constant 0 : i32
      %dma_start3A_24 = tpu.memref_slice %arg12[%mul3A_2, %dma_start3A] : memref<10000x128xf32, #tpu.memory_space<vmem_shared>> -> memref<624x128xf32, #tpu.memory_space<vmem_shared>>
      %dma_start3A_25 = arith.constant 0 : i32
      %dma_start3A_26 = tpu.memref_slice %arg6[%mul3A_0, %dma_start3A_25] : memref<10000x128xf32, #tpu.memory_space<hbm>> -> memref<624x128xf32, #tpu.memory_space<hbm>>
      tpu.enqueue_dma source(%dma_start3A_26 : memref<624x128xf32, #tpu.memory_space<hbm>>) target(%dma_start3A_24 : memref<624x128xf32, #tpu.memory_space<vmem_shared>>) target_semaphore(%run_scoped3A : memref<!tpu.dma_semaphore, #tpu.memory_space<semaphore_mem>>)
      %dma_wait3A = arith.constant 0 : i32
      %dma_wait3A_27 = tpu.memref_slice %arg12[%mul3A_2, %dma_wait3A] : memref<10000x128xf32, #tpu.memory_space<vmem_shared>> -> memref<624x128xf32, #tpu.memory_space<vmem_shared>>
      %dma_wait3A_28 = arith.constant 0 : i32
      %dma_wait3A_29 = tpu.memref_slice %arg6[%mul3A_0, %dma_wait3A_28] : memref<10000x128xf32, #tpu.memory_space<hbm>> -> memref<624x128xf32, #tpu.memory_space<hbm>>
      tpu.wait_dma2 semaphore(%run_scoped3A : memref<!tpu.dma_semaphore, #tpu.memory_space<semaphore_mem>>) src(%dma_wait3A_29 : memref<624x128xf32, #tpu.memory_space<hbm>>) dst(%dma_wait3A_27 : memref<624x128xf32, #tpu.memory_space<vmem_shared>>)
      tpu.yield
    }) : () -> ()
    %eq3A = arith.constant 0 : i32
    %eq3A_3 = arith.cmpi eq, %arg1, %eq3A : i32
    %convert_element_type3A = arith.extui %eq3A_3 : i1 to i32
    %cond3A = arith.constant 0 : i32
    %cond3A_4 = arith.cmpi ne, %convert_element_type3A, %cond3A : i32
    scf.if %cond3A_4 {
      "tpu.region"() ({
        %run_scoped3A = tpu.sem_alloc : memref<!tpu.dma_semaphore, #tpu.memory_space<semaphore_mem>>
        %dma_start3A = arith.constant 9984 : i32
        %dma_start3A_24 = arith.constant 0 : i32
        %dma_start3A_25 = tpu.memref_slice %arg12[%dma_start3A, %dma_start3A_24] : memref<10000x128xf32, #tpu.memory_space<vmem_shared>> -> memref<16x128xf32, #tpu.memory_space<vmem_shared>>
        %dma_start3A_26 = arith.constant 9984 : i32
        %dma_start3A_27 = arith.constant 0 : i32
        %dma_start3A_28 = tpu.memref_slice %arg6[%dma_start3A_26, %dma_start3A_27] : memref<10000x128xf32, #tpu.memory_space<hbm>> -> memref<16x128xf32, #tpu.memory_space<hbm>>
        tpu.enqueue_dma source(%dma_start3A_28 : memref<16x128xf32, #tpu.memory_space<hbm>>) target(%dma_start3A_25 : memref<16x128xf32, #tpu.memory_space<vmem_shared>>) target_semaphore(%run_scoped3A : memref<!tpu.dma_semaphore, #tpu.memory_space<semaphore_mem>>)
        %dma_wait3A = arith.constant 9984 : i32
        %dma_wait3A_29 = arith.constant 0 : i32
        %dma_wait3A_30 = tpu.memref_slice %arg12[%dma_wait3A, %dma_wait3A_29] : memref<10000x128xf32, #tpu.memory_space<vmem_shared>> -> memref<16x128xf32, #tpu.memory_space<vmem_shared>>
        %dma_wait3A_31 = arith.constant 9984 : i32
        %dma_wait3A_32 = arith.constant 0 : i32
        %dma_wait3A_33 = tpu.memref_slice %arg6[%dma_wait3A_31, %dma_wait3A_32] : memref<10000x128xf32, #tpu.memory_space<hbm>> -> memref<16x128xf32, #tpu.memory_space<hbm>>
        tpu.wait_dma2 semaphore(%run_scoped3A : memref<!tpu.dma_semaphore, #tpu.memory_space<semaphore_mem>>) src(%dma_wait3A_33 : memref<16x128xf32, #tpu.memory_space<hbm>>) dst(%dma_wait3A_30 : memref<16x128xf32, #tpu.memory_space<vmem_shared>>)
        tpu.yield
      }) : () -> ()
    } else {
    }
    %barrier3A = arith.constant 0 : index
    tpu.barrier barrier_id(%barrier3A)
    %mul3A_5 = arith.constant 2 : i32
    %mul3A_6 = arith.muli %arg1, %mul3A_5 : i32
    %add3A = arith.addi %mul3A_6, %arg0 : i32
    %mul3A_7 = arith.constant 10000 : i32
    %mul3A_8 = arith.muli %add3A, %mul3A_7 : i32
    %scan3A = arith.constant 0 : i32
    %scan3A_9 = arith.constant 0 : i32
    %scan3A_10 = arith.constant 125 : i32
    %scan3A_11 = arith.addi %scan3A_9, %scan3A_10 : i32
    %scan3A_12 = arith.constant 1 : i32
    scf.for %scan3A_24 = %scan3A_9 to %scan3A_11 step %scan3A_12  : i32 {
      %mul3A_25 = arith.constant 80 : i32
      %mul3A_26 = arith.muli %scan3A_24, %mul3A_25 : i32
      %add3A_27 = arith.addi %mul3A_8, %mul3A_26 : i32
      "tpu.region"() ({
        %run_scoped3A = tpu.sem_alloc : memref<!tpu.dma_semaphore, #tpu.memory_space<semaphore_mem>>
        %dma_start3A_44 = tpu.memref_slice %arg4[%add3A_27] : memref<320000xi32, #tpu.memory_space<hbm>> -> memref<80xi32, #tpu.memory_space<hbm>>
        %dma_start3A_45 = tpu.memref_slice %arg4[%add3A_27] : memref<320000xi32, #tpu.memory_space<hbm>> -> memref<80xi32, #tpu.memory_space<hbm>>
        tpu.enqueue_dma source(%dma_start3A_45 : memref<80xi32, #tpu.memory_space<hbm>>) target(%arg8 : memref<80xi32, #tpu.memory_space<vmem>>) target_semaphore(%run_scoped3A : memref<!tpu.dma_semaphore, #tpu.memory_space<semaphore_mem>>)
        %dma_wait3A_46 = tpu.memref_slice %arg4[%add3A_27] : memref<320000xi32, #tpu.memory_space<hbm>> -> memref<80xi32, #tpu.memory_space<hbm>>
        %dma_wait3A_47 = tpu.memref_slice %arg4[%add3A_27] : memref<320000xi32, #tpu.memory_space<hbm>> -> memref<80xi32, #tpu.memory_space<hbm>>
        tpu.wait_dma2 semaphore(%run_scoped3A : memref<!tpu.dma_semaphore, #tpu.memory_space<semaphore_mem>>) src(%dma_wait3A_47 : memref<80xi32, #tpu.memory_space<hbm>>) dst(%arg8 : memref<80xi32, #tpu.memory_space<vmem>>)
        tpu.yield
      }) : () -> ()
      "tpu.region"() ({
        %run_scoped3A = tpu.sem_alloc : memref<!tpu.dma_semaphore, #tpu.memory_space<semaphore_mem>>
        %dma_start3A_44 = tpu.memref_slice %arg5[%add3A_27] : memref<320000xi32, #tpu.memory_space<hbm>> -> memref<80xi32, #tpu.memory_space<hbm>>
        %dma_start3A_45 = tpu.memref_slice %arg5[%add3A_27] : memref<320000xi32, #tpu.memory_space<hbm>> -> memref<80xi32, #tpu.memory_space<hbm>>
        tpu.enqueue_dma source(%dma_start3A_45 : memref<80xi32, #tpu.memory_space<hbm>>) target(%arg9 : memref<80xi32, #tpu.memory_space<vmem>>) target_semaphore(%run_scoped3A : memref<!tpu.dma_semaphore, #tpu.memory_space<semaphore_mem>>)
        %dma_wait3A_46 = tpu.memref_slice %arg5[%add3A_27] : memref<320000xi32, #tpu.memory_space<hbm>> -> memref<80xi32, #tpu.memory_space<hbm>>
        %dma_wait3A_47 = tpu.memref_slice %arg5[%add3A_27] : memref<320000xi32, #tpu.memory_space<hbm>> -> memref<80xi32, #tpu.memory_space<hbm>>
        tpu.wait_dma2 semaphore(%run_scoped3A : memref<!tpu.dma_semaphore, #tpu.memory_space<semaphore_mem>>) src(%dma_wait3A_47 : memref<80xi32, #tpu.memory_space<hbm>>) dst(%arg9 : memref<80xi32, #tpu.memory_space<vmem>>)
        tpu.yield
      }) : () -> ()
      %dma_start3A = arith.constant 0 : i32
      %dma_start3A_28 = arith.constant 0 : i32
      %dma_start3A_29 = tpu.memref_slice %arg2[%dma_start3A, %dma_start3A_28] : memref<10000x128xf32, #tpu.memory_space<hbm>> -> memref<10000x128xf32, #tpu.memory_space<hbm>>
      tpu.enqueue_indirect_dma source(%dma_start3A_29 : memref<10000x128xf32, #tpu.memory_space<hbm>>) target(%arg10 : memref<80x128xf32, #tpu.memory_space<vmem>>) offsets(%arg8 : memref<80xi32, #tpu.memory_space<vmem>>) semaphore(%arg13 : memref<!tpu.dma_semaphore, #tpu.memory_space<semaphore_mem>>)
      %dma_start3A_30 = arith.constant 0 : i32
      %dma_start3A_31 = arith.constant 0 : i32
      %dma_start3A_32 = tpu.memref_slice %arg3[%dma_start3A_30, %dma_start3A_31] : memref<10000x128xf32, #tpu.memory_space<hbm>> -> memref<10000x128xf32, #tpu.memory_space<hbm>>
      tpu.enqueue_indirect_dma source(%dma_start3A_32 : memref<10000x128xf32, #tpu.memory_space<hbm>>) target(%arg11 : memref<80x128xf32, #tpu.memory_space<vmem>>) offsets(%arg9 : memref<80xi32, #tpu.memory_space<vmem>>) semaphore(%arg14 : memref<!tpu.dma_semaphore, #tpu.memory_space<semaphore_mem>>)
      %dma_wait3A = arith.constant 0 : i32
      %dma_wait3A_33 = arith.constant 0 : i32
      %dma_wait3A_34 = tpu.memref_slice %arg2[%dma_wait3A, %dma_wait3A_33] : memref<10000x128xf32, #tpu.memory_space<hbm>> -> memref<10000x128xf32, #tpu.memory_space<hbm>>
      tpu.wait_indirect_dma semaphore(%arg13 : memref<!tpu.dma_semaphore, #tpu.memory_space<semaphore_mem>>) src(%dma_wait3A_34 : memref<10000x128xf32, #tpu.memory_space<hbm>>) dst(%arg10 : memref<80x128xf32, #tpu.memory_space<vmem>>)
      %dma_wait3A_35 = arith.constant 0 : i32
      %dma_wait3A_36 = arith.constant 0 : i32
      %dma_wait3A_37 = tpu.memref_slice %arg3[%dma_wait3A_35, %dma_wait3A_36] : memref<10000x128xf32, #tpu.memory_space<hbm>> -> memref<10000x128xf32, #tpu.memory_space<hbm>>
      tpu.wait_indirect_dma semaphore(%arg14 : memref<!tpu.dma_semaphore, #tpu.memory_space<semaphore_mem>>) src(%dma_wait3A_37 : memref<10000x128xf32, #tpu.memory_space<hbm>>) dst(%arg11 : memref<80x128xf32, #tpu.memory_space<vmem>>)
      %scan3A_38 = arith.constant 0 : i32
      %scan3A_39 = arith.constant 0 : i32
      %scan3A_40 = arith.constant 80 : i32
      %scan3A_41 = arith.addi %scan3A_39, %scan3A_40 : i32
      %scan3A_42 = arith.constant 1 : i32
      scf.for %scan3A_44 = %scan3A_39 to %scan3A_41 step %scan3A_42  : i32 {
        %get3A = arith.index_cast %scan3A_44 : i32 to index
        %get3A_45 = arith.constant 0 : index
        %get3A_46 = tpu.vector_load %arg10[%get3A, %get3A_45] {strides = array<i32>} : memref<80x128xf32, #tpu.memory_space<vmem>>, vector<1x16xf32>,
        %get3A_47 = vector.shape_cast %get3A_46 : vector<1x16xf32> to vector<16xf32>
        %get3A_48 = arith.index_cast %scan3A_44 : i32 to index
        %get3A_49 = arith.constant 0 : index
        %get3A_50 = tpu.vector_load %arg11[%get3A_48, %get3A_49] {strides = array<i32>} : memref<80x128xf32, #tpu.memory_space<vmem>>, vector<1x16xf32>,
        %get3A_51 = vector.shape_cast %get3A_50 : vector<1x16xf32> to vector<16xf32>
        %add3A_52 = arith.addf %get3A_47, %get3A_51 : vector<16xf32>
        %max3A = arith.constant 0.000000e+00 : f32
        %max3A_53 = vector.broadcast %max3A : f32 to vector<16xf32>
        %max3A_54 = arith.maximumf %add3A_52, %max3A_53 : vector<16xf32>
        %swap3A = arith.index_cast %scan3A_44 : i32 to index
        %swap3A_55 = arith.constant 0 : index
        %swap3A_56 = tpu.vector_load %arg10[%swap3A, %swap3A_55] {strides = array<i32>} : memref<80x128xf32, #tpu.memory_space<vmem>>, vector<1x16xf32>,
        %swap3A_57 = vector.shape_cast %swap3A_56 : vector<1x16xf32> to vector<16xf32>
        %swap3A_58 = vector.shape_cast %max3A_54 : vector<16xf32> to vector<1x16xf32>
        tpu.vector_store %arg10[%swap3A, %swap3A_55], %swap3A_58 {strides = array<i32>} : memref<80x128xf32, #tpu.memory_space<vmem>>, vector<1x16xf32>,
        %get3A_59 = arith.index_cast %scan3A_44 : i32 to index
        %get3A_60 = arith.constant 16 : index
        %get3A_61 = tpu.vector_load %arg10[%get3A_59, %get3A_60] {strides = array<i32>} : memref<80x128xf32, #tpu.memory_space<vmem>>, vector<1x16xf32>,
        %get3A_62 = vector.shape_cast %get3A_61 : vector<1x16xf32> to vector<16xf32>
        %get3A_63 = arith.index_cast %scan3A_44 : i32 to index
        %get3A_64 = arith.constant 16 : index
        %get3A_65 = tpu.vector_load %arg11[%get3A_63, %get3A_64] {strides = array<i32>} : memref<80x128xf32, #tpu.memory_space<vmem>>, vector<1x16xf32>,
        %get3A_66 = vector.shape_cast %get3A_65 : vector<1x16xf32> to vector<16xf32>
        %add3A_67 = arith.addf %get3A_62, %get3A_66 : vector<16xf32>
        %max3A_68 = arith.constant 0.000000e+00 : f32
        %max3A_69 = vector.broadcast %max3A_68 : f32 to vector<16xf32>
        %max3A_70 = arith.maximumf %add3A_67, %max3A_69 : vector<16xf32>
        %swap3A_71 = arith.index_cast %scan3A_44 : i32 to index
        %swap3A_72 = arith.constant 16 : index
        %swap3A_73 = tpu.vector_load %arg10[%swap3A_71, %swap3A_72] {strides = array<i32>} : memref<80x128xf32, #tpu.memory_space<vmem>>, vector<1x16xf32>,
        %swap3A_74 = vector.shape_cast %swap3A_73 : vector<1x16xf32> to vector<16xf32>
        %swap3A_75 = vector.shape_cast %max3A_70 : vector<16xf32> to vector<1x16xf32>
        tpu.vector_store %arg10[%swap3A_71, %swap3A_72], %swap3A_75 {strides = array<i32>} : memref<80x128xf32, #tpu.memory_space<vmem>>, vector<1x16xf32>,
        %get3A_76 = arith.index_cast %scan3A_44 : i32 to index
        %get3A_77 = arith.constant 32 : index
        %get3A_78 = tpu.vector_load %arg10[%get3A_76, %get3A_77] {strides = array<i32>} : memref<80x128xf32, #tpu.memory_space<vmem>>, vector<1x16xf32>,
        %get3A_79 = vector.shape_cast %get3A_78 : vector<1x16xf32> to vector<16xf32>
        %get3A_80 = arith.index_cast %scan3A_44 : i32 to index
        %get3A_81 = arith.constant 32 : index
        %get3A_82 = tpu.vector_load %arg11[%get3A_80, %get3A_81] {strides = array<i32>} : memref<80x128xf32, #tpu.memory_space<vmem>>, vector<1x16xf32>,
        %get3A_83 = vector.shape_cast %get3A_82 : vector<1x16xf32> to vector<16xf32>
        %add3A_84 = arith.addf %get3A_79, %get3A_83 : vector<16xf32>
        %max3A_85 = arith.constant 0.000000e+00 : f32
        %max3A_86 = vector.broadcast %max3A_85 : f32 to vector<16xf32>
        %max3A_87 = arith.maximumf %add3A_84, %max3A_86 : vector<16xf32>
        %swap3A_88 = arith.index_cast %scan3A_44 : i32 to index
        %swap3A_89 = arith.constant 32 : index
        %swap3A_90 = tpu.vector_load %arg10[%swap3A_88, %swap3A_89] {strides = array<i32>} : memref<80x128xf32, #tpu.memory_space<vmem>>, vector<1x16xf32>,
        %swap3A_91 = vector.shape_cast %swap3A_90 : vector<1x16xf32> to vector<16xf32>
        %swap3A_92 = vector.shape_cast %max3A_87 : vector<16xf32> to vector<1x16xf32>
        tpu.vector_store %arg10[%swap3A_88, %swap3A_89], %swap3A_92 {strides = array<i32>} : memref<80x128xf32, #tpu.memory_space<vmem>>, vector<1x16xf32>,
        %get3A_93 = arith.index_cast %scan3A_44 : i32 to index
        %get3A_94 = arith.constant 48 : index
        %get3A_95 = tpu.vector_load %arg10[%get3A_93, %get3A_94] {strides = array<i32>} : memref<80x128xf32, #tpu.memory_space<vmem>>, vector<1x16xf32>,
        %get3A_96 = vector.shape_cast %get3A_95 : vector<1x16xf32> to vector<16xf32>
        %get3A_97 = arith.index_cast %scan3A_44 : i32 to index
        %get3A_98 = arith.constant 48 : index
        %get3A_99 = tpu.vector_load %arg11[%get3A_97, %get3A_98] {strides = array<i32>} : memref<80x128xf32, #tpu.memory_space<vmem>>, vector<1x16xf32>,
        %get3A_100 = vector.shape_cast %get3A_99 : vector<1x16xf32> to vector<16xf32>
        %add3A_101 = arith.addf %get3A_96, %get3A_100 : vector<16xf32>
        %max3A_102 = arith.constant 0.000000e+00 : f32
        %max3A_103 = vector.broadcast %max3A_102 : f32 to vector<16xf32>
        %max3A_104 = arith.maximumf %add3A_101, %max3A_103 : vector<16xf32>
        %swap3A_105 = arith.index_cast %scan3A_44 : i32 to index
        %swap3A_106 = arith.constant 48 : index
        %swap3A_107 = tpu.vector_load %arg10[%swap3A_105, %swap3A_106] {strides = array<i32>} : memref<80x128xf32, #tpu.memory_space<vmem>>, vector<1x16xf32>,
        %swap3A_108 = vector.shape_cast %swap3A_107 : vector<1x16xf32> to vector<16xf32>
        %swap3A_109 = vector.shape_cast %max3A_104 : vector<16xf32> to vector<1x16xf32>
        tpu.vector_store %arg10[%swap3A_105, %swap3A_106], %swap3A_109 {strides = array<i32>} : memref<80x128xf32, #tpu.memory_space<vmem>>, vector<1x16xf32>,
        %get3A_110 = arith.index_cast %scan3A_44 : i32 to index
        %get3A_111 = arith.constant 64 : index
        %get3A_112 = tpu.vector_load %arg10[%get3A_110, %get3A_111] {strides = array<i32>} : memref<80x128xf32, #tpu.memory_space<vmem>>, vector<1x16xf32>,
        %get3A_113 = vector.shape_cast %get3A_112 : vector<1x16xf32> to vector<16xf32>
        %get3A_114 = arith.index_cast %scan3A_44 : i32 to index
        %get3A_115 = arith.constant 64 : index
        %get3A_116 = tpu.vector_load %arg11[%get3A_114, %get3A_115] {strides = array<i32>} : memref<80x128xf32, #tpu.memory_space<vmem>>, vector<1x16xf32>,
        %get3A_117 = vector.shape_cast %get3A_116 : vector<1x16xf32> to vector<16xf32>
        %add3A_118 = arith.addf %get3A_113, %get3A_117 : vector<16xf32>
        %max3A_119 = arith.constant 0.000000e+00 : f32
        %max3A_120 = vector.broadcast %max3A_119 : f32 to vector<16xf32>
        %max3A_121 = arith.maximumf %add3A_118, %max3A_120 : vector<16xf32>
        %swap3A_122 = arith.index_cast %scan3A_44 : i32 to index
        %swap3A_123 = arith.constant 64 : index
        %swap3A_124 = tpu.vector_load %arg10[%swap3A_122, %swap3A_123] {strides = array<i32>} : memref<80x128xf32, #tpu.memory_space<vmem>>, vector<1x16xf32>,
        %swap3A_125 = vector.shape_cast %swap3A_124 : vector<1x16xf32> to vector<16xf32>
        %swap3A_126 = vector.shape_cast %max3A_121 : vector<16xf32> to vector<1x16xf32>
        tpu.vector_store %arg10[%swap3A_122, %swap3A_123], %swap3A_126 {strides = array<i32>} : memref<80x128xf32, #tpu.memory_space<vmem>>, vector<1x16xf32>,
        %get3A_127 = arith.index_cast %scan3A_44 : i32 to index
        %get3A_128 = arith.constant 80 : index
        %get3A_129 = tpu.vector_load %arg10[%get3A_127, %get3A_128] {strides = array<i32>} : memref<80x128xf32, #tpu.memory_space<vmem>>, vector<1x16xf32>,
        %get3A_130 = vector.shape_cast %get3A_129 : vector<1x16xf32> to vector<16xf32>
        %get3A_131 = arith.index_cast %scan3A_44 : i32 to index
        %get3A_132 = arith.constant 80 : index
        %get3A_133 = tpu.vector_load %arg11[%get3A_131, %get3A_132] {strides = array<i32>} : memref<80x128xf32, #tpu.memory_space<vmem>>, vector<1x16xf32>,
        %get3A_134 = vector.shape_cast %get3A_133 : vector<1x16xf32> to vector<16xf32>
        %add3A_135 = arith.addf %get3A_130, %get3A_134 : vector<16xf32>
        %max3A_136 = arith.constant 0.000000e+00 : f32
        %max3A_137 = vector.broadcast %max3A_136 : f32 to vector<16xf32>
        %max3A_138 = arith.maximumf %add3A_135, %max3A_137 : vector<16xf32>
        %swap3A_139 = arith.index_cast %scan3A_44 : i32 to index
        %swap3A_140 = arith.constant 80 : index
        %swap3A_141 = tpu.vector_load %arg10[%swap3A_139, %swap3A_140] {strides = array<i32>} : memref<80x128xf32, #tpu.memory_space<vmem>>, vector<1x16xf32>,
        %swap3A_142 = vector.shape_cast %swap3A_141 : vector<1x16xf32> to vector<16xf32>
        %swap3A_143 = vector.shape_cast %max3A_138 : vector<16xf32> to vector<1x16xf32>
        tpu.vector_store %arg10[%swap3A_139, %swap3A_140], %swap3A_143 {strides = array<i32>} : memref<80x128xf32, #tpu.memory_space<vmem>>, vector<1x16xf32>,
        %get3A_144 = arith.index_cast %scan3A_44 : i32 to index
        %get3A_145 = arith.constant 96 : index
        %get3A_146 = tpu.vector_load %arg10[%get3A_144, %get3A_145] {strides = array<i32>} : memref<80x128xf32, #tpu.memory_space<vmem>>, vector<1x16xf32>,
        %get3A_147 = vector.shape_cast %get3A_146 : vector<1x16xf32> to vector<16xf32>
        %get3A_148 = arith.index_cast %scan3A_44 : i32 to index
        %get3A_149 = arith.constant 96 : index
        %get3A_150 = tpu.vector_load %arg11[%get3A_148, %get3A_149] {strides = array<i32>} : memref<80x128xf32, #tpu.memory_space<vmem>>, vector<1x16xf32>,
        %get3A_151 = vector.shape_cast %get3A_150 : vector<1x16xf32> to vector<16xf32>
        %add3A_152 = arith.addf %get3A_147, %get3A_151 : vector<16xf32>
        %max3A_153 = arith.constant 0.000000e+00 : f32
        %max3A_154 = vector.broadcast %max3A_153 : f32 to vector<16xf32>
        %max3A_155 = arith.maximumf %add3A_152, %max3A_154 : vector<16xf32>
        %swap3A_156 = arith.index_cast %scan3A_44 : i32 to index
        %swap3A_157 = arith.constant 96 : index
        %swap3A_158 = tpu.vector_load %arg10[%swap3A_156, %swap3A_157] {strides = array<i32>} : memref<80x128xf32, #tpu.memory_space<vmem>>, vector<1x16xf32>,
        %swap3A_159 = vector.shape_cast %swap3A_158 : vector<1x16xf32> to vector<16xf32>
        %swap3A_160 = vector.shape_cast %max3A_155 : vector<16xf32> to vector<1x16xf32>
        tpu.vector_store %arg10[%swap3A_156, %swap3A_157], %swap3A_160 {strides = array<i32>} : memref<80x128xf32, #tpu.memory_space<vmem>>, vector<1x16xf32>,
        %get3A_161 = arith.index_cast %scan3A_44 : i32 to index
        %get3A_162 = arith.constant 112 : index
        %get3A_163 = tpu.vector_load %arg10[%get3A_161, %get3A_162] {strides = array<i32>} : memref<80x128xf32, #tpu.memory_space<vmem>>, vector<1x16xf32>,
        %get3A_164 = vector.shape_cast %get3A_163 : vector<1x16xf32> to vector<16xf32>
        %get3A_165 = arith.index_cast %scan3A_44 : i32 to index
        %get3A_166 = arith.constant 112 : index
        %get3A_167 = tpu.vector_load %arg11[%get3A_165, %get3A_166] {strides = array<i32>} : memref<80x128xf32, #tpu.memory_space<vmem>>, vector<1x16xf32>,
        %get3A_168 = vector.shape_cast %get3A_167 : vector<1x16xf32> to vector<16xf32>
        %add3A_169 = arith.addf %get3A_164, %get3A_168 : vector<16xf32>
        %max3A_170 = arith.constant 0.000000e+00 : f32
        %max3A_171 = vector.broadcast %max3A_170 : f32 to vector<16xf32>
        %max3A_172 = arith.maximumf %add3A_169, %max3A_171 : vector<16xf32>
        %swap3A_173 = arith.index_cast %scan3A_44 : i32 to index
        %swap3A_174 = arith.constant 112 : index
        %swap3A_175 = tpu.vector_load %arg10[%swap3A_173, %swap3A_174] {strides = array<i32>} : memref<80x128xf32, #tpu.memory_space<vmem>>, vector<1x16xf32>,
        %swap3A_176 = vector.shape_cast %swap3A_175 : vector<1x16xf32> to vector<16xf32>
        %swap3A_177 = vector.shape_cast %max3A_172 : vector<16xf32> to vector<1x16xf32>
        tpu.vector_store %arg10[%swap3A_173, %swap3A_174], %swap3A_177 {strides = array<i32>} : memref<80x128xf32, #tpu.memory_space<vmem>>, vector<1x16xf32>,
      }
      %scan3A_43 = arith.constant 80 : i32
      "tpu.region"() ({
        %run_scoped3A = tpu.sem_alloc : memref<!tpu.dma_semaphore, #tpu.memory_space<semaphore_mem>>
        %dma_start3A_44 = arith.constant 0 : i32
        %dma_start3A_45 = arith.constant 0 : i32
        %dma_start3A_46 = tpu.memref_slice %arg12[%dma_start3A_44, %dma_start3A_45] : memref<10000x128xf32, #tpu.memory_space<vmem_shared>> -> memref<10000x128xf32, #tpu.memory_space<vmem_shared>>
        tpu.enqueue_indirect_dma source(%arg10 : memref<80x128xf32, #tpu.memory_space<vmem>>) target(%dma_start3A_46 : memref<10000x128xf32, #tpu.memory_space<vmem_shared>>) offsets(%arg8 : memref<80xi32, #tpu.memory_space<vmem>>) semaphore(%run_scoped3A : memref<!tpu.dma_semaphore, #tpu.memory_space<semaphore_mem>>) {add = true}
        %dma_wait3A_47 = arith.constant 0 : i32
        %dma_wait3A_48 = arith.constant 0 : i32
        %dma_wait3A_49 = tpu.memref_slice %arg12[%dma_wait3A_47, %dma_wait3A_48] : memref<10000x128xf32, #tpu.memory_space<vmem_shared>> -> memref<10000x128xf32, #tpu.memory_space<vmem_shared>>
        tpu.wait_indirect_dma semaphore(%run_scoped3A : memref<!tpu.dma_semaphore, #tpu.memory_space<semaphore_mem>>) src(%arg10 : memref<80x128xf32, #tpu.memory_space<vmem>>) dst(%dma_wait3A_49 : memref<10000x128xf32, #tpu.memory_space<vmem_shared>>)
        tpu.yield
      }) : () -> ()
    }
    %scan3A_13 = arith.constant 125 : i32
    %barrier3A_14 = arith.constant 0 : index
    tpu.barrier barrier_id(%barrier3A_14)
    %mul3A_15 = arith.constant 624 : i32
    %mul3A_16 = arith.muli %arg1, %mul3A_15 : i32
    %mul3A_17 = arith.constant 624 : i32
    %mul3A_18 = arith.muli %arg1, %mul3A_17 : i32
    "tpu.region"() ({
      %run_scoped3A = tpu.sem_alloc : memref<!tpu.dma_semaphore, #tpu.memory_space<semaphore_mem>>
      %dma_start3A = arith.constant 0 : i32
      %dma_start3A_24 = tpu.memref_slice %arg7[%arg0, %mul3A_18, %dma_start3A] : memref<2x10000x128xf32, #tpu.memory_space<hbm>> -> memref<1x624x128xf32, #tpu.memory_space<hbm>>
      %dma_start3A_25 = tpu.memref_squeeze %dma_start3A_24 : memref<1x624x128xf32, #tpu.memory_space<hbm>> -> memref<624x128xf32, #tpu.memory_space<hbm>>
      %dma_start3A_26 = arith.constant 0 : i32
      %dma_start3A_27 = tpu.memref_slice %arg12[%mul3A_16, %dma_start3A_26] : memref<10000x128xf32, #tpu.memory_space<vmem_shared>> -> memref<624x128xf32, #tpu.memory_space<vmem_shared>>
      tpu.enqueue_dma source(%dma_start3A_27 : memref<624x128xf32, #tpu.memory_space<vmem_shared>>) target(%dma_start3A_25 : memref<624x128xf32, #tpu.memory_space<hbm>>) target_semaphore(%run_scoped3A : memref<!tpu.dma_semaphore, #tpu.memory_space<semaphore_mem>>)
      %dma_wait3A = arith.constant 0 : i32
      %dma_wait3A_28 = tpu.memref_slice %arg7[%arg0, %mul3A_18, %dma_wait3A] : memref<2x10000x128xf32, #tpu.memory_space<hbm>> -> memref<1x624x128xf32, #tpu.memory_space<hbm>>
      %dma_wait3A_29 = tpu.memref_squeeze %dma_wait3A_28 : memref<1x624x128xf32, #tpu.memory_space<hbm>> -> memref<624x128xf32, #tpu.memory_space<hbm>>
      %dma_wait3A_30 = arith.constant 0 : i32
      %dma_wait3A_31 = tpu.memref_slice %arg12[%mul3A_16, %dma_wait3A_30] : memref<10000x128xf32, #tpu.memory_space<vmem_shared>> -> memref<624x128xf32, #tpu.memory_space<vmem_shared>>
      tpu.wait_dma2 semaphore(%run_scoped3A : memref<!tpu.dma_semaphore, #tpu.memory_space<semaphore_mem>>) src(%dma_wait3A_31 : memref<624x128xf32, #tpu.memory_space<vmem_shared>>) dst(%dma_wait3A_29 : memref<624x128xf32, #tpu.memory_space<hbm>>)
      tpu.yield
    }) : () -> ()
    %eq3A_19 = arith.constant 0 : i32
    %eq3A_20 = arith.cmpi eq, %arg1, %eq3A_19 : i32
    %convert_element_type3A_21 = arith.extui %eq3A_20 : i1 to i32
    %cond3A_22 = arith.constant 0 : i32
    %cond3A_23 = arith.cmpi ne, %convert_element_type3A_21, %cond3A_22 : i32
    scf.if %cond3A_23 {
      "tpu.region"() ({
        %run_scoped3A = tpu.sem_alloc : memref<!tpu.dma_semaphore, #tpu.memory_space<semaphore_mem>>
        %dma_start3A = arith.constant 9984 : i32
        %dma_start3A_24 = arith.constant 0 : i32
        %dma_start3A_25 = tpu.memref_slice %arg7[%arg0, %dma_start3A, %dma_start3A_24] : memref<2x10000x128xf32, #tpu.memory_space<hbm>> -> memref<1x16x128xf32, #tpu.memory_space<hbm>>
        %dma_start3A_26 = tpu.memref_squeeze %dma_start3A_25 : memref<1x16x128xf32, #tpu.memory_space<hbm>> -> memref<16x128xf32, #tpu.memory_space<hbm>>
        %dma_start3A_27 = arith.constant 9984 : i32
        %dma_start3A_28 = arith.constant 0 : i32
        %dma_start3A_29 = tpu.memref_slice %arg12[%dma_start3A_27, %dma_start3A_28] : memref<10000x128xf32, #tpu.memory_space<vmem_shared>> -> memref<16x128xf32, #tpu.memory_space<vmem_shared>>
        tpu.enqueue_dma source(%dma_start3A_29 : memref<16x128xf32, #tpu.memory_space<vmem_shared>>) target(%dma_start3A_26 : memref<16x128xf32, #tpu.memory_space<hbm>>) target_semaphore(%run_scoped3A : memref<!tpu.dma_semaphore, #tpu.memory_space<semaphore_mem>>)
        %dma_wait3A = arith.constant 9984 : i32
        %dma_wait3A_30 = arith.constant 0 : i32
        %dma_wait3A_31 = tpu.memref_slice %arg7[%arg0, %dma_wait3A, %dma_wait3A_30] : memref<2x10000x128xf32, #tpu.memory_space<hbm>> -> memref<1x16x128xf32, #tpu.memory_space<hbm>>
        %dma_wait3A_32 = tpu.memref_squeeze %dma_wait3A_31 : memref<1x16x128xf32, #tpu.memory_space<hbm>> -> memref<16x128xf32, #tpu.memory_space<hbm>>
        %dma_wait3A_33 = arith.constant 9984 : i32
        %dma_wait3A_34 = arith.constant 0 : i32
        %dma_wait3A_35 = tpu.memref_slice %arg12[%dma_wait3A_33, %dma_wait3A_34] : memref<10000x128xf32, #tpu.memory_space<vmem_shared>> -> memref<16x128xf32, #tpu.memory_space<vmem_shared>>
        tpu.wait_dma2 semaphore(%run_scoped3A : memref<!tpu.dma_semaphore, #tpu.memory_space<semaphore_mem>>) src(%dma_wait3A_35 : memref<16x128xf32, #tpu.memory_space<vmem_shared>>) dst(%dma_wait3A_32 : memref<16x128xf32, #tpu.memory_space<hbm>>)
        tpu.yield
      }) : () -> ()
    } else {
    }
    return
  }
}

#map = affine_map<(d0, d1) -> (0, 0)>
#map1 = affine_map<(d0, d1) -> (0)>
#map2 = affine_map<(d0, d1) -> (0, 0, 0)>
module attributes {stable_mosaic.version = 14 : i64} {
  func.func @edge_kernel(%arg0: i32, %arg1: i32, %arg2: memref<10000x128xf32, #tpu.memory_space<hbm>>, %arg3: memref<10000x128xf32, #tpu.memory_space<hbm>>, %arg4: memref<320000xi32, #tpu.memory_space<hbm>>, %arg5: memref<320000xi32, #tpu.memory_space<hbm>>, %arg6: memref<10000x128xf32, #tpu.memory_space<hbm>>, %arg7: memref<2x10000x128xf32, #tpu.memory_space<hbm>>, %arg8: memref<80xi32, #tpu.memory_space<vmem>>, %arg9: memref<80xi32, #tpu.memory_space<vmem>>, %arg10: memref<80x128xf32, #tpu.memory_space<vmem>>, %arg11: memref<80x128xf32, #tpu.memory_space<vmem>>, %arg12: memref<10000x128xf32, #tpu.memory_space<vmem_shared>>, %arg13: memref<!tpu.dma_semaphore, #tpu.memory_space<semaphore_mem>>, %arg14: memref<!tpu.dma_semaphore, #tpu.memory_space<semaphore_mem>>) attributes {dimension_semantics = [#tpu.dimension_semantics<core_parallel>, #tpu.dimension_semantics<subcore_parallel>], iteration_bounds = array<i64: 2, 16>, scalar_prefetch = 0 : i64, scratch_operands = 7 : i64, tpu.core_type = #tpu.core_type<sc_vector_subcore>, window_params = [{transform_indices = #map}, {transform_indices = #map}, {transform_indices = #map1}, {transform_indices = #map1}, {transform_indices = #map}, {transform_indices = #map2}]} {
    %mul3A = arith.constant 624 : i32
    %mul3A_0 = arith.muli %arg1, %mul3A : i32
    %mul3A_1 = arith.constant 624 : i32
    %mul3A_2 = arith.muli %arg1, %mul3A_1 : i32
    "tpu.region"() ({
      %run_scoped3A = tpu.sem_alloc : memref<!tpu.dma_semaphore, #tpu.memory_space<semaphore_mem>>
      %dma_start3A = arith.constant 0 : i32
      %dma_start3A_24 = tpu.memref_slice %arg12[%mul3A_2, %dma_start3A] : memref<10000x128xf32, #tpu.memory_space<vmem_shared>> -> memref<624x128xf32, #tpu.memory_space<vmem_shared>>
      %dma_start3A_25 = arith.constant 0 : i32
      %dma_start3A_26 = tpu.memref_slice %arg6[%mul3A_0, %dma_start3A_25] : memref<10000x128xf32, #tpu.memory_space<hbm>> -> memref<624x128xf32, #tpu.memory_space<hbm>>
      tpu.enqueue_dma source(%dma_start3A_26 : memref<624x128xf32, #tpu.memory_space<hbm>>) target(%dma_start3A_24 : memref<624x128xf32, #tpu.memory_space<vmem_shared>>) target_semaphore(%run_scoped3A : memref<!tpu.dma_semaphore, #tpu.memory_space<semaphore_mem>>)
      %dma_wait3A = arith.constant 0 : i32
      %dma_wait3A_27 = tpu.memref_slice %arg12[%mul3A_2, %dma_wait3A] : memref<10000x128xf32, #tpu.memory_space<vmem_shared>> -> memref<624x128xf32, #tpu.memory_space<vmem_shared>>
      %dma_wait3A_28 = arith.constant 0 : i32
      %dma_wait3A_29 = tpu.memref_slice %arg6[%mul3A_0, %dma_wait3A_28] : memref<10000x128xf32, #tpu.memory_space<hbm>> -> memref<624x128xf32, #tpu.memory_space<hbm>>
      tpu.wait_dma2 semaphore(%run_scoped3A : memref<!tpu.dma_semaphore, #tpu.memory_space<semaphore_mem>>) src(%dma_wait3A_29 : memref<624x128xf32, #tpu.memory_space<hbm>>) dst(%dma_wait3A_27 : memref<624x128xf32, #tpu.memory_space<vmem_shared>>)
      tpu.yield
    }) : () -> ()
    %eq3A = arith.constant 0 : i32
    %eq3A_3 = arith.cmpi eq, %arg1, %eq3A : i32
    %convert_element_type3A = arith.extui %eq3A_3 : i1 to i32
    %cond3A = arith.constant 0 : i32
    %cond3A_4 = arith.cmpi ne, %convert_element_type3A, %cond3A : i32
    scf.if %cond3A_4 {
      "tpu.region"() ({
        %run_scoped3A = tpu.sem_alloc : memref<!tpu.dma_semaphore, #tpu.memory_space<semaphore_mem>>
        %dma_start3A = arith.constant 9984 : i32
        %dma_start3A_24 = arith.constant 0 : i32
        %dma_start3A_25 = tpu.memref_slice %arg12[%dma_start3A, %dma_start3A_24] : memref<10000x128xf32, #tpu.memory_space<vmem_shared>> -> memref<16x128xf32, #tpu.memory_space<vmem_shared>>
        %dma_start3A_26 = arith.constant 9984 : i32
        %dma_start3A_27 = arith.constant 0 : i32
        %dma_start3A_28 = tpu.memref_slice %arg6[%dma_start3A_26, %dma_start3A_27] : memref<10000x128xf32, #tpu.memory_space<hbm>> -> memref<16x128xf32, #tpu.memory_space<hbm>>
        tpu.enqueue_dma source(%dma_start3A_28 : memref<16x128xf32, #tpu.memory_space<hbm>>) target(%dma_start3A_25 : memref<16x128xf32, #tpu.memory_space<vmem_shared>>) target_semaphore(%run_scoped3A : memref<!tpu.dma_semaphore, #tpu.memory_space<semaphore_mem>>)
        %dma_wait3A = arith.constant 9984 : i32
        %dma_wait3A_29 = arith.constant 0 : i32
        %dma_wait3A_30 = tpu.memref_slice %arg12[%dma_wait3A, %dma_wait3A_29] : memref<10000x128xf32, #tpu.memory_space<vmem_shared>> -> memref<16x128xf32, #tpu.memory_space<vmem_shared>>
        %dma_wait3A_31 = arith.constant 9984 : i32
        %dma_wait3A_32 = arith.constant 0 : i32
        %dma_wait3A_33 = tpu.memref_slice %arg6[%dma_wait3A_31, %dma_wait3A_32] : memref<10000x128xf32, #tpu.memory_space<hbm>> -> memref<16x128xf32, #tpu.memory_space<hbm>>
        tpu.wait_dma2 semaphore(%run_scoped3A : memref<!tpu.dma_semaphore, #tpu.memory_space<semaphore_mem>>) src(%dma_wait3A_33 : memref<16x128xf32, #tpu.memory_space<hbm>>) dst(%dma_wait3A_30 : memref<16x128xf32, #tpu.memory_space<vmem_shared>>)
        tpu.yield
      }) : () -> ()
    } else {
    }
    %barrier3A = arith.constant 0 : index
    tpu.barrier barrier_id(%barrier3A)
    %mul3A_5 = arith.constant 2 : i32
    %mul3A_6 = arith.muli %arg1, %mul3A_5 : i32
    %add3A = arith.addi %mul3A_6, %arg0 : i32
    %mul3A_7 = arith.constant 10000 : i32
    %mul3A_8 = arith.muli %add3A, %mul3A_7 : i32
    %scan3A = arith.constant 0 : i32
    %scan3A_9 = arith.constant 0 : i32
    %scan3A_10 = arith.constant 125 : i32
    %scan3A_11 = arith.addi %scan3A_9, %scan3A_10 : i32
    %scan3A_12 = arith.constant 1 : i32
    scf.for %scan3A_24 = %scan3A_9 to %scan3A_11 step %scan3A_12  : i32 {
      %mul3A_25 = arith.constant 80 : i32
      %mul3A_26 = arith.muli %scan3A_24, %mul3A_25 : i32
      %add3A_27 = arith.addi %mul3A_8, %mul3A_26 : i32
      "tpu.region"() ({
        %run_scoped3A = tpu.sem_alloc : memref<!tpu.dma_semaphore, #tpu.memory_space<semaphore_mem>>
        %dma_start3A_44 = tpu.memref_slice %arg4[%add3A_27] : memref<320000xi32, #tpu.memory_space<hbm>> -> memref<80xi32, #tpu.memory_space<hbm>>
        %dma_start3A_45 = tpu.memref_slice %arg4[%add3A_27] : memref<320000xi32, #tpu.memory_space<hbm>> -> memref<80xi32, #tpu.memory_space<hbm>>
        tpu.enqueue_dma source(%dma_start3A_45 : memref<80xi32, #tpu.memory_space<hbm>>) target(%arg8 : memref<80xi32, #tpu.memory_space<vmem>>) target_semaphore(%run_scoped3A : memref<!tpu.dma_semaphore, #tpu.memory_space<semaphore_mem>>)
        %dma_wait3A_46 = tpu.memref_slice %arg4[%add3A_27] : memref<320000xi32, #tpu.memory_space<hbm>> -> memref<80xi32, #tpu.memory_space<hbm>>
        %dma_wait3A_47 = tpu.memref_slice %arg4[%add3A_27] : memref<320000xi32, #tpu.memory_space<hbm>> -> memref<80xi32, #tpu.memory_space<hbm>>
        tpu.wait_dma2 semaphore(%run_scoped3A : memref<!tpu.dma_semaphore, #tpu.memory_space<semaphore_mem>>) src(%dma_wait3A_47 : memref<80xi32, #tpu.memory_space<hbm>>) dst(%arg8 : memref<80xi32, #tpu.memory_space<vmem>>)
        tpu.yield
      }) : () -> ()
      "tpu.region"() ({
        %run_scoped3A = tpu.sem_alloc : memref<!tpu.dma_semaphore, #tpu.memory_space<semaphore_mem>>
        %dma_start3A_44 = tpu.memref_slice %arg5[%add3A_27] : memref<320000xi32, #tpu.memory_space<hbm>> -> memref<80xi32, #tpu.memory_space<hbm>>
        %dma_start3A_45 = tpu.memref_slice %arg5[%add3A_27] : memref<320000xi32, #tpu.memory_space<hbm>> -> memref<80xi32, #tpu.memory_space<hbm>>
        tpu.enqueue_dma source(%dma_start3A_45 : memref<80xi32, #tpu.memory_space<hbm>>) target(%arg9 : memref<80xi32, #tpu.memory_space<vmem>>) target_semaphore(%run_scoped3A : memref<!tpu.dma_semaphore, #tpu.memory_space<semaphore_mem>>)
        %dma_wait3A_46 = tpu.memref_slice %arg5[%add3A_27] : memref<320000xi32, #tpu.memory_space<hbm>> -> memref<80xi32, #tpu.memory_space<hbm>>
        %dma_wait3A_47 = tpu.memref_slice %arg5[%add3A_27] : memref<320000xi32, #tpu.memory_space<hbm>> -> memref<80xi32, #tpu.memory_space<hbm>>
        tpu.wait_dma2 semaphore(%run_scoped3A : memref<!tpu.dma_semaphore, #tpu.memory_space<semaphore_mem>>) src(%dma_wait3A_47 : memref<80xi32, #tpu.memory_space<hbm>>) dst(%arg9 : memref<80xi32, #tpu.memory_space<vmem>>)
        tpu.yield
      }) : () -> ()
      %dma_start3A = arith.constant 0 : i32
      %dma_start3A_28 = arith.constant 0 : i32
      %dma_start3A_29 = tpu.memref_slice %arg2[%dma_start3A, %dma_start3A_28] : memref<10000x128xf32, #tpu.memory_space<hbm>> -> memref<10000x128xf32, #tpu.memory_space<hbm>>
      tpu.enqueue_indirect_dma source(%dma_start3A_29 : memref<10000x128xf32, #tpu.memory_space<hbm>>) target(%arg10 : memref<80x128xf32, #tpu.memory_space<vmem>>) offsets(%arg8 : memref<80xi32, #tpu.memory_space<vmem>>) semaphore(%arg13 : memref<!tpu.dma_semaphore, #tpu.memory_space<semaphore_mem>>)
      %dma_start3A_30 = arith.constant 0 : i32
      %dma_start3A_31 = arith.constant 0 : i32
      %dma_start3A_32 = tpu.memref_slice %arg3[%dma_start3A_30, %dma_start3A_31] : memref<10000x128xf32, #tpu.memory_space<hbm>> -> memref<10000x128xf32, #tpu.memory_space<hbm>>
      tpu.enqueue_indirect_dma source(%dma_start3A_32 : memref<10000x128xf32, #tpu.memory_space<hbm>>) target(%arg11 : memref<80x128xf32, #tpu.memory_space<vmem>>) offsets(%arg9 : memref<80xi32, #tpu.memory_space<vmem>>) semaphore(%arg14 : memref<!tpu.dma_semaphore, #tpu.memory_space<semaphore_mem>>)
      %dma_wait3A = arith.constant 0 : i32
      %dma_wait3A_33 = arith.constant 0 : i32
      %dma_wait3A_34 = tpu.memref_slice %arg2[%dma_wait3A, %dma_wait3A_33] : memref<10000x128xf32, #tpu.memory_space<hbm>> -> memref<10000x128xf32, #tpu.memory_space<hbm>>
      tpu.wait_indirect_dma semaphore(%arg13 : memref<!tpu.dma_semaphore, #tpu.memory_space<semaphore_mem>>) src(%dma_wait3A_34 : memref<10000x128xf32, #tpu.memory_space<hbm>>) dst(%arg10 : memref<80x128xf32, #tpu.memory_space<vmem>>)
      %dma_wait3A_35 = arith.constant 0 : i32
      %dma_wait3A_36 = arith.constant 0 : i32
      %dma_wait3A_37 = tpu.memref_slice %arg3[%dma_wait3A_35, %dma_wait3A_36] : memref<10000x128xf32, #tpu.memory_space<hbm>> -> memref<10000x128xf32, #tpu.memory_space<hbm>>
      tpu.wait_indirect_dma semaphore(%arg14 : memref<!tpu.dma_semaphore, #tpu.memory_space<semaphore_mem>>) src(%dma_wait3A_37 : memref<10000x128xf32, #tpu.memory_space<hbm>>) dst(%arg11 : memref<80x128xf32, #tpu.memory_space<vmem>>)
      %scan3A_38 = arith.constant 0 : i32
      %scan3A_39 = arith.constant 0 : i32
      %scan3A_40 = arith.constant 80 : i32
      %scan3A_41 = arith.addi %scan3A_39, %scan3A_40 : i32
      %scan3A_42 = arith.constant 1 : i32
      scf.for %scan3A_44 = %scan3A_39 to %scan3A_41 step %scan3A_42  : i32 {
        %get3A = arith.index_cast %scan3A_44 : i32 to index
        %get3A_45 = arith.constant 0 : index
        %get3A_46 = tpu.vector_load %arg10[%get3A, %get3A_45] {strides = array<i32>} : memref<80x128xf32, #tpu.memory_space<vmem>>, vector<1x16xf32>,
        %get3A_47 = vector.shape_cast %get3A_46 : vector<1x16xf32> to vector<16xf32>
        %get3A_48 = arith.index_cast %scan3A_44 : i32 to index
        %get3A_49 = arith.constant 0 : index
        %get3A_50 = tpu.vector_load %arg11[%get3A_48, %get3A_49] {strides = array<i32>} : memref<80x128xf32, #tpu.memory_space<vmem>>, vector<1x16xf32>,
        %get3A_51 = vector.shape_cast %get3A_50 : vector<1x16xf32> to vector<16xf32>
        %add3A_52 = arith.addf %get3A_47, %get3A_51 : vector<16xf32>
        %max3A = arith.constant 0.000000e+00 : f32
        %max3A_53 = vector.broadcast %max3A : f32 to vector<16xf32>
        %max3A_54 = arith.maximumf %add3A_52, %max3A_53 : vector<16xf32>
        %swap3A = arith.index_cast %scan3A_44 : i32 to index
        %swap3A_55 = arith.constant 0 : index
        %swap3A_56 = tpu.vector_load %arg10[%swap3A, %swap3A_55] {strides = array<i32>} : memref<80x128xf32, #tpu.memory_space<vmem>>, vector<1x16xf32>,
        %swap3A_57 = vector.shape_cast %swap3A_56 : vector<1x16xf32> to vector<16xf32>
        %swap3A_58 = vector.shape_cast %max3A_54 : vector<16xf32> to vector<1x16xf32>
        tpu.vector_store %arg10[%swap3A, %swap3A_55], %swap3A_58 {strides = array<i32>} : memref<80x128xf32, #tpu.memory_space<vmem>>, vector<1x16xf32>,
        %get3A_59 = arith.index_cast %scan3A_44 : i32 to index
        %get3A_60 = arith.constant 16 : index
        %get3A_61 = tpu.vector_load %arg10[%get3A_59, %get3A_60] {strides = array<i32>} : memref<80x128xf32, #tpu.memory_space<vmem>>, vector<1x16xf32>,
        %get3A_62 = vector.shape_cast %get3A_61 : vector<1x16xf32> to vector<16xf32>
        %get3A_63 = arith.index_cast %scan3A_44 : i32 to index
        %get3A_64 = arith.constant 16 : index
        %get3A_65 = tpu.vector_load %arg11[%get3A_63, %get3A_64] {strides = array<i32>} : memref<80x128xf32, #tpu.memory_space<vmem>>, vector<1x16xf32>,
        %get3A_66 = vector.shape_cast %get3A_65 : vector<1x16xf32> to vector<16xf32>
        %add3A_67 = arith.addf %get3A_62, %get3A_66 : vector<16xf32>
        %max3A_68 = arith.constant 0.000000e+00 : f32
        %max3A_69 = vector.broadcast %max3A_68 : f32 to vector<16xf32>
        %max3A_70 = arith.maximumf %add3A_67, %max3A_69 : vector<16xf32>
        %swap3A_71 = arith.index_cast %scan3A_44 : i32 to index
        %swap3A_72 = arith.constant 16 : index
        %swap3A_73 = tpu.vector_load %arg10[%swap3A_71, %swap3A_72] {strides = array<i32>} : memref<80x128xf32, #tpu.memory_space<vmem>>, vector<1x16xf32>,
        %swap3A_74 = vector.shape_cast %swap3A_73 : vector<1x16xf32> to vector<16xf32>
        %swap3A_75 = vector.shape_cast %max3A_70 : vector<16xf32> to vector<1x16xf32>
        tpu.vector_store %arg10[%swap3A_71, %swap3A_72], %swap3A_75 {strides = array<i32>} : memref<80x128xf32, #tpu.memory_space<vmem>>, vector<1x16xf32>,
        %get3A_76 = arith.index_cast %scan3A_44 : i32 to index
        %get3A_77 = arith.constant 32 : index
        %get3A_78 = tpu.vector_load %arg10[%get3A_76, %get3A_77] {strides = array<i32>} : memref<80x128xf32, #tpu.memory_space<vmem>>, vector<1x16xf32>,
        %get3A_79 = vector.shape_cast %get3A_78 : vector<1x16xf32> to vector<16xf32>
        %get3A_80 = arith.index_cast %scan3A_44 : i32 to index
        %get3A_81 = arith.constant 32 : index
        %get3A_82 = tpu.vector_load %arg11[%get3A_80, %get3A_81] {strides = array<i32>} : memref<80x128xf32, #tpu.memory_space<vmem>>, vector<1x16xf32>,
        %get3A_83 = vector.shape_cast %get3A_82 : vector<1x16xf32> to vector<16xf32>
        %add3A_84 = arith.addf %get3A_79, %get3A_83 : vector<16xf32>
        %max3A_85 = arith.constant 0.000000e+00 : f32
        %max3A_86 = vector.broadcast %max3A_85 : f32 to vector<16xf32>
        %max3A_87 = arith.maximumf %add3A_84, %max3A_86 : vector<16xf32>
        %swap3A_88 = arith.index_cast %scan3A_44 : i32 to index
        %swap3A_89 = arith.constant 32 : index
        %swap3A_90 = tpu.vector_load %arg10[%swap3A_88, %swap3A_89] {strides = array<i32>} : memref<80x128xf32, #tpu.memory_space<vmem>>, vector<1x16xf32>,
        %swap3A_91 = vector.shape_cast %swap3A_90 : vector<1x16xf32> to vector<16xf32>
        %swap3A_92 = vector.shape_cast %max3A_87 : vector<16xf32> to vector<1x16xf32>
        tpu.vector_store %arg10[%swap3A_88, %swap3A_89], %swap3A_92 {strides = array<i32>} : memref<80x128xf32, #tpu.memory_space<vmem>>, vector<1x16xf32>,
        %get3A_93 = arith.index_cast %scan3A_44 : i32 to index
        %get3A_94 = arith.constant 48 : index
        %get3A_95 = tpu.vector_load %arg10[%get3A_93, %get3A_94] {strides = array<i32>} : memref<80x128xf32, #tpu.memory_space<vmem>>, vector<1x16xf32>,
        %get3A_96 = vector.shape_cast %get3A_95 : vector<1x16xf32> to vector<16xf32>
        %get3A_97 = arith.index_cast %scan3A_44 : i32 to index
        %get3A_98 = arith.constant 48 : index
        %get3A_99 = tpu.vector_load %arg11[%get3A_97, %get3A_98] {strides = array<i32>} : memref<80x128xf32, #tpu.memory_space<vmem>>, vector<1x16xf32>,
        %get3A_100 = vector.shape_cast %get3A_99 : vector<1x16xf32> to vector<16xf32>
        %add3A_101 = arith.addf %get3A_96, %get3A_100 : vector<16xf32>
        %max3A_102 = arith.constant 0.000000e+00 : f32
        %max3A_103 = vector.broadcast %max3A_102 : f32 to vector<16xf32>
        %max3A_104 = arith.maximumf %add3A_101, %max3A_103 : vector<16xf32>
        %swap3A_105 = arith.index_cast %scan3A_44 : i32 to index
        %swap3A_106 = arith.constant 48 : index
        %swap3A_107 = tpu.vector_load %arg10[%swap3A_105, %swap3A_106] {strides = array<i32>} : memref<80x128xf32, #tpu.memory_space<vmem>>, vector<1x16xf32>,
        %swap3A_108 = vector.shape_cast %swap3A_107 : vector<1x16xf32> to vector<16xf32>
        %swap3A_109 = vector.shape_cast %max3A_104 : vector<16xf32> to vector<1x16xf32>
        tpu.vector_store %arg10[%swap3A_105, %swap3A_106], %swap3A_109 {strides = array<i32>} : memref<80x128xf32, #tpu.memory_space<vmem>>, vector<1x16xf32>,
        %get3A_110 = arith.index_cast %scan3A_44 : i32 to index
        %get3A_111 = arith.constant 64 : index
        %get3A_112 = tpu.vector_load %arg10[%get3A_110, %get3A_111] {strides = array<i32>} : memref<80x128xf32, #tpu.memory_space<vmem>>, vector<1x16xf32>,
        %get3A_113 = vector.shape_cast %get3A_112 : vector<1x16xf32> to vector<16xf32>
        %get3A_114 = arith.index_cast %scan3A_44 : i32 to index
        %get3A_115 = arith.constant 64 : index
        %get3A_116 = tpu.vector_load %arg11[%get3A_114, %get3A_115] {strides = array<i32>} : memref<80x128xf32, #tpu.memory_space<vmem>>, vector<1x16xf32>,
        %get3A_117 = vector.shape_cast %get3A_116 : vector<1x16xf32> to vector<16xf32>
        %add3A_118 = arith.addf %get3A_113, %get3A_117 : vector<16xf32>
        %max3A_119 = arith.constant 0.000000e+00 : f32
        %max3A_120 = vector.broadcast %max3A_119 : f32 to vector<16xf32>
        %max3A_121 = arith.maximumf %add3A_118, %max3A_120 : vector<16xf32>
        %swap3A_122 = arith.index_cast %scan3A_44 : i32 to index
        %swap3A_123 = arith.constant 64 : index
        %swap3A_124 = tpu.vector_load %arg10[%swap3A_122, %swap3A_123] {strides = array<i32>} : memref<80x128xf32, #tpu.memory_space<vmem>>, vector<1x16xf32>,
        %swap3A_125 = vector.shape_cast %swap3A_124 : vector<1x16xf32> to vector<16xf32>
        %swap3A_126 = vector.shape_cast %max3A_121 : vector<16xf32> to vector<1x16xf32>
        tpu.vector_store %arg10[%swap3A_122, %swap3A_123], %swap3A_126 {strides = array<i32>} : memref<80x128xf32, #tpu.memory_space<vmem>>, vector<1x16xf32>,
        %get3A_127 = arith.index_cast %scan3A_44 : i32 to index
        %get3A_128 = arith.constant 80 : index
        %get3A_129 = tpu.vector_load %arg10[%get3A_127, %get3A_128] {strides = array<i32>} : memref<80x128xf32, #tpu.memory_space<vmem>>, vector<1x16xf32>,
        %get3A_130 = vector.shape_cast %get3A_129 : vector<1x16xf32> to vector<16xf32>
        %get3A_131 = arith.index_cast %scan3A_44 : i32 to index
        %get3A_132 = arith.constant 80 : index
        %get3A_133 = tpu.vector_load %arg11[%get3A_131, %get3A_132] {strides = array<i32>} : memref<80x128xf32, #tpu.memory_space<vmem>>, vector<1x16xf32>,
        %get3A_134 = vector.shape_cast %get3A_133 : vector<1x16xf32> to vector<16xf32>
        %add3A_135 = arith.addf %get3A_130, %get3A_134 : vector<16xf32>
        %max3A_136 = arith.constant 0.000000e+00 : f32
        %max3A_137 = vector.broadcast %max3A_136 : f32 to vector<16xf32>
        %max3A_138 = arith.maximumf %add3A_135, %max3A_137 : vector<16xf32>
        %swap3A_139 = arith.index_cast %scan3A_44 : i32 to index
        %swap3A_140 = arith.constant 80 : index
        %swap3A_141 = tpu.vector_load %arg10[%swap3A_139, %swap3A_140] {strides = array<i32>} : memref<80x128xf32, #tpu.memory_space<vmem>>, vector<1x16xf32>,
        %swap3A_142 = vector.shape_cast %swap3A_141 : vector<1x16xf32> to vector<16xf32>
        %swap3A_143 = vector.shape_cast %max3A_138 : vector<16xf32> to vector<1x16xf32>
        tpu.vector_store %arg10[%swap3A_139, %swap3A_140], %swap3A_143 {strides = array<i32>} : memref<80x128xf32, #tpu.memory_space<vmem>>, vector<1x16xf32>,
        %get3A_144 = arith.index_cast %scan3A_44 : i32 to index
        %get3A_145 = arith.constant 96 : index
        %get3A_146 = tpu.vector_load %arg10[%get3A_144, %get3A_145] {strides = array<i32>} : memref<80x128xf32, #tpu.memory_space<vmem>>, vector<1x16xf32>,
        %get3A_147 = vector.shape_cast %get3A_146 : vector<1x16xf32> to vector<16xf32>
        %get3A_148 = arith.index_cast %scan3A_44 : i32 to index
        %get3A_149 = arith.constant 96 : index
        %get3A_150 = tpu.vector_load %arg11[%get3A_148, %get3A_149] {strides = array<i32>} : memref<80x128xf32, #tpu.memory_space<vmem>>, vector<1x16xf32>,
        %get3A_151 = vector.shape_cast %get3A_150 : vector<1x16xf32> to vector<16xf32>
        %add3A_152 = arith.addf %get3A_147, %get3A_151 : vector<16xf32>
        %max3A_153 = arith.constant 0.000000e+00 : f32
        %max3A_154 = vector.broadcast %max3A_153 : f32 to vector<16xf32>
        %max3A_155 = arith.maximumf %add3A_152, %max3A_154 : vector<16xf32>
        %swap3A_156 = arith.index_cast %scan3A_44 : i32 to index
        %swap3A_157 = arith.constant 96 : index
        %swap3A_158 = tpu.vector_load %arg10[%swap3A_156, %swap3A_157] {strides = array<i32>} : memref<80x128xf32, #tpu.memory_space<vmem>>, vector<1x16xf32>,
        %swap3A_159 = vector.shape_cast %swap3A_158 : vector<1x16xf32> to vector<16xf32>
        %swap3A_160 = vector.shape_cast %max3A_155 : vector<16xf32> to vector<1x16xf32>
        tpu.vector_store %arg10[%swap3A_156, %swap3A_157], %swap3A_160 {strides = array<i32>} : memref<80x128xf32, #tpu.memory_space<vmem>>, vector<1x16xf32>,
        %get3A_161 = arith.index_cast %scan3A_44 : i32 to index
        %get3A_162 = arith.constant 112 : index
        %get3A_163 = tpu.vector_load %arg10[%get3A_161, %get3A_162] {strides = array<i32>} : memref<80x128xf32, #tpu.memory_space<vmem>>, vector<1x16xf32>,
        %get3A_164 = vector.shape_cast %get3A_163 : vector<1x16xf32> to vector<16xf32>
        %get3A_165 = arith.index_cast %scan3A_44 : i32 to index
        %get3A_166 = arith.constant 112 : index
        %get3A_167 = tpu.vector_load %arg11[%get3A_165, %get3A_166] {strides = array<i32>} : memref<80x128xf32, #tpu.memory_space<vmem>>, vector<1x16xf32>,
        %get3A_168 = vector.shape_cast %get3A_167 : vector<1x16xf32> to vector<16xf32>
        %add3A_169 = arith.addf %get3A_164, %get3A_168 : vector<16xf32>
        %max3A_170 = arith.constant 0.000000e+00 : f32
        %max3A_171 = vector.broadcast %max3A_170 : f32 to vector<16xf32>
        %max3A_172 = arith.maximumf %add3A_169, %max3A_171 : vector<16xf32>
        %swap3A_173 = arith.index_cast %scan3A_44 : i32 to index
        %swap3A_174 = arith.constant 112 : index
        %swap3A_175 = tpu.vector_load %arg10[%swap3A_173, %swap3A_174] {strides = array<i32>} : memref<80x128xf32, #tpu.memory_space<vmem>>, vector<1x16xf32>,
        %swap3A_176 = vector.shape_cast %swap3A_175 : vector<1x16xf32> to vector<16xf32>
        %swap3A_177 = vector.shape_cast %max3A_172 : vector<16xf32> to vector<1x16xf32>
        tpu.vector_store %arg10[%swap3A_173, %swap3A_174], %swap3A_177 {strides = array<i32>} : memref<80x128xf32, #tpu.memory_space<vmem>>, vector<1x16xf32>,
      }
      %scan3A_43 = arith.constant 80 : i32
      "tpu.region"() ({
        %run_scoped3A = tpu.sem_alloc : memref<!tpu.dma_semaphore, #tpu.memory_space<semaphore_mem>>
        %dma_start3A_44 = arith.constant 0 : i32
        %dma_start3A_45 = arith.constant 0 : i32
        %dma_start3A_46 = tpu.memref_slice %arg12[%dma_start3A_44, %dma_start3A_45] : memref<10000x128xf32, #tpu.memory_space<vmem_shared>> -> memref<10000x128xf32, #tpu.memory_space<vmem_shared>>
        tpu.enqueue_indirect_dma source(%arg10 : memref<80x128xf32, #tpu.memory_space<vmem>>) target(%dma_start3A_46 : memref<10000x128xf32, #tpu.memory_space<vmem_shared>>) offsets(%arg8 : memref<80xi32, #tpu.memory_space<vmem>>) semaphore(%run_scoped3A : memref<!tpu.dma_semaphore, #tpu.memory_space<semaphore_mem>>) {add = true}
        %dma_wait3A_47 = arith.constant 0 : i32
        %dma_wait3A_48 = arith.constant 0 : i32
        %dma_wait3A_49 = tpu.memref_slice %arg12[%dma_wait3A_47, %dma_wait3A_48] : memref<10000x128xf32, #tpu.memory_space<vmem_shared>> -> memref<10000x128xf32, #tpu.memory_space<vmem_shared>>
        tpu.wait_indirect_dma semaphore(%run_scoped3A : memref<!tpu.dma_semaphore, #tpu.memory_space<semaphore_mem>>) src(%arg10 : memref<80x128xf32, #tpu.memory_space<vmem>>) dst(%dma_wait3A_49 : memref<10000x128xf32, #tpu.memory_space<vmem_shared>>)
        tpu.yield
      }) : () -> ()
    }
    %scan3A_13 = arith.constant 125 : i32
    %barrier3A_14 = arith.constant 0 : index
    tpu.barrier barrier_id(%barrier3A_14)
    %mul3A_15 = arith.constant 624 : i32
    %mul3A_16 = arith.muli %arg1, %mul3A_15 : i32
    %mul3A_17 = arith.constant 624 : i32
    %mul3A_18 = arith.muli %arg1, %mul3A_17 : i32
    "tpu.region"() ({
      %run_scoped3A = tpu.sem_alloc : memref<!tpu.dma_semaphore, #tpu.memory_space<semaphore_mem>>
      %dma_start3A = arith.constant 0 : i32
      %dma_start3A_24 = tpu.memref_slice %arg7[%arg0, %mul3A_18, %dma_start3A] : memref<2x10000x128xf32, #tpu.memory_space<hbm>> -> memref<1x624x128xf32, #tpu.memory_space<hbm>>
      %dma_start3A_25 = tpu.memref_squeeze %dma_start3A_24 : memref<1x624x128xf32, #tpu.memory_space<hbm>> -> memref<624x128xf32, #tpu.memory_space<hbm>>
      %dma_start3A_26 = arith.constant 0 : i32
      %dma_start3A_27 = tpu.memref_slice %arg12[%mul3A_16, %dma_start3A_26] : memref<10000x128xf32, #tpu.memory_space<vmem_shared>> -> memref<624x128xf32, #tpu.memory_space<vmem_shared>>
      tpu.enqueue_dma source(%dma_start3A_27 : memref<624x128xf32, #tpu.memory_space<vmem_shared>>) target(%dma_start3A_25 : memref<624x128xf32, #tpu.memory_space<hbm>>) target_semaphore(%run_scoped3A : memref<!tpu.dma_semaphore, #tpu.memory_space<semaphore_mem>>)
      %dma_wait3A = arith.constant 0 : i32
      %dma_wait3A_28 = tpu.memref_slice %arg7[%arg0, %mul3A_18, %dma_wait3A] : memref<2x10000x128xf32, #tpu.memory_space<hbm>> -> memref<1x624x128xf32, #tpu.memory_space<hbm>>
      %dma_wait3A_29 = tpu.memref_squeeze %dma_wait3A_28 : memref<1x624x128xf32, #tpu.memory_space<hbm>> -> memref<624x128xf32, #tpu.memory_space<hbm>>
      %dma_wait3A_30 = arith.constant 0 : i32
      %dma_wait3A_31 = tpu.memref_slice %arg12[%mul3A_16, %dma_wait3A_30] : memref<10000x128xf32, #tpu.memory_space<vmem_shared>> -> memref<624x128xf32, #tpu.memory_space<vmem_shared>>
      tpu.wait_dma2 semaphore(%run_scoped3A : memref<!tpu.dma_semaphore, #tpu.memory_space<semaphore_mem>>) src(%dma_wait3A_31 : memref<624x128xf32, #tpu.memory_space<vmem_shared>>) dst(%dma_wait3A_29 : memref<624x128xf32, #tpu.memory_space<hbm>>)
      tpu.yield
    }) : () -> ()
    %eq3A_19 = arith.constant 0 : i32
    %eq3A_20 = arith.cmpi eq, %arg1, %eq3A_19 : i32
    %convert_element_type3A_21 = arith.extui %eq3A_20 : i1 to i32
    %cond3A_22 = arith.constant 0 : i32
    %cond3A_23 = arith.cmpi ne, %convert_element_type3A_21, %cond3A_22 : i32
    scf.if %cond3A_23 {
      "tpu.region"() ({
        %run_scoped3A = tpu.sem_alloc : memref<!tpu.dma_semaphore, #tpu.memory_space<semaphore_mem>>
        %dma_start3A = arith.constant 9984 : i32
        %dma_start3A_24 = arith.constant 0 : i32
        %dma_start3A_25 = tpu.memref_slice %arg7[%arg0, %dma_start3A, %dma_start3A_24] : memref<2x10000x128xf32, #tpu.memory_space<hbm>> -> memref<1x16x128xf32, #tpu.memory_space<hbm>>
        %dma_start3A_26 = tpu.memref_squeeze %dma_start3A_25 : memref<1x16x128xf32, #tpu.memory_space<hbm>> -> memref<16x128xf32, #tpu.memory_space<hbm>>
        %dma_start3A_27 = arith.constant 9984 : i32
        %dma_start3A_28 = arith.constant 0 : i32
        %dma_start3A_29 = tpu.memref_slice %arg12[%dma_start3A_27, %dma_start3A_28] : memref<10000x128xf32, #tpu.memory_space<vmem_shared>> -> memref<16x128xf32, #tpu.memory_space<vmem_shared>>
        tpu.enqueue_dma source(%dma_start3A_29 : memref<16x128xf32, #tpu.memory_space<vmem_shared>>) target(%dma_start3A_26 : memref<16x128xf32, #tpu.memory_space<hbm>>) target_semaphore(%run_scoped3A : memref<!tpu.dma_semaphore, #tpu.memory_space<semaphore_mem>>)
        %dma_wait3A = arith.constant 9984 : i32
        %dma_wait3A_30 = arith.constant 0 : i32
        %dma_wait3A_31 = tpu.memref_slice %arg7[%arg0, %dma_wait3A, %dma_wait3A_30] : memref<2x10000x128xf32, #tpu.memory_space<hbm>> -> memref<1x16x128xf32, #tpu.memory_space<hbm>>
        %dma_wait3A_32 = tpu.memref_squeeze %dma_wait3A_31 : memref<1x16x128xf32, #tpu.memory_space<hbm>> -> memref<16x128xf32, #tpu.memory_space<hbm>>
        %dma_wait3A_33 = arith.constant 9984 : i32
        %dma_wait3A_34 = arith.constant 0 : i32
        %dma_wait3A_35 = tpu.memref_slice %arg12[%dma_wait3A_33, %dma_wait3A_34] : memref<10000x128xf32, #tpu.memory_space<vmem_shared>> -> memref<16x128xf32, #tpu.memory_space<vmem_shared>>
        tpu.wait_dma2 semaphore(%run_scoped3A : memref<!tpu.dma_semaphore, #tpu.memory_space<semaphore_mem>>) src(%dma_wait3A_35 : memref<16x128xf32, #tpu.memory_space<vmem_shared>>) dst(%dma_wait3A_32 : memref<16x128xf32, #tpu.memory_space<hbm>>)
        tpu.yield
      }) : () -> ()
    } else {
    }
    return
  }
}

#map = affine_map<(d0, d1) -> (0, 0)>
#map1 = affine_map<(d0, d1) -> (0)>
#map2 = affine_map<(d0, d1) -> (0, 0, 0)>
module attributes {stable_mosaic.version = 14 : i64} {
  func.func @edge_kernel(%arg0: i32, %arg1: i32, %arg2: memref<10000x128xf32, #tpu.memory_space<hbm>>, %arg3: memref<10000x128xf32, #tpu.memory_space<hbm>>, %arg4: memref<320000xi32, #tpu.memory_space<hbm>>, %arg5: memref<320000xi32, #tpu.memory_space<hbm>>, %arg6: memref<10000x128xf32, #tpu.memory_space<hbm>>, %arg7: memref<2x10000x128xf32, #tpu.memory_space<hbm>>, %arg8: memref<80xi32, #tpu.memory_space<vmem>>, %arg9: memref<80xi32, #tpu.memory_space<vmem>>, %arg10: memref<80x128xf32, #tpu.memory_space<vmem>>, %arg11: memref<80x128xf32, #tpu.memory_space<vmem>>, %arg12: memref<10000x128xf32, #tpu.memory_space<vmem_shared>>, %arg13: memref<!tpu.dma_semaphore, #tpu.memory_space<semaphore_mem>>, %arg14: memref<!tpu.dma_semaphore, #tpu.memory_space<semaphore_mem>>) attributes {dimension_semantics = [#tpu.dimension_semantics<core_parallel>, #tpu.dimension_semantics<subcore_parallel>], iteration_bounds = array<i64: 2, 16>, scalar_prefetch = 0 : i64, scratch_operands = 7 : i64, tpu.core_type = #tpu.core_type<sc_vector_subcore>, window_params = [{transform_indices = #map}, {transform_indices = #map}, {transform_indices = #map1}, {transform_indices = #map1}, {transform_indices = #map}, {transform_indices = #map2}]} {
    %mul3A = arith.constant 624 : i32
    %mul3A_0 = arith.muli %arg1, %mul3A : i32
    %mul3A_1 = arith.constant 624 : i32
    %mul3A_2 = arith.muli %arg1, %mul3A_1 : i32
    "tpu.region"() ({
      %run_scoped3A = tpu.sem_alloc : memref<!tpu.dma_semaphore, #tpu.memory_space<semaphore_mem>>
      %dma_start3A = arith.constant 0 : i32
      %dma_start3A_24 = tpu.memref_slice %arg12[%mul3A_2, %dma_start3A] : memref<10000x128xf32, #tpu.memory_space<vmem_shared>> -> memref<624x128xf32, #tpu.memory_space<vmem_shared>>
      %dma_start3A_25 = arith.constant 0 : i32
      %dma_start3A_26 = tpu.memref_slice %arg6[%mul3A_0, %dma_start3A_25] : memref<10000x128xf32, #tpu.memory_space<hbm>> -> memref<624x128xf32, #tpu.memory_space<hbm>>
      tpu.enqueue_dma source(%dma_start3A_26 : memref<624x128xf32, #tpu.memory_space<hbm>>) target(%dma_start3A_24 : memref<624x128xf32, #tpu.memory_space<vmem_shared>>) target_semaphore(%run_scoped3A : memref<!tpu.dma_semaphore, #tpu.memory_space<semaphore_mem>>)
      %dma_wait3A = arith.constant 0 : i32
      %dma_wait3A_27 = tpu.memref_slice %arg12[%mul3A_2, %dma_wait3A] : memref<10000x128xf32, #tpu.memory_space<vmem_shared>> -> memref<624x128xf32, #tpu.memory_space<vmem_shared>>
      %dma_wait3A_28 = arith.constant 0 : i32
      %dma_wait3A_29 = tpu.memref_slice %arg6[%mul3A_0, %dma_wait3A_28] : memref<10000x128xf32, #tpu.memory_space<hbm>> -> memref<624x128xf32, #tpu.memory_space<hbm>>
      tpu.wait_dma2 semaphore(%run_scoped3A : memref<!tpu.dma_semaphore, #tpu.memory_space<semaphore_mem>>) src(%dma_wait3A_29 : memref<624x128xf32, #tpu.memory_space<hbm>>) dst(%dma_wait3A_27 : memref<624x128xf32, #tpu.memory_space<vmem_shared>>)
      tpu.yield
    }) : () -> ()
    %eq3A = arith.constant 0 : i32
    %eq3A_3 = arith.cmpi eq, %arg1, %eq3A : i32
    %convert_element_type3A = arith.extui %eq3A_3 : i1 to i32
    %cond3A = arith.constant 0 : i32
    %cond3A_4 = arith.cmpi ne, %convert_element_type3A, %cond3A : i32
    scf.if %cond3A_4 {
      "tpu.region"() ({
        %run_scoped3A = tpu.sem_alloc : memref<!tpu.dma_semaphore, #tpu.memory_space<semaphore_mem>>
        %dma_start3A = arith.constant 9984 : i32
        %dma_start3A_24 = arith.constant 0 : i32
        %dma_start3A_25 = tpu.memref_slice %arg12[%dma_start3A, %dma_start3A_24] : memref<10000x128xf32, #tpu.memory_space<vmem_shared>> -> memref<16x128xf32, #tpu.memory_space<vmem_shared>>
        %dma_start3A_26 = arith.constant 9984 : i32
        %dma_start3A_27 = arith.constant 0 : i32
        %dma_start3A_28 = tpu.memref_slice %arg6[%dma_start3A_26, %dma_start3A_27] : memref<10000x128xf32, #tpu.memory_space<hbm>> -> memref<16x128xf32, #tpu.memory_space<hbm>>
        tpu.enqueue_dma source(%dma_start3A_28 : memref<16x128xf32, #tpu.memory_space<hbm>>) target(%dma_start3A_25 : memref<16x128xf32, #tpu.memory_space<vmem_shared>>) target_semaphore(%run_scoped3A : memref<!tpu.dma_semaphore, #tpu.memory_space<semaphore_mem>>)
        %dma_wait3A = arith.constant 9984 : i32
        %dma_wait3A_29 = arith.constant 0 : i32
        %dma_wait3A_30 = tpu.memref_slice %arg12[%dma_wait3A, %dma_wait3A_29] : memref<10000x128xf32, #tpu.memory_space<vmem_shared>> -> memref<16x128xf32, #tpu.memory_space<vmem_shared>>
        %dma_wait3A_31 = arith.constant 9984 : i32
        %dma_wait3A_32 = arith.constant 0 : i32
        %dma_wait3A_33 = tpu.memref_slice %arg6[%dma_wait3A_31, %dma_wait3A_32] : memref<10000x128xf32, #tpu.memory_space<hbm>> -> memref<16x128xf32, #tpu.memory_space<hbm>>
        tpu.wait_dma2 semaphore(%run_scoped3A : memref<!tpu.dma_semaphore, #tpu.memory_space<semaphore_mem>>) src(%dma_wait3A_33 : memref<16x128xf32, #tpu.memory_space<hbm>>) dst(%dma_wait3A_30 : memref<16x128xf32, #tpu.memory_space<vmem_shared>>)
        tpu.yield
      }) : () -> ()
    } else {
    }
    %barrier3A = arith.constant 0 : index
    tpu.barrier barrier_id(%barrier3A)
    %mul3A_5 = arith.constant 2 : i32
    %mul3A_6 = arith.muli %arg1, %mul3A_5 : i32
    %add3A = arith.addi %mul3A_6, %arg0 : i32
    %mul3A_7 = arith.constant 10000 : i32
    %mul3A_8 = arith.muli %add3A, %mul3A_7 : i32
    %scan3A = arith.constant 0 : i32
    %scan3A_9 = arith.constant 0 : i32
    %scan3A_10 = arith.constant 125 : i32
    %scan3A_11 = arith.addi %scan3A_9, %scan3A_10 : i32
    %scan3A_12 = arith.constant 1 : i32
    scf.for %scan3A_24 = %scan3A_9 to %scan3A_11 step %scan3A_12  : i32 {
      %mul3A_25 = arith.constant 80 : i32
      %mul3A_26 = arith.muli %scan3A_24, %mul3A_25 : i32
      %add3A_27 = arith.addi %mul3A_8, %mul3A_26 : i32
      "tpu.region"() ({
        %run_scoped3A = tpu.sem_alloc : memref<!tpu.dma_semaphore, #tpu.memory_space<semaphore_mem>>
        %dma_start3A_44 = tpu.memref_slice %arg4[%add3A_27] : memref<320000xi32, #tpu.memory_space<hbm>> -> memref<80xi32, #tpu.memory_space<hbm>>
        %dma_start3A_45 = tpu.memref_slice %arg4[%add3A_27] : memref<320000xi32, #tpu.memory_space<hbm>> -> memref<80xi32, #tpu.memory_space<hbm>>
        tpu.enqueue_dma source(%dma_start3A_45 : memref<80xi32, #tpu.memory_space<hbm>>) target(%arg8 : memref<80xi32, #tpu.memory_space<vmem>>) target_semaphore(%run_scoped3A : memref<!tpu.dma_semaphore, #tpu.memory_space<semaphore_mem>>)
        %dma_wait3A_46 = tpu.memref_slice %arg4[%add3A_27] : memref<320000xi32, #tpu.memory_space<hbm>> -> memref<80xi32, #tpu.memory_space<hbm>>
        %dma_wait3A_47 = tpu.memref_slice %arg4[%add3A_27] : memref<320000xi32, #tpu.memory_space<hbm>> -> memref<80xi32, #tpu.memory_space<hbm>>
        tpu.wait_dma2 semaphore(%run_scoped3A : memref<!tpu.dma_semaphore, #tpu.memory_space<semaphore_mem>>) src(%dma_wait3A_47 : memref<80xi32, #tpu.memory_space<hbm>>) dst(%arg8 : memref<80xi32, #tpu.memory_space<vmem>>)
        tpu.yield
      }) : () -> ()
      "tpu.region"() ({
        %run_scoped3A = tpu.sem_alloc : memref<!tpu.dma_semaphore, #tpu.memory_space<semaphore_mem>>
        %dma_start3A_44 = tpu.memref_slice %arg5[%add3A_27] : memref<320000xi32, #tpu.memory_space<hbm>> -> memref<80xi32, #tpu.memory_space<hbm>>
        %dma_start3A_45 = tpu.memref_slice %arg5[%add3A_27] : memref<320000xi32, #tpu.memory_space<hbm>> -> memref<80xi32, #tpu.memory_space<hbm>>
        tpu.enqueue_dma source(%dma_start3A_45 : memref<80xi32, #tpu.memory_space<hbm>>) target(%arg9 : memref<80xi32, #tpu.memory_space<vmem>>) target_semaphore(%run_scoped3A : memref<!tpu.dma_semaphore, #tpu.memory_space<semaphore_mem>>)
        %dma_wait3A_46 = tpu.memref_slice %arg5[%add3A_27] : memref<320000xi32, #tpu.memory_space<hbm>> -> memref<80xi32, #tpu.memory_space<hbm>>
        %dma_wait3A_47 = tpu.memref_slice %arg5[%add3A_27] : memref<320000xi32, #tpu.memory_space<hbm>> -> memref<80xi32, #tpu.memory_space<hbm>>
        tpu.wait_dma2 semaphore(%run_scoped3A : memref<!tpu.dma_semaphore, #tpu.memory_space<semaphore_mem>>) src(%dma_wait3A_47 : memref<80xi32, #tpu.memory_space<hbm>>) dst(%arg9 : memref<80xi32, #tpu.memory_space<vmem>>)
        tpu.yield
      }) : () -> ()
      %dma_start3A = arith.constant 0 : i32
      %dma_start3A_28 = arith.constant 0 : i32
      %dma_start3A_29 = tpu.memref_slice %arg2[%dma_start3A, %dma_start3A_28] : memref<10000x128xf32, #tpu.memory_space<hbm>> -> memref<10000x128xf32, #tpu.memory_space<hbm>>
      tpu.enqueue_indirect_dma source(%dma_start3A_29 : memref<10000x128xf32, #tpu.memory_space<hbm>>) target(%arg10 : memref<80x128xf32, #tpu.memory_space<vmem>>) offsets(%arg8 : memref<80xi32, #tpu.memory_space<vmem>>) semaphore(%arg13 : memref<!tpu.dma_semaphore, #tpu.memory_space<semaphore_mem>>)
      %dma_start3A_30 = arith.constant 0 : i32
      %dma_start3A_31 = arith.constant 0 : i32
      %dma_start3A_32 = tpu.memref_slice %arg3[%dma_start3A_30, %dma_start3A_31] : memref<10000x128xf32, #tpu.memory_space<hbm>> -> memref<10000x128xf32, #tpu.memory_space<hbm>>
      tpu.enqueue_indirect_dma source(%dma_start3A_32 : memref<10000x128xf32, #tpu.memory_space<hbm>>) target(%arg11 : memref<80x128xf32, #tpu.memory_space<vmem>>) offsets(%arg9 : memref<80xi32, #tpu.memory_space<vmem>>) semaphore(%arg14 : memref<!tpu.dma_semaphore, #tpu.memory_space<semaphore_mem>>)
      %dma_wait3A = arith.constant 0 : i32
      %dma_wait3A_33 = arith.constant 0 : i32
      %dma_wait3A_34 = tpu.memref_slice %arg2[%dma_wait3A, %dma_wait3A_33] : memref<10000x128xf32, #tpu.memory_space<hbm>> -> memref<10000x128xf32, #tpu.memory_space<hbm>>
      tpu.wait_indirect_dma semaphore(%arg13 : memref<!tpu.dma_semaphore, #tpu.memory_space<semaphore_mem>>) src(%dma_wait3A_34 : memref<10000x128xf32, #tpu.memory_space<hbm>>) dst(%arg10 : memref<80x128xf32, #tpu.memory_space<vmem>>)
      %dma_wait3A_35 = arith.constant 0 : i32
      %dma_wait3A_36 = arith.constant 0 : i32
      %dma_wait3A_37 = tpu.memref_slice %arg3[%dma_wait3A_35, %dma_wait3A_36] : memref<10000x128xf32, #tpu.memory_space<hbm>> -> memref<10000x128xf32, #tpu.memory_space<hbm>>
      tpu.wait_indirect_dma semaphore(%arg14 : memref<!tpu.dma_semaphore, #tpu.memory_space<semaphore_mem>>) src(%dma_wait3A_37 : memref<10000x128xf32, #tpu.memory_space<hbm>>) dst(%arg11 : memref<80x128xf32, #tpu.memory_space<vmem>>)
      %scan3A_38 = arith.constant 0 : i32
      %scan3A_39 = arith.constant 0 : i32
      %scan3A_40 = arith.constant 80 : i32
      %scan3A_41 = arith.addi %scan3A_39, %scan3A_40 : i32
      %scan3A_42 = arith.constant 1 : i32
      scf.for %scan3A_44 = %scan3A_39 to %scan3A_41 step %scan3A_42  : i32 {
        %get3A = arith.index_cast %scan3A_44 : i32 to index
        %get3A_45 = arith.constant 0 : index
        %get3A_46 = tpu.vector_load %arg10[%get3A, %get3A_45] {strides = array<i32>} : memref<80x128xf32, #tpu.memory_space<vmem>>, vector<1x16xf32>,
        %get3A_47 = vector.shape_cast %get3A_46 : vector<1x16xf32> to vector<16xf32>
        %get3A_48 = arith.index_cast %scan3A_44 : i32 to index
        %get3A_49 = arith.constant 0 : index
        %get3A_50 = tpu.vector_load %arg11[%get3A_48, %get3A_49] {strides = array<i32>} : memref<80x128xf32, #tpu.memory_space<vmem>>, vector<1x16xf32>,
        %get3A_51 = vector.shape_cast %get3A_50 : vector<1x16xf32> to vector<16xf32>
        %add3A_52 = arith.addf %get3A_47, %get3A_51 : vector<16xf32>
        %max3A = arith.constant 0.000000e+00 : f32
        %max3A_53 = vector.broadcast %max3A : f32 to vector<16xf32>
        %max3A_54 = arith.maximumf %add3A_52, %max3A_53 : vector<16xf32>
        %swap3A = arith.index_cast %scan3A_44 : i32 to index
        %swap3A_55 = arith.constant 0 : index
        %swap3A_56 = tpu.vector_load %arg10[%swap3A, %swap3A_55] {strides = array<i32>} : memref<80x128xf32, #tpu.memory_space<vmem>>, vector<1x16xf32>,
        %swap3A_57 = vector.shape_cast %swap3A_56 : vector<1x16xf32> to vector<16xf32>
        %swap3A_58 = vector.shape_cast %max3A_54 : vector<16xf32> to vector<1x16xf32>
        tpu.vector_store %arg10[%swap3A, %swap3A_55], %swap3A_58 {strides = array<i32>} : memref<80x128xf32, #tpu.memory_space<vmem>>, vector<1x16xf32>,
        %get3A_59 = arith.index_cast %scan3A_44 : i32 to index
        %get3A_60 = arith.constant 16 : index
        %get3A_61 = tpu.vector_load %arg10[%get3A_59, %get3A_60] {strides = array<i32>} : memref<80x128xf32, #tpu.memory_space<vmem>>, vector<1x16xf32>,
        %get3A_62 = vector.shape_cast %get3A_61 : vector<1x16xf32> to vector<16xf32>
        %get3A_63 = arith.index_cast %scan3A_44 : i32 to index
        %get3A_64 = arith.constant 16 : index
        %get3A_65 = tpu.vector_load %arg11[%get3A_63, %get3A_64] {strides = array<i32>} : memref<80x128xf32, #tpu.memory_space<vmem>>, vector<1x16xf32>,
        %get3A_66 = vector.shape_cast %get3A_65 : vector<1x16xf32> to vector<16xf32>
        %add3A_67 = arith.addf %get3A_62, %get3A_66 : vector<16xf32>
        %max3A_68 = arith.constant 0.000000e+00 : f32
        %max3A_69 = vector.broadcast %max3A_68 : f32 to vector<16xf32>
        %max3A_70 = arith.maximumf %add3A_67, %max3A_69 : vector<16xf32>
        %swap3A_71 = arith.index_cast %scan3A_44 : i32 to index
        %swap3A_72 = arith.constant 16 : index
        %swap3A_73 = tpu.vector_load %arg10[%swap3A_71, %swap3A_72] {strides = array<i32>} : memref<80x128xf32, #tpu.memory_space<vmem>>, vector<1x16xf32>,
        %swap3A_74 = vector.shape_cast %swap3A_73 : vector<1x16xf32> to vector<16xf32>
        %swap3A_75 = vector.shape_cast %max3A_70 : vector<16xf32> to vector<1x16xf32>
        tpu.vector_store %arg10[%swap3A_71, %swap3A_72], %swap3A_75 {strides = array<i32>} : memref<80x128xf32, #tpu.memory_space<vmem>>, vector<1x16xf32>,
        %get3A_76 = arith.index_cast %scan3A_44 : i32 to index
        %get3A_77 = arith.constant 32 : index
        %get3A_78 = tpu.vector_load %arg10[%get3A_76, %get3A_77] {strides = array<i32>} : memref<80x128xf32, #tpu.memory_space<vmem>>, vector<1x16xf32>,
        %get3A_79 = vector.shape_cast %get3A_78 : vector<1x16xf32> to vector<16xf32>
        %get3A_80 = arith.index_cast %scan3A_44 : i32 to index
        %get3A_81 = arith.constant 32 : index
        %get3A_82 = tpu.vector_load %arg11[%get3A_80, %get3A_81] {strides = array<i32>} : memref<80x128xf32, #tpu.memory_space<vmem>>, vector<1x16xf32>,
        %get3A_83 = vector.shape_cast %get3A_82 : vector<1x16xf32> to vector<16xf32>
        %add3A_84 = arith.addf %get3A_79, %get3A_83 : vector<16xf32>
        %max3A_85 = arith.constant 0.000000e+00 : f32
        %max3A_86 = vector.broadcast %max3A_85 : f32 to vector<16xf32>
        %max3A_87 = arith.maximumf %add3A_84, %max3A_86 : vector<16xf32>
        %swap3A_88 = arith.index_cast %scan3A_44 : i32 to index
        %swap3A_89 = arith.constant 32 : index
        %swap3A_90 = tpu.vector_load %arg10[%swap3A_88, %swap3A_89] {strides = array<i32>} : memref<80x128xf32, #tpu.memory_space<vmem>>, vector<1x16xf32>,
        %swap3A_91 = vector.shape_cast %swap3A_90 : vector<1x16xf32> to vector<16xf32>
        %swap3A_92 = vector.shape_cast %max3A_87 : vector<16xf32> to vector<1x16xf32>
        tpu.vector_store %arg10[%swap3A_88, %swap3A_89], %swap3A_92 {strides = array<i32>} : memref<80x128xf32, #tpu.memory_space<vmem>>, vector<1x16xf32>,
        %get3A_93 = arith.index_cast %scan3A_44 : i32 to index
        %get3A_94 = arith.constant 48 : index
        %get3A_95 = tpu.vector_load %arg10[%get3A_93, %get3A_94] {strides = array<i32>} : memref<80x128xf32, #tpu.memory_space<vmem>>, vector<1x16xf32>,
        %get3A_96 = vector.shape_cast %get3A_95 : vector<1x16xf32> to vector<16xf32>
        %get3A_97 = arith.index_cast %scan3A_44 : i32 to index
        %get3A_98 = arith.constant 48 : index
        %get3A_99 = tpu.vector_load %arg11[%get3A_97, %get3A_98] {strides = array<i32>} : memref<80x128xf32, #tpu.memory_space<vmem>>, vector<1x16xf32>,
        %get3A_100 = vector.shape_cast %get3A_99 : vector<1x16xf32> to vector<16xf32>
        %add3A_101 = arith.addf %get3A_96, %get3A_100 : vector<16xf32>
        %max3A_102 = arith.constant 0.000000e+00 : f32
        %max3A_103 = vector.broadcast %max3A_102 : f32 to vector<16xf32>
        %max3A_104 = arith.maximumf %add3A_101, %max3A_103 : vector<16xf32>
        %swap3A_105 = arith.index_cast %scan3A_44 : i32 to index
        %swap3A_106 = arith.constant 48 : index
        %swap3A_107 = tpu.vector_load %arg10[%swap3A_105, %swap3A_106] {strides = array<i32>} : memref<80x128xf32, #tpu.memory_space<vmem>>, vector<1x16xf32>,
        %swap3A_108 = vector.shape_cast %swap3A_107 : vector<1x16xf32> to vector<16xf32>
        %swap3A_109 = vector.shape_cast %max3A_104 : vector<16xf32> to vector<1x16xf32>
        tpu.vector_store %arg10[%swap3A_105, %swap3A_106], %swap3A_109 {strides = array<i32>} : memref<80x128xf32, #tpu.memory_space<vmem>>, vector<1x16xf32>,
        %get3A_110 = arith.index_cast %scan3A_44 : i32 to index
        %get3A_111 = arith.constant 64 : index
        %get3A_112 = tpu.vector_load %arg10[%get3A_110, %get3A_111] {strides = array<i32>} : memref<80x128xf32, #tpu.memory_space<vmem>>, vector<1x16xf32>,
        %get3A_113 = vector.shape_cast %get3A_112 : vector<1x16xf32> to vector<16xf32>
        %get3A_114 = arith.index_cast %scan3A_44 : i32 to index
        %get3A_115 = arith.constant 64 : index
        %get3A_116 = tpu.vector_load %arg11[%get3A_114, %get3A_115] {strides = array<i32>} : memref<80x128xf32, #tpu.memory_space<vmem>>, vector<1x16xf32>,
        %get3A_117 = vector.shape_cast %get3A_116 : vector<1x16xf32> to vector<16xf32>
        %add3A_118 = arith.addf %get3A_113, %get3A_117 : vector<16xf32>
        %max3A_119 = arith.constant 0.000000e+00 : f32
        %max3A_120 = vector.broadcast %max3A_119 : f32 to vector<16xf32>
        %max3A_121 = arith.maximumf %add3A_118, %max3A_120 : vector<16xf32>
        %swap3A_122 = arith.index_cast %scan3A_44 : i32 to index
        %swap3A_123 = arith.constant 64 : index
        %swap3A_124 = tpu.vector_load %arg10[%swap3A_122, %swap3A_123] {strides = array<i32>} : memref<80x128xf32, #tpu.memory_space<vmem>>, vector<1x16xf32>,
        %swap3A_125 = vector.shape_cast %swap3A_124 : vector<1x16xf32> to vector<16xf32>
        %swap3A_126 = vector.shape_cast %max3A_121 : vector<16xf32> to vector<1x16xf32>
        tpu.vector_store %arg10[%swap3A_122, %swap3A_123], %swap3A_126 {strides = array<i32>} : memref<80x128xf32, #tpu.memory_space<vmem>>, vector<1x16xf32>,
        %get3A_127 = arith.index_cast %scan3A_44 : i32 to index
        %get3A_128 = arith.constant 80 : index
        %get3A_129 = tpu.vector_load %arg10[%get3A_127, %get3A_128] {strides = array<i32>} : memref<80x128xf32, #tpu.memory_space<vmem>>, vector<1x16xf32>,
        %get3A_130 = vector.shape_cast %get3A_129 : vector<1x16xf32> to vector<16xf32>
        %get3A_131 = arith.index_cast %scan3A_44 : i32 to index
        %get3A_132 = arith.constant 80 : index
        %get3A_133 = tpu.vector_load %arg11[%get3A_131, %get3A_132] {strides = array<i32>} : memref<80x128xf32, #tpu.memory_space<vmem>>, vector<1x16xf32>,
        %get3A_134 = vector.shape_cast %get3A_133 : vector<1x16xf32> to vector<16xf32>
        %add3A_135 = arith.addf %get3A_130, %get3A_134 : vector<16xf32>
        %max3A_136 = arith.constant 0.000000e+00 : f32
        %max3A_137 = vector.broadcast %max3A_136 : f32 to vector<16xf32>
        %max3A_138 = arith.maximumf %add3A_135, %max3A_137 : vector<16xf32>
        %swap3A_139 = arith.index_cast %scan3A_44 : i32 to index
        %swap3A_140 = arith.constant 80 : index
        %swap3A_141 = tpu.vector_load %arg10[%swap3A_139, %swap3A_140] {strides = array<i32>} : memref<80x128xf32, #tpu.memory_space<vmem>>, vector<1x16xf32>,
        %swap3A_142 = vector.shape_cast %swap3A_141 : vector<1x16xf32> to vector<16xf32>
        %swap3A_143 = vector.shape_cast %max3A_138 : vector<16xf32> to vector<1x16xf32>
        tpu.vector_store %arg10[%swap3A_139, %swap3A_140], %swap3A_143 {strides = array<i32>} : memref<80x128xf32, #tpu.memory_space<vmem>>, vector<1x16xf32>,
        %get3A_144 = arith.index_cast %scan3A_44 : i32 to index
        %get3A_145 = arith.constant 96 : index
        %get3A_146 = tpu.vector_load %arg10[%get3A_144, %get3A_145] {strides = array<i32>} : memref<80x128xf32, #tpu.memory_space<vmem>>, vector<1x16xf32>,
        %get3A_147 = vector.shape_cast %get3A_146 : vector<1x16xf32> to vector<16xf32>
        %get3A_148 = arith.index_cast %scan3A_44 : i32 to index
        %get3A_149 = arith.constant 96 : index
        %get3A_150 = tpu.vector_load %arg11[%get3A_148, %get3A_149] {strides = array<i32>} : memref<80x128xf32, #tpu.memory_space<vmem>>, vector<1x16xf32>,
        %get3A_151 = vector.shape_cast %get3A_150 : vector<1x16xf32> to vector<16xf32>
        %add3A_152 = arith.addf %get3A_147, %get3A_151 : vector<16xf32>
        %max3A_153 = arith.constant 0.000000e+00 : f32
        %max3A_154 = vector.broadcast %max3A_153 : f32 to vector<16xf32>
        %max3A_155 = arith.maximumf %add3A_152, %max3A_154 : vector<16xf32>
        %swap3A_156 = arith.index_cast %scan3A_44 : i32 to index
        %swap3A_157 = arith.constant 96 : index
        %swap3A_158 = tpu.vector_load %arg10[%swap3A_156, %swap3A_157] {strides = array<i32>} : memref<80x128xf32, #tpu.memory_space<vmem>>, vector<1x16xf32>,
        %swap3A_159 = vector.shape_cast %swap3A_158 : vector<1x16xf32> to vector<16xf32>
        %swap3A_160 = vector.shape_cast %max3A_155 : vector<16xf32> to vector<1x16xf32>
        tpu.vector_store %arg10[%swap3A_156, %swap3A_157], %swap3A_160 {strides = array<i32>} : memref<80x128xf32, #tpu.memory_space<vmem>>, vector<1x16xf32>,
        %get3A_161 = arith.index_cast %scan3A_44 : i32 to index
        %get3A_162 = arith.constant 112 : index
        %get3A_163 = tpu.vector_load %arg10[%get3A_161, %get3A_162] {strides = array<i32>} : memref<80x128xf32, #tpu.memory_space<vmem>>, vector<1x16xf32>,
        %get3A_164 = vector.shape_cast %get3A_163 : vector<1x16xf32> to vector<16xf32>
        %get3A_165 = arith.index_cast %scan3A_44 : i32 to index
        %get3A_166 = arith.constant 112 : index
        %get3A_167 = tpu.vector_load %arg11[%get3A_165, %get3A_166] {strides = array<i32>} : memref<80x128xf32, #tpu.memory_space<vmem>>, vector<1x16xf32>,
        %get3A_168 = vector.shape_cast %get3A_167 : vector<1x16xf32> to vector<16xf32>
        %add3A_169 = arith.addf %get3A_164, %get3A_168 : vector<16xf32>
        %max3A_170 = arith.constant 0.000000e+00 : f32
        %max3A_171 = vector.broadcast %max3A_170 : f32 to vector<16xf32>
        %max3A_172 = arith.maximumf %add3A_169, %max3A_171 : vector<16xf32>
        %swap3A_173 = arith.index_cast %scan3A_44 : i32 to index
        %swap3A_174 = arith.constant 112 : index
        %swap3A_175 = tpu.vector_load %arg10[%swap3A_173, %swap3A_174] {strides = array<i32>} : memref<80x128xf32, #tpu.memory_space<vmem>>, vector<1x16xf32>,
        %swap3A_176 = vector.shape_cast %swap3A_175 : vector<1x16xf32> to vector<16xf32>
        %swap3A_177 = vector.shape_cast %max3A_172 : vector<16xf32> to vector<1x16xf32>
        tpu.vector_store %arg10[%swap3A_173, %swap3A_174], %swap3A_177 {strides = array<i32>} : memref<80x128xf32, #tpu.memory_space<vmem>>, vector<1x16xf32>,
      }
      %scan3A_43 = arith.constant 80 : i32
      "tpu.region"() ({
        %run_scoped3A = tpu.sem_alloc : memref<!tpu.dma_semaphore, #tpu.memory_space<semaphore_mem>>
        %dma_start3A_44 = arith.constant 0 : i32
        %dma_start3A_45 = arith.constant 0 : i32
        %dma_start3A_46 = tpu.memref_slice %arg12[%dma_start3A_44, %dma_start3A_45] : memref<10000x128xf32, #tpu.memory_space<vmem_shared>> -> memref<10000x128xf32, #tpu.memory_space<vmem_shared>>
        tpu.enqueue_indirect_dma source(%arg10 : memref<80x128xf32, #tpu.memory_space<vmem>>) target(%dma_start3A_46 : memref<10000x128xf32, #tpu.memory_space<vmem_shared>>) offsets(%arg8 : memref<80xi32, #tpu.memory_space<vmem>>) semaphore(%run_scoped3A : memref<!tpu.dma_semaphore, #tpu.memory_space<semaphore_mem>>) {add = true}
        %dma_wait3A_47 = arith.constant 0 : i32
        %dma_wait3A_48 = arith.constant 0 : i32
        %dma_wait3A_49 = tpu.memref_slice %arg12[%dma_wait3A_47, %dma_wait3A_48] : memref<10000x128xf32, #tpu.memory_space<vmem_shared>> -> memref<10000x128xf32, #tpu.memory_space<vmem_shared>>
        tpu.wait_indirect_dma semaphore(%run_scoped3A : memref<!tpu.dma_semaphore, #tpu.memory_space<semaphore_mem>>) src(%arg10 : memref<80x128xf32, #tpu.memory_space<vmem>>) dst(%dma_wait3A_49 : memref<10000x128xf32, #tpu.memory_space<vmem_shared>>)
        tpu.yield
      }) : () -> ()
    }
    %scan3A_13 = arith.constant 125 : i32
    %barrier3A_14 = arith.constant 0 : index
    tpu.barrier barrier_id(%barrier3A_14)
    %mul3A_15 = arith.constant 624 : i32
    %mul3A_16 = arith.muli %arg1, %mul3A_15 : i32
    %mul3A_17 = arith.constant 624 : i32
    %mul3A_18 = arith.muli %arg1, %mul3A_17 : i32
    "tpu.region"() ({
      %run_scoped3A = tpu.sem_alloc : memref<!tpu.dma_semaphore, #tpu.memory_space<semaphore_mem>>
      %dma_start3A = arith.constant 0 : i32
      %dma_start3A_24 = tpu.memref_slice %arg7[%arg0, %mul3A_18, %dma_start3A] : memref<2x10000x128xf32, #tpu.memory_space<hbm>> -> memref<1x624x128xf32, #tpu.memory_space<hbm>>
      %dma_start3A_25 = tpu.memref_squeeze %dma_start3A_24 : memref<1x624x128xf32, #tpu.memory_space<hbm>> -> memref<624x128xf32, #tpu.memory_space<hbm>>
      %dma_start3A_26 = arith.constant 0 : i32
      %dma_start3A_27 = tpu.memref_slice %arg12[%mul3A_16, %dma_start3A_26] : memref<10000x128xf32, #tpu.memory_space<vmem_shared>> -> memref<624x128xf32, #tpu.memory_space<vmem_shared>>
      tpu.enqueue_dma source(%dma_start3A_27 : memref<624x128xf32, #tpu.memory_space<vmem_shared>>) target(%dma_start3A_25 : memref<624x128xf32, #tpu.memory_space<hbm>>) target_semaphore(%run_scoped3A : memref<!tpu.dma_semaphore, #tpu.memory_space<semaphore_mem>>)
      %dma_wait3A = arith.constant 0 : i32
      %dma_wait3A_28 = tpu.memref_slice %arg7[%arg0, %mul3A_18, %dma_wait3A] : memref<2x10000x128xf32, #tpu.memory_space<hbm>> -> memref<1x624x128xf32, #tpu.memory_space<hbm>>
      %dma_wait3A_29 = tpu.memref_squeeze %dma_wait3A_28 : memref<1x624x128xf32, #tpu.memory_space<hbm>> -> memref<624x128xf32, #tpu.memory_space<hbm>>
      %dma_wait3A_30 = arith.constant 0 : i32
      %dma_wait3A_31 = tpu.memref_slice %arg12[%mul3A_16, %dma_wait3A_30] : memref<10000x128xf32, #tpu.memory_space<vmem_shared>> -> memref<624x128xf32, #tpu.memory_space<vmem_shared>>
      tpu.wait_dma2 semaphore(%run_scoped3A : memref<!tpu.dma_semaphore, #tpu.memory_space<semaphore_mem>>) src(%dma_wait3A_31 : memref<624x128xf32, #tpu.memory_space<vmem_shared>>) dst(%dma_wait3A_29 : memref<624x128xf32, #tpu.memory_space<hbm>>)
      tpu.yield
    }) : () -> ()
    %eq3A_19 = arith.constant 0 : i32
    %eq3A_20 = arith.cmpi eq, %arg1, %eq3A_19 : i32
    %convert_element_type3A_21 = arith.extui %eq3A_20 : i1 to i32
    %cond3A_22 = arith.constant 0 : i32
    %cond3A_23 = arith.cmpi ne, %convert_element_type3A_21, %cond3A_22 : i32
    scf.if %cond3A_23 {
      "tpu.region"() ({
        %run_scoped3A = tpu.sem_alloc : memref<!tpu.dma_semaphore, #tpu.memory_space<semaphore_mem>>
        %dma_start3A = arith.constant 9984 : i32
        %dma_start3A_24 = arith.constant 0 : i32
        %dma_start3A_25 = tpu.memref_slice %arg7[%arg0, %dma_start3A, %dma_start3A_24] : memref<2x10000x128xf32, #tpu.memory_space<hbm>> -> memref<1x16x128xf32, #tpu.memory_space<hbm>>
        %dma_start3A_26 = tpu.memref_squeeze %dma_start3A_25 : memref<1x16x128xf32, #tpu.memory_space<hbm>> -> memref<16x128xf32, #tpu.memory_space<hbm>>
        %dma_start3A_27 = arith.constant 9984 : i32
        %dma_start3A_28 = arith.constant 0 : i32
        %dma_start3A_29 = tpu.memref_slice %arg12[%dma_start3A_27, %dma_start3A_28] : memref<10000x128xf32, #tpu.memory_space<vmem_shared>> -> memref<16x128xf32, #tpu.memory_space<vmem_shared>>
        tpu.enqueue_dma source(%dma_start3A_29 : memref<16x128xf32, #tpu.memory_space<vmem_shared>>) target(%dma_start3A_26 : memref<16x128xf32, #tpu.memory_space<hbm>>) target_semaphore(%run_scoped3A : memref<!tpu.dma_semaphore, #tpu.memory_space<semaphore_mem>>)
        %dma_wait3A = arith.constant 9984 : i32
        %dma_wait3A_30 = arith.constant 0 : i32
        %dma_wait3A_31 = tpu.memref_slice %arg7[%arg0, %dma_wait3A, %dma_wait3A_30] : memref<2x10000x128xf32, #tpu.memory_space<hbm>> -> memref<1x16x128xf32, #tpu.memory_space<hbm>>
        %dma_wait3A_32 = tpu.memref_squeeze %dma_wait3A_31 : memref<1x16x128xf32, #tpu.memory_space<hbm>> -> memref<16x128xf32, #tpu.memory_space<hbm>>
        %dma_wait3A_33 = arith.constant 9984 : i32
        %dma_wait3A_34 = arith.constant 0 : i32
        %dma_wait3A_35 = tpu.memref_slice %arg12[%dma_wait3A_33, %dma_wait3A_34] : memref<10000x128xf32, #tpu.memory_space<vmem_shared>> -> memref<16x128xf32, #tpu.memory_space<vmem_shared>>
        tpu.wait_dma2 semaphore(%run_scoped3A : memref<!tpu.dma_semaphore, #tpu.memory_space<semaphore_mem>>) src(%dma_wait3A_35 : memref<16x128xf32, #tpu.memory_space<vmem_shared>>) dst(%dma_wait3A_32 : memref<16x128xf32, #tpu.memory_space<hbm>>)
        tpu.yield
      }) : () -> ()
    } else {
    }
    return
  }
}

#map = affine_map<(d0, d1) -> (0, 0)>
#map1 = affine_map<(d0, d1) -> (0)>
#map2 = affine_map<(d0, d1) -> (0, 0, 0)>
module attributes {stable_mosaic.version = 14 : i64} {
  func.func @edge_kernel(%arg0: i32, %arg1: i32, %arg2: memref<10000x128xf32, #tpu.memory_space<hbm>>, %arg3: memref<10000x128xf32, #tpu.memory_space<hbm>>, %arg4: memref<320000xi32, #tpu.memory_space<hbm>>, %arg5: memref<320000xi32, #tpu.memory_space<hbm>>, %arg6: memref<10000x128xf32, #tpu.memory_space<hbm>>, %arg7: memref<2x10000x128xf32, #tpu.memory_space<hbm>>, %arg8: memref<80xi32, #tpu.memory_space<vmem>>, %arg9: memref<80xi32, #tpu.memory_space<vmem>>, %arg10: memref<80x128xf32, #tpu.memory_space<vmem>>, %arg11: memref<80x128xf32, #tpu.memory_space<vmem>>, %arg12: memref<10000x128xf32, #tpu.memory_space<vmem_shared>>, %arg13: memref<!tpu.dma_semaphore, #tpu.memory_space<semaphore_mem>>, %arg14: memref<!tpu.dma_semaphore, #tpu.memory_space<semaphore_mem>>) attributes {dimension_semantics = [#tpu.dimension_semantics<core_parallel>, #tpu.dimension_semantics<subcore_parallel>], iteration_bounds = array<i64: 2, 16>, scalar_prefetch = 0 : i64, scratch_operands = 7 : i64, tpu.core_type = #tpu.core_type<sc_vector_subcore>, window_params = [{transform_indices = #map}, {transform_indices = #map}, {transform_indices = #map1}, {transform_indices = #map1}, {transform_indices = #map}, {transform_indices = #map2}]} {
    %mul3A = arith.constant 624 : i32
    %mul3A_0 = arith.muli %arg1, %mul3A : i32
    %mul3A_1 = arith.constant 624 : i32
    %mul3A_2 = arith.muli %arg1, %mul3A_1 : i32
    "tpu.region"() ({
      %run_scoped3A = tpu.sem_alloc : memref<!tpu.dma_semaphore, #tpu.memory_space<semaphore_mem>>
      %dma_start3A = arith.constant 0 : i32
      %dma_start3A_24 = tpu.memref_slice %arg12[%mul3A_2, %dma_start3A] : memref<10000x128xf32, #tpu.memory_space<vmem_shared>> -> memref<624x128xf32, #tpu.memory_space<vmem_shared>>
      %dma_start3A_25 = arith.constant 0 : i32
      %dma_start3A_26 = tpu.memref_slice %arg6[%mul3A_0, %dma_start3A_25] : memref<10000x128xf32, #tpu.memory_space<hbm>> -> memref<624x128xf32, #tpu.memory_space<hbm>>
      tpu.enqueue_dma source(%dma_start3A_26 : memref<624x128xf32, #tpu.memory_space<hbm>>) target(%dma_start3A_24 : memref<624x128xf32, #tpu.memory_space<vmem_shared>>) target_semaphore(%run_scoped3A : memref<!tpu.dma_semaphore, #tpu.memory_space<semaphore_mem>>)
      %dma_wait3A = arith.constant 0 : i32
      %dma_wait3A_27 = tpu.memref_slice %arg12[%mul3A_2, %dma_wait3A] : memref<10000x128xf32, #tpu.memory_space<vmem_shared>> -> memref<624x128xf32, #tpu.memory_space<vmem_shared>>
      %dma_wait3A_28 = arith.constant 0 : i32
      %dma_wait3A_29 = tpu.memref_slice %arg6[%mul3A_0, %dma_wait3A_28] : memref<10000x128xf32, #tpu.memory_space<hbm>> -> memref<624x128xf32, #tpu.memory_space<hbm>>
      tpu.wait_dma2 semaphore(%run_scoped3A : memref<!tpu.dma_semaphore, #tpu.memory_space<semaphore_mem>>) src(%dma_wait3A_29 : memref<624x128xf32, #tpu.memory_space<hbm>>) dst(%dma_wait3A_27 : memref<624x128xf32, #tpu.memory_space<vmem_shared>>)
      tpu.yield
    }) : () -> ()
    %eq3A = arith.constant 0 : i32
    %eq3A_3 = arith.cmpi eq, %arg1, %eq3A : i32
    %convert_element_type3A = arith.extui %eq3A_3 : i1 to i32
    %cond3A = arith.constant 0 : i32
    %cond3A_4 = arith.cmpi ne, %convert_element_type3A, %cond3A : i32
    scf.if %cond3A_4 {
      "tpu.region"() ({
        %run_scoped3A = tpu.sem_alloc : memref<!tpu.dma_semaphore, #tpu.memory_space<semaphore_mem>>
        %dma_start3A = arith.constant 9984 : i32
        %dma_start3A_24 = arith.constant 0 : i32
        %dma_start3A_25 = tpu.memref_slice %arg12[%dma_start3A, %dma_start3A_24] : memref<10000x128xf32, #tpu.memory_space<vmem_shared>> -> memref<16x128xf32, #tpu.memory_space<vmem_shared>>
        %dma_start3A_26 = arith.constant 9984 : i32
        %dma_start3A_27 = arith.constant 0 : i32
        %dma_start3A_28 = tpu.memref_slice %arg6[%dma_start3A_26, %dma_start3A_27] : memref<10000x128xf32, #tpu.memory_space<hbm>> -> memref<16x128xf32, #tpu.memory_space<hbm>>
        tpu.enqueue_dma source(%dma_start3A_28 : memref<16x128xf32, #tpu.memory_space<hbm>>) target(%dma_start3A_25 : memref<16x128xf32, #tpu.memory_space<vmem_shared>>) target_semaphore(%run_scoped3A : memref<!tpu.dma_semaphore, #tpu.memory_space<semaphore_mem>>)
        %dma_wait3A = arith.constant 9984 : i32
        %dma_wait3A_29 = arith.constant 0 : i32
        %dma_wait3A_30 = tpu.memref_slice %arg12[%dma_wait3A, %dma_wait3A_29] : memref<10000x128xf32, #tpu.memory_space<vmem_shared>> -> memref<16x128xf32, #tpu.memory_space<vmem_shared>>
        %dma_wait3A_31 = arith.constant 9984 : i32
        %dma_wait3A_32 = arith.constant 0 : i32
        %dma_wait3A_33 = tpu.memref_slice %arg6[%dma_wait3A_31, %dma_wait3A_32] : memref<10000x128xf32, #tpu.memory_space<hbm>> -> memref<16x128xf32, #tpu.memory_space<hbm>>
        tpu.wait_dma2 semaphore(%run_scoped3A : memref<!tpu.dma_semaphore, #tpu.memory_space<semaphore_mem>>) src(%dma_wait3A_33 : memref<16x128xf32, #tpu.memory_space<hbm>>) dst(%dma_wait3A_30 : memref<16x128xf32, #tpu.memory_space<vmem_shared>>)
        tpu.yield
      }) : () -> ()
    } else {
    }
    %barrier3A = arith.constant 0 : index
    tpu.barrier barrier_id(%barrier3A)
    %mul3A_5 = arith.constant 2 : i32
    %mul3A_6 = arith.muli %arg1, %mul3A_5 : i32
    %add3A = arith.addi %mul3A_6, %arg0 : i32
    %mul3A_7 = arith.constant 10000 : i32
    %mul3A_8 = arith.muli %add3A, %mul3A_7 : i32
    %scan3A = arith.constant 0 : i32
    %scan3A_9 = arith.constant 0 : i32
    %scan3A_10 = arith.constant 125 : i32
    %scan3A_11 = arith.addi %scan3A_9, %scan3A_10 : i32
    %scan3A_12 = arith.constant 1 : i32
    scf.for %scan3A_24 = %scan3A_9 to %scan3A_11 step %scan3A_12  : i32 {
      %mul3A_25 = arith.constant 80 : i32
      %mul3A_26 = arith.muli %scan3A_24, %mul3A_25 : i32
      %add3A_27 = arith.addi %mul3A_8, %mul3A_26 : i32
      "tpu.region"() ({
        %run_scoped3A = tpu.sem_alloc : memref<!tpu.dma_semaphore, #tpu.memory_space<semaphore_mem>>
        %dma_start3A_44 = tpu.memref_slice %arg4[%add3A_27] : memref<320000xi32, #tpu.memory_space<hbm>> -> memref<80xi32, #tpu.memory_space<hbm>>
        %dma_start3A_45 = tpu.memref_slice %arg4[%add3A_27] : memref<320000xi32, #tpu.memory_space<hbm>> -> memref<80xi32, #tpu.memory_space<hbm>>
        tpu.enqueue_dma source(%dma_start3A_45 : memref<80xi32, #tpu.memory_space<hbm>>) target(%arg8 : memref<80xi32, #tpu.memory_space<vmem>>) target_semaphore(%run_scoped3A : memref<!tpu.dma_semaphore, #tpu.memory_space<semaphore_mem>>)
        %dma_wait3A_46 = tpu.memref_slice %arg4[%add3A_27] : memref<320000xi32, #tpu.memory_space<hbm>> -> memref<80xi32, #tpu.memory_space<hbm>>
        %dma_wait3A_47 = tpu.memref_slice %arg4[%add3A_27] : memref<320000xi32, #tpu.memory_space<hbm>> -> memref<80xi32, #tpu.memory_space<hbm>>
        tpu.wait_dma2 semaphore(%run_scoped3A : memref<!tpu.dma_semaphore, #tpu.memory_space<semaphore_mem>>) src(%dma_wait3A_47 : memref<80xi32, #tpu.memory_space<hbm>>) dst(%arg8 : memref<80xi32, #tpu.memory_space<vmem>>)
        tpu.yield
      }) : () -> ()
      "tpu.region"() ({
        %run_scoped3A = tpu.sem_alloc : memref<!tpu.dma_semaphore, #tpu.memory_space<semaphore_mem>>
        %dma_start3A_44 = tpu.memref_slice %arg5[%add3A_27] : memref<320000xi32, #tpu.memory_space<hbm>> -> memref<80xi32, #tpu.memory_space<hbm>>
        %dma_start3A_45 = tpu.memref_slice %arg5[%add3A_27] : memref<320000xi32, #tpu.memory_space<hbm>> -> memref<80xi32, #tpu.memory_space<hbm>>
        tpu.enqueue_dma source(%dma_start3A_45 : memref<80xi32, #tpu.memory_space<hbm>>) target(%arg9 : memref<80xi32, #tpu.memory_space<vmem>>) target_semaphore(%run_scoped3A : memref<!tpu.dma_semaphore, #tpu.memory_space<semaphore_mem>>)
        %dma_wait3A_46 = tpu.memref_slice %arg5[%add3A_27] : memref<320000xi32, #tpu.memory_space<hbm>> -> memref<80xi32, #tpu.memory_space<hbm>>
        %dma_wait3A_47 = tpu.memref_slice %arg5[%add3A_27] : memref<320000xi32, #tpu.memory_space<hbm>> -> memref<80xi32, #tpu.memory_space<hbm>>
        tpu.wait_dma2 semaphore(%run_scoped3A : memref<!tpu.dma_semaphore, #tpu.memory_space<semaphore_mem>>) src(%dma_wait3A_47 : memref<80xi32, #tpu.memory_space<hbm>>) dst(%arg9 : memref<80xi32, #tpu.memory_space<vmem>>)
        tpu.yield
      }) : () -> ()
      %dma_start3A = arith.constant 0 : i32
      %dma_start3A_28 = arith.constant 0 : i32
      %dma_start3A_29 = tpu.memref_slice %arg2[%dma_start3A, %dma_start3A_28] : memref<10000x128xf32, #tpu.memory_space<hbm>> -> memref<10000x128xf32, #tpu.memory_space<hbm>>
      tpu.enqueue_indirect_dma source(%dma_start3A_29 : memref<10000x128xf32, #tpu.memory_space<hbm>>) target(%arg10 : memref<80x128xf32, #tpu.memory_space<vmem>>) offsets(%arg8 : memref<80xi32, #tpu.memory_space<vmem>>) semaphore(%arg13 : memref<!tpu.dma_semaphore, #tpu.memory_space<semaphore_mem>>)
      %dma_start3A_30 = arith.constant 0 : i32
      %dma_start3A_31 = arith.constant 0 : i32
      %dma_start3A_32 = tpu.memref_slice %arg3[%dma_start3A_30, %dma_start3A_31] : memref<10000x128xf32, #tpu.memory_space<hbm>> -> memref<10000x128xf32, #tpu.memory_space<hbm>>
      tpu.enqueue_indirect_dma source(%dma_start3A_32 : memref<10000x128xf32, #tpu.memory_space<hbm>>) target(%arg11 : memref<80x128xf32, #tpu.memory_space<vmem>>) offsets(%arg9 : memref<80xi32, #tpu.memory_space<vmem>>) semaphore(%arg14 : memref<!tpu.dma_semaphore, #tpu.memory_space<semaphore_mem>>)
      %dma_wait3A = arith.constant 0 : i32
      %dma_wait3A_33 = arith.constant 0 : i32
      %dma_wait3A_34 = tpu.memref_slice %arg2[%dma_wait3A, %dma_wait3A_33] : memref<10000x128xf32, #tpu.memory_space<hbm>> -> memref<10000x128xf32, #tpu.memory_space<hbm>>
      tpu.wait_indirect_dma semaphore(%arg13 : memref<!tpu.dma_semaphore, #tpu.memory_space<semaphore_mem>>) src(%dma_wait3A_34 : memref<10000x128xf32, #tpu.memory_space<hbm>>) dst(%arg10 : memref<80x128xf32, #tpu.memory_space<vmem>>)
      %dma_wait3A_35 = arith.constant 0 : i32
      %dma_wait3A_36 = arith.constant 0 : i32
      %dma_wait3A_37 = tpu.memref_slice %arg3[%dma_wait3A_35, %dma_wait3A_36] : memref<10000x128xf32, #tpu.memory_space<hbm>> -> memref<10000x128xf32, #tpu.memory_space<hbm>>
      tpu.wait_indirect_dma semaphore(%arg14 : memref<!tpu.dma_semaphore, #tpu.memory_space<semaphore_mem>>) src(%dma_wait3A_37 : memref<10000x128xf32, #tpu.memory_space<hbm>>) dst(%arg11 : memref<80x128xf32, #tpu.memory_space<vmem>>)
      %scan3A_38 = arith.constant 0 : i32
      %scan3A_39 = arith.constant 0 : i32
      %scan3A_40 = arith.constant 80 : i32
      %scan3A_41 = arith.addi %scan3A_39, %scan3A_40 : i32
      %scan3A_42 = arith.constant 1 : i32
      scf.for %scan3A_44 = %scan3A_39 to %scan3A_41 step %scan3A_42  : i32 {
        %get3A = arith.index_cast %scan3A_44 : i32 to index
        %get3A_45 = arith.constant 0 : index
        %get3A_46 = tpu.vector_load %arg10[%get3A, %get3A_45] {strides = array<i32>} : memref<80x128xf32, #tpu.memory_space<vmem>>, vector<1x16xf32>,
        %get3A_47 = vector.shape_cast %get3A_46 : vector<1x16xf32> to vector<16xf32>
        %get3A_48 = arith.index_cast %scan3A_44 : i32 to index
        %get3A_49 = arith.constant 0 : index
        %get3A_50 = tpu.vector_load %arg11[%get3A_48, %get3A_49] {strides = array<i32>} : memref<80x128xf32, #tpu.memory_space<vmem>>, vector<1x16xf32>,
        %get3A_51 = vector.shape_cast %get3A_50 : vector<1x16xf32> to vector<16xf32>
        %add3A_52 = arith.addf %get3A_47, %get3A_51 : vector<16xf32>
        %max3A = arith.constant 0.000000e+00 : f32
        %max3A_53 = vector.broadcast %max3A : f32 to vector<16xf32>
        %max3A_54 = arith.maximumf %add3A_52, %max3A_53 : vector<16xf32>
        %swap3A = arith.index_cast %scan3A_44 : i32 to index
        %swap3A_55 = arith.constant 0 : index
        %swap3A_56 = tpu.vector_load %arg10[%swap3A, %swap3A_55] {strides = array<i32>} : memref<80x128xf32, #tpu.memory_space<vmem>>, vector<1x16xf32>,
        %swap3A_57 = vector.shape_cast %swap3A_56 : vector<1x16xf32> to vector<16xf32>
        %swap3A_58 = vector.shape_cast %max3A_54 : vector<16xf32> to vector<1x16xf32>
        tpu.vector_store %arg10[%swap3A, %swap3A_55], %swap3A_58 {strides = array<i32>} : memref<80x128xf32, #tpu.memory_space<vmem>>, vector<1x16xf32>,
        %get3A_59 = arith.index_cast %scan3A_44 : i32 to index
        %get3A_60 = arith.constant 16 : index
        %get3A_61 = tpu.vector_load %arg10[%get3A_59, %get3A_60] {strides = array<i32>} : memref<80x128xf32, #tpu.memory_space<vmem>>, vector<1x16xf32>,
        %get3A_62 = vector.shape_cast %get3A_61 : vector<1x16xf32> to vector<16xf32>
        %get3A_63 = arith.index_cast %scan3A_44 : i32 to index
        %get3A_64 = arith.constant 16 : index
        %get3A_65 = tpu.vector_load %arg11[%get3A_63, %get3A_64] {strides = array<i32>} : memref<80x128xf32, #tpu.memory_space<vmem>>, vector<1x16xf32>,
        %get3A_66 = vector.shape_cast %get3A_65 : vector<1x16xf32> to vector<16xf32>
        %add3A_67 = arith.addf %get3A_62, %get3A_66 : vector<16xf32>
        %max3A_68 = arith.constant 0.000000e+00 : f32
        %max3A_69 = vector.broadcast %max3A_68 : f32 to vector<16xf32>
        %max3A_70 = arith.maximumf %add3A_67, %max3A_69 : vector<16xf32>
        %swap3A_71 = arith.index_cast %scan3A_44 : i32 to index
        %swap3A_72 = arith.constant 16 : index
        %swap3A_73 = tpu.vector_load %arg10[%swap3A_71, %swap3A_72] {strides = array<i32>} : memref<80x128xf32, #tpu.memory_space<vmem>>, vector<1x16xf32>,
        %swap3A_74 = vector.shape_cast %swap3A_73 : vector<1x16xf32> to vector<16xf32>
        %swap3A_75 = vector.shape_cast %max3A_70 : vector<16xf32> to vector<1x16xf32>
        tpu.vector_store %arg10[%swap3A_71, %swap3A_72], %swap3A_75 {strides = array<i32>} : memref<80x128xf32, #tpu.memory_space<vmem>>, vector<1x16xf32>,
        %get3A_76 = arith.index_cast %scan3A_44 : i32 to index
        %get3A_77 = arith.constant 32 : index
        %get3A_78 = tpu.vector_load %arg10[%get3A_76, %get3A_77] {strides = array<i32>} : memref<80x128xf32, #tpu.memory_space<vmem>>, vector<1x16xf32>,
        %get3A_79 = vector.shape_cast %get3A_78 : vector<1x16xf32> to vector<16xf32>
        %get3A_80 = arith.index_cast %scan3A_44 : i32 to index
        %get3A_81 = arith.constant 32 : index
        %get3A_82 = tpu.vector_load %arg11[%get3A_80, %get3A_81] {strides = array<i32>} : memref<80x128xf32, #tpu.memory_space<vmem>>, vector<1x16xf32>,
        %get3A_83 = vector.shape_cast %get3A_82 : vector<1x16xf32> to vector<16xf32>
        %add3A_84 = arith.addf %get3A_79, %get3A_83 : vector<16xf32>
        %max3A_85 = arith.constant 0.000000e+00 : f32
        %max3A_86 = vector.broadcast %max3A_85 : f32 to vector<16xf32>
        %max3A_87 = arith.maximumf %add3A_84, %max3A_86 : vector<16xf32>
        %swap3A_88 = arith.index_cast %scan3A_44 : i32 to index
        %swap3A_89 = arith.constant 32 : index
        %swap3A_90 = tpu.vector_load %arg10[%swap3A_88, %swap3A_89] {strides = array<i32>} : memref<80x128xf32, #tpu.memory_space<vmem>>, vector<1x16xf32>,
        %swap3A_91 = vector.shape_cast %swap3A_90 : vector<1x16xf32> to vector<16xf32>
        %swap3A_92 = vector.shape_cast %max3A_87 : vector<16xf32> to vector<1x16xf32>
        tpu.vector_store %arg10[%swap3A_88, %swap3A_89], %swap3A_92 {strides = array<i32>} : memref<80x128xf32, #tpu.memory_space<vmem>>, vector<1x16xf32>,
        %get3A_93 = arith.index_cast %scan3A_44 : i32 to index
        %get3A_94 = arith.constant 48 : index
        %get3A_95 = tpu.vector_load %arg10[%get3A_93, %get3A_94] {strides = array<i32>} : memref<80x128xf32, #tpu.memory_space<vmem>>, vector<1x16xf32>,
        %get3A_96 = vector.shape_cast %get3A_95 : vector<1x16xf32> to vector<16xf32>
        %get3A_97 = arith.index_cast %scan3A_44 : i32 to index
        %get3A_98 = arith.constant 48 : index
        %get3A_99 = tpu.vector_load %arg11[%get3A_97, %get3A_98] {strides = array<i32>} : memref<80x128xf32, #tpu.memory_space<vmem>>, vector<1x16xf32>,
        %get3A_100 = vector.shape_cast %get3A_99 : vector<1x16xf32> to vector<16xf32>
        %add3A_101 = arith.addf %get3A_96, %get3A_100 : vector<16xf32>
        %max3A_102 = arith.constant 0.000000e+00 : f32
        %max3A_103 = vector.broadcast %max3A_102 : f32 to vector<16xf32>
        %max3A_104 = arith.maximumf %add3A_101, %max3A_103 : vector<16xf32>
        %swap3A_105 = arith.index_cast %scan3A_44 : i32 to index
        %swap3A_106 = arith.constant 48 : index
        %swap3A_107 = tpu.vector_load %arg10[%swap3A_105, %swap3A_106] {strides = array<i32>} : memref<80x128xf32, #tpu.memory_space<vmem>>, vector<1x16xf32>,
        %swap3A_108 = vector.shape_cast %swap3A_107 : vector<1x16xf32> to vector<16xf32>
        %swap3A_109 = vector.shape_cast %max3A_104 : vector<16xf32> to vector<1x16xf32>
        tpu.vector_store %arg10[%swap3A_105, %swap3A_106], %swap3A_109 {strides = array<i32>} : memref<80x128xf32, #tpu.memory_space<vmem>>, vector<1x16xf32>,
        %get3A_110 = arith.index_cast %scan3A_44 : i32 to index
        %get3A_111 = arith.constant 64 : index
        %get3A_112 = tpu.vector_load %arg10[%get3A_110, %get3A_111] {strides = array<i32>} : memref<80x128xf32, #tpu.memory_space<vmem>>, vector<1x16xf32>,
        %get3A_113 = vector.shape_cast %get3A_112 : vector<1x16xf32> to vector<16xf32>
        %get3A_114 = arith.index_cast %scan3A_44 : i32 to index
        %get3A_115 = arith.constant 64 : index
        %get3A_116 = tpu.vector_load %arg11[%get3A_114, %get3A_115] {strides = array<i32>} : memref<80x128xf32, #tpu.memory_space<vmem>>, vector<1x16xf32>,
        %get3A_117 = vector.shape_cast %get3A_116 : vector<1x16xf32> to vector<16xf32>
        %add3A_118 = arith.addf %get3A_113, %get3A_117 : vector<16xf32>
        %max3A_119 = arith.constant 0.000000e+00 : f32
        %max3A_120 = vector.broadcast %max3A_119 : f32 to vector<16xf32>
        %max3A_121 = arith.maximumf %add3A_118, %max3A_120 : vector<16xf32>
        %swap3A_122 = arith.index_cast %scan3A_44 : i32 to index
        %swap3A_123 = arith.constant 64 : index
        %swap3A_124 = tpu.vector_load %arg10[%swap3A_122, %swap3A_123] {strides = array<i32>} : memref<80x128xf32, #tpu.memory_space<vmem>>, vector<1x16xf32>,
        %swap3A_125 = vector.shape_cast %swap3A_124 : vector<1x16xf32> to vector<16xf32>
        %swap3A_126 = vector.shape_cast %max3A_121 : vector<16xf32> to vector<1x16xf32>
        tpu.vector_store %arg10[%swap3A_122, %swap3A_123], %swap3A_126 {strides = array<i32>} : memref<80x128xf32, #tpu.memory_space<vmem>>, vector<1x16xf32>,
        %get3A_127 = arith.index_cast %scan3A_44 : i32 to index
        %get3A_128 = arith.constant 80 : index
        %get3A_129 = tpu.vector_load %arg10[%get3A_127, %get3A_128] {strides = array<i32>} : memref<80x128xf32, #tpu.memory_space<vmem>>, vector<1x16xf32>,
        %get3A_130 = vector.shape_cast %get3A_129 : vector<1x16xf32> to vector<16xf32>
        %get3A_131 = arith.index_cast %scan3A_44 : i32 to index
        %get3A_132 = arith.constant 80 : index
        %get3A_133 = tpu.vector_load %arg11[%get3A_131, %get3A_132] {strides = array<i32>} : memref<80x128xf32, #tpu.memory_space<vmem>>, vector<1x16xf32>,
        %get3A_134 = vector.shape_cast %get3A_133 : vector<1x16xf32> to vector<16xf32>
        %add3A_135 = arith.addf %get3A_130, %get3A_134 : vector<16xf32>
        %max3A_136 = arith.constant 0.000000e+00 : f32
        %max3A_137 = vector.broadcast %max3A_136 : f32 to vector<16xf32>
        %max3A_138 = arith.maximumf %add3A_135, %max3A_137 : vector<16xf32>
        %swap3A_139 = arith.index_cast %scan3A_44 : i32 to index
        %swap3A_140 = arith.constant 80 : index
        %swap3A_141 = tpu.vector_load %arg10[%swap3A_139, %swap3A_140] {strides = array<i32>} : memref<80x128xf32, #tpu.memory_space<vmem>>, vector<1x16xf32>,
        %swap3A_142 = vector.shape_cast %swap3A_141 : vector<1x16xf32> to vector<16xf32>
        %swap3A_143 = vector.shape_cast %max3A_138 : vector<16xf32> to vector<1x16xf32>
        tpu.vector_store %arg10[%swap3A_139, %swap3A_140], %swap3A_143 {strides = array<i32>} : memref<80x128xf32, #tpu.memory_space<vmem>>, vector<1x16xf32>,
        %get3A_144 = arith.index_cast %scan3A_44 : i32 to index
        %get3A_145 = arith.constant 96 : index
        %get3A_146 = tpu.vector_load %arg10[%get3A_144, %get3A_145] {strides = array<i32>} : memref<80x128xf32, #tpu.memory_space<vmem>>, vector<1x16xf32>,
        %get3A_147 = vector.shape_cast %get3A_146 : vector<1x16xf32> to vector<16xf32>
        %get3A_148 = arith.index_cast %scan3A_44 : i32 to index
        %get3A_149 = arith.constant 96 : index
        %get3A_150 = tpu.vector_load %arg11[%get3A_148, %get3A_149] {strides = array<i32>} : memref<80x128xf32, #tpu.memory_space<vmem>>, vector<1x16xf32>,
        %get3A_151 = vector.shape_cast %get3A_150 : vector<1x16xf32> to vector<16xf32>
        %add3A_152 = arith.addf %get3A_147, %get3A_151 : vector<16xf32>
        %max3A_153 = arith.constant 0.000000e+00 : f32
        %max3A_154 = vector.broadcast %max3A_153 : f32 to vector<16xf32>
        %max3A_155 = arith.maximumf %add3A_152, %max3A_154 : vector<16xf32>
        %swap3A_156 = arith.index_cast %scan3A_44 : i32 to index
        %swap3A_157 = arith.constant 96 : index
        %swap3A_158 = tpu.vector_load %arg10[%swap3A_156, %swap3A_157] {strides = array<i32>} : memref<80x128xf32, #tpu.memory_space<vmem>>, vector<1x16xf32>,
        %swap3A_159 = vector.shape_cast %swap3A_158 : vector<1x16xf32> to vector<16xf32>
        %swap3A_160 = vector.shape_cast %max3A_155 : vector<16xf32> to vector<1x16xf32>
        tpu.vector_store %arg10[%swap3A_156, %swap3A_157], %swap3A_160 {strides = array<i32>} : memref<80x128xf32, #tpu.memory_space<vmem>>, vector<1x16xf32>,
        %get3A_161 = arith.index_cast %scan3A_44 : i32 to index
        %get3A_162 = arith.constant 112 : index
        %get3A_163 = tpu.vector_load %arg10[%get3A_161, %get3A_162] {strides = array<i32>} : memref<80x128xf32, #tpu.memory_space<vmem>>, vector<1x16xf32>,
        %get3A_164 = vector.shape_cast %get3A_163 : vector<1x16xf32> to vector<16xf32>
        %get3A_165 = arith.index_cast %scan3A_44 : i32 to index
        %get3A_166 = arith.constant 112 : index
        %get3A_167 = tpu.vector_load %arg11[%get3A_165, %get3A_166] {strides = array<i32>} : memref<80x128xf32, #tpu.memory_space<vmem>>, vector<1x16xf32>,
        %get3A_168 = vector.shape_cast %get3A_167 : vector<1x16xf32> to vector<16xf32>
        %add3A_169 = arith.addf %get3A_164, %get3A_168 : vector<16xf32>
        %max3A_170 = arith.constant 0.000000e+00 : f32
        %max3A_171 = vector.broadcast %max3A_170 : f32 to vector<16xf32>
        %max3A_172 = arith.maximumf %add3A_169, %max3A_171 : vector<16xf32>
        %swap3A_173 = arith.index_cast %scan3A_44 : i32 to index
        %swap3A_174 = arith.constant 112 : index
        %swap3A_175 = tpu.vector_load %arg10[%swap3A_173, %swap3A_174] {strides = array<i32>} : memref<80x128xf32, #tpu.memory_space<vmem>>, vector<1x16xf32>,
        %swap3A_176 = vector.shape_cast %swap3A_175 : vector<1x16xf32> to vector<16xf32>
        %swap3A_177 = vector.shape_cast %max3A_172 : vector<16xf32> to vector<1x16xf32>
        tpu.vector_store %arg10[%swap3A_173, %swap3A_174], %swap3A_177 {strides = array<i32>} : memref<80x128xf32, #tpu.memory_space<vmem>>, vector<1x16xf32>,
      }
      %scan3A_43 = arith.constant 80 : i32
      "tpu.region"() ({
        %run_scoped3A = tpu.sem_alloc : memref<!tpu.dma_semaphore, #tpu.memory_space<semaphore_mem>>
        %dma_start3A_44 = arith.constant 0 : i32
        %dma_start3A_45 = arith.constant 0 : i32
        %dma_start3A_46 = tpu.memref_slice %arg12[%dma_start3A_44, %dma_start3A_45] : memref<10000x128xf32, #tpu.memory_space<vmem_shared>> -> memref<10000x128xf32, #tpu.memory_space<vmem_shared>>
        tpu.enqueue_indirect_dma source(%arg10 : memref<80x128xf32, #tpu.memory_space<vmem>>) target(%dma_start3A_46 : memref<10000x128xf32, #tpu.memory_space<vmem_shared>>) offsets(%arg8 : memref<80xi32, #tpu.memory_space<vmem>>) semaphore(%run_scoped3A : memref<!tpu.dma_semaphore, #tpu.memory_space<semaphore_mem>>) {add = true}
        %dma_wait3A_47 = arith.constant 0 : i32
        %dma_wait3A_48 = arith.constant 0 : i32
        %dma_wait3A_49 = tpu.memref_slice %arg12[%dma_wait3A_47, %dma_wait3A_48] : memref<10000x128xf32, #tpu.memory_space<vmem_shared>> -> memref<10000x128xf32, #tpu.memory_space<vmem_shared>>
        tpu.wait_indirect_dma semaphore(%run_scoped3A : memref<!tpu.dma_semaphore, #tpu.memory_space<semaphore_mem>>) src(%arg10 : memref<80x128xf32, #tpu.memory_space<vmem>>) dst(%dma_wait3A_49 : memref<10000x128xf32, #tpu.memory_space<vmem_shared>>)
        tpu.yield
      }) : () -> ()
    }
    %scan3A_13 = arith.constant 125 : i32
    %barrier3A_14 = arith.constant 0 : index
    tpu.barrier barrier_id(%barrier3A_14)
    %mul3A_15 = arith.constant 624 : i32
    %mul3A_16 = arith.muli %arg1, %mul3A_15 : i32
    %mul3A_17 = arith.constant 624 : i32
    %mul3A_18 = arith.muli %arg1, %mul3A_17 : i32
    "tpu.region"() ({
      %run_scoped3A = tpu.sem_alloc : memref<!tpu.dma_semaphore, #tpu.memory_space<semaphore_mem>>
      %dma_start3A = arith.constant 0 : i32
      %dma_start3A_24 = tpu.memref_slice %arg7[%arg0, %mul3A_18, %dma_start3A] : memref<2x10000x128xf32, #tpu.memory_space<hbm>> -> memref<1x624x128xf32, #tpu.memory_space<hbm>>
      %dma_start3A_25 = tpu.memref_squeeze %dma_start3A_24 : memref<1x624x128xf32, #tpu.memory_space<hbm>> -> memref<624x128xf32, #tpu.memory_space<hbm>>
      %dma_start3A_26 = arith.constant 0 : i32
      %dma_start3A_27 = tpu.memref_slice %arg12[%mul3A_16, %dma_start3A_26] : memref<10000x128xf32, #tpu.memory_space<vmem_shared>> -> memref<624x128xf32, #tpu.memory_space<vmem_shared>>
      tpu.enqueue_dma source(%dma_start3A_27 : memref<624x128xf32, #tpu.memory_space<vmem_shared>>) target(%dma_start3A_25 : memref<624x128xf32, #tpu.memory_space<hbm>>) target_semaphore(%run_scoped3A : memref<!tpu.dma_semaphore, #tpu.memory_space<semaphore_mem>>)
      %dma_wait3A = arith.constant 0 : i32
      %dma_wait3A_28 = tpu.memref_slice %arg7[%arg0, %mul3A_18, %dma_wait3A] : memref<2x10000x128xf32, #tpu.memory_space<hbm>> -> memref<1x624x128xf32, #tpu.memory_space<hbm>>
      %dma_wait3A_29 = tpu.memref_squeeze %dma_wait3A_28 : memref<1x624x128xf32, #tpu.memory_space<hbm>> -> memref<624x128xf32, #tpu.memory_space<hbm>>
      %dma_wait3A_30 = arith.constant 0 : i32
      %dma_wait3A_31 = tpu.memref_slice %arg12[%mul3A_16, %dma_wait3A_30] : memref<10000x128xf32, #tpu.memory_space<vmem_shared>> -> memref<624x128xf32, #tpu.memory_space<vmem_shared>>
      tpu.wait_dma2 semaphore(%run_scoped3A : memref<!tpu.dma_semaphore, #tpu.memory_space<semaphore_mem>>) src(%dma_wait3A_31 : memref<624x128xf32, #tpu.memory_space<vmem_shared>>) dst(%dma_wait3A_29 : memref<624x128xf32, #tpu.memory_space<hbm>>)
      tpu.yield
    }) : () -> ()
    %eq3A_19 = arith.constant 0 : i32
    %eq3A_20 = arith.cmpi eq, %arg1, %eq3A_19 : i32
    %convert_element_type3A_21 = arith.extui %eq3A_20 : i1 to i32
    %cond3A_22 = arith.constant 0 : i32
    %cond3A_23 = arith.cmpi ne, %convert_element_type3A_21, %cond3A_22 : i32
    scf.if %cond3A_23 {
      "tpu.region"() ({
        %run_scoped3A = tpu.sem_alloc : memref<!tpu.dma_semaphore, #tpu.memory_space<semaphore_mem>>
        %dma_start3A = arith.constant 9984 : i32
        %dma_start3A_24 = arith.constant 0 : i32
        %dma_start3A_25 = tpu.memref_slice %arg7[%arg0, %dma_start3A, %dma_start3A_24] : memref<2x10000x128xf32, #tpu.memory_space<hbm>> -> memref<1x16x128xf32, #tpu.memory_space<hbm>>
        %dma_start3A_26 = tpu.memref_squeeze %dma_start3A_25 : memref<1x16x128xf32, #tpu.memory_space<hbm>> -> memref<16x128xf32, #tpu.memory_space<hbm>>
        %dma_start3A_27 = arith.constant 9984 : i32
        %dma_start3A_28 = arith.constant 0 : i32
        %dma_start3A_29 = tpu.memref_slice %arg12[%dma_start3A_27, %dma_start3A_28] : memref<10000x128xf32, #tpu.memory_space<vmem_shared>> -> memref<16x128xf32, #tpu.memory_space<vmem_shared>>
        tpu.enqueue_dma source(%dma_start3A_29 : memref<16x128xf32, #tpu.memory_space<vmem_shared>>) target(%dma_start3A_26 : memref<16x128xf32, #tpu.memory_space<hbm>>) target_semaphore(%run_scoped3A : memref<!tpu.dma_semaphore, #tpu.memory_space<semaphore_mem>>)
        %dma_wait3A = arith.constant 9984 : i32
        %dma_wait3A_30 = arith.constant 0 : i32
        %dma_wait3A_31 = tpu.memref_slice %arg7[%arg0, %dma_wait3A, %dma_wait3A_30] : memref<2x10000x128xf32, #tpu.memory_space<hbm>> -> memref<1x16x128xf32, #tpu.memory_space<hbm>>
        %dma_wait3A_32 = tpu.memref_squeeze %dma_wait3A_31 : memref<1x16x128xf32, #tpu.memory_space<hbm>> -> memref<16x128xf32, #tpu.memory_space<hbm>>
        %dma_wait3A_33 = arith.constant 9984 : i32
        %dma_wait3A_34 = arith.constant 0 : i32
        %dma_wait3A_35 = tpu.memref_slice %arg12[%dma_wait3A_33, %dma_wait3A_34] : memref<10000x128xf32, #tpu.memory_space<vmem_shared>> -> memref<16x128xf32, #tpu.memory_space<vmem_shared>>
        tpu.wait_dma2 semaphore(%run_scoped3A : memref<!tpu.dma_semaphore, #tpu.memory_space<semaphore_mem>>) src(%dma_wait3A_35 : memref<16x128xf32, #tpu.memory_space<vmem_shared>>) dst(%dma_wait3A_32 : memref<16x128xf32, #tpu.memory_space<hbm>>)
        tpu.yield
      }) : () -> ()
    } else {
    }
    return
  }
}

module attributes {stable_mosaic.version = 14 : i64} {
  func.func @body(%arg0: i32, %arg1: memref<1000x128xf32, #tpu.memory_space<vmem>>, %arg2: memref<128x128xf32, #tpu.memory_space<vmem>>, %arg3: memref<1x128xf32, #tpu.memory_space<vmem>>, %arg4: memref<128x128xf32, #tpu.memory_space<vmem>>, %arg5: memref<1x128xf32, #tpu.memory_space<vmem>>, %arg6: memref<128x128xf32, #tpu.memory_space<vmem>>, %arg7: memref<1x128xf32, #tpu.memory_space<vmem>>, %arg8: memref<128x128xf32, #tpu.memory_space<vmem>>, %arg9: memref<1000x128xf32, #tpu.memory_space<vmem>>, %arg10: memref<1000x128xf32, #tpu.memory_space<vmem>>, %arg11: memref<1000x128xf32, #tpu.memory_space<vmem>>) attributes {dimension_semantics = [#tpu.dimension_semantics<arbitrary>], iteration_bounds = array<i64: 10>, scalar_prefetch = 0 : i64, scratch_operands = 0 : i64, tpu.core_type = #tpu.core_type<tc>, window_params = [{transform_indices = @transform_0, window_bounds = array<i64: 1000, 128>}, {pipeline_mode = #tpu.pipeline_mode<synchronous>, transform_indices = @transform_1, window_bounds = array<i64: 128, 128>}, {pipeline_mode = #tpu.pipeline_mode<synchronous>, transform_indices = @transform_2, window_bounds = array<i64: 1, 128>}, {pipeline_mode = #tpu.pipeline_mode<synchronous>, transform_indices = @transform_3, window_bounds = array<i64: 128, 128>}, {pipeline_mode = #tpu.pipeline_mode<synchronous>, transform_indices = @transform_4, window_bounds = array<i64: 1, 128>}, {pipeline_mode = #tpu.pipeline_mode<synchronous>, transform_indices = @transform_5, window_bounds = array<i64: 128, 128>}, {pipeline_mode = #tpu.pipeline_mode<synchronous>, transform_indices = @transform_6, window_bounds = array<i64: 1, 128>}, {pipeline_mode = #tpu.pipeline_mode<synchronous>, transform_indices = @transform_7, window_bounds = array<i64: 128, 128>}, {transform_indices = @transform_8, window_bounds = array<i64: 1000, 128>}, {transform_indices = @transform_9, window_bounds = array<i64: 1000, 128>}, {transform_indices = @transform_10, window_bounds = array<i64: 1000, 128>}]} {
    %get3A = arith.constant 0 : index
    %get3A_0 = arith.constant 0 : index
    %get3A_1 = vector.load %arg1[%get3A, %get3A_0] : memref<1000x128xf32, #tpu.memory_space<vmem>>, vector<1000x128xf32>
    %get3A_2 = arith.constant 0 : index
    %get3A_3 = arith.constant 0 : index
    %get3A_4 = vector.load %arg2[%get3A_2, %get3A_3] : memref<128x128xf32, #tpu.memory_space<vmem>>, vector<128x128xf32>
    %dot_general3A = arith.constant dense<0.000000e+00> : vector<1000x128xf32>
    %dot_general3A_5 = tpu.matmul %get3A_1, %get3A_4, %dot_general3A {dimension_numbers = #tpu.dot_dimension_numbers<[1], [0], [0], [1], [0, 0, 1, 1], [], []>, precision = #tpu.contract_precision<fp32>, transpose_lhs_hint = false} : vector<1000x128xf32>, vector<128x128xf32>, vector<1000x128xf32> -> vector<1000x128xf32>
    %get3A_6 = arith.constant 0 : index
    %get3A_7 = arith.constant 0 : index
    %get3A_8 = vector.load %arg3[%get3A_6, %get3A_7] : memref<1x128xf32, #tpu.memory_space<vmem>>, vector<1x128xf32>
    %add3A = vector.broadcast %get3A_8 : vector<1x128xf32> to vector<1000x128xf32>
    %add3A_9 = arith.addf %dot_general3A_5, %add3A : vector<1000x128xf32>
    %max3A = arith.constant 0.000000e+00 : f32
    %max3A_10 = vector.broadcast %max3A : f32 to vector<1000x128xf32>
    %max3A_11 = arith.maximumf %add3A_9, %max3A_10 : vector<1000x128xf32>
    %get3A_12 = arith.constant 0 : index
    %get3A_13 = arith.constant 0 : index
    %get3A_14 = vector.load %arg4[%get3A_12, %get3A_13] : memref<128x128xf32, #tpu.memory_space<vmem>>, vector<128x128xf32>
    %dot_general3A_15 = arith.constant dense<0.000000e+00> : vector<1000x128xf32>
    %dot_general3A_16 = tpu.matmul %max3A_11, %get3A_14, %dot_general3A_15 {dimension_numbers = #tpu.dot_dimension_numbers<[1], [0], [0], [1], [0, 0, 1, 1], [], []>, precision = #tpu.contract_precision<fp32>, transpose_lhs_hint = false} : vector<1000x128xf32>, vector<128x128xf32>, vector<1000x128xf32> -> vector<1000x128xf32>
    %get3A_17 = arith.constant 0 : index
    %get3A_18 = arith.constant 0 : index
    %get3A_19 = vector.load %arg5[%get3A_17, %get3A_18] : memref<1x128xf32, #tpu.memory_space<vmem>>, vector<1x128xf32>
    %add3A_20 = vector.broadcast %get3A_19 : vector<1x128xf32> to vector<1000x128xf32>
    %add3A_21 = arith.addf %dot_general3A_16, %add3A_20 : vector<1000x128xf32>
    %swap3A = arith.constant 0 : index
    %swap3A_22 = arith.constant 0 : index
    %swap3A_23 = vector.load %arg9[%swap3A, %swap3A_22] : memref<1000x128xf32, #tpu.memory_space<vmem>>, vector<1000x128xf32>
    tpu.vector_store %arg9[%swap3A, %swap3A_22], %add3A_21 {strides = array<i32>} : memref<1000x128xf32, #tpu.memory_space<vmem>>, vector<1000x128xf32>,
    %get3A_24 = arith.constant 0 : index
    %get3A_25 = arith.constant 0 : index
    %get3A_26 = vector.load %arg6[%get3A_24, %get3A_25] : memref<128x128xf32, #tpu.memory_space<vmem>>, vector<128x128xf32>
    %dot_general3A_27 = arith.constant dense<0.000000e+00> : vector<1000x128xf32>
    %dot_general3A_28 = tpu.matmul %add3A_21, %get3A_26, %dot_general3A_27 {dimension_numbers = #tpu.dot_dimension_numbers<[1], [0], [0], [1], [0, 0, 1, 1], [], []>, precision = #tpu.contract_precision<fp32>, transpose_lhs_hint = false} : vector<1000x128xf32>, vector<128x128xf32>, vector<1000x128xf32> -> vector<1000x128xf32>
    %get3A_29 = arith.constant 0 : index
    %get3A_30 = arith.constant 0 : index
    %get3A_31 = vector.load %arg7[%get3A_29, %get3A_30] : memref<1x128xf32, #tpu.memory_space<vmem>>, vector<1x128xf32>
    %add3A_32 = vector.broadcast %get3A_31 : vector<1x128xf32> to vector<1000x128xf32>
    %add3A_33 = arith.addf %dot_general3A_28, %add3A_32 : vector<1000x128xf32>
    %swap3A_34 = arith.constant 0 : index
    %swap3A_35 = arith.constant 0 : index
    %swap3A_36 = vector.load %arg10[%swap3A_34, %swap3A_35] : memref<1000x128xf32, #tpu.memory_space<vmem>>, vector<1000x128xf32>
    tpu.vector_store %arg10[%swap3A_34, %swap3A_35], %add3A_33 {strides = array<i32>} : memref<1000x128xf32, #tpu.memory_space<vmem>>, vector<1000x128xf32>,
    %get3A_37 = arith.constant 0 : index
    %get3A_38 = arith.constant 0 : index
    %get3A_39 = vector.load %arg8[%get3A_37, %get3A_38] : memref<128x128xf32, #tpu.memory_space<vmem>>, vector<128x128xf32>
    %dot_general3A_40 = arith.constant dense<0.000000e+00> : vector<1000x128xf32>
    %dot_general3A_41 = tpu.matmul %add3A_21, %get3A_39, %dot_general3A_40 {dimension_numbers = #tpu.dot_dimension_numbers<[1], [0], [0], [1], [0, 0, 1, 1], [], []>, precision = #tpu.contract_precision<fp32>, transpose_lhs_hint = false} : vector<1000x128xf32>, vector<128x128xf32>, vector<1000x128xf32> -> vector<1000x128xf32>
    %swap3A_42 = arith.constant 0 : index
    %swap3A_43 = arith.constant 0 : index
    %swap3A_44 = vector.load %arg11[%swap3A_42, %swap3A_43] : memref<1000x128xf32, #tpu.memory_space<vmem>>, vector<1000x128xf32>
    tpu.vector_store %arg11[%swap3A_42, %swap3A_43], %dot_general3A_41 {strides = array<i32>} : memref<1000x128xf32, #tpu.memory_space<vmem>>, vector<1000x128xf32>,
    return
  }
  func.func @transform_0(%arg0: i32) -> (i32, i32) {
    %c0_i32 = arith.constant 0 : i32
    %c0_i32_0 = arith.constant 0 : i32
    return %arg0, %c0_i32 : i32, i32
  }
  func.func @transform_1(%arg0: i32) -> (i32, i32) {
    %c0_i32 = arith.constant 0 : i32
    %c0_i32_0 = arith.constant 0 : i32
    %c0_i32_1 = arith.constant 0 : i32
    return %c0_i32, %c0_i32_0 : i32, i32
  }
  func.func @transform_2(%arg0: i32) -> (i32, i32) {
    %c0_i32 = arith.constant 0 : i32
    %c0_i32_0 = arith.constant 0 : i32
    %c0_i32_1 = arith.constant 0 : i32
    return %c0_i32, %c0_i32_0 : i32, i32
  }
  func.func @transform_3(%arg0: i32) -> (i32, i32) {
    %c0_i32 = arith.constant 0 : i32
    %c0_i32_0 = arith.constant 0 : i32
    %c0_i32_1 = arith.constant 0 : i32
    return %c0_i32, %c0_i32_0 : i32, i32
  }
  func.func @transform_4(%arg0: i32) -> (i32, i32) {
    %c0_i32 = arith.constant 0 : i32
    %c0_i32_0 = arith.constant 0 : i32
    %c0_i32_1 = arith.constant 0 : i32
    return %c0_i32, %c0_i32_0 : i32, i32
  }
  func.func @transform_5(%arg0: i32) -> (i32, i32) {
    %c0_i32 = arith.constant 0 : i32
    %c0_i32_0 = arith.constant 0 : i32
    %c0_i32_1 = arith.constant 0 : i32
    return %c0_i32, %c0_i32_0 : i32, i32
  }
  func.func @transform_6(%arg0: i32) -> (i32, i32) {
    %c0_i32 = arith.constant 0 : i32
    %c0_i32_0 = arith.constant 0 : i32
    %c0_i32_1 = arith.constant 0 : i32
    return %c0_i32, %c0_i32_0 : i32, i32
  }
  func.func @transform_7(%arg0: i32) -> (i32, i32) {
    %c0_i32 = arith.constant 0 : i32
    %c0_i32_0 = arith.constant 0 : i32
    %c0_i32_1 = arith.constant 0 : i32
    return %c0_i32, %c0_i32_0 : i32, i32
  }
  func.func @transform_8(%arg0: i32) -> (i32, i32) {
    %c0_i32 = arith.constant 0 : i32
    %c0_i32_0 = arith.constant 0 : i32
    return %arg0, %c0_i32 : i32, i32
  }
  func.func @transform_9(%arg0: i32) -> (i32, i32) {
    %c0_i32 = arith.constant 0 : i32
    %c0_i32_0 = arith.constant 0 : i32
    return %arg0, %c0_i32 : i32, i32
  }
  func.func @transform_10(%arg0: i32) -> (i32, i32) {
    %c0_i32 = arith.constant 0 : i32
    %c0_i32_0 = arith.constant 0 : i32
    return %arg0, %c0_i32 : i32, i32
  }
}

module attributes {stable_mosaic.version = 14 : i64} {
  func.func @body(%arg0: i32, %arg1: memref<1000x128xf32, #tpu.memory_space<vmem>>, %arg2: memref<1000x128xf32, #tpu.memory_space<vmem>>, %arg3: memref<1000x128xf32, #tpu.memory_space<vmem>>, %arg4: memref<128x128xf32, #tpu.memory_space<vmem>>, %arg5: memref<128x128xf32, #tpu.memory_space<vmem>>, %arg6: memref<128x128xf32, #tpu.memory_space<vmem>>, %arg7: memref<1x128xf32, #tpu.memory_space<vmem>>, %arg8: memref<128x128xf32, #tpu.memory_space<vmem>>, %arg9: memref<1x128xf32, #tpu.memory_space<vmem>>, %arg10: memref<128x128xf32, #tpu.memory_space<vmem>>, %arg11: memref<1x128xf32, #tpu.memory_space<vmem>>, %arg12: memref<128x128xf32, #tpu.memory_space<vmem>>, %arg13: memref<1000x128xf32, #tpu.memory_space<vmem>>, %arg14: memref<1000x128xf32, #tpu.memory_space<vmem>>, %arg15: memref<1000x128xf32, #tpu.memory_space<vmem>>) attributes {dimension_semantics = [#tpu.dimension_semantics<arbitrary>], iteration_bounds = array<i64: 10>, scalar_prefetch = 0 : i64, scratch_operands = 0 : i64, tpu.core_type = #tpu.core_type<tc>, window_params = [{transform_indices = @transform_0, window_bounds = array<i64: 1000, 128>}, {transform_indices = @transform_1, window_bounds = array<i64: 1000, 128>}, {transform_indices = @transform_2, window_bounds = array<i64: 1000, 128>}, {pipeline_mode = #tpu.pipeline_mode<synchronous>, transform_indices = @transform_3, window_bounds = array<i64: 128, 128>}, {pipeline_mode = #tpu.pipeline_mode<synchronous>, transform_indices = @transform_4, window_bounds = array<i64: 128, 128>}, {pipeline_mode = #tpu.pipeline_mode<synchronous>, transform_indices = @transform_5, window_bounds = array<i64: 128, 128>}, {pipeline_mode = #tpu.pipeline_mode<synchronous>, transform_indices = @transform_6, window_bounds = array<i64: 1, 128>}, {pipeline_mode = #tpu.pipeline_mode<synchronous>, transform_indices = @transform_7, window_bounds = array<i64: 128, 128>}, {pipeline_mode = #tpu.pipeline_mode<synchronous>, transform_indices = @transform_8, window_bounds = array<i64: 1, 128>}, {pipeline_mode = #tpu.pipeline_mode<synchronous>, transform_indices = @transform_9, window_bounds = array<i64: 128, 128>}, {pipeline_mode = #tpu.pipeline_mode<synchronous>, transform_indices = @transform_10, window_bounds = array<i64: 1, 128>}, {pipeline_mode = #tpu.pipeline_mode<synchronous>, transform_indices = @transform_11, window_bounds = array<i64: 128, 128>}, {transform_indices = @transform_12, window_bounds = array<i64: 1000, 128>}, {transform_indices = @transform_13, window_bounds = array<i64: 1000, 128>}, {transform_indices = @transform_14, window_bounds = array<i64: 1000, 128>}]} {
    %get3A = arith.constant 0 : index
    %get3A_0 = arith.constant 0 : index
    %get3A_1 = vector.load %arg2[%get3A, %get3A_0] : memref<1000x128xf32, #tpu.memory_space<vmem>>, vector<1000x128xf32>
    %get3A_2 = arith.constant 0 : index
    %get3A_3 = arith.constant 0 : index
    %get3A_4 = vector.load %arg3[%get3A_2, %get3A_3] : memref<1000x128xf32, #tpu.memory_space<vmem>>, vector<1000x128xf32>
    %add3A = arith.addf %get3A_1, %get3A_4 : vector<1000x128xf32>
    %get3A_5 = arith.constant 0 : index
    %get3A_6 = arith.constant 0 : index
    %get3A_7 = vector.load %arg4[%get3A_5, %get3A_6] : memref<128x128xf32, #tpu.memory_space<vmem>>, vector<128x128xf32>
    %dot_general3A = arith.constant dense<0.000000e+00> : vector<1000x128xf32>
    %dot_general3A_8 = tpu.matmul %add3A, %get3A_7, %dot_general3A {dimension_numbers = #tpu.dot_dimension_numbers<[1], [0], [0], [1], [0, 0, 1, 1], [], []>, precision = #tpu.contract_precision<fp32>, transpose_lhs_hint = false} : vector<1000x128xf32>, vector<128x128xf32>, vector<1000x128xf32> -> vector<1000x128xf32>
    %get3A_9 = arith.constant 0 : index
    %get3A_10 = arith.constant 0 : index
    %get3A_11 = vector.load %arg1[%get3A_9, %get3A_10] : memref<1000x128xf32, #tpu.memory_space<vmem>>, vector<1000x128xf32>
    %get3A_12 = arith.constant 0 : index
    %get3A_13 = arith.constant 0 : index
    %get3A_14 = vector.load %arg5[%get3A_12, %get3A_13] : memref<128x128xf32, #tpu.memory_space<vmem>>, vector<128x128xf32>
    %dot_general3A_15 = arith.constant dense<0.000000e+00> : vector<1000x128xf32>
    %dot_general3A_16 = tpu.matmul %get3A_11, %get3A_14, %dot_general3A_15 {dimension_numbers = #tpu.dot_dimension_numbers<[1], [0], [0], [1], [0, 0, 1, 1], [], []>, precision = #tpu.contract_precision<fp32>, transpose_lhs_hint = false} : vector<1000x128xf32>, vector<128x128xf32>, vector<1000x128xf32> -> vector<1000x128xf32>
    %get3A_17 = arith.constant 0 : index
    %get3A_18 = arith.constant 0 : index
    %get3A_19 = vector.load %arg6[%get3A_17, %get3A_18] : memref<128x128xf32, #tpu.memory_space<vmem>>, vector<128x128xf32>
    %dot_general3A_20 = arith.constant dense<0.000000e+00> : vector<1000x128xf32>
    %dot_general3A_21 = tpu.matmul %dot_general3A_8, %get3A_19, %dot_general3A_20 {dimension_numbers = #tpu.dot_dimension_numbers<[1], [0], [0], [1], [0, 0, 1, 1], [], []>, precision = #tpu.contract_precision<fp32>, transpose_lhs_hint = false} : vector<1000x128xf32>, vector<128x128xf32>, vector<1000x128xf32> -> vector<1000x128xf32>
    %add3A_22 = arith.addf %dot_general3A_16, %dot_general3A_21 : vector<1000x128xf32>
    %get3A_23 = arith.constant 0 : index
    %get3A_24 = arith.constant 0 : index
    %get3A_25 = vector.load %arg7[%get3A_23, %get3A_24] : memref<1x128xf32, #tpu.memory_space<vmem>>, vector<1x128xf32>
    %add3A_26 = vector.broadcast %get3A_25 : vector<1x128xf32> to vector<1000x128xf32>
    %add3A_27 = arith.addf %add3A_22, %add3A_26 : vector<1000x128xf32>
    %max3A = arith.constant 0.000000e+00 : f32
    %max3A_28 = vector.broadcast %max3A : f32 to vector<1000x128xf32>
    %max3A_29 = arith.maximumf %add3A_27, %max3A_28 : vector<1000x128xf32>
    %get3A_30 = arith.constant 0 : index
    %get3A_31 = arith.constant 0 : index
    %get3A_32 = vector.load %arg8[%get3A_30, %get3A_31] : memref<128x128xf32, #tpu.memory_space<vmem>>, vector<128x128xf32>
    %dot_general3A_33 = arith.constant dense<0.000000e+00> : vector<1000x128xf32>
    %dot_general3A_34 = tpu.matmul %max3A_29, %get3A_32, %dot_general3A_33 {dimension_numbers = #tpu.dot_dimension_numbers<[1], [0], [0], [1], [0, 0, 1, 1], [], []>, precision = #tpu.contract_precision<fp32>, transpose_lhs_hint = false} : vector<1000x128xf32>, vector<128x128xf32>, vector<1000x128xf32> -> vector<1000x128xf32>
    %get3A_35 = arith.constant 0 : index
    %get3A_36 = arith.constant 0 : index
    %get3A_37 = vector.load %arg9[%get3A_35, %get3A_36] : memref<1x128xf32, #tpu.memory_space<vmem>>, vector<1x128xf32>
    %add3A_38 = vector.broadcast %get3A_37 : vector<1x128xf32> to vector<1000x128xf32>
    %add3A_39 = arith.addf %dot_general3A_34, %add3A_38 : vector<1000x128xf32>
    %swap3A = arith.constant 0 : index
    %swap3A_40 = arith.constant 0 : index
    %swap3A_41 = vector.load %arg13[%swap3A, %swap3A_40] : memref<1000x128xf32, #tpu.memory_space<vmem>>, vector<1000x128xf32>
    tpu.vector_store %arg13[%swap3A, %swap3A_40], %add3A_39 {strides = array<i32>} : memref<1000x128xf32, #tpu.memory_space<vmem>>, vector<1000x128xf32>,
    %get3A_42 = arith.constant 0 : index
    %get3A_43 = arith.constant 0 : index
    %get3A_44 = vector.load %arg10[%get3A_42, %get3A_43] : memref<128x128xf32, #tpu.memory_space<vmem>>, vector<128x128xf32>
    %dot_general3A_45 = arith.constant dense<0.000000e+00> : vector<1000x128xf32>
    %dot_general3A_46 = tpu.matmul %add3A_39, %get3A_44, %dot_general3A_45 {dimension_numbers = #tpu.dot_dimension_numbers<[1], [0], [0], [1], [0, 0, 1, 1], [], []>, precision = #tpu.contract_precision<fp32>, transpose_lhs_hint = false} : vector<1000x128xf32>, vector<128x128xf32>, vector<1000x128xf32> -> vector<1000x128xf32>
    %get3A_47 = arith.constant 0 : index
    %get3A_48 = arith.constant 0 : index
    %get3A_49 = vector.load %arg11[%get3A_47, %get3A_48] : memref<1x128xf32, #tpu.memory_space<vmem>>, vector<1x128xf32>
    %add3A_50 = vector.broadcast %get3A_49 : vector<1x128xf32> to vector<1000x128xf32>
    %add3A_51 = arith.addf %dot_general3A_46, %add3A_50 : vector<1000x128xf32>
    %swap3A_52 = arith.constant 0 : index
    %swap3A_53 = arith.constant 0 : index
    %swap3A_54 = vector.load %arg14[%swap3A_52, %swap3A_53] : memref<1000x128xf32, #tpu.memory_space<vmem>>, vector<1000x128xf32>
    tpu.vector_store %arg14[%swap3A_52, %swap3A_53], %add3A_51 {strides = array<i32>} : memref<1000x128xf32, #tpu.memory_space<vmem>>, vector<1000x128xf32>,
    %get3A_55 = arith.constant 0 : index
    %get3A_56 = arith.constant 0 : index
    %get3A_57 = vector.load %arg12[%get3A_55, %get3A_56] : memref<128x128xf32, #tpu.memory_space<vmem>>, vector<128x128xf32>
    %dot_general3A_58 = arith.constant dense<0.000000e+00> : vector<1000x128xf32>
    %dot_general3A_59 = tpu.matmul %add3A_39, %get3A_57, %dot_general3A_58 {dimension_numbers = #tpu.dot_dimension_numbers<[1], [0], [0], [1], [0, 0, 1, 1], [], []>, precision = #tpu.contract_precision<fp32>, transpose_lhs_hint = false} : vector<1000x128xf32>, vector<128x128xf32>, vector<1000x128xf32> -> vector<1000x128xf32>
    %swap3A_60 = arith.constant 0 : index
    %swap3A_61 = arith.constant 0 : index
    %swap3A_62 = vector.load %arg15[%swap3A_60, %swap3A_61] : memref<1000x128xf32, #tpu.memory_space<vmem>>, vector<1000x128xf32>
    tpu.vector_store %arg15[%swap3A_60, %swap3A_61], %dot_general3A_59 {strides = array<i32>} : memref<1000x128xf32, #tpu.memory_space<vmem>>, vector<1000x128xf32>,
    return
  }
  func.func @transform_0(%arg0: i32) -> (i32, i32) {
    %c0_i32 = arith.constant 0 : i32
    %c0_i32_0 = arith.constant 0 : i32
    return %arg0, %c0_i32 : i32, i32
  }
  func.func @transform_1(%arg0: i32) -> (i32, i32) {
    %c0_i32 = arith.constant 0 : i32
    %c0_i32_0 = arith.constant 0 : i32
    return %arg0, %c0_i32 : i32, i32
  }
  func.func @transform_2(%arg0: i32) -> (i32, i32) {
    %c0_i32 = arith.constant 0 : i32
    %c0_i32_0 = arith.constant 0 : i32
    return %arg0, %c0_i32 : i32, i32
  }
  func.func @transform_3(%arg0: i32) -> (i32, i32) {
    %c0_i32 = arith.constant 0 : i32
    %c0_i32_0 = arith.constant 0 : i32
    %c0_i32_1 = arith.constant 0 : i32
    return %c0_i32, %c0_i32_0 : i32, i32
  }
  func.func @transform_4(%arg0: i32) -> (i32, i32) {
    %c0_i32 = arith.constant 0 : i32
    %c0_i32_0 = arith.constant 0 : i32
    %c0_i32_1 = arith.constant 0 : i32
    return %c0_i32, %c0_i32_0 : i32, i32
  }
  func.func @transform_5(%arg0: i32) -> (i32, i32) {
    %c0_i32 = arith.constant 0 : i32
    %c0_i32_0 = arith.constant 0 : i32
    %c0_i32_1 = arith.constant 0 : i32
    return %c0_i32, %c0_i32_0 : i32, i32
  }
  func.func @transform_6(%arg0: i32) -> (i32, i32) {
    %c0_i32 = arith.constant 0 : i32
    %c0_i32_0 = arith.constant 0 : i32
    %c0_i32_1 = arith.constant 0 : i32
    return %c0_i32, %c0_i32_0 : i32, i32
  }
  func.func @transform_7(%arg0: i32) -> (i32, i32) {
    %c0_i32 = arith.constant 0 : i32
    %c0_i32_0 = arith.constant 0 : i32
    %c0_i32_1 = arith.constant 0 : i32
    return %c0_i32, %c0_i32_0 : i32, i32
  }
  func.func @transform_8(%arg0: i32) -> (i32, i32) {
    %c0_i32 = arith.constant 0 : i32
    %c0_i32_0 = arith.constant 0 : i32
    %c0_i32_1 = arith.constant 0 : i32
    return %c0_i32, %c0_i32_0 : i32, i32
  }
  func.func @transform_9(%arg0: i32) -> (i32, i32) {
    %c0_i32 = arith.constant 0 : i32
    %c0_i32_0 = arith.constant 0 : i32
    %c0_i32_1 = arith.constant 0 : i32
    return %c0_i32, %c0_i32_0 : i32, i32
  }
  func.func @transform_10(%arg0: i32) -> (i32, i32) {
    %c0_i32 = arith.constant 0 : i32
    %c0_i32_0 = arith.constant 0 : i32
    %c0_i32_1 = arith.constant 0 : i32
    return %c0_i32, %c0_i32_0 : i32, i32
  }
  func.func @transform_11(%arg0: i32) -> (i32, i32) {
    %c0_i32 = arith.constant 0 : i32
    %c0_i32_0 = arith.constant 0 : i32
    %c0_i32_1 = arith.constant 0 : i32
    return %c0_i32, %c0_i32_0 : i32, i32
  }
  func.func @transform_12(%arg0: i32) -> (i32, i32) {
    %c0_i32 = arith.constant 0 : i32
    %c0_i32_0 = arith.constant 0 : i32
    return %arg0, %c0_i32 : i32, i32
  }
  func.func @transform_13(%arg0: i32) -> (i32, i32) {
    %c0_i32 = arith.constant 0 : i32
    %c0_i32_0 = arith.constant 0 : i32
    return %arg0, %c0_i32 : i32, i32
  }
  func.func @transform_14(%arg0: i32) -> (i32, i32) {
    %c0_i32 = arith.constant 0 : i32
    %c0_i32_0 = arith.constant 0 : i32
    return %arg0, %c0_i32 : i32, i32
  }
}

module attributes {stable_mosaic.version = 14 : i64} {
  func.func @body(%arg0: i32, %arg1: memref<1000x128xf32, #tpu.memory_space<vmem>>, %arg2: memref<1000x128xf32, #tpu.memory_space<vmem>>, %arg3: memref<1000x128xf32, #tpu.memory_space<vmem>>, %arg4: memref<128x128xf32, #tpu.memory_space<vmem>>, %arg5: memref<128x128xf32, #tpu.memory_space<vmem>>, %arg6: memref<128x128xf32, #tpu.memory_space<vmem>>, %arg7: memref<1x128xf32, #tpu.memory_space<vmem>>, %arg8: memref<128x128xf32, #tpu.memory_space<vmem>>, %arg9: memref<1x128xf32, #tpu.memory_space<vmem>>, %arg10: memref<128x128xf32, #tpu.memory_space<vmem>>, %arg11: memref<1x128xf32, #tpu.memory_space<vmem>>, %arg12: memref<128x30xf32, #tpu.memory_space<vmem>>, %arg13: memref<1x30xf32, #tpu.memory_space<vmem>>, %arg14: memref<1000x30xf32, #tpu.memory_space<vmem>>) attributes {dimension_semantics = [#tpu.dimension_semantics<arbitrary>], iteration_bounds = array<i64: 10>, scalar_prefetch = 0 : i64, scratch_operands = 0 : i64, tpu.core_type = #tpu.core_type<tc>, window_params = [{transform_indices = @transform_0, window_bounds = array<i64: 1000, 128>}, {transform_indices = @transform_1, window_bounds = array<i64: 1000, 128>}, {transform_indices = @transform_2, window_bounds = array<i64: 1000, 128>}, {pipeline_mode = #tpu.pipeline_mode<synchronous>, transform_indices = @transform_3, window_bounds = array<i64: 128, 128>}, {pipeline_mode = #tpu.pipeline_mode<synchronous>, transform_indices = @transform_4, window_bounds = array<i64: 128, 128>}, {pipeline_mode = #tpu.pipeline_mode<synchronous>, transform_indices = @transform_5, window_bounds = array<i64: 128, 128>}, {pipeline_mode = #tpu.pipeline_mode<synchronous>, transform_indices = @transform_6, window_bounds = array<i64: 1, 128>}, {pipeline_mode = #tpu.pipeline_mode<synchronous>, transform_indices = @transform_7, window_bounds = array<i64: 128, 128>}, {pipeline_mode = #tpu.pipeline_mode<synchronous>, transform_indices = @transform_8, window_bounds = array<i64: 1, 128>}, {pipeline_mode = #tpu.pipeline_mode<synchronous>, transform_indices = @transform_9, window_bounds = array<i64: 128, 128>}, {pipeline_mode = #tpu.pipeline_mode<synchronous>, transform_indices = @transform_10, window_bounds = array<i64: 1, 128>}, {pipeline_mode = #tpu.pipeline_mode<synchronous>, transform_indices = @transform_11, window_bounds = array<i64: 128, 30>}, {pipeline_mode = #tpu.pipeline_mode<synchronous>, transform_indices = @transform_12, window_bounds = array<i64: 1, 30>}, {transform_indices = @transform_13, window_bounds = array<i64: 1000, 30>}]} {
    %get3A = arith.constant 0 : index
    %get3A_0 = arith.constant 0 : index
    %get3A_1 = vector.load %arg2[%get3A, %get3A_0] : memref<1000x128xf32, #tpu.memory_space<vmem>>, vector<1000x128xf32>
    %get3A_2 = arith.constant 0 : index
    %get3A_3 = arith.constant 0 : index
    %get3A_4 = vector.load %arg3[%get3A_2, %get3A_3] : memref<1000x128xf32, #tpu.memory_space<vmem>>, vector<1000x128xf32>
    %add3A = arith.addf %get3A_1, %get3A_4 : vector<1000x128xf32>
    %get3A_5 = arith.constant 0 : index
    %get3A_6 = arith.constant 0 : index
    %get3A_7 = vector.load %arg4[%get3A_5, %get3A_6] : memref<128x128xf32, #tpu.memory_space<vmem>>, vector<128x128xf32>
    %dot_general3A = arith.constant dense<0.000000e+00> : vector<1000x128xf32>
    %dot_general3A_8 = tpu.matmul %add3A, %get3A_7, %dot_general3A {dimension_numbers = #tpu.dot_dimension_numbers<[1], [0], [0], [1], [0, 0, 1, 1], [], []>, precision = #tpu.contract_precision<fp32>, transpose_lhs_hint = false} : vector<1000x128xf32>, vector<128x128xf32>, vector<1000x128xf32> -> vector<1000x128xf32>
    %get3A_9 = arith.constant 0 : index
    %get3A_10 = arith.constant 0 : index
    %get3A_11 = vector.load %arg1[%get3A_9, %get3A_10] : memref<1000x128xf32, #tpu.memory_space<vmem>>, vector<1000x128xf32>
    %get3A_12 = arith.constant 0 : index
    %get3A_13 = arith.constant 0 : index
    %get3A_14 = vector.load %arg5[%get3A_12, %get3A_13] : memref<128x128xf32, #tpu.memory_space<vmem>>, vector<128x128xf32>
    %dot_general3A_15 = arith.constant dense<0.000000e+00> : vector<1000x128xf32>
    %dot_general3A_16 = tpu.matmul %get3A_11, %get3A_14, %dot_general3A_15 {dimension_numbers = #tpu.dot_dimension_numbers<[1], [0], [0], [1], [0, 0, 1, 1], [], []>, precision = #tpu.contract_precision<fp32>, transpose_lhs_hint = false} : vector<1000x128xf32>, vector<128x128xf32>, vector<1000x128xf32> -> vector<1000x128xf32>
    %get3A_17 = arith.constant 0 : index
    %get3A_18 = arith.constant 0 : index
    %get3A_19 = vector.load %arg6[%get3A_17, %get3A_18] : memref<128x128xf32, #tpu.memory_space<vmem>>, vector<128x128xf32>
    %dot_general3A_20 = arith.constant dense<0.000000e+00> : vector<1000x128xf32>
    %dot_general3A_21 = tpu.matmul %dot_general3A_8, %get3A_19, %dot_general3A_20 {dimension_numbers = #tpu.dot_dimension_numbers<[1], [0], [0], [1], [0, 0, 1, 1], [], []>, precision = #tpu.contract_precision<fp32>, transpose_lhs_hint = false} : vector<1000x128xf32>, vector<128x128xf32>, vector<1000x128xf32> -> vector<1000x128xf32>
    %add3A_22 = arith.addf %dot_general3A_16, %dot_general3A_21 : vector<1000x128xf32>
    %get3A_23 = arith.constant 0 : index
    %get3A_24 = arith.constant 0 : index
    %get3A_25 = vector.load %arg7[%get3A_23, %get3A_24] : memref<1x128xf32, #tpu.memory_space<vmem>>, vector<1x128xf32>
    %add3A_26 = vector.broadcast %get3A_25 : vector<1x128xf32> to vector<1000x128xf32>
    %add3A_27 = arith.addf %add3A_22, %add3A_26 : vector<1000x128xf32>
    %max3A = arith.constant 0.000000e+00 : f32
    %max3A_28 = vector.broadcast %max3A : f32 to vector<1000x128xf32>
    %max3A_29 = arith.maximumf %add3A_27, %max3A_28 : vector<1000x128xf32>
    %get3A_30 = arith.constant 0 : index
    %get3A_31 = arith.constant 0 : index
    %get3A_32 = vector.load %arg8[%get3A_30, %get3A_31] : memref<128x128xf32, #tpu.memory_space<vmem>>, vector<128x128xf32>
    %dot_general3A_33 = arith.constant dense<0.000000e+00> : vector<1000x128xf32>
    %dot_general3A_34 = tpu.matmul %max3A_29, %get3A_32, %dot_general3A_33 {dimension_numbers = #tpu.dot_dimension_numbers<[1], [0], [0], [1], [0, 0, 1, 1], [], []>, precision = #tpu.contract_precision<fp32>, transpose_lhs_hint = false} : vector<1000x128xf32>, vector<128x128xf32>, vector<1000x128xf32> -> vector<1000x128xf32>
    %get3A_35 = arith.constant 0 : index
    %get3A_36 = arith.constant 0 : index
    %get3A_37 = vector.load %arg9[%get3A_35, %get3A_36] : memref<1x128xf32, #tpu.memory_space<vmem>>, vector<1x128xf32>
    %add3A_38 = vector.broadcast %get3A_37 : vector<1x128xf32> to vector<1000x128xf32>
    %add3A_39 = arith.addf %dot_general3A_34, %add3A_38 : vector<1000x128xf32>
    %get3A_40 = arith.constant 0 : index
    %get3A_41 = arith.constant 0 : index
    %get3A_42 = vector.load %arg10[%get3A_40, %get3A_41] : memref<128x128xf32, #tpu.memory_space<vmem>>, vector<128x128xf32>
    %dot_general3A_43 = arith.constant dense<0.000000e+00> : vector<1000x128xf32>
    %dot_general3A_44 = tpu.matmul %add3A_39, %get3A_42, %dot_general3A_43 {dimension_numbers = #tpu.dot_dimension_numbers<[1], [0], [0], [1], [0, 0, 1, 1], [], []>, precision = #tpu.contract_precision<fp32>, transpose_lhs_hint = false} : vector<1000x128xf32>, vector<128x128xf32>, vector<1000x128xf32> -> vector<1000x128xf32>
    %get3A_45 = arith.constant 0 : index
    %get3A_46 = arith.constant 0 : index
    %get3A_47 = vector.load %arg11[%get3A_45, %get3A_46] : memref<1x128xf32, #tpu.memory_space<vmem>>, vector<1x128xf32>
    %add3A_48 = vector.broadcast %get3A_47 : vector<1x128xf32> to vector<1000x128xf32>
    %add3A_49 = arith.addf %dot_general3A_44, %add3A_48 : vector<1000x128xf32>
    %max3A_50 = arith.constant 0.000000e+00 : f32
    %max3A_51 = vector.broadcast %max3A_50 : f32 to vector<1000x128xf32>
    %max3A_52 = arith.maximumf %add3A_49, %max3A_51 : vector<1000x128xf32>
    %get3A_53 = arith.constant 0 : index
    %get3A_54 = arith.constant 0 : index
    %get3A_55 = vector.load %arg12[%get3A_53, %get3A_54] : memref<128x30xf32, #tpu.memory_space<vmem>>, vector<128x30xf32>
    %dot_general3A_56 = arith.constant dense<0.000000e+00> : vector<1000x30xf32>
    %dot_general3A_57 = tpu.matmul %max3A_52, %get3A_55, %dot_general3A_56 {dimension_numbers = #tpu.dot_dimension_numbers<[1], [0], [0], [1], [0, 0, 1, 1], [], []>, precision = #tpu.contract_precision<fp32>, transpose_lhs_hint = false} : vector<1000x128xf32>, vector<128x30xf32>, vector<1000x30xf32> -> vector<1000x30xf32>
    %get3A_58 = arith.constant 0 : index
    %get3A_59 = arith.constant 0 : index
    %get3A_60 = vector.load %arg13[%get3A_58, %get3A_59] : memref<1x30xf32, #tpu.memory_space<vmem>>, vector<1x30xf32>
    %add3A_61 = vector.broadcast %get3A_60 : vector<1x30xf32> to vector<1000x30xf32>
    %add3A_62 = arith.addf %dot_general3A_57, %add3A_61 : vector<1000x30xf32>
    %swap3A = arith.constant 0 : index
    %swap3A_63 = arith.constant 0 : index
    %swap3A_64 = vector.load %arg14[%swap3A, %swap3A_63] : memref<1000x30xf32, #tpu.memory_space<vmem>>, vector<1000x30xf32>
    tpu.vector_store %arg14[%swap3A, %swap3A_63], %add3A_62 {strides = array<i32>} : memref<1000x30xf32, #tpu.memory_space<vmem>>, vector<1000x30xf32>,
    return
  }
  func.func @transform_0(%arg0: i32) -> (i32, i32) {
    %c0_i32 = arith.constant 0 : i32
    %c0_i32_0 = arith.constant 0 : i32
    return %arg0, %c0_i32 : i32, i32
  }
  func.func @transform_1(%arg0: i32) -> (i32, i32) {
    %c0_i32 = arith.constant 0 : i32
    %c0_i32_0 = arith.constant 0 : i32
    return %arg0, %c0_i32 : i32, i32
  }
  func.func @transform_2(%arg0: i32) -> (i32, i32) {
    %c0_i32 = arith.constant 0 : i32
    %c0_i32_0 = arith.constant 0 : i32
    return %arg0, %c0_i32 : i32, i32
  }
  func.func @transform_3(%arg0: i32) -> (i32, i32) {
    %c0_i32 = arith.constant 0 : i32
    %c0_i32_0 = arith.constant 0 : i32
    %c0_i32_1 = arith.constant 0 : i32
    return %c0_i32, %c0_i32_0 : i32, i32
  }
  func.func @transform_4(%arg0: i32) -> (i32, i32) {
    %c0_i32 = arith.constant 0 : i32
    %c0_i32_0 = arith.constant 0 : i32
    %c0_i32_1 = arith.constant 0 : i32
    return %c0_i32, %c0_i32_0 : i32, i32
  }
  func.func @transform_5(%arg0: i32) -> (i32, i32) {
    %c0_i32 = arith.constant 0 : i32
    %c0_i32_0 = arith.constant 0 : i32
    %c0_i32_1 = arith.constant 0 : i32
    return %c0_i32, %c0_i32_0 : i32, i32
  }
  func.func @transform_6(%arg0: i32) -> (i32, i32) {
    %c0_i32 = arith.constant 0 : i32
    %c0_i32_0 = arith.constant 0 : i32
    %c0_i32_1 = arith.constant 0 : i32
    return %c0_i32, %c0_i32_0 : i32, i32
  }
  func.func @transform_7(%arg0: i32) -> (i32, i32) {
    %c0_i32 = arith.constant 0 : i32
    %c0_i32_0 = arith.constant 0 : i32
    %c0_i32_1 = arith.constant 0 : i32
    return %c0_i32, %c0_i32_0 : i32, i32
  }
  func.func @transform_8(%arg0: i32) -> (i32, i32) {
    %c0_i32 = arith.constant 0 : i32
    %c0_i32_0 = arith.constant 0 : i32
    %c0_i32_1 = arith.constant 0 : i32
    return %c0_i32, %c0_i32_0 : i32, i32
  }
  func.func @transform_9(%arg0: i32) -> (i32, i32) {
    %c0_i32 = arith.constant 0 : i32
    %c0_i32_0 = arith.constant 0 : i32
    %c0_i32_1 = arith.constant 0 : i32
    return %c0_i32, %c0_i32_0 : i32, i32
  }
  func.func @transform_10(%arg0: i32) -> (i32, i32) {
    %c0_i32 = arith.constant 0 : i32
    %c0_i32_0 = arith.constant 0 : i32
    %c0_i32_1 = arith.constant 0 : i32
    return %c0_i32, %c0_i32_0 : i32, i32
  }
  func.func @transform_11(%arg0: i32) -> (i32, i32) {
    %c0_i32 = arith.constant 0 : i32
    %c0_i32_0 = arith.constant 0 : i32
    %c0_i32_1 = arith.constant 0 : i32
    return %c0_i32, %c0_i32_0 : i32, i32
  }
  func.func @transform_12(%arg0: i32) -> (i32, i32) {
    %c0_i32 = arith.constant 0 : i32
    %c0_i32_0 = arith.constant 0 : i32
    %c0_i32_1 = arith.constant 0 : i32
    return %c0_i32, %c0_i32_0 : i32, i32
  }
  func.func @transform_13(%arg0: i32) -> (i32, i32) {
    %c0_i32 = arith.constant 0 : i32
    %c0_i32_0 = arith.constant 0 : i32
    return %arg0, %c0_i32 : i32, i32
  }
}

</mosaic_0001>

<sc_bundles>
// kernel: kernel.17.cloned.1.call-start
scs
__scs_entry_jumppad:
0x0: {  	(pc) =	sbr.rel $0x88, $3  }
0x1: {  	(tag) =	ssettag $0x0;
	lr =	simm.s32 $0x1  }
0x2: {  	[smem:$0x3F90] =	sst lr;
	_ =	strace $0xD0000000  }
0x3: {  	_ = 	snop  }
0x4: {  	_ = 	snop  }
0x5: {  	_ = 	snop  }
0x6: {  	_ = 	snop  }
0x7: {  	_ = 	snop  }
__scs_overlays_trampoline_lowered:
0x8: {  	[smem:$0x3F9F] =	sst s0  }
0x9: {  	[smem:$0x3FA0] =	sst s1  }
0xa: {  	[smem:$0x3FA1] =	sst s2  }
0xb: {  	[smem:$0x3FA2] =	sst s3  }
0xc: {  	[smem:$0x3FA3] =	sst s4  }
0xd: {  	[smem:$0x3FA4] =	sst s5  }
0xe: {  	[smem:$0x3FA5] =	sst s6  }
0xf: {  	[smem:$0x3FA6] =	sst s7  }
0x10: {  	[smem:$0x3FA7] =	sst s8  }
0x11: {  	[smem:$0x3FA8] =	sst s9;
	s0 =	simm.s32 @!p0 $0x0  }
0x12: {  	s1 =	sld [smem:$0x3F8E];
	s0 =	simm.s32 @p0 $0x1  }
0x13: {  	[smem:$0x3FA9] =	sst s0;
	s0 =	simm.s32 @!p1 $0x0  }
0x14: {  	s2 =	sld [smem:$0x3F8D];
	s0 =	simm.s32 @p1 $0x1  }
0x15: {  	[smem:$0x3FAA] =	sst s0;
	s0 =	simm.s32 @!p2 $0x0  }
0x16: {  	s3 =	sld [smem:$0x3FDB];
	s0 =	simm.s32 @p2 $0x1  }
0x17: {  	s4 =	simm.s32 $0x1BF5;
	[smem:$0x3FAC] =	sst s0  }
0x18: {  	s0 =	sld [smem:$0x3F8F];
	_ =	swait.ge [sflag:s4], $0x0  }
0x19: {  	s7 =	sld [smem:$0x3F90]  }
0x1a: {  	s8 =	sadd.s32 $0xFFFFE003, lr  }
0x1b: {  	s9 =	sadd.s32 $0xFFFFFEF7, lr;
	s5 =	simm.s32 $0xFFFFFFFF;
	p2 =	slt.u32 s8, $0xFFFFF086  }
0x1c: {  	p1 =	slt.u32 s9, $0xF7A;
	s5 =	simm.s32 @!p2 $0x0  }
0x1d: {  	s5 =	simm.s32 @p1 $0x1;
	p0 =	seq.s32 s7, s2  }
0x1e: {  	s7 =	smul.u32 @!p0 $0xF7A, s2;
	p2 =	seq.s32 @!p0 s5, $0x0  }
0x1f: {  	s9 =	smul.u32 $0xF7A, s1;
	s8 =	simm.s32 @!p0 $0x1BF5;
	p2 =	por !p2, p0  }
0x20: {  	[sflag:s8] =	ssyncset.s32 @!p0 $0xFFFFF086;
	s6 =	sadd.s32 @!p0 s3, s7;
	s7 =	simm.s32 @!p0 $0x108  }
0x21: {  	s3 =	sadd.s32 s3, s9;
	s6 =	sadd.s32 @!p0 $0x88, s6;
	s7 =	simm.s32 @p2 $0x1082  }
0x22: {  	[simem:s7], [sflag:s8] =	dma.local @!p0 [hbm:s6], $0xF7A  }
0x23: {  	s9 =	sor.u32 $0xD0000000, s2;
	s6 =	simm.s32 $0x108;
	_ =	swait.ge @!p0 [sflag:s8], $0x0  }
0x24: {  	s3 =	sadd.s32 $0x88, s3;
	s6 =	simm.s32 @!p1 $0x1082;
	[sflag:s4] =	ssyncset.s32 $0xFFFFF086  }
0x25: {  	[simem:s6], [sflag:s4] =	dma.local [hbm:s3], $0xF7A  }
0x26: {  	[smem:$0x3F90] =	sst s1;
	(tag) =	ssettag s2;
	_ =	strace s9  }
0x27: {  	s1 =	sld [smem:$0x3FA0]  }
0x28: {  	s2 =	sld [smem:$0x3FA1]  }
0x29: {  	s4 =	sld [smem:$0x3FA3]  }
0x2a: {  	p0 =	seq.s32 s5, $0x0;
	s5 =	sld [smem:$0x3FA4]  }
0x2b: {  	s6 =	sld [smem:$0x3FA5]  }
0x2c: {  	s7 =	sld [smem:$0x3FA6]  }
0x2d: {  	s3 =	simm.s32 $0x108;
	s8 =	sld [smem:$0x3FA7]  }
0x2e: {  	s3 =	simm.s32 @!p0 $0x1082;
	s9 =	sld [smem:$0x3FA8]  }
0x2f: {  	lr =	sadd.s32 s0, s3;
	s0 =	sld [smem:$0x3F9F]  }
0x30: {  	s3 =	sld [smem:$0x3FA2]  }
0x31: {  	[smem:$0x3FAB] =	sst s10  }
0x32: {  	s10 =	sld [smem:$0x3FA9];
	_ =	sdelay $0x3  }
0x33: {  	p0 =	seq.s32 s10, $0x1;
	s10 =	sld [smem:$0x3FAB];
	_ =	sdelay $0x3  }
0x34: {  	[smem:$0x3FAB] =	sst s10  }
0x35: {  	s10 =	sld [smem:$0x3FAA];
	_ =	sdelay $0x3  }
0x36: {  	p1 =	seq.s32 s10, $0x1;
	s10 =	sld [smem:$0x3FAB];
	_ =	sdelay $0x3  }
0x37: {  	[smem:$0x3FAB] =	sst s10  }
0x38: {  	s10 =	sld [smem:$0x3FAC]  }
0x39: {  	_ = 	snop;
	(pc) =	sbr.ind lr, $3  }
0x3a: {  	_ = 	snop  }
0x3b: {  	_ = 	snop  }
0x3c: {  	p2 =	seq.s32 s10, $0x1;
	s10 =	sld [smem:$0x3FAB]  }
0x3d: {  	_ =	shalt  }
0x3e: {  	_ =	shalt  }
0x3f: {  	_ =	shalt  }
0x40: {  	_ =	shalt  }
0x41: {  	_ =	shalt  }
0x42: {  	_ =	shalt  }
0x43: {  	_ =	shalt  }
0x44: {  	_ =	shalt  }
0x45: {  	_ =	shalt  }
0x46: {  	_ =	shalt  }
0x47: {  	_ =	shalt  }
0x48: {  	_ =	shalt  }
0x49: {  	_ =	shalt  }
0x4a: {  	_ =	shalt  }
0x4b: {  	_ =	shalt  }
0x4c: {  	_ =	shalt  }
0x4d: {  	_ =	shalt  }
0x4e: {  	_ =	shalt  }
0x4f: {  	_ =	shalt  }
0x50: {  	_ =	shalt  }
0x51: {  	_ =	shalt  }
0x52: {  	_ =	shalt  }
0x53: {  	_ =	shalt  }
0x54: {  	_ =	shalt  }
0x55: {  	_ =	shalt  }
0x56: {  	_ =	shalt  }
0x57: {  	_ =	shalt  }
0x58: {  	_ =	shalt  }
0x59: {  	_ =	shalt  }
0x5a: {  	_ =	shalt  }
0x5b: {  	_ =	shalt  }
0x5c: {  	_ =	shalt  }
0x5d: {  	_ =	shalt  }
0x5e: {  	_ =	shalt  }
0x5f: {  	_ =	shalt  }
0x60: {  	_ =	shalt  }
0x61: {  	_ =	shalt  }
0x62: {  	_ =	shalt  }
0x63: {  	_ =	shalt  }
0x64: {  	_ =	shalt  }
0x65: {  	_ =	shalt  }
0x66: {  	_ =	shalt  }
0x67: {  	_ =	shalt  }
0x68: {  	_ =	shalt  }
0x69: {  	_ =	shalt  }
0x6a: {  	_ =	shalt  }
0x6b: {  	_ =	shalt  }
0x6c: {  	_ =	shalt  }
0x6d: {  	_ =	shalt  }
0x6e: {  	_ =	shalt  }
0x6f: {  	_ =	shalt  }
0x70: {  	_ =	shalt  }
0x71: {  	_ =	shalt  }
0x72: {  	_ =	shalt  }
0x73: {  	_ =	shalt  }
0x74: {  	_ =	shalt  }
0x75: {  	_ =	shalt  }
0x76: {  	_ =	shalt  }
0x77: {  	_ =	shalt  }
0x78: {  	_ =	shalt  }
0x79: {  	_ =	shalt  }
0x7a: {  	_ =	shalt  }
0x7b: {  	_ =	shalt  }
0x7c: {  	_ =	shalt  }
0x7d: {  	_ =	shalt  }
0x7e: {  	_ =	shalt  }
0x7f: {  	_ =	shalt  }
0x80: {  	_ =	shalt  }
0x81: {  	_ =	shalt  }
0x82: {  	_ =	shalt  }
0x83: {  	_ =	shalt  }
0x84: {  	_ =	shalt  }
0x85: {  	_ =	shalt  }
0x86: {  	_ =	shalt  }
0x87: {  	_ =	shalt  }
.Lfunc_end0:
.L_simem_size_0:
called_computation_lowered:
.L_overlay_start_0:
0x88: {  	s2 =	sld [smem:$0x3FD9]  }
0x89: {  	s3 =	sld [smem:$0x3FFE];
	_ =	sdelay $0x1  }
0x8a: {  	s1 =	srdreg.scid  }
0x8b: {  	s0 =	sand.u32 $0x1, s1  }
0x8c: {  	s17 =	sshll.u32 s0, $0xA;
	s2 =	sadd.s32 s3, s2  }
0x8d: {  	s2 =	sadd.s32 s2, s17  }
0x8e: {  	[smem:$0x3FB7] =	sst s2  }
0x8f: {  	_ = 	snop  }
0x90: {  	s2 =	sld [smem:$0x3FD0];
	(tm) =	ssettm $0x1  }
0x91: {  	s18 =	sld [smem:$0x3FFB];
	_ =	sdelay $0x3  }
0x92: {  	_ =	strace s18  }
0x93: {  	s3 =	sld [smem:$0x3FFC];
	_ =	sdelay $0x3  }
0x94: {  	_ =	strace s3  }
0x95: {  	s3 =	sld [smem:$0x3FFD];
	_ =	sdelay $0x3  }
0x96: {  	_ =	strace s3  }
0x97: {  	_ =	strace $0x8FFFFFFF  }
0x98: {  	s19 =	sld [smem:$0x3FDB];
	_ =	sdelay $0x1  }
0x99: {  	s4 =	simm.s32 $_scs_section_size  }
0x9a: {  	s5 =	simm.s32 $_size__tile_overlayer_lowered;
	s6 =	simm.s32 $_tile_overlayer_lowered  }
0x9b: {  	s22 =	simm.s32 $0x1BFF;
	s21 =	sshll.u32 s6, $0x1;
	s3 =	sadd.s32 s4, s19  }
0x9c: {  	s7 =	simm.s32 $0x0;
	s20 =	sshll.u32 s5, $0x1;
	s5 =	sadd.s32 s21, s3  }
0x9d: {  	[timem:s7], [sflag:s22] =	dma.local [hbm:s5], s20  }
0x9e: {  	_ =	swait.ge [sflag:s22], s20  }
0x9f: {  	s4 =	ssub.s32 $0x0, s20;
	[sflag:s22] =	ssyncset.done $0x0  }
0xa0: {  	[sflag:s22] =	ssyncadd.s32 s4;
	_ =	sdelay $0x1  }
0xa1: {  	s23 =	simm.s32 $0x1B8B  }
0xa2: {  	_ =	swait.ge [sflag:s23], $0x1  }
0xa3: {  	[sflag:s23] =	ssyncset.done $0x0  }
0xa4: {  	s25 =	simm.s32 $0x1B8E;
	s24 =	sld [smem:$0x3FFE];
	[sflag:s23] =	ssyncadd.s32 $0xFFFFFFFF  }
0xa5: {  	s26 =	simm.s32 $execute0_lowered;
	[smem:$0x3FD2] =	sst s25  }
0xa6: {  	s5 =	sshll.u32 s26, $0x1;
	_ =	strace $0x80000046;
	[dreg:$0x1] =	wrdreg $0xFFFFFFFF  }
0xa7: {  	s28 =	simm.s32 $_size_execute0_lowered;
	s3 =	sadd.s32 s3, s5;
	[dreg:$0x0] =	wrdreg $0x0  }
0xa8: {  	s5 =	sshll.u32 s28, $0x1;
	[dreg:$0x2] =	wrdreg s3  }
0xa9: {  	[dreg:$0x3] =	wrdreg s5  }
0xaa: {  	[dreg:$0x4] =	wrdreg $0xC0  }
0xab: {  	_ =	task [dreg:s7], $0x5FFFF  }
0xac: {  	[dreg:$0x1] =	wrdreg $0xFFFFFFFF  }
0xad: {  	[dreg:$0x0] =	wrdreg $0x60  }
0xae: {  	[dreg:$0x2] =	wrdreg s24  }
0xaf: {  	[dreg:$0x3] =	wrdreg s2  }
0xb0: {  	[dreg:$0x4] =	wrdreg $0x51000  }
0xb1: {  	[dreg:$0x5] =	wrdreg $0x9  }
0xb2: {  	_ =	task.clear_ibuf [dreg:s7], $0x6FFFF;
	_ =	strace $0x90000046  }
0xb3: {  	s29 =	simm.s32 $0x9;
	_ =	strace $0x80000048  }
0xb4: {  	_ =	swait.ge [sflag:s29], $0x1  }
0xb5: {  	[sflag:s29] =	ssyncadd.s32 $0xFFFFFFFF  }
0xb6: {  	_ =	strace $0x90000048  }
0xb7: {  	_ =	sfence  }
0xb8: {  	s30 =	sld [smem:$0x0];
	_ =	sdelay $0x2  }
0xb9: {  	s31 =	sshll.u32 s1, $0xD;
	s1 =	sshrl.u32 s1, $0x2  }
0xba: {  	s3 =	sand.u32 $0x4000, s31;
	s1 =	sadd.s32 s1, s30  }
0xbb: {  	s0 =	sor.u32 s3, s0;
	s1 =	sshll.u32 s1, $0x11  }
0xbc: {  	s0 =	sor.u32 s1, s0  }
0xbd: {  	s0 =	sadd.s32 $0x8F2B, s0  }
0xbe: {  	[sflag:s0] =	ssyncadd.remote.s32 $0x1  }
0xbf: {  	_ =	sfence.sel $0xFFFF  }
0xc0: {  	[dreg:$0x0] =	wrdreg $0xFFFFFFFF;
	(pc) =	sbr.abs _section_cstart, $3  }
0xc1: {  	[dreg:$0x1] =	wrdreg $0xFFFFFFFF  }
0xc2: {  	_ =	task.clear_ibuf [dreg:s7], $0x2FFFF;
	_ =	strace $0x9FFFFFFF  }
0xc3: {  	(tm) =	ssettm $0x7FFFFFFF  }
tec
execute0_lowered:
.L_overlay_start_1:
0x0: {  	(tag) =	ssettag $0x1  }
0x1: {  	s9 =	rddreg [dreg:$0x0]  }
0x2: {  	s1 =	rddreg [dreg:$0x1]  }
0x3: {  	s2 =	rddreg [dreg:$0x2]  }
0x4: {  	s0 =	rddreg [dreg:$0x3];
	s3 =	simm.s32 $0x0  }
0x5: {  	s14 =	stileid.u32;
	s6 =	srdreg.scid;
	s19 =	simm.s32 $0x100  }
0x6: {  	s20 =	simm.s32 $0x2900;
	s21 =	simm.s32 $0x1;
	s22 =	simm.s32 $0x2  }
0x7: {  	s23 =	simm.s32 $0x0;
	[smem:$0x7FF] =	sst s3;
	s4 =	sadd.s32 $0x3D600, s9  }
0x8: {  	s10 =	smul.u32 $0x13800, s14;
	s5 =	sadd.s32 $0x16400, s9;
	s11 =	sand.u32 $0x1, s6  }
0x9: {  	s7 =	smul.u32 $0x4E000, s14;
	s6 =	sadd.s32 $0xC600, s9;
	s15 =	sadd.s32 $0x8BA00, s9  }
0xa: {  	s29 =	sshll.u32 s14, $0x6;
	s17 =	sadd.s32 $0x138000, s2;
	s18 =	sshll.u32 s14, $0x1  }
0xb: {  	p0 =	sne.s32 s14, $0x0;
	_ =	strace $0x80000047;
	s12 =	ssub.s32 $0x2, s11  }
0xc: {  	s30 =	smul.u32 $0x138800, s11;
	s11 =	sor.u32 s11, s18;
	s18 =	simm.s32 $0x50  }
0xd: {  	s8 =	sshrl.u32 s10, $0x3;
	s13 =	sshrl.u32 s12, $0x1;
	s7 =	sshrl.u32 s7, $0x2  }
0xe: {  	s8 =	sadd.s32 s8, s9;
	s13 =	ssub.s32 s12, s13;
	s16 =	sadd.s32 s7, s2  }
0xf: {  	s9 =	sadd.s32 $0x8B800, s9;
	s10 =	sadd.s32 s10, s30;
	s12 =	sshrl.u32 s30, $0x3  }
0x10: {  	s7 =	sadd.s32 $0x64800, s8;
	s8 =	sor.u32 $0x1C03, s29;
	s31 =	sshrl.u32 s10, $0x3  }
0x11: {  	s12 =	sadd.s32 s15, s12;
	s10 =	smul.u32 $0x2710, s11;
	s13 =	smax.u32 s13, $0x1  }
0x12: {  	s14 =	sshrl.u32 s16, $0x3;
	s16 =	sshrl.u32 @!p0 s17, $0x3;
	s17 =	simm.s32 $0x80  }
0x13: {  	s11 =	sadd.s32 s15, s31;
	s12 =	sadd.s32 $0x27000, s12;
	s15 =	simm.s32 $0x3  }
.LBB2_1:
0x14: {  	[spmem:s14], [sflag:s8] =	dma.local [hbm:s7], $0x2700  }
0x15: {  	_ =	swait.ge [sflag:s15], $0x2700  }
0x16: {  	[sflag:s15] =	ssyncset.done $0x0  }
0x17: {  	s24 =	simm.s32 @!p0 $0x3;
	[sflag:s15] =	ssyncadd.s32 $0xFFFFD900  }
0x18: {  	[spmem:s16], [sflag:s8] =	dma.local @!p0 [hbm:s9], $0x100  }
0x19: {  	_ =	swait.ge @!p0 [sflag:s24], $0x100  }
0x1a: {  	[sflag:s24] =	ssyncset.done @!p0 $0x0  }
0x1b: {  	[sflag:s24] =	ssyncadd.s32 @!p0 $0xFFFFFF00  }
0x1c: {  	s24 =	simm.s32 $0x0;
	[bflag:$0x0] =	sbarrier.arrive $0xFFFF  }
.LBB2_2:
0x1d: {  	s25 =	smul.u32 $0x50, s24;
	_ =	sdelay $0x1  }
0x1e: {  	s25 =	sadd.s32 s10, s25  }
0x1f: {  	s25 =	sshrl.u32 s25, $0x3  }
0x20: {  	s28 =	simm.s32 $0x0;
	s26 =	sadd.s32 s6, s25  }
0x21: {  	[tilespmem:s28], [sflag:$0x3] =	stream.linear.gather [hbm4b:s26+s28], $0x50, $0x38;
	[tilespmem:$0x18980] =	vst v63  }
0x22: {  	_ =	swait.ge [sflag:s15], $0x50  }
0x23: {  	[sflag:s15] =	ssyncset.done $0x0  }
0x24: {  	s25 =	sadd.s32 s1, s25;
	[sflag:s15] =	ssyncadd.s32 $0xFFFFFFB0  }
0x25: {  	[tilespmem:s17], [sflag:$0x3] =	stream.linear.gather [hbm4b:s25+s28], $0x50, $0x38;
	[tilespmem:$0x18980] =	vst v63  }
0x26: {  	_ =	swait.ge [sflag:s15], $0x50  }
0x27: {  	[sflag:s15] =	ssyncset.done $0x0  }
0x28: {  	[sflag:s15] =	ssyncadd.s32 $0xFFFFFFB0  }
0x29: {  	[tilespmem:s19], [sflag:$0x1] =	stream.indirect.gather [hbm4b:s4+s18], $0x80, s28, s18, $0xb8;
	[tilespmem:$0x18980] =	vst v63  }
0x2a: {  	_ = 	snop  }
0x2b: {  	[tilespmem:s20], [sflag:$0x2] =	stream.indirect.gather [hbm4b:s5+s18], $0x80, s17, s18, $0xb8;
	[tilespmem:$0x18980] =	vst v63  }
0x2c: {  	_ =	swait.ge [sflag:s21], $0x2800  }
0x2d: {  	[sflag:s21] =	ssyncset.done $0x0  }
0x2e: {  	[sflag:s21] =	ssyncadd.s32 $0xFFFFD800  }
0x2f: {  	_ =	swait.ge [sflag:s22], $0x2800  }
0x30: {  	[sflag:s22] =	ssyncset.done $0x0  }
0x31: {  	s25 =	simm.s32 $0x0;
	[sflag:s22] =	ssyncadd.s32 $0xFFFFD800  }
0x32: {  	v6 =	vld [tilespmem:s25+$0x2900]  }
0x33: {  	v11 =	vld [tilespmem:s25+$0x2910]  }
0x34: {  	v5 =	vld [tilespmem:s25+$0x2920]  }
0x35: {  	v4 =	vld [tilespmem:s25+$0x2930]  }
0x36: {  	v3 =	vld [tilespmem:s25+$0x2940]  }
0x37: {  	v2 =	vld [tilespmem:s25+$0x2950]  }
0x38: {  	v1 =	vld [tilespmem:s25+$0x2960]  }
0x39: {  	v0 =	vld [tilespmem:s25+$0x2970]  }
0x3a: {  	v12 =	vld [tilespmem:s25+$0x100]  }
0x3b: {  	v13 =	vld [tilespmem:s25+$0x110]  }
0x3c: {  	v10 =	vld [tilespmem:s25+$0x120]  }
0x3d: {  	v9 =	vld [tilespmem:s25+$0x130]  }
0x3e: {  	v8 =	vld [tilespmem:s25+$0x140]  }
0x3f: {  	v7 =	vld [tilespmem:s25+$0x150];
	v12 =	vadd.f32 v6, v12  }
0x40: {  	s26 =	simm.s32 $0x200;
	v11 =	vadd.f32 v11, v13;
	v6 =	vld [tilespmem:s25+$0x160]  }
.LBB2_3:
0x41: {  	s28 =	sshra.s32 s26, $0x2;
	p1 =	sne.s32 s26, $0x9E00;
	v12 =	vmax.f32 v12, $0.0e+00;
	v5 =	vadd.f32 v5, v10;
	v10 =	vld [tilespmem:s25+$0x170]  }
0x42: {  	v13 =	vld [tilespmem:s28+$0x2900];
	[tilespmem:s25+$0x100] =	vst v12;
	v11 =	vmax.f32 v11, $0.0e+00;
	v4 =	vadd.f32 v4, v9  }
0x43: {  	v14 =	vld [tilespmem:s28+$0x2910];
	[tilespmem:s25+$0x110] =	vst v11;
	v9 =	vmax.f32 v5, $0.0e+00;
	v3 =	vadd.f32 v3, v8  }
0x44: {  	v5 =	vld [tilespmem:s28+$0x2920];
	[tilespmem:s25+$0x120] =	vst v9;
	v8 =	vmax.f32 v4, $0.0e+00;
	v2 =	vadd.f32 v2, v7  }
0x45: {  	v4 =	vld [tilespmem:s28+$0x2930];
	[tilespmem:s25+$0x130] =	vst v8;
	v7 =	vmax.f32 v3, $0.0e+00;
	v1 =	vadd.f32 v1, v6  }
0x46: {  	v3 =	vld [tilespmem:s28+$0x2940];
	[tilespmem:s25+$0x140] =	vst v7;
	v6 =	vmax.f32 v2, $0.0e+00;
	v0 =	vadd.f32 v0, v10  }
0x47: {  	v2 =	vld [tilespmem:s28+$0x2950];
	[tilespmem:s25+$0x150] =	vst v6;
	v6 =	vmax.f32 v1, $0.0e+00  }
0x48: {  	v1 =	vld [tilespmem:s28+$0x2960];
	[tilespmem:s25+$0x160] =	vst v6;
	v6 =	vmax.f32 v0, $0.0e+00  }
0x49: {  	v0 =	vld [tilespmem:s28+$0x2970];
	[tilespmem:s25+$0x170] =	vst v6;
	s25 =	smov.u32 s28  }
0x4a: {  	v6 =	vld [tilespmem:s25+$0x100]  }
0x4b: {  	v11 =	vld [tilespmem:s25+$0x110]  }
.Ltmp0:
0x4c: {  	v10 =	vld [tilespmem:s25+$0x120];
	(pc) =	sbr.rel @p1 .LBB2_3-.Ltmp0, $4  }
0x4d: {  	v9 =	vld [tilespmem:s25+$0x130]  }
0x4e: {  	v8 =	vld [tilespmem:s25+$0x140]  }
0x4f: {  	v12 =	vadd.f32 v13, v6;
	v7 =	vld [tilespmem:s25+$0x150]  }
0x50: {  	s26 =	sadd.s32 $0x200, s26;
	v11 =	vadd.f32 v14, v11;
	v6 =	vld [tilespmem:s25+$0x160]  }
0x51: {  	v12 =	vmax.f32 v12, $0.0e+00;
	v5 =	vadd.f32 v5, v10;
	v63 =	vld [tilespmem:s25+$0x170]  }
0x52: {  	[tilespmem:s25+$0x100] =	vst v12;
	v11 =	vmax.f32 v11, $0.0e+00;
	v4 =	vadd.f32 v4, v9  }
0x53: {  	[tilespmem:s25+$0x110] =	vst v11;
	v5 =	vmax.f32 v5, $0.0e+00;
	v3 =	vadd.f32 v3, v8  }
0x54: {  	[tilespmem:s25+$0x120] =	vst v5;
	v4 =	vmax.f32 v4, $0.0e+00;
	v2 =	vadd.f32 v2, v7  }
0x55: {  	[tilespmem:s25+$0x130] =	vst v4;
	v3 =	vmax.f32 v3, $0.0e+00;
	v1 =	vadd.f32 v1, v6  }
0x56: {  	[tilespmem:s25+$0x140] =	vst v3;
	v2 =	vmax.f32 v2, $0.0e+00;
	v0 =	vadd.f32 v0, v63  }
0x57: {  	s24 =	sadd.s32 $0x1, s24;
	[tilespmem:s25+$0x150] =	vst v2;
	v1 =	vmax.f32 v1, $0.0e+00  }
0x58: {  	p1 =	sne.s32 s24, $0x7D;
	[tilespmem:s25+$0x160] =	vst v1;
	v0 =	vmax.f32 v0, $0.0e+00  }
.Ltmp1:
0x59: {  	[tilespmem:s25+$0x170] =	vst v0;
	(pc) =	sbr.rel @p1 .LBB2_2-.Ltmp1, $4  }
0x5a: {  	[spmem:s2] =	stream.indirect.scatter.add.f32 [tilespmem:s19], [sflag:$0x3], $0x80, s3, s18, $0xb8;
	[tilespmem:$0x18980] =	vst v63  }
0x5b: {  	_ =	swait.ge [sflag:s15], $0x2800  }
0x5c: {  	[sflag:s15] =	ssyncset.done $0x0  }
0x5d: {  	[sflag:s15] =	ssyncadd.s32 $0xFFFFD800  }
0x5e: {  	[bflag:$0x0] =	sbarrier.arrive $0xFFFF  }
0x5f: {  	[hbm:s11], [sflag:s8] =	dma.local [spmem:s14], $0x2700  }
0x60: {  	s23 =	sadd.s32 $0x1, s23;
	_ =	swait.ge [sflag:s15], $0x2700  }
0x61: {  	p1 =	sne.s32 s23, s13;
	[sflag:s15] =	ssyncset.done $0x0  }
.Ltmp2:
0x62: {  	s24 =	simm.s32 @!p0 $0x3;
	[sflag:s15] =	ssyncadd.s32 $0xFFFFD900;
	(pc) =	sbr.rel @p1 .LBB2_1-.Ltmp2, $4  }
0x63: {  	[hbm:s12], [sflag:s8] =	dma.local @!p0 [spmem:s16], $0x100  }
0x64: {  	_ =	swait.ge @!p0 [sflag:s24], $0x100  }
0x65: {  	[sflag:s24] =	ssyncset.done @!p0 $0x0  }
0x66: {  	[sflag:s24] =	ssyncadd.s32 @!p0 $0xFFFFFF00  }
0x67: {  	_ =	sfence.sel $0x180000  }
0x68: {  	[bflag:$0x0] =	sbarrier.arrive $0xFFFF  }
0x69: {  	_ =	strace $0x90000047  }
0x6a: {  	s0 =	sadd.s32 @!p0 $0x100000, s0;
	[bflag:$0x2] =	sbarrier.arrive $0xFFFF  }
0x6b: {  	[sflag:s0] =	ssyncadd.tile.s32 @!p0 $0x1;
	_ =	shalt  }
.Lfunc_end2:
_tile_overlayer_lowered:
.L_overlay_start_2:
0x6c: {  	(tag) =	ssettag $0x2  }
0x6d: {  	s0 =	rddreg [dreg:$0x0];
	s2 =	stileid.u32  }
0x6e: {  	s1 =	rddreg [dreg:$0x1];
	p0 =	sne.s32 s2, $0x0  }
0x6f: {  	s3 =	rddreg [dreg:$0x2];
	[bflag:$0x3] =	sbarrier.arrive $0xFFFF;
	s2 =	simm.s32 @!p0 $0x1C03  }
0x70: {  	[timem:s3], [sflag:s2] =	dma.local @!p0 [hbm:s0], s1  }
0x71: {  	s0 =	simm.s32 @!p0 $0x3  }
0x72: {  	_ =	swait.ge @!p0 [sflag:s0], s1  }
0x73: {  	s1 =	ssub.s32 @!p0 $0x0, s1;
	[sflag:s0] =	ssyncset.done @!p0 $0x0  }
0x74: {  	[sflag:s0] =	ssyncadd.s32 @!p0 s1  }
0x75: {  	[bflag:$0x3] =	sbarrier.arrive $0xFFFF  }
0x76: {  	_ =	shalt  }

// kernel: kernel.20.cloned.1.call-start
scs
__scs_entry_jumppad:
0x0: {  	(pc) =	sbr.rel $0x88, $3  }
0x1: {  	(tag) =	ssettag $0x0;
	lr =	simm.s32 $0x1  }
0x2: {  	[smem:$0x3F90] =	sst lr;
	_ =	strace $0xD0000000  }
0x3: {  	_ = 	snop  }
0x4: {  	_ = 	snop  }
0x5: {  	_ = 	snop  }
0x6: {  	_ = 	snop  }
0x7: {  	_ = 	snop  }
__scs_overlays_trampoline_lowered:
0x8: {  	[smem:$0x3F9F] =	sst s0  }
0x9: {  	[smem:$0x3FA0] =	sst s1  }
0xa: {  	[smem:$0x3FA1] =	sst s2  }
0xb: {  	[smem:$0x3FA2] =	sst s3  }
0xc: {  	[smem:$0x3FA3] =	sst s4  }
0xd: {  	[smem:$0x3FA4] =	sst s5  }
0xe: {  	[smem:$0x3FA5] =	sst s6  }
0xf: {  	[smem:$0x3FA6] =	sst s7  }
0x10: {  	[smem:$0x3FA7] =	sst s8  }
0x11: {  	[smem:$0x3FA8] =	sst s9;
	s0 =	simm.s32 @!p0 $0x0  }
0x12: {  	s1 =	sld [smem:$0x3F8E];
	s0 =	simm.s32 @p0 $0x1  }
0x13: {  	[smem:$0x3FA9] =	sst s0;
	s0 =	simm.s32 @!p1 $0x0  }
0x14: {  	s2 =	sld [smem:$0x3F8D];
	s0 =	simm.s32 @p1 $0x1  }
0x15: {  	[smem:$0x3FAA] =	sst s0;
	s0 =	simm.s32 @!p2 $0x0  }
0x16: {  	s3 =	sld [smem:$0x3FDB];
	s0 =	simm.s32 @p2 $0x1  }
0x17: {  	s4 =	simm.s32 $0x1BF5;
	[smem:$0x3FAC] =	sst s0  }
0x18: {  	s0 =	sld [smem:$0x3F8F];
	_ =	swait.ge [sflag:s4], $0x0  }
0x19: {  	s7 =	sld [smem:$0x3F90]  }
0x1a: {  	s8 =	sadd.s32 $0xFFFFE003, lr  }
0x1b: {  	s9 =	sadd.s32 $0xFFFFFEF7, lr;
	s5 =	simm.s32 $0xFFFFFFFF;
	p2 =	slt.u32 s8, $0xFFFFF086  }
0x1c: {  	p1 =	slt.u32 s9, $0xF7A;
	s5 =	simm.s32 @!p2 $0x0  }
0x1d: {  	s5 =	simm.s32 @p1 $0x1;
	p0 =	seq.s32 s7, s2  }
0x1e: {  	s7 =	smul.u32 @!p0 $0xF7A, s2;
	p2 =	seq.s32 @!p0 s5, $0x0  }
0x1f: {  	s9 =	smul.u32 $0xF7A, s1;
	s8 =	simm.s32 @!p0 $0x1BF5;
	p2 =	por !p2, p0  }
0x20: {  	[sflag:s8] =	ssyncset.s32 @!p0 $0xFFFFF086;
	s6 =	sadd.s32 @!p0 s3, s7;
	s7 =	simm.s32 @!p0 $0x108  }
0x21: {  	s3 =	sadd.s32 s3, s9;
	s6 =	sadd.s32 @!p0 $0x88, s6;
	s7 =	simm.s32 @p2 $0x1082  }
0x22: {  	[simem:s7], [sflag:s8] =	dma.local @!p0 [hbm:s6], $0xF7A  }
0x23: {  	s9 =	sor.u32 $0xD0000000, s2;
	s6 =	simm.s32 $0x108;
	_ =	swait.ge @!p0 [sflag:s8], $0x0  }
0x24: {  	s3 =	sadd.s32 $0x88, s3;
	s6 =	simm.s32 @!p1 $0x1082;
	[sflag:s4] =	ssyncset.s32 $0xFFFFF086  }
0x25: {  	[simem:s6], [sflag:s4] =	dma.local [hbm:s3], $0xF7A  }
0x26: {  	[smem:$0x3F90] =	sst s1;
	(tag) =	ssettag s2;
	_ =	strace s9  }
0x27: {  	s1 =	sld [smem:$0x3FA0]  }
0x28: {  	s2 =	sld [smem:$0x3FA1]  }
0x29: {  	s4 =	sld [smem:$0x3FA3]  }
0x2a: {  	p0 =	seq.s32 s5, $0x0;
	s5 =	sld [smem:$0x3FA4]  }
0x2b: {  	s6 =	sld [smem:$0x3FA5]  }
0x2c: {  	s7 =	sld [smem:$0x3FA6]  }
0x2d: {  	s3 =	simm.s32 $0x108;
	s8 =	sld [smem:$0x3FA7]  }
0x2e: {  	s3 =	simm.s32 @!p0 $0x1082;
	s9 =	sld [smem:$0x3FA8]  }
0x2f: {  	lr =	sadd.s32 s0, s3;
	s0 =	sld [smem:$0x3F9F]  }
0x30: {  	s3 =	sld [smem:$0x3FA2]  }
0x31: {  	[smem:$0x3FAB] =	sst s10  }
0x32: {  	s10 =	sld [smem:$0x3FA9];
	_ =	sdelay $0x3  }
0x33: {  	p0 =	seq.s32 s10, $0x1;
	s10 =	sld [smem:$0x3FAB];
	_ =	sdelay $0x3  }
0x34: {  	[smem:$0x3FAB] =	sst s10  }
0x35: {  	s10 =	sld [smem:$0x3FAA];
	_ =	sdelay $0x3  }
0x36: {  	p1 =	seq.s32 s10, $0x1;
	s10 =	sld [smem:$0x3FAB];
	_ =	sdelay $0x3  }
0x37: {  	[smem:$0x3FAB] =	sst s10  }
0x38: {  	s10 =	sld [smem:$0x3FAC]  }
0x39: {  	_ = 	snop;
	(pc) =	sbr.ind lr, $3  }
0x3a: {  	_ = 	snop  }
0x3b: {  	_ = 	snop  }
0x3c: {  	p2 =	seq.s32 s10, $0x1;
	s10 =	sld [smem:$0x3FAB]  }
0x3d: {  	_ =	shalt  }
0x3e: {  	_ =	shalt  }
0x3f: {  	_ =	shalt  }
0x40: {  	_ =	shalt  }
0x41: {  	_ =	shalt  }
0x42: {  	_ =	shalt  }
0x43: {  	_ =	shalt  }
0x44: {  	_ =	shalt  }
0x45: {  	_ =	shalt  }
0x46: {  	_ =	shalt  }
0x47: {  	_ =	shalt  }
0x48: {  	_ =	shalt  }
0x49: {  	_ =	shalt  }
0x4a: {  	_ =	shalt  }
0x4b: {  	_ =	shalt  }
0x4c: {  	_ =	shalt  }
0x4d: {  	_ =	shalt  }
0x4e: {  	_ =	shalt  }
0x4f: {  	_ =	shalt  }
0x50: {  	_ =	shalt  }
0x51: {  	_ =	shalt  }
0x52: {  	_ =	shalt  }
0x53: {  	_ =	shalt  }
0x54: {  	_ =	shalt  }
0x55: {  	_ =	shalt  }
0x56: {  	_ =	shalt  }
0x57: {  	_ =	shalt  }
0x58: {  	_ =	shalt  }
0x59: {  	_ =	shalt  }
0x5a: {  	_ =	shalt  }
0x5b: {  	_ =	shalt  }
0x5c: {  	_ =	shalt  }
0x5d: {  	_ =	shalt  }
0x5e: {  	_ =	shalt  }
0x5f: {  	_ =	shalt  }
0x60: {  	_ =	shalt  }
0x61: {  	_ =	shalt  }
0x62: {  	_ =	shalt  }
0x63: {  	_ =	shalt  }
0x64: {  	_ =	shalt  }
0x65: {  	_ =	shalt  }
0x66: {  	_ =	shalt  }
0x67: {  	_ =	shalt  }
0x68: {  	_ =	shalt  }
0x69: {  	_ =	shalt  }
0x6a: {  	_ =	shalt  }
0x6b: {  	_ =	shalt  }
0x6c: {  	_ =	shalt  }
0x6d: {  	_ =	shalt  }
0x6e: {  	_ =	shalt  }
0x6f: {  	_ =	shalt  }
0x70: {  	_ =	shalt  }
0x71: {  	_ =	shalt  }
0x72: {  	_ =	shalt  }
0x73: {  	_ =	shalt  }
0x74: {  	_ =	shalt  }
0x75: {  	_ =	shalt  }
0x76: {  	_ =	shalt  }
0x77: {  	_ =	shalt  }
0x78: {  	_ =	shalt  }
0x79: {  	_ =	shalt  }
0x7a: {  	_ =	shalt  }
0x7b: {  	_ =	shalt  }
0x7c: {  	_ =	shalt  }
0x7d: {  	_ =	shalt  }
0x7e: {  	_ =	shalt  }
0x7f: {  	_ =	shalt  }
0x80: {  	_ =	shalt  }
0x81: {  	_ =	shalt  }
0x82: {  	_ =	shalt  }
0x83: {  	_ =	shalt  }
0x84: {  	_ =	shalt  }
0x85: {  	_ =	shalt  }
0x86: {  	_ =	shalt  }
0x87: {  	_ =	shalt  }
.Lfunc_end0:
.L_simem_size_0:
called_computation.1_lowered:
.L_overlay_start_0:
0x88: {  	s2 =	sld [smem:$0x3FD9]  }
0x89: {  	s3 =	sld [smem:$0x3FFE];
	_ =	sdelay $0x1  }
0x8a: {  	s1 =	srdreg.scid  }
0x8b: {  	s0 =	sand.u32 $0x1, s1  }
0x8c: {  	s17 =	sshll.u32 s0, $0xA;
	s2 =	sadd.s32 s3, s2  }
0x8d: {  	s2 =	sadd.s32 s2, s17  }
0x8e: {  	[smem:$0x3FB7] =	sst s2  }
0x8f: {  	_ = 	snop  }
0x90: {  	s2 =	sld [smem:$0x3FD0];
	(tm) =	ssettm $0x1  }
0x91: {  	s18 =	sld [smem:$0x3FFB];
	_ =	sdelay $0x3  }
0x92: {  	_ =	strace s18  }
0x93: {  	s3 =	sld [smem:$0x3FFC];
	_ =	sdelay $0x3  }
0x94: {  	_ =	strace s3  }
0x95: {  	s3 =	sld [smem:$0x3FFD];
	_ =	sdelay $0x3  }
0x96: {  	_ =	strace s3  }
0x97: {  	_ =	strace $0x8FFFFFFF  }
0x98: {  	s19 =	sld [smem:$0x3FDB];
	_ =	sdelay $0x1  }
0x99: {  	s4 =	simm.s32 $_scs_section_size  }
0x9a: {  	s5 =	simm.s32 $_size__tile_overlayer_lowered;
	s6 =	simm.s32 $_tile_overlayer_lowered  }
0x9b: {  	s22 =	simm.s32 $0x1BFF;
	s21 =	sshll.u32 s6, $0x1;
	s3 =	sadd.s32 s4, s19  }
0x9c: {  	s7 =	simm.s32 $0x0;
	s20 =	sshll.u32 s5, $0x1;
	s5 =	sadd.s32 s21, s3  }
0x9d: {  	[timem:s7], [sflag:s22] =	dma.local [hbm:s5], s20  }
0x9e: {  	_ =	swait.ge [sflag:s22], s20  }
0x9f: {  	s4 =	ssub.s32 $0x0, s20;
	[sflag:s22] =	ssyncset.done $0x0  }
0xa0: {  	[sflag:s22] =	ssyncadd.s32 s4;
	_ =	sdelay $0x1  }
0xa1: {  	s23 =	simm.s32 $0x1B8B  }
0xa2: {  	_ =	swait.ge [sflag:s23], $0x1  }
0xa3: {  	[sflag:s23] =	ssyncset.done $0x0  }
0xa4: {  	s25 =	simm.s32 $0x1B8E;
	s24 =	sld [smem:$0x3FFE];
	[sflag:s23] =	ssyncadd.s32 $0xFFFFFFFF  }
0xa5: {  	s26 =	simm.s32 $execute0_lowered;
	[smem:$0x3FD2] =	sst s25  }
0xa6: {  	s5 =	sshll.u32 s26, $0x1;
	_ =	strace $0x80000049;
	[dreg:$0x1] =	wrdreg $0xFFFFFFFF  }
0xa7: {  	s28 =	simm.s32 $_size_execute0_lowered;
	s3 =	sadd.s32 s3, s5;
	[dreg:$0x0] =	wrdreg $0x0  }
0xa8: {  	s5 =	sshll.u32 s28, $0x1;
	[dreg:$0x2] =	wrdreg s3  }
0xa9: {  	[dreg:$0x3] =	wrdreg s5  }
0xaa: {  	[dreg:$0x4] =	wrdreg $0xC0  }
0xab: {  	_ =	task [dreg:s7], $0x5FFFF  }
0xac: {  	[dreg:$0x1] =	wrdreg $0xFFFFFFFF  }
0xad: {  	[dreg:$0x0] =	wrdreg $0x60  }
0xae: {  	[dreg:$0x2] =	wrdreg s24  }
0xaf: {  	[dreg:$0x3] =	wrdreg s2  }
0xb0: {  	[dreg:$0x4] =	wrdreg $0x51000  }
0xb1: {  	[dreg:$0x5] =	wrdreg $0x9  }
0xb2: {  	_ =	task.clear_ibuf [dreg:s7], $0x6FFFF;
	_ =	strace $0x90000049  }
0xb3: {  	s29 =	simm.s32 $0x9;
	_ =	strace $0x8000004B  }
0xb4: {  	_ =	swait.ge [sflag:s29], $0x1  }
0xb5: {  	[sflag:s29] =	ssyncadd.s32 $0xFFFFFFFF  }
0xb6: {  	_ =	strace $0x9000004B  }
0xb7: {  	_ =	sfence  }
0xb8: {  	s30 =	sld [smem:$0x0];
	_ =	sdelay $0x2  }
0xb9: {  	s31 =	sshll.u32 s1, $0xD;
	s1 =	sshrl.u32 s1, $0x2  }
0xba: {  	s3 =	sand.u32 $0x4000, s31;
	s1 =	sadd.s32 s1, s30  }
0xbb: {  	s0 =	sor.u32 s3, s0;
	s1 =	sshll.u32 s1, $0x11  }
0xbc: {  	s0 =	sor.u32 s1, s0  }
0xbd: {  	s0 =	sadd.s32 $0x8F2B, s0  }
0xbe: {  	[sflag:s0] =	ssyncadd.remote.s32 $0x1  }
0xbf: {  	_ =	sfence.sel $0xFFFF  }
0xc0: {  	[dreg:$0x0] =	wrdreg $0xFFFFFFFF;
	(pc) =	sbr.abs _section_cstart, $3  }
0xc1: {  	[dreg:$0x1] =	wrdreg $0xFFFFFFFF  }
0xc2: {  	_ =	task.clear_ibuf [dreg:s7], $0x2FFFF;
	_ =	strace $0x9FFFFFFF  }
0xc3: {  	(tm) =	ssettm $0x7FFFFFFF  }
tec
execute0_lowered:
.L_overlay_start_1:
0x0: {  	(tag) =	ssettag $0x1  }
0x1: {  	s9 =	rddreg [dreg:$0x0]  }
0x2: {  	s1 =	rddreg [dreg:$0x1]  }
0x3: {  	s2 =	rddreg [dreg:$0x2]  }
0x4: {  	s0 =	rddreg [dreg:$0x3];
	s3 =	simm.s32 $0x0  }
0x5: {  	s14 =	stileid.u32;
	s6 =	srdreg.scid;
	s19 =	simm.s32 $0x100  }
0x6: {  	s20 =	simm.s32 $0x2900;
	s21 =	simm.s32 $0x1;
	s22 =	simm.s32 $0x2  }
0x7: {  	s23 =	simm.s32 $0x0;
	[smem:$0x7FF] =	sst s3;
	s4 =	sadd.s32 $0x8BA00, s9  }
0x8: {  	s10 =	smul.u32 $0x13800, s14;
	s5 =	sadd.s32 $0x16400, s9;
	s11 =	sand.u32 $0x1, s6  }
0x9: {  	s7 =	smul.u32 $0x4E000, s14;
	s6 =	sadd.s32 $0xC600, s9;
	s15 =	sadd.s32 $0xE0800, s9  }
0xa: {  	s29 =	sshll.u32 s14, $0x6;
	s17 =	sadd.s32 $0x138000, s2;
	s18 =	sshll.u32 s14, $0x1  }
0xb: {  	p0 =	sne.s32 s14, $0x0;
	_ =	strace $0x8000004A;
	s12 =	ssub.s32 $0x2, s11  }
0xc: {  	s30 =	smul.u32 $0x138800, s11;
	s11 =	sor.u32 s11, s18;
	s18 =	simm.s32 $0x50  }
0xd: {  	s8 =	sshrl.u32 s10, $0x3;
	s13 =	sshrl.u32 s12, $0x1;
	s7 =	sshrl.u32 s7, $0x2  }
0xe: {  	s8 =	sadd.s32 s8, s9;
	s13 =	ssub.s32 s12, s13;
	s16 =	sadd.s32 s7, s2  }
0xf: {  	s9 =	sadd.s32 $0x8B800, s9;
	s10 =	sadd.s32 s10, s30;
	s12 =	sshrl.u32 s30, $0x3  }
0x10: {  	s7 =	sadd.s32 $0x64800, s8;
	s8 =	sor.u32 $0x1C03, s29;
	s31 =	sshrl.u32 s10, $0x3  }
0x11: {  	s12 =	sadd.s32 s15, s12;
	s10 =	smul.u32 $0x2710, s11;
	s13 =	smax.u32 s13, $0x1  }
0x12: {  	s14 =	sshrl.u32 s16, $0x3;
	s16 =	sshrl.u32 @!p0 s17, $0x3;
	s17 =	simm.s32 $0x80  }
0x13: {  	s11 =	sadd.s32 s15, s31;
	s12 =	sadd.s32 $0x27000, s12;
	s15 =	simm.s32 $0x3  }
.LBB2_1:
0x14: {  	[spmem:s14], [sflag:s8] =	dma.local [hbm:s7], $0x2700  }
0x15: {  	_ =	swait.ge [sflag:s15], $0x2700  }
0x16: {  	[sflag:s15] =	ssyncset.done $0x0  }
0x17: {  	s24 =	simm.s32 @!p0 $0x3;
	[sflag:s15] =	ssyncadd.s32 $0xFFFFD900  }
0x18: {  	[spmem:s16], [sflag:s8] =	dma.local @!p0 [hbm:s9], $0x100  }
0x19: {  	_ =	swait.ge @!p0 [sflag:s24], $0x100  }
0x1a: {  	[sflag:s24] =	ssyncset.done @!p0 $0x0  }
0x1b: {  	[sflag:s24] =	ssyncadd.s32 @!p0 $0xFFFFFF00  }
0x1c: {  	s24 =	simm.s32 $0x0;
	[bflag:$0x0] =	sbarrier.arrive $0xFFFF  }
.LBB2_2:
0x1d: {  	s25 =	smul.u32 $0x50, s24;
	_ =	sdelay $0x1  }
0x1e: {  	s25 =	sadd.s32 s10, s25  }
0x1f: {  	s25 =	sshrl.u32 s25, $0x3  }
0x20: {  	s28 =	simm.s32 $0x0;
	s26 =	sadd.s32 s6, s25  }
0x21: {  	[tilespmem:s28], [sflag:$0x3] =	stream.linear.gather [hbm4b:s26+s28], $0x50, $0x38;
	[tilespmem:$0x18980] =	vst v63  }
0x22: {  	_ =	swait.ge [sflag:s15], $0x50  }
0x23: {  	[sflag:s15] =	ssyncset.done $0x0  }
0x24: {  	s25 =	sadd.s32 s1, s25;
	[sflag:s15] =	ssyncadd.s32 $0xFFFFFFB0  }
0x25: {  	[tilespmem:s17], [sflag:$0x3] =	stream.linear.gather [hbm4b:s25+s28], $0x50, $0x38;
	[tilespmem:$0x18980] =	vst v63  }
0x26: {  	_ =	swait.ge [sflag:s15], $0x50  }
0x27: {  	[sflag:s15] =	ssyncset.done $0x0  }
0x28: {  	[sflag:s15] =	ssyncadd.s32 $0xFFFFFFB0  }
0x29: {  	[tilespmem:s19], [sflag:$0x1] =	stream.indirect.gather [hbm4b:s4+s18], $0x80, s28, s18, $0xb8;
	[tilespmem:$0x18980] =	vst v63  }
0x2a: {  	_ = 	snop  }
0x2b: {  	[tilespmem:s20], [sflag:$0x2] =	stream.indirect.gather [hbm4b:s5+s18], $0x80, s17, s18, $0xb8;
	[tilespmem:$0x18980] =	vst v63  }
0x2c: {  	_ =	swait.ge [sflag:s21], $0x2800  }
0x2d: {  	[sflag:s21] =	ssyncset.done $0x0  }
0x2e: {  	[sflag:s21] =	ssyncadd.s32 $0xFFFFD800  }
0x2f: {  	_ =	swait.ge [sflag:s22], $0x2800  }
0x30: {  	[sflag:s22] =	ssyncset.done $0x0  }
0x31: {  	s25 =	simm.s32 $0x0;
	[sflag:s22] =	ssyncadd.s32 $0xFFFFD800  }
0x32: {  	v6 =	vld [tilespmem:s25+$0x2900]  }
0x33: {  	v11 =	vld [tilespmem:s25+$0x2910]  }
0x34: {  	v5 =	vld [tilespmem:s25+$0x2920]  }
0x35: {  	v4 =	vld [tilespmem:s25+$0x2930]  }
0x36: {  	v3 =	vld [tilespmem:s25+$0x2940]  }
0x37: {  	v2 =	vld [tilespmem:s25+$0x2950]  }
0x38: {  	v1 =	vld [tilespmem:s25+$0x2960]  }
0x39: {  	v0 =	vld [tilespmem:s25+$0x2970]  }
0x3a: {  	v12 =	vld [tilespmem:s25+$0x100]  }
0x3b: {  	v13 =	vld [tilespmem:s25+$0x110]  }
0x3c: {  	v10 =	vld [tilespmem:s25+$0x120]  }
0x3d: {  	v9 =	vld [tilespmem:s25+$0x130]  }
0x3e: {  	v8 =	vld [tilespmem:s25+$0x140]  }
0x3f: {  	v7 =	vld [tilespmem:s25+$0x150];
	v12 =	vadd.f32 v6, v12  }
0x40: {  	s26 =	simm.s32 $0x200;
	v11 =	vadd.f32 v11, v13;
	v6 =	vld [tilespmem:s25+$0x160]  }
.LBB2_3:
0x41: {  	s28 =	sshra.s32 s26, $0x2;
	p1 =	sne.s32 s26, $0x9E00;
	v12 =	vmax.f32 v12, $0.0e+00;
	v5 =	vadd.f32 v5, v10;
	v10 =	vld [tilespmem:s25+$0x170]  }
0x42: {  	v13 =	vld [tilespmem:s28+$0x2900];
	[tilespmem:s25+$0x100] =	vst v12;
	v11 =	vmax.f32 v11, $0.0e+00;
	v4 =	vadd.f32 v4, v9  }
0x43: {  	v14 =	vld [tilespmem:s28+$0x2910];
	[tilespmem:s25+$0x110] =	vst v11;
	v9 =	vmax.f32 v5, $0.0e+00;
	v3 =	vadd.f32 v3, v8  }
0x44: {  	v5 =	vld [tilespmem:s28+$0x2920];
	[tilespmem:s25+$0x120] =	vst v9;
	v8 =	vmax.f32 v4, $0.0e+00;
	v2 =	vadd.f32 v2, v7  }
0x45: {  	v4 =	vld [tilespmem:s28+$0x2930];
	[tilespmem:s25+$0x130] =	vst v8;
	v7 =	vmax.f32 v3, $0.0e+00;
	v1 =	vadd.f32 v1, v6  }
0x46: {  	v3 =	vld [tilespmem:s28+$0x2940];
	[tilespmem:s25+$0x140] =	vst v7;
	v6 =	vmax.f32 v2, $0.0e+00;
	v0 =	vadd.f32 v0, v10  }
0x47: {  	v2 =	vld [tilespmem:s28+$0x2950];
	[tilespmem:s25+$0x150] =	vst v6;
	v6 =	vmax.f32 v1, $0.0e+00  }
0x48: {  	v1 =	vld [tilespmem:s28+$0x2960];
	[tilespmem:s25+$0x160] =	vst v6;
	v6 =	vmax.f32 v0, $0.0e+00  }
0x49: {  	v0 =	vld [tilespmem:s28+$0x2970];
	[tilespmem:s25+$0x170] =	vst v6;
	s25 =	smov.u32 s28  }
0x4a: {  	v6 =	vld [tilespmem:s25+$0x100]  }
0x4b: {  	v11 =	vld [tilespmem:s25+$0x110]  }
.Ltmp0:
0x4c: {  	v10 =	vld [tilespmem:s25+$0x120];
	(pc) =	sbr.rel @p1 .LBB2_3-.Ltmp0, $4  }
0x4d: {  	v9 =	vld [tilespmem:s25+$0x130]  }
0x4e: {  	v8 =	vld [tilespmem:s25+$0x140]  }
0x4f: {  	v12 =	vadd.f32 v13, v6;
	v7 =	vld [tilespmem:s25+$0x150]  }
0x50: {  	s26 =	sadd.s32 $0x200, s26;
	v11 =	vadd.f32 v14, v11;
	v6 =	vld [tilespmem:s25+$0x160]  }
0x51: {  	v12 =	vmax.f32 v12, $0.0e+00;
	v5 =	vadd.f32 v5, v10;
	v63 =	vld [tilespmem:s25+$0x170]  }
0x52: {  	[tilespmem:s25+$0x100] =	vst v12;
	v11 =	vmax.f32 v11, $0.0e+00;
	v4 =	vadd.f32 v4, v9  }
0x53: {  	[tilespmem:s25+$0x110] =	vst v11;
	v5 =	vmax.f32 v5, $0.0e+00;
	v3 =	vadd.f32 v3, v8  }
0x54: {  	[tilespmem:s25+$0x120] =	vst v5;
	v4 =	vmax.f32 v4, $0.0e+00;
	v2 =	vadd.f32 v2, v7  }
0x55: {  	[tilespmem:s25+$0x130] =	vst v4;
	v3 =	vmax.f32 v3, $0.0e+00;
	v1 =	vadd.f32 v1, v6  }
0x56: {  	[tilespmem:s25+$0x140] =	vst v3;
	v2 =	vmax.f32 v2, $0.0e+00;
	v0 =	vadd.f32 v0, v63  }
0x57: {  	s24 =	sadd.s32 $0x1, s24;
	[tilespmem:s25+$0x150] =	vst v2;
	v1 =	vmax.f32 v1, $0.0e+00  }
0x58: {  	p1 =	sne.s32 s24, $0x7D;
	[tilespmem:s25+$0x160] =	vst v1;
	v0 =	vmax.f32 v0, $0.0e+00  }
.Ltmp1:
0x59: {  	[tilespmem:s25+$0x170] =	vst v0;
	(pc) =	sbr.rel @p1 .LBB2_2-.Ltmp1, $4  }
0x5a: {  	[spmem:s2] =	stream.indirect.scatter.add.f32 [tilespmem:s19], [sflag:$0x3], $0x80, s3, s18, $0xb8;
	[tilespmem:$0x18980] =	vst v63  }
0x5b: {  	_ =	swait.ge [sflag:s15], $0x2800  }
0x5c: {  	[sflag:s15] =	ssyncset.done $0x0  }
0x5d: {  	[sflag:s15] =	ssyncadd.s32 $0xFFFFD800  }
0x5e: {  	[bflag:$0x0] =	sbarrier.arrive $0xFFFF  }
0x5f: {  	[hbm:s11], [sflag:s8] =	dma.local [spmem:s14], $0x2700  }
0x60: {  	s23 =	sadd.s32 $0x1, s23;
	_ =	swait.ge [sflag:s15], $0x2700  }
0x61: {  	p1 =	sne.s32 s23, s13;
	[sflag:s15] =	ssyncset.done $0x0  }
.Ltmp2:
0x62: {  	s24 =	simm.s32 @!p0 $0x3;
	[sflag:s15] =	ssyncadd.s32 $0xFFFFD900;
	(pc) =	sbr.rel @p1 .LBB2_1-.Ltmp2, $4  }
0x63: {  	[hbm:s12], [sflag:s8] =	dma.local @!p0 [spmem:s16], $0x100  }
0x64: {  	_ =	swait.ge @!p0 [sflag:s24], $0x100  }
0x65: {  	[sflag:s24] =	ssyncset.done @!p0 $0x0  }
0x66: {  	[sflag:s24] =	ssyncadd.s32 @!p0 $0xFFFFFF00  }
0x67: {  	_ =	sfence.sel $0x180000  }
0x68: {  	[bflag:$0x0] =	sbarrier.arrive $0xFFFF  }
0x69: {  	_ =	strace $0x9000004A  }
0x6a: {  	s0 =	sadd.s32 @!p0 $0x100000, s0;
	[bflag:$0x2] =	sbarrier.arrive $0xFFFF  }
0x6b: {  	[sflag:s0] =	ssyncadd.tile.s32 @!p0 $0x1;
	_ =	shalt  }
.Lfunc_end2:
_tile_overlayer_lowered:
.L_overlay_start_2:
0x6c: {  	(tag) =	ssettag $0x2  }
0x6d: {  	s0 =	rddreg [dreg:$0x0];
	s2 =	stileid.u32  }
0x6e: {  	s1 =	rddreg [dreg:$0x1];
	p0 =	sne.s32 s2, $0x0  }
0x6f: {  	s3 =	rddreg [dreg:$0x2];
	[bflag:$0x3] =	sbarrier.arrive $0xFFFF;
	s2 =	simm.s32 @!p0 $0x1C03  }
0x70: {  	[timem:s3], [sflag:s2] =	dma.local @!p0 [hbm:s0], s1  }
0x71: {  	s0 =	simm.s32 @!p0 $0x3  }
0x72: {  	_ =	swait.ge @!p0 [sflag:s0], s1  }
0x73: {  	s1 =	ssub.s32 @!p0 $0x0, s1;
	[sflag:s0] =	ssyncset.done @!p0 $0x0  }
0x74: {  	[sflag:s0] =	ssyncadd.s32 @!p0 s1  }
0x75: {  	[bflag:$0x3] =	sbarrier.arrive $0xFFFF  }
0x76: {  	_ =	shalt  }

// kernel: kernel.23.cloned.1.call-start
scs
__scs_entry_jumppad:
0x0: {  	(pc) =	sbr.rel $0x88, $3  }
0x1: {  	(tag) =	ssettag $0x0;
	lr =	simm.s32 $0x1  }
0x2: {  	[smem:$0x3F90] =	sst lr;
	_ =	strace $0xD0000000  }
0x3: {  	_ = 	snop  }
0x4: {  	_ = 	snop  }
0x5: {  	_ = 	snop  }
0x6: {  	_ = 	snop  }
0x7: {  	_ = 	snop  }
__scs_overlays_trampoline_lowered:
0x8: {  	[smem:$0x3F9F] =	sst s0  }
0x9: {  	[smem:$0x3FA0] =	sst s1  }
0xa: {  	[smem:$0x3FA1] =	sst s2  }
0xb: {  	[smem:$0x3FA2] =	sst s3  }
0xc: {  	[smem:$0x3FA3] =	sst s4  }
0xd: {  	[smem:$0x3FA4] =	sst s5  }
0xe: {  	[smem:$0x3FA5] =	sst s6  }
0xf: {  	[smem:$0x3FA6] =	sst s7  }
0x10: {  	[smem:$0x3FA7] =	sst s8  }
0x11: {  	[smem:$0x3FA8] =	sst s9;
	s0 =	simm.s32 @!p0 $0x0  }
0x12: {  	s1 =	sld [smem:$0x3F8E];
	s0 =	simm.s32 @p0 $0x1  }
0x13: {  	[smem:$0x3FA9] =	sst s0;
	s0 =	simm.s32 @!p1 $0x0  }
0x14: {  	s2 =	sld [smem:$0x3F8D];
	s0 =	simm.s32 @p1 $0x1  }
0x15: {  	[smem:$0x3FAA] =	sst s0;
	s0 =	simm.s32 @!p2 $0x0  }
0x16: {  	s3 =	sld [smem:$0x3FDB];
	s0 =	simm.s32 @p2 $0x1  }
0x17: {  	s4 =	simm.s32 $0x1BF5;
	[smem:$0x3FAC] =	sst s0  }
0x18: {  	s0 =	sld [smem:$0x3F8F];
	_ =	swait.ge [sflag:s4], $0x0  }
0x19: {  	s7 =	sld [smem:$0x3F90]  }
0x1a: {  	s8 =	sadd.s32 $0xFFFFE003, lr  }
0x1b: {  	s9 =	sadd.s32 $0xFFFFFEF7, lr;
	s5 =	simm.s32 $0xFFFFFFFF;
	p2 =	slt.u32 s8, $0xFFFFF086  }
0x1c: {  	p1 =	slt.u32 s9, $0xF7A;
	s5 =	simm.s32 @!p2 $0x0  }
0x1d: {  	s5 =	simm.s32 @p1 $0x1;
	p0 =	seq.s32 s7, s2  }
0x1e: {  	s7 =	smul.u32 @!p0 $0xF7A, s2;
	p2 =	seq.s32 @!p0 s5, $0x0  }
0x1f: {  	s9 =	smul.u32 $0xF7A, s1;
	s8 =	simm.s32 @!p0 $0x1BF5;
	p2 =	por !p2, p0  }
0x20: {  	[sflag:s8] =	ssyncset.s32 @!p0 $0xFFFFF086;
	s6 =	sadd.s32 @!p0 s3, s7;
	s7 =	simm.s32 @!p0 $0x108  }
0x21: {  	s3 =	sadd.s32 s3, s9;
	s6 =	sadd.s32 @!p0 $0x88, s6;
	s7 =	simm.s32 @p2 $0x1082  }
0x22: {  	[simem:s7], [sflag:s8] =	dma.local @!p0 [hbm:s6], $0xF7A  }
0x23: {  	s9 =	sor.u32 $0xD0000000, s2;
	s6 =	simm.s32 $0x108;
	_ =	swait.ge @!p0 [sflag:s8], $0x0  }
0x24: {  	s3 =	sadd.s32 $0x88, s3;
	s6 =	simm.s32 @!p1 $0x1082;
	[sflag:s4] =	ssyncset.s32 $0xFFFFF086  }
0x25: {  	[simem:s6], [sflag:s4] =	dma.local [hbm:s3], $0xF7A  }
0x26: {  	[smem:$0x3F90] =	sst s1;
	(tag) =	ssettag s2;
	_ =	strace s9  }
0x27: {  	s1 =	sld [smem:$0x3FA0]  }
0x28: {  	s2 =	sld [smem:$0x3FA1]  }
0x29: {  	s4 =	sld [smem:$0x3FA3]  }
0x2a: {  	p0 =	seq.s32 s5, $0x0;
	s5 =	sld [smem:$0x3FA4]  }
0x2b: {  	s6 =	sld [smem:$0x3FA5]  }
0x2c: {  	s7 =	sld [smem:$0x3FA6]  }
0x2d: {  	s3 =	simm.s32 $0x108;
	s8 =	sld [smem:$0x3FA7]  }
0x2e: {  	s3 =	simm.s32 @!p0 $0x1082;
	s9 =	sld [smem:$0x3FA8]  }
0x2f: {  	lr =	sadd.s32 s0, s3;
	s0 =	sld [smem:$0x3F9F]  }
0x30: {  	s3 =	sld [smem:$0x3FA2]  }
0x31: {  	[smem:$0x3FAB] =	sst s10  }
0x32: {  	s10 =	sld [smem:$0x3FA9];
	_ =	sdelay $0x3  }
0x33: {  	p0 =	seq.s32 s10, $0x1;
	s10 =	sld [smem:$0x3FAB];
	_ =	sdelay $0x3  }
0x34: {  	[smem:$0x3FAB] =	sst s10  }
0x35: {  	s10 =	sld [smem:$0x3FAA];
	_ =	sdelay $0x3  }
0x36: {  	p1 =	seq.s32 s10, $0x1;
	s10 =	sld [smem:$0x3FAB];
	_ =	sdelay $0x3  }
0x37: {  	[smem:$0x3FAB] =	sst s10  }
0x38: {  	s10 =	sld [smem:$0x3FAC]  }
0x39: {  	_ = 	snop;
	(pc) =	sbr.ind lr, $3  }
0x3a: {  	_ = 	snop  }
0x3b: {  	_ = 	snop  }
0x3c: {  	p2 =	seq.s32 s10, $0x1;
	s10 =	sld [smem:$0x3FAB]  }
0x3d: {  	_ =	shalt  }
0x3e: {  	_ =	shalt  }
0x3f: {  	_ =	shalt  }
0x40: {  	_ =	shalt  }
0x41: {  	_ =	shalt  }
0x42: {  	_ =	shalt  }
0x43: {  	_ =	shalt  }
0x44: {  	_ =	shalt  }
0x45: {  	_ =	shalt  }
0x46: {  	_ =	shalt  }
0x47: {  	_ =	shalt  }
0x48: {  	_ =	shalt  }
0x49: {  	_ =	shalt  }
0x4a: {  	_ =	shalt  }
0x4b: {  	_ =	shalt  }
0x4c: {  	_ =	shalt  }
0x4d: {  	_ =	shalt  }
0x4e: {  	_ =	shalt  }
0x4f: {  	_ =	shalt  }
0x50: {  	_ =	shalt  }
0x51: {  	_ =	shalt  }
0x52: {  	_ =	shalt  }
0x53: {  	_ =	shalt  }
0x54: {  	_ =	shalt  }
0x55: {  	_ =	shalt  }
0x56: {  	_ =	shalt  }
0x57: {  	_ =	shalt  }
0x58: {  	_ =	shalt  }
0x59: {  	_ =	shalt  }
0x5a: {  	_ =	shalt  }
0x5b: {  	_ =	shalt  }
0x5c: {  	_ =	shalt  }
0x5d: {  	_ =	shalt  }
0x5e: {  	_ =	shalt  }
0x5f: {  	_ =	shalt  }
0x60: {  	_ =	shalt  }
0x61: {  	_ =	shalt  }
0x62: {  	_ =	shalt  }
0x63: {  	_ =	shalt  }
0x64: {  	_ =	shalt  }
0x65: {  	_ =	shalt  }
0x66: {  	_ =	shalt  }
0x67: {  	_ =	shalt  }
0x68: {  	_ =	shalt  }
0x69: {  	_ =	shalt  }
0x6a: {  	_ =	shalt  }
0x6b: {  	_ =	shalt  }
0x6c: {  	_ =	shalt  }
0x6d: {  	_ =	shalt  }
0x6e: {  	_ =	shalt  }
0x6f: {  	_ =	shalt  }
0x70: {  	_ =	shalt  }
0x71: {  	_ =	shalt  }
0x72: {  	_ =	shalt  }
0x73: {  	_ =	shalt  }
0x74: {  	_ =	shalt  }
0x75: {  	_ =	shalt  }
0x76: {  	_ =	shalt  }
0x77: {  	_ =	shalt  }
0x78: {  	_ =	shalt  }
0x79: {  	_ =	shalt  }
0x7a: {  	_ =	shalt  }
0x7b: {  	_ =	shalt  }
0x7c: {  	_ =	shalt  }
0x7d: {  	_ =	shalt  }
0x7e: {  	_ =	shalt  }
0x7f: {  	_ =	shalt  }
0x80: {  	_ =	shalt  }
0x81: {  	_ =	shalt  }
0x82: {  	_ =	shalt  }
0x83: {  	_ =	shalt  }
0x84: {  	_ =	shalt  }
0x85: {  	_ =	shalt  }
0x86: {  	_ =	shalt  }
0x87: {  	_ =	shalt  }
.Lfunc_end0:
.L_simem_size_0:
called_computation.2_lowered:
.L_overlay_start_0:
0x88: {  	s2 =	sld [smem:$0x3FD9]  }
0x89: {  	s3 =	sld [smem:$0x3FFE];
	_ =	sdelay $0x1  }
0x8a: {  	s1 =	srdreg.scid  }
0x8b: {  	s0 =	sand.u32 $0x1, s1  }
0x8c: {  	s17 =	sshll.u32 s0, $0xA;
	s2 =	sadd.s32 s3, s2  }
0x8d: {  	s2 =	sadd.s32 s2, s17  }
0x8e: {  	[smem:$0x3FB7] =	sst s2  }
0x8f: {  	_ = 	snop  }
0x90: {  	s2 =	sld [smem:$0x3FD0];
	(tm) =	ssettm $0x1  }
0x91: {  	s18 =	sld [smem:$0x3FFB];
	_ =	sdelay $0x3  }
0x92: {  	_ =	strace s18  }
0x93: {  	s3 =	sld [smem:$0x3FFC];
	_ =	sdelay $0x3  }
0x94: {  	_ =	strace s3  }
0x95: {  	s3 =	sld [smem:$0x3FFD];
	_ =	sdelay $0x3  }
0x96: {  	_ =	strace s3  }
0x97: {  	_ =	strace $0x8FFFFFFF  }
0x98: {  	s19 =	sld [smem:$0x3FDB];
	_ =	sdelay $0x1  }
0x99: {  	s4 =	simm.s32 $_scs_section_size  }
0x9a: {  	s5 =	simm.s32 $_size__tile_overlayer_lowered;
	s6 =	simm.s32 $_tile_overlayer_lowered  }
0x9b: {  	s22 =	simm.s32 $0x1BFF;
	s21 =	sshll.u32 s6, $0x1;
	s3 =	sadd.s32 s4, s19  }
0x9c: {  	s7 =	simm.s32 $0x0;
	s20 =	sshll.u32 s5, $0x1;
	s5 =	sadd.s32 s21, s3  }
0x9d: {  	[timem:s7], [sflag:s22] =	dma.local [hbm:s5], s20  }
0x9e: {  	_ =	swait.ge [sflag:s22], s20  }
0x9f: {  	s4 =	ssub.s32 $0x0, s20;
	[sflag:s22] =	ssyncset.done $0x0  }
0xa0: {  	[sflag:s22] =	ssyncadd.s32 s4;
	_ =	sdelay $0x1  }
0xa1: {  	s23 =	simm.s32 $0x1B8B  }
0xa2: {  	_ =	swait.ge [sflag:s23], $0x1  }
0xa3: {  	[sflag:s23] =	ssyncset.done $0x0  }
0xa4: {  	s25 =	simm.s32 $0x1B8E;
	s24 =	sld [smem:$0x3FFE];
	[sflag:s23] =	ssyncadd.s32 $0xFFFFFFFF  }
0xa5: {  	s26 =	simm.s32 $execute0_lowered;
	[smem:$0x3FD2] =	sst s25  }
0xa6: {  	s5 =	sshll.u32 s26, $0x1;
	_ =	strace $0x8000004C;
	[dreg:$0x1] =	wrdreg $0xFFFFFFFF  }
0xa7: {  	s28 =	simm.s32 $_size_execute0_lowered;
	s3 =	sadd.s32 s3, s5;
	[dreg:$0x0] =	wrdreg $0x0  }
0xa8: {  	s5 =	sshll.u32 s28, $0x1;
	[dreg:$0x2] =	wrdreg s3  }
0xa9: {  	[dreg:$0x3] =	wrdreg s5  }
0xaa: {  	[dreg:$0x4] =	wrdreg $0xC0  }
0xab: {  	_ =	task [dreg:s7], $0x5FFFF  }
0xac: {  	[dreg:$0x1] =	wrdreg $0xFFFFFFFF  }
0xad: {  	[dreg:$0x0] =	wrdreg $0x60  }
0xae: {  	[dreg:$0x2] =	wrdreg s24  }
0xaf: {  	[dreg:$0x3] =	wrdreg s2  }
0xb0: {  	[dreg:$0x4] =	wrdreg $0x51000  }
0xb1: {  	[dreg:$0x5] =	wrdreg $0x9  }
0xb2: {  	_ =	task.clear_ibuf [dreg:s7], $0x6FFFF;
	_ =	strace $0x9000004C  }
0xb3: {  	s29 =	simm.s32 $0x9;
	_ =	strace $0x8000004E  }
0xb4: {  	_ =	swait.ge [sflag:s29], $0x1  }
0xb5: {  	[sflag:s29] =	ssyncadd.s32 $0xFFFFFFFF  }
0xb6: {  	_ =	strace $0x9000004E  }
0xb7: {  	_ =	sfence  }
0xb8: {  	s30 =	sld [smem:$0x0];
	_ =	sdelay $0x2  }
0xb9: {  	s31 =	sshll.u32 s1, $0xD;
	s1 =	sshrl.u32 s1, $0x2  }
0xba: {  	s3 =	sand.u32 $0x4000, s31;
	s1 =	sadd.s32 s1, s30  }
0xbb: {  	s0 =	sor.u32 s3, s0;
	s1 =	sshll.u32 s1, $0x11  }
0xbc: {  	s0 =	sor.u32 s1, s0  }
0xbd: {  	s0 =	sadd.s32 $0x8F2B, s0  }
0xbe: {  	[sflag:s0] =	ssyncadd.remote.s32 $0x1  }
0xbf: {  	_ =	sfence.sel $0xFFFF  }
0xc0: {  	[dreg:$0x0] =	wrdreg $0xFFFFFFFF;
	(pc) =	sbr.abs _section_cstart, $3  }
0xc1: {  	[dreg:$0x1] =	wrdreg $0xFFFFFFFF  }
0xc2: {  	_ =	task.clear_ibuf [dreg:s7], $0x2FFFF;
	_ =	strace $0x9FFFFFFF  }
0xc3: {  	(tm) =	ssettm $0x7FFFFFFF  }
tec
execute0_lowered:
.L_overlay_start_1:
0x0: {  	(tag) =	ssettag $0x1  }
0x1: {  	s9 =	rddreg [dreg:$0x0]  }
0x2: {  	s1 =	rddreg [dreg:$0x1]  }
0x3: {  	s2 =	rddreg [dreg:$0x2]  }
0x4: {  	s0 =	rddreg [dreg:$0x3];
	s3 =	simm.s32 $0x0  }
0x5: {  	s14 =	stileid.u32;
	s6 =	srdreg.scid;
	s19 =	simm.s32 $0x100  }
0x6: {  	s20 =	simm.s32 $0x2900;
	s21 =	simm.s32 $0x1;
	s22 =	simm.s32 $0x2  }
0x7: {  	s23 =	simm.s32 $0x0;
	[smem:$0x7FF] =	sst s3;
	s4 =	sadd.s32 $0x8BA00, s9  }
0x8: {  	s10 =	smul.u32 $0x13800, s14;
	s5 =	sadd.s32 $0x16400, s9;
	s11 =	sand.u32 $0x1, s6  }
0x9: {  	s7 =	smul.u32 $0x4E000, s14;
	s6 =	sadd.s32 $0xC600, s9;
	s15 =	sadd.s32 $0xE0800, s9  }
0xa: {  	s29 =	sshll.u32 s14, $0x6;
	s17 =	sadd.s32 $0x138000, s2;
	s18 =	sshll.u32 s14, $0x1  }
0xb: {  	p0 =	sne.s32 s14, $0x0;
	_ =	strace $0x8000004D;
	s12 =	ssub.s32 $0x2, s11  }
0xc: {  	s30 =	smul.u32 $0x138800, s11;
	s11 =	sor.u32 s11, s18;
	s18 =	simm.s32 $0x50  }
0xd: {  	s8 =	sshrl.u32 s10, $0x3;
	s13 =	sshrl.u32 s12, $0x1;
	s7 =	sshrl.u32 s7, $0x2  }
0xe: {  	s8 =	sadd.s32 s8, s9;
	s13 =	ssub.s32 s12, s13;
	s16 =	sadd.s32 s7, s2  }
0xf: {  	s9 =	sadd.s32 $0x8B800, s9;
	s10 =	sadd.s32 s10, s30;
	s12 =	sshrl.u32 s30, $0x3  }
0x10: {  	s7 =	sadd.s32 $0x64800, s8;
	s8 =	sor.u32 $0x1C03, s29;
	s31 =	sshrl.u32 s10, $0x3  }
0x11: {  	s12 =	sadd.s32 s15, s12;
	s10 =	smul.u32 $0x2710, s11;
	s13 =	smax.u32 s13, $0x1  }
0x12: {  	s14 =	sshrl.u32 s16, $0x3;
	s16 =	sshrl.u32 @!p0 s17, $0x3;
	s17 =	simm.s32 $0x80  }
0x13: {  	s11 =	sadd.s32 s15, s31;
	s12 =	sadd.s32 $0x27000, s12;
	s15 =	simm.s32 $0x3  }
.LBB2_1:
0x14: {  	[spmem:s14], [sflag:s8] =	dma.local [hbm:s7], $0x2700  }
0x15: {  	_ =	swait.ge [sflag:s15], $0x2700  }
0x16: {  	[sflag:s15] =	ssyncset.done $0x0  }
0x17: {  	s24 =	simm.s32 @!p0 $0x3;
	[sflag:s15] =	ssyncadd.s32 $0xFFFFD900  }
0x18: {  	[spmem:s16], [sflag:s8] =	dma.local @!p0 [hbm:s9], $0x100  }
0x19: {  	_ =	swait.ge @!p0 [sflag:s24], $0x100  }
0x1a: {  	[sflag:s24] =	ssyncset.done @!p0 $0x0  }
0x1b: {  	[sflag:s24] =	ssyncadd.s32 @!p0 $0xFFFFFF00  }
0x1c: {  	s24 =	simm.s32 $0x0;
	[bflag:$0x0] =	sbarrier.arrive $0xFFFF  }
.LBB2_2:
0x1d: {  	s25 =	smul.u32 $0x50, s24;
	_ =	sdelay $0x1  }
0x1e: {  	s25 =	sadd.s32 s10, s25  }
0x1f: {  	s25 =	sshrl.u32 s25, $0x3  }
0x20: {  	s28 =	simm.s32 $0x0;
	s26 =	sadd.s32 s6, s25  }
0x21: {  	[tilespmem:s28], [sflag:$0x3] =	stream.linear.gather [hbm4b:s26+s28], $0x50, $0x38;
	[tilespmem:$0x18980] =	vst v63  }
0x22: {  	_ =	swait.ge [sflag:s15], $0x50  }
0x23: {  	[sflag:s15] =	ssyncset.done $0x0  }
0x24: {  	s25 =	sadd.s32 s1, s25;
	[sflag:s15] =	ssyncadd.s32 $0xFFFFFFB0  }
0x25: {  	[tilespmem:s17], [sflag:$0x3] =	stream.linear.gather [hbm4b:s25+s28], $0x50, $0x38;
	[tilespmem:$0x18980] =	vst v63  }
0x26: {  	_ =	swait.ge [sflag:s15], $0x50  }
0x27: {  	[sflag:s15] =	ssyncset.done $0x0  }
0x28: {  	[sflag:s15] =	ssyncadd.s32 $0xFFFFFFB0  }
0x29: {  	[tilespmem:s19], [sflag:$0x1] =	stream.indirect.gather [hbm4b:s4+s18], $0x80, s28, s18, $0xb8;
	[tilespmem:$0x18980] =	vst v63  }
0x2a: {  	_ = 	snop  }
0x2b: {  	[tilespmem:s20], [sflag:$0x2] =	stream.indirect.gather [hbm4b:s5+s18], $0x80, s17, s18, $0xb8;
	[tilespmem:$0x18980] =	vst v63  }
0x2c: {  	_ =	swait.ge [sflag:s21], $0x2800  }
0x2d: {  	[sflag:s21] =	ssyncset.done $0x0  }
0x2e: {  	[sflag:s21] =	ssyncadd.s32 $0xFFFFD800  }
0x2f: {  	_ =	swait.ge [sflag:s22], $0x2800  }
0x30: {  	[sflag:s22] =	ssyncset.done $0x0  }
0x31: {  	s25 =	simm.s32 $0x0;
	[sflag:s22] =	ssyncadd.s32 $0xFFFFD800  }
0x32: {  	v6 =	vld [tilespmem:s25+$0x2900]  }
0x33: {  	v11 =	vld [tilespmem:s25+$0x2910]  }
0x34: {  	v5 =	vld [tilespmem:s25+$0x2920]  }
0x35: {  	v4 =	vld [tilespmem:s25+$0x2930]  }
0x36: {  	v3 =	vld [tilespmem:s25+$0x2940]  }
0x37: {  	v2 =	vld [tilespmem:s25+$0x2950]  }
0x38: {  	v1 =	vld [tilespmem:s25+$0x2960]  }
0x39: {  	v0 =	vld [tilespmem:s25+$0x2970]  }
0x3a: {  	v12 =	vld [tilespmem:s25+$0x100]  }
0x3b: {  	v13 =	vld [tilespmem:s25+$0x110]  }
0x3c: {  	v10 =	vld [tilespmem:s25+$0x120]  }
0x3d: {  	v9 =	vld [tilespmem:s25+$0x130]  }
0x3e: {  	v8 =	vld [tilespmem:s25+$0x140]  }
0x3f: {  	v7 =	vld [tilespmem:s25+$0x150];
	v12 =	vadd.f32 v6, v12  }
0x40: {  	s26 =	simm.s32 $0x200;
	v11 =	vadd.f32 v11, v13;
	v6 =	vld [tilespmem:s25+$0x160]  }
.LBB2_3:
0x41: {  	s28 =	sshra.s32 s26, $0x2;
	p1 =	sne.s32 s26, $0x9E00;
	v12 =	vmax.f32 v12, $0.0e+00;
	v5 =	vadd.f32 v5, v10;
	v10 =	vld [tilespmem:s25+$0x170]  }
0x42: {  	v13 =	vld [tilespmem:s28+$0x2900];
	[tilespmem:s25+$0x100] =	vst v12;
	v11 =	vmax.f32 v11, $0.0e+00;
	v4 =	vadd.f32 v4, v9  }
0x43: {  	v14 =	vld [tilespmem:s28+$0x2910];
	[tilespmem:s25+$0x110] =	vst v11;
	v9 =	vmax.f32 v5, $0.0e+00;
	v3 =	vadd.f32 v3, v8  }
0x44: {  	v5 =	vld [tilespmem:s28+$0x2920];
	[tilespmem:s25+$0x120] =	vst v9;
	v8 =	vmax.f32 v4, $0.0e+00;
	v2 =	vadd.f32 v2, v7  }
0x45: {  	v4 =	vld [tilespmem:s28+$0x2930];
	[tilespmem:s25+$0x130] =	vst v8;
	v7 =	vmax.f32 v3, $0.0e+00;
	v1 =	vadd.f32 v1, v6  }
0x46: {  	v3 =	vld [tilespmem:s28+$0x2940];
	[tilespmem:s25+$0x140] =	vst v7;
	v6 =	vmax.f32 v2, $0.0e+00;
	v0 =	vadd.f32 v0, v10  }
0x47: {  	v2 =	vld [tilespmem:s28+$0x2950];
	[tilespmem:s25+$0x150] =	vst v6;
	v6 =	vmax.f32 v1, $0.0e+00  }
0x48: {  	v1 =	vld [tilespmem:s28+$0x2960];
	[tilespmem:s25+$0x160] =	vst v6;
	v6 =	vmax.f32 v0, $0.0e+00  }
0x49: {  	v0 =	vld [tilespmem:s28+$0x2970];
	[tilespmem:s25+$0x170] =	vst v6;
	s25 =	smov.u32 s28  }
0x4a: {  	v6 =	vld [tilespmem:s25+$0x100]  }
0x4b: {  	v11 =	vld [tilespmem:s25+$0x110]  }
.Ltmp0:
0x4c: {  	v10 =	vld [tilespmem:s25+$0x120];
	(pc) =	sbr.rel @p1 .LBB2_3-.Ltmp0, $4  }
0x4d: {  	v9 =	vld [tilespmem:s25+$0x130]  }
0x4e: {  	v8 =	vld [tilespmem:s25+$0x140]  }
0x4f: {  	v12 =	vadd.f32 v13, v6;
	v7 =	vld [tilespmem:s25+$0x150]  }
0x50: {  	s26 =	sadd.s32 $0x200, s26;
	v11 =	vadd.f32 v14, v11;
	v6 =	vld [tilespmem:s25+$0x160]  }
0x51: {  	v12 =	vmax.f32 v12, $0.0e+00;
	v5 =	vadd.f32 v5, v10;
	v63 =	vld [tilespmem:s25+$0x170]  }
0x52: {  	[tilespmem:s25+$0x100] =	vst v12;
	v11 =	vmax.f32 v11, $0.0e+00;
	v4 =	vadd.f32 v4, v9  }
0x53: {  	[tilespmem:s25+$0x110] =	vst v11;
	v5 =	vmax.f32 v5, $0.0e+00;
	v3 =	vadd.f32 v3, v8  }
0x54: {  	[tilespmem:s25+$0x120] =	vst v5;
	v4 =	vmax.f32 v4, $0.0e+00;
	v2 =	vadd.f32 v2, v7  }
0x55: {  	[tilespmem:s25+$0x130] =	vst v4;
	v3 =	vmax.f32 v3, $0.0e+00;
	v1 =	vadd.f32 v1, v6  }
0x56: {  	[tilespmem:s25+$0x140] =	vst v3;
	v2 =	vmax.f32 v2, $0.0e+00;
	v0 =	vadd.f32 v0, v63  }
0x57: {  	s24 =	sadd.s32 $0x1, s24;
	[tilespmem:s25+$0x150] =	vst v2;
	v1 =	vmax.f32 v1, $0.0e+00  }
0x58: {  	p1 =	sne.s32 s24, $0x7D;
	[tilespmem:s25+$0x160] =	vst v1;
	v0 =	vmax.f32 v0, $0.0e+00  }
.Ltmp1:
0x59: {  	[tilespmem:s25+$0x170] =	vst v0;
	(pc) =	sbr.rel @p1 .LBB2_2-.Ltmp1, $4  }
0x5a: {  	[spmem:s2] =	stream.indirect.scatter.add.f32 [tilespmem:s19], [sflag:$0x3], $0x80, s3, s18, $0xb8;
	[tilespmem:$0x18980] =	vst v63  }
0x5b: {  	_ =	swait.ge [sflag:s15], $0x2800  }
0x5c: {  	[sflag:s15] =	ssyncset.done $0x0  }
0x5d: {  	[sflag:s15] =	ssyncadd.s32 $0xFFFFD800  }
0x5e: {  	[bflag:$0x0] =	sbarrier.arrive $0xFFFF  }
0x5f: {  	[hbm:s11], [sflag:s8] =	dma.local [spmem:s14], $0x2700  }
0x60: {  	s23 =	sadd.s32 $0x1, s23;
	_ =	swait.ge [sflag:s15], $0x2700  }
0x61: {  	p1 =	sne.s32 s23, s13;
	[sflag:s15] =	ssyncset.done $0x0  }
.Ltmp2:
0x62: {  	s24 =	simm.s32 @!p0 $0x3;
	[sflag:s15] =	ssyncadd.s32 $0xFFFFD900;
	(pc) =	sbr.rel @p1 .LBB2_1-.Ltmp2, $4  }
0x63: {  	[hbm:s12], [sflag:s8] =	dma.local @!p0 [spmem:s16], $0x100  }
0x64: {  	_ =	swait.ge @!p0 [sflag:s24], $0x100  }
0x65: {  	[sflag:s24] =	ssyncset.done @!p0 $0x0  }
0x66: {  	[sflag:s24] =	ssyncadd.s32 @!p0 $0xFFFFFF00  }
0x67: {  	_ =	sfence.sel $0x180000  }
0x68: {  	[bflag:$0x0] =	sbarrier.arrive $0xFFFF  }
0x69: {  	_ =	strace $0x9000004D  }
0x6a: {  	s0 =	sadd.s32 @!p0 $0x100000, s0;
	[bflag:$0x2] =	sbarrier.arrive $0xFFFF  }
0x6b: {  	[sflag:s0] =	ssyncadd.tile.s32 @!p0 $0x1;
	_ =	shalt  }
.Lfunc_end2:
_tile_overlayer_lowered:
.L_overlay_start_2:
0x6c: {  	(tag) =	ssettag $0x2  }
0x6d: {  	s0 =	rddreg [dreg:$0x0];
	s2 =	stileid.u32  }
0x6e: {  	s1 =	rddreg [dreg:$0x1];
	p0 =	sne.s32 s2, $0x0  }
0x6f: {  	s3 =	rddreg [dreg:$0x2];
	[bflag:$0x3] =	sbarrier.arrive $0xFFFF;
	s2 =	simm.s32 @!p0 $0x1C03  }
0x70: {  	[timem:s3], [sflag:s2] =	dma.local @!p0 [hbm:s0], s1  }
0x71: {  	s0 =	simm.s32 @!p0 $0x3  }
0x72: {  	_ =	swait.ge @!p0 [sflag:s0], s1  }
0x73: {  	s1 =	ssub.s32 @!p0 $0x0, s1;
	[sflag:s0] =	ssyncset.done @!p0 $0x0  }
0x74: {  	[sflag:s0] =	ssyncadd.s32 @!p0 s1  }
0x75: {  	[bflag:$0x3] =	sbarrier.arrive $0xFFFF  }
0x76: {  	_ =	shalt  }

// kernel: kernel.26.cloned.1.call-start
scs
__scs_entry_jumppad:
0x0: {  	(pc) =	sbr.rel $0x88, $3  }
0x1: {  	(tag) =	ssettag $0x0;
	lr =	simm.s32 $0x1  }
0x2: {  	[smem:$0x3F90] =	sst lr;
	_ =	strace $0xD0000000  }
0x3: {  	_ = 	snop  }
0x4: {  	_ = 	snop  }
0x5: {  	_ = 	snop  }
0x6: {  	_ = 	snop  }
0x7: {  	_ = 	snop  }
__scs_overlays_trampoline_lowered:
0x8: {  	[smem:$0x3F9F] =	sst s0  }
0x9: {  	[smem:$0x3FA0] =	sst s1  }
0xa: {  	[smem:$0x3FA1] =	sst s2  }
0xb: {  	[smem:$0x3FA2] =	sst s3  }
0xc: {  	[smem:$0x3FA3] =	sst s4  }
0xd: {  	[smem:$0x3FA4] =	sst s5  }
0xe: {  	[smem:$0x3FA5] =	sst s6  }
0xf: {  	[smem:$0x3FA6] =	sst s7  }
0x10: {  	[smem:$0x3FA7] =	sst s8  }
0x11: {  	[smem:$0x3FA8] =	sst s9;
	s0 =	simm.s32 @!p0 $0x0  }
0x12: {  	s1 =	sld [smem:$0x3F8E];
	s0 =	simm.s32 @p0 $0x1  }
0x13: {  	[smem:$0x3FA9] =	sst s0;
	s0 =	simm.s32 @!p1 $0x0  }
0x14: {  	s2 =	sld [smem:$0x3F8D];
	s0 =	simm.s32 @p1 $0x1  }
0x15: {  	[smem:$0x3FAA] =	sst s0;
	s0 =	simm.s32 @!p2 $0x0  }
0x16: {  	s3 =	sld [smem:$0x3FDB];
	s0 =	simm.s32 @p2 $0x1  }
0x17: {  	s4 =	simm.s32 $0x1BF5;
	[smem:$0x3FAC] =	sst s0  }
0x18: {  	s0 =	sld [smem:$0x3F8F];
	_ =	swait.ge [sflag:s4], $0x0  }
0x19: {  	s7 =	sld [smem:$0x3F90]  }
0x1a: {  	s8 =	sadd.s32 $0xFFFFE003, lr  }
0x1b: {  	s9 =	sadd.s32 $0xFFFFFEF7, lr;
	s5 =	simm.s32 $0xFFFFFFFF;
	p2 =	slt.u32 s8, $0xFFFFF086  }
0x1c: {  	p1 =	slt.u32 s9, $0xF7A;
	s5 =	simm.s32 @!p2 $0x0  }
0x1d: {  	s5 =	simm.s32 @p1 $0x1;
	p0 =	seq.s32 s7, s2  }
0x1e: {  	s7 =	smul.u32 @!p0 $0xF7A, s2;
	p2 =	seq.s32 @!p0 s5, $0x0  }
0x1f: {  	s9 =	smul.u32 $0xF7A, s1;
	s8 =	simm.s32 @!p0 $0x1BF5;
	p2 =	por !p2, p0  }
0x20: {  	[sflag:s8] =	ssyncset.s32 @!p0 $0xFFFFF086;
	s6 =	sadd.s32 @!p0 s3, s7;
	s7 =	simm.s32 @!p0 $0x108  }
0x21: {  	s3 =	sadd.s32 s3, s9;
	s6 =	sadd.s32 @!p0 $0x88, s6;
	s7 =	simm.s32 @p2 $0x1082  }
0x22: {  	[simem:s7], [sflag:s8] =	dma.local @!p0 [hbm:s6], $0xF7A  }
0x23: {  	s9 =	sor.u32 $0xD0000000, s2;
	s6 =	simm.s32 $0x108;
	_ =	swait.ge @!p0 [sflag:s8], $0x0  }
0x24: {  	s3 =	sadd.s32 $0x88, s3;
	s6 =	simm.s32 @!p1 $0x1082;
	[sflag:s4] =	ssyncset.s32 $0xFFFFF086  }
0x25: {  	[simem:s6], [sflag:s4] =	dma.local [hbm:s3], $0xF7A  }
0x26: {  	[smem:$0x3F90] =	sst s1;
	(tag) =	ssettag s2;
	_ =	strace s9  }
0x27: {  	s1 =	sld [smem:$0x3FA0]  }
0x28: {  	s2 =	sld [smem:$0x3FA1]  }
0x29: {  	s4 =	sld [smem:$0x3FA3]  }
0x2a: {  	p0 =	seq.s32 s5, $0x0;
	s5 =	sld [smem:$0x3FA4]  }
0x2b: {  	s6 =	sld [smem:$0x3FA5]  }
0x2c: {  	s7 =	sld [smem:$0x3FA6]  }
0x2d: {  	s3 =	simm.s32 $0x108;
	s8 =	sld [smem:$0x3FA7]  }
0x2e: {  	s3 =	simm.s32 @!p0 $0x1082;
	s9 =	sld [smem:$0x3FA8]  }
0x2f: {  	lr =	sadd.s32 s0, s3;
	s0 =	sld [smem:$0x3F9F]  }
0x30: {  	s3 =	sld [smem:$0x3FA2]  }
0x31: {  	[smem:$0x3FAB] =	sst s10  }
0x32: {  	s10 =	sld [smem:$0x3FA9];
	_ =	sdelay $0x3  }
0x33: {  	p0 =	seq.s32 s10, $0x1;
	s10 =	sld [smem:$0x3FAB];
	_ =	sdelay $0x3  }
0x34: {  	[smem:$0x3FAB] =	sst s10  }
0x35: {  	s10 =	sld [smem:$0x3FAA];
	_ =	sdelay $0x3  }
0x36: {  	p1 =	seq.s32 s10, $0x1;
	s10 =	sld [smem:$0x3FAB];
	_ =	sdelay $0x3  }
0x37: {  	[smem:$0x3FAB] =	sst s10  }
0x38: {  	s10 =	sld [smem:$0x3FAC]  }
0x39: {  	_ = 	snop;
	(pc) =	sbr.ind lr, $3  }
0x3a: {  	_ = 	snop  }
0x3b: {  	_ = 	snop  }
0x3c: {  	p2 =	seq.s32 s10, $0x1;
	s10 =	sld [smem:$0x3FAB]  }
0x3d: {  	_ =	shalt  }
0x3e: {  	_ =	shalt  }
0x3f: {  	_ =	shalt  }
0x40: {  	_ =	shalt  }
0x41: {  	_ =	shalt  }
0x42: {  	_ =	shalt  }
0x43: {  	_ =	shalt  }
0x44: {  	_ =	shalt  }
0x45: {  	_ =	shalt  }
0x46: {  	_ =	shalt  }
0x47: {  	_ =	shalt  }
0x48: {  	_ =	shalt  }
0x49: {  	_ =	shalt  }
0x4a: {  	_ =	shalt  }
0x4b: {  	_ =	shalt  }
0x4c: {  	_ =	shalt  }
0x4d: {  	_ =	shalt  }
0x4e: {  	_ =	shalt  }
0x4f: {  	_ =	shalt  }
0x50: {  	_ =	shalt  }
0x51: {  	_ =	shalt  }
0x52: {  	_ =	shalt  }
0x53: {  	_ =	shalt  }
0x54: {  	_ =	shalt  }
0x55: {  	_ =	shalt  }
0x56: {  	_ =	shalt  }
0x57: {  	_ =	shalt  }
0x58: {  	_ =	shalt  }
0x59: {  	_ =	shalt  }
0x5a: {  	_ =	shalt  }
0x5b: {  	_ =	shalt  }
0x5c: {  	_ =	shalt  }
0x5d: {  	_ =	shalt  }
0x5e: {  	_ =	shalt  }
0x5f: {  	_ =	shalt  }
0x60: {  	_ =	shalt  }
0x61: {  	_ =	shalt  }
0x62: {  	_ =	shalt  }
0x63: {  	_ =	shalt  }
0x64: {  	_ =	shalt  }
0x65: {  	_ =	shalt  }
0x66: {  	_ =	shalt  }
0x67: {  	_ =	shalt  }
0x68: {  	_ =	shalt  }
0x69: {  	_ =	shalt  }
0x6a: {  	_ =	shalt  }
0x6b: {  	_ =	shalt  }
0x6c: {  	_ =	shalt  }
0x6d: {  	_ =	shalt  }
0x6e: {  	_ =	shalt  }
0x6f: {  	_ =	shalt  }
0x70: {  	_ =	shalt  }
0x71: {  	_ =	shalt  }
0x72: {  	_ =	shalt  }
0x73: {  	_ =	shalt  }
0x74: {  	_ =	shalt  }
0x75: {  	_ =	shalt  }
0x76: {  	_ =	shalt  }
0x77: {  	_ =	shalt  }
0x78: {  	_ =	shalt  }
0x79: {  	_ =	shalt  }
0x7a: {  	_ =	shalt  }
0x7b: {  	_ =	shalt  }
0x7c: {  	_ =	shalt  }
0x7d: {  	_ =	shalt  }
0x7e: {  	_ =	shalt  }
0x7f: {  	_ =	shalt  }
0x80: {  	_ =	shalt  }
0x81: {  	_ =	shalt  }
0x82: {  	_ =	shalt  }
0x83: {  	_ =	shalt  }
0x84: {  	_ =	shalt  }
0x85: {  	_ =	shalt  }
0x86: {  	_ =	shalt  }
0x87: {  	_ =	shalt  }
.Lfunc_end0:
.L_simem_size_0:
called_computation.3_lowered:
.L_overlay_start_0:
0x88: {  	s2 =	sld [smem:$0x3FD9]  }
0x89: {  	s3 =	sld [smem:$0x3FFE];
	_ =	sdelay $0x1  }
0x8a: {  	s1 =	srdreg.scid  }
0x8b: {  	s0 =	sand.u32 $0x1, s1  }
0x8c: {  	s17 =	sshll.u32 s0, $0xA;
	s2 =	sadd.s32 s3, s2  }
0x8d: {  	s2 =	sadd.s32 s2, s17  }
0x8e: {  	[smem:$0x3FB7] =	sst s2  }
0x8f: {  	_ = 	snop  }
0x90: {  	s2 =	sld [smem:$0x3FD0];
	(tm) =	ssettm $0x1  }
0x91: {  	s18 =	sld [smem:$0x3FFB];
	_ =	sdelay $0x3  }
0x92: {  	_ =	strace s18  }
0x93: {  	s3 =	sld [smem:$0x3FFC];
	_ =	sdelay $0x3  }
0x94: {  	_ =	strace s3  }
0x95: {  	s3 =	sld [smem:$0x3FFD];
	_ =	sdelay $0x3  }
0x96: {  	_ =	strace s3  }
0x97: {  	_ =	strace $0x8FFFFFFF  }
0x98: {  	s19 =	sld [smem:$0x3FDB];
	_ =	sdelay $0x1  }
0x99: {  	s4 =	simm.s32 $_scs_section_size  }
0x9a: {  	s5 =	simm.s32 $_size__tile_overlayer_lowered;
	s6 =	simm.s32 $_tile_overlayer_lowered  }
0x9b: {  	s22 =	simm.s32 $0x1BFF;
	s21 =	sshll.u32 s6, $0x1;
	s3 =	sadd.s32 s4, s19  }
0x9c: {  	s7 =	simm.s32 $0x0;
	s20 =	sshll.u32 s5, $0x1;
	s5 =	sadd.s32 s21, s3  }
0x9d: {  	[timem:s7], [sflag:s22] =	dma.local [hbm:s5], s20  }
0x9e: {  	_ =	swait.ge [sflag:s22], s20  }
0x9f: {  	s4 =	ssub.s32 $0x0, s20;
	[sflag:s22] =	ssyncset.done $0x0  }
0xa0: {  	[sflag:s22] =	ssyncadd.s32 s4;
	_ =	sdelay $0x1  }
0xa1: {  	s23 =	simm.s32 $0x1B8B  }
0xa2: {  	_ =	swait.ge [sflag:s23], $0x1  }
0xa3: {  	[sflag:s23] =	ssyncset.done $0x0  }
0xa4: {  	s25 =	simm.s32 $0x1B8E;
	s24 =	sld [smem:$0x3FFE];
	[sflag:s23] =	ssyncadd.s32 $0xFFFFFFFF  }
0xa5: {  	s26 =	simm.s32 $execute0_lowered;
	[smem:$0x3FD2] =	sst s25  }
0xa6: {  	s5 =	sshll.u32 s26, $0x1;
	_ =	strace $0x8000004F;
	[dreg:$0x1] =	wrdreg $0xFFFFFFFF  }
0xa7: {  	s28 =	simm.s32 $_size_execute0_lowered;
	s3 =	sadd.s32 s3, s5;
	[dreg:$0x0] =	wrdreg $0x0  }
0xa8: {  	s5 =	sshll.u32 s28, $0x1;
	[dreg:$0x2] =	wrdreg s3  }
0xa9: {  	[dreg:$0x3] =	wrdreg s5  }
0xaa: {  	[dreg:$0x4] =	wrdreg $0xC0  }
0xab: {  	_ =	task [dreg:s7], $0x5FFFF  }
0xac: {  	[dreg:$0x1] =	wrdreg $0xFFFFFFFF  }
0xad: {  	[dreg:$0x0] =	wrdreg $0x60  }
0xae: {  	[dreg:$0x2] =	wrdreg s24  }
0xaf: {  	[dreg:$0x3] =	wrdreg s2  }
0xb0: {  	[dreg:$0x4] =	wrdreg $0x51000  }
0xb1: {  	[dreg:$0x5] =	wrdreg $0x9  }
0xb2: {  	_ =	task.clear_ibuf [dreg:s7], $0x6FFFF;
	_ =	strace $0x9000004F  }
0xb3: {  	s29 =	simm.s32 $0x9;
	_ =	strace $0x80000051  }
0xb4: {  	_ =	swait.ge [sflag:s29], $0x1  }
0xb5: {  	[sflag:s29] =	ssyncadd.s32 $0xFFFFFFFF  }
0xb6: {  	_ =	strace $0x90000051  }
0xb7: {  	_ =	sfence  }
0xb8: {  	s30 =	sld [smem:$0x0];
	_ =	sdelay $0x2  }
0xb9: {  	s31 =	sshll.u32 s1, $0xD;
	s1 =	sshrl.u32 s1, $0x2  }
0xba: {  	s3 =	sand.u32 $0x4000, s31;
	s1 =	sadd.s32 s1, s30  }
0xbb: {  	s0 =	sor.u32 s3, s0;
	s1 =	sshll.u32 s1, $0x11  }
0xbc: {  	s0 =	sor.u32 s1, s0  }
0xbd: {  	s0 =	sadd.s32 $0x8F2B, s0  }
0xbe: {  	[sflag:s0] =	ssyncadd.remote.s32 $0x1  }
0xbf: {  	_ =	sfence.sel $0xFFFF  }
0xc0: {  	[dreg:$0x0] =	wrdreg $0xFFFFFFFF;
	(pc) =	sbr.abs _section_cstart, $3  }
0xc1: {  	[dreg:$0x1] =	wrdreg $0xFFFFFFFF  }
0xc2: {  	_ =	task.clear_ibuf [dreg:s7], $0x2FFFF;
	_ =	strace $0x9FFFFFFF  }
0xc3: {  	(tm) =	ssettm $0x7FFFFFFF  }
tec
execute0_lowered:
.L_overlay_start_1:
0x0: {  	(tag) =	ssettag $0x1  }
0x1: {  	s9 =	rddreg [dreg:$0x0]  }
0x2: {  	s1 =	rddreg [dreg:$0x1]  }
0x3: {  	s2 =	rddreg [dreg:$0x2]  }
0x4: {  	s0 =	rddreg [dreg:$0x3];
	s3 =	simm.s32 $0x0  }
0x5: {  	s14 =	stileid.u32;
	s6 =	srdreg.scid;
	s19 =	simm.s32 $0x100  }
0x6: {  	s20 =	simm.s32 $0x2900;
	s21 =	simm.s32 $0x1;
	s22 =	simm.s32 $0x2  }
0x7: {  	s23 =	simm.s32 $0x0;
	[smem:$0x7FF] =	sst s3;
	s4 =	sadd.s32 $0x8BA00, s9  }
0x8: {  	s10 =	smul.u32 $0x13800, s14;
	s5 =	sadd.s32 $0x16400, s9;
	s11 =	sand.u32 $0x1, s6  }
0x9: {  	s7 =	smul.u32 $0x4E000, s14;
	s6 =	sadd.s32 $0xC600, s9;
	s15 =	sadd.s32 $0xE0800, s9  }
0xa: {  	s29 =	sshll.u32 s14, $0x6;
	s17 =	sadd.s32 $0x138000, s2;
	s18 =	sshll.u32 s14, $0x1  }
0xb: {  	p0 =	sne.s32 s14, $0x0;
	_ =	strace $0x80000050;
	s12 =	ssub.s32 $0x2, s11  }
0xc: {  	s30 =	smul.u32 $0x138800, s11;
	s11 =	sor.u32 s11, s18;
	s18 =	simm.s32 $0x50  }
0xd: {  	s8 =	sshrl.u32 s10, $0x3;
	s13 =	sshrl.u32 s12, $0x1;
	s7 =	sshrl.u32 s7, $0x2  }
0xe: {  	s8 =	sadd.s32 s8, s9;
	s13 =	ssub.s32 s12, s13;
	s16 =	sadd.s32 s7, s2  }
0xf: {  	s9 =	sadd.s32 $0x8B800, s9;
	s10 =	sadd.s32 s10, s30;
	s12 =	sshrl.u32 s30, $0x3  }
0x10: {  	s7 =	sadd.s32 $0x64800, s8;
	s8 =	sor.u32 $0x1C03, s29;
	s31 =	sshrl.u32 s10, $0x3  }
0x11: {  	s12 =	sadd.s32 s15, s12;
	s10 =	smul.u32 $0x2710, s11;
	s13 =	smax.u32 s13, $0x1  }
0x12: {  	s14 =	sshrl.u32 s16, $0x3;
	s16 =	sshrl.u32 @!p0 s17, $0x3;
	s17 =	simm.s32 $0x80  }
0x13: {  	s11 =	sadd.s32 s15, s31;
	s12 =	sadd.s32 $0x27000, s12;
	s15 =	simm.s32 $0x3  }
.LBB2_1:
0x14: {  	[spmem:s14], [sflag:s8] =	dma.local [hbm:s7], $0x2700  }
0x15: {  	_ =	swait.ge [sflag:s15], $0x2700  }
0x16: {  	[sflag:s15] =	ssyncset.done $0x0  }
0x17: {  	s24 =	simm.s32 @!p0 $0x3;
	[sflag:s15] =	ssyncadd.s32 $0xFFFFD900  }
0x18: {  	[spmem:s16], [sflag:s8] =	dma.local @!p0 [hbm:s9], $0x100  }
0x19: {  	_ =	swait.ge @!p0 [sflag:s24], $0x100  }
0x1a: {  	[sflag:s24] =	ssyncset.done @!p0 $0x0  }
0x1b: {  	[sflag:s24] =	ssyncadd.s32 @!p0 $0xFFFFFF00  }
0x1c: {  	s24 =	simm.s32 $0x0;
	[bflag:$0x0] =	sbarrier.arrive $0xFFFF  }
.LBB2_2:
0x1d: {  	s25 =	smul.u32 $0x50, s24;
	_ =	sdelay $0x1  }
0x1e: {  	s25 =	sadd.s32 s10, s25  }
0x1f: {  	s25 =	sshrl.u32 s25, $0x3  }
0x20: {  	s28 =	simm.s32 $0x0;
	s26 =	sadd.s32 s6, s25  }
0x21: {  	[tilespmem:s28], [sflag:$0x3] =	stream.linear.gather [hbm4b:s26+s28], $0x50, $0x38;
	[tilespmem:$0x18980] =	vst v63  }
0x22: {  	_ =	swait.ge [sflag:s15], $0x50  }
0x23: {  	[sflag:s15] =	ssyncset.done $0x0  }
0x24: {  	s25 =	sadd.s32 s1, s25;
	[sflag:s15] =	ssyncadd.s32 $0xFFFFFFB0  }
0x25: {  	[tilespmem:s17], [sflag:$0x3] =	stream.linear.gather [hbm4b:s25+s28], $0x50, $0x38;
	[tilespmem:$0x18980] =	vst v63  }
0x26: {  	_ =	swait.ge [sflag:s15], $0x50  }
0x27: {  	[sflag:s15] =	ssyncset.done $0x0  }
0x28: {  	[sflag:s15] =	ssyncadd.s32 $0xFFFFFFB0  }
0x29: {  	[tilespmem:s19], [sflag:$0x1] =	stream.indirect.gather [hbm4b:s4+s18], $0x80, s28, s18, $0xb8;
	[tilespmem:$0x18980] =	vst v63  }
0x2a: {  	_ = 	snop  }
0x2b: {  	[tilespmem:s20], [sflag:$0x2] =	stream.indirect.gather [hbm4b:s5+s18], $0x80, s17, s18, $0xb8;
	[tilespmem:$0x18980] =	vst v63  }
0x2c: {  	_ =	swait.ge [sflag:s21], $0x2800  }
0x2d: {  	[sflag:s21] =	ssyncset.done $0x0  }
0x2e: {  	[sflag:s21] =	ssyncadd.s32 $0xFFFFD800  }
0x2f: {  	_ =	swait.ge [sflag:s22], $0x2800  }
0x30: {  	[sflag:s22] =	ssyncset.done $0x0  }
0x31: {  	s25 =	simm.s32 $0x0;
	[sflag:s22] =	ssyncadd.s32 $0xFFFFD800  }
0x32: {  	v6 =	vld [tilespmem:s25+$0x2900]  }
0x33: {  	v11 =	vld [tilespmem:s25+$0x2910]  }
0x34: {  	v5 =	vld [tilespmem:s25+$0x2920]  }
0x35: {  	v4 =	vld [tilespmem:s25+$0x2930]  }
0x36: {  	v3 =	vld [tilespmem:s25+$0x2940]  }
0x37: {  	v2 =	vld [tilespmem:s25+$0x2950]  }
0x38: {  	v1 =	vld [tilespmem:s25+$0x2960]  }
0x39: {  	v0 =	vld [tilespmem:s25+$0x2970]  }
0x3a: {  	v12 =	vld [tilespmem:s25+$0x100]  }
0x3b: {  	v13 =	vld [tilespmem:s25+$0x110]  }
0x3c: {  	v10 =	vld [tilespmem:s25+$0x120]  }
0x3d: {  	v9 =	vld [tilespmem:s25+$0x130]  }
0x3e: {  	v8 =	vld [tilespmem:s25+$0x140]  }
0x3f: {  	v7 =	vld [tilespmem:s25+$0x150];
	v12 =	vadd.f32 v6, v12  }
0x40: {  	s26 =	simm.s32 $0x200;
	v11 =	vadd.f32 v11, v13;
	v6 =	vld [tilespmem:s25+$0x160]  }
.LBB2_3:
0x41: {  	s28 =	sshra.s32 s26, $0x2;
	p1 =	sne.s32 s26, $0x9E00;
	v12 =	vmax.f32 v12, $0.0e+00;
	v5 =	vadd.f32 v5, v10;
	v10 =	vld [tilespmem:s25+$0x170]  }
0x42: {  	v13 =	vld [tilespmem:s28+$0x2900];
	[tilespmem:s25+$0x100] =	vst v12;
	v11 =	vmax.f32 v11, $0.0e+00;
	v4 =	vadd.f32 v4, v9  }
0x43: {  	v14 =	vld [tilespmem:s28+$0x2910];
	[tilespmem:s25+$0x110] =	vst v11;
	v9 =	vmax.f32 v5, $0.0e+00;
	v3 =	vadd.f32 v3, v8  }
0x44: {  	v5 =	vld [tilespmem:s28+$0x2920];
	[tilespmem:s25+$0x120] =	vst v9;
	v8 =	vmax.f32 v4, $0.0e+00;
	v2 =	vadd.f32 v2, v7  }
0x45: {  	v4 =	vld [tilespmem:s28+$0x2930];
	[tilespmem:s25+$0x130] =	vst v8;
	v7 =	vmax.f32 v3, $0.0e+00;
	v1 =	vadd.f32 v1, v6  }
0x46: {  	v3 =	vld [tilespmem:s28+$0x2940];
	[tilespmem:s25+$0x140] =	vst v7;
	v6 =	vmax.f32 v2, $0.0e+00;
	v0 =	vadd.f32 v0, v10  }
0x47: {  	v2 =	vld [tilespmem:s28+$0x2950];
	[tilespmem:s25+$0x150] =	vst v6;
	v6 =	vmax.f32 v1, $0.0e+00  }
0x48: {  	v1 =	vld [tilespmem:s28+$0x2960];
	[tilespmem:s25+$0x160] =	vst v6;
	v6 =	vmax.f32 v0, $0.0e+00  }
0x49: {  	v0 =	vld [tilespmem:s28+$0x2970];
	[tilespmem:s25+$0x170] =	vst v6;
	s25 =	smov.u32 s28  }
0x4a: {  	v6 =	vld [tilespmem:s25+$0x100]  }
0x4b: {  	v11 =	vld [tilespmem:s25+$0x110]  }
.Ltmp0:
0x4c: {  	v10 =	vld [tilespmem:s25+$0x120];
	(pc) =	sbr.rel @p1 .LBB2_3-.Ltmp0, $4  }
0x4d: {  	v9 =	vld [tilespmem:s25+$0x130]  }
0x4e: {  	v8 =	vld [tilespmem:s25+$0x140]  }
0x4f: {  	v12 =	vadd.f32 v13, v6;
	v7 =	vld [tilespmem:s25+$0x150]  }
0x50: {  	s26 =	sadd.s32 $0x200, s26;
	v11 =	vadd.f32 v14, v11;
	v6 =	vld [tilespmem:s25+$0x160]  }
0x51: {  	v12 =	vmax.f32 v12, $0.0e+00;
	v5 =	vadd.f32 v5, v10;
	v63 =	vld [tilespmem:s25+$0x170]  }
0x52: {  	[tilespmem:s25+$0x100] =	vst v12;
	v11 =	vmax.f32 v11, $0.0e+00;
	v4 =	vadd.f32 v4, v9  }
0x53: {  	[tilespmem:s25+$0x110] =	vst v11;
	v5 =	vmax.f32 v5, $0.0e+00;
	v3 =	vadd.f32 v3, v8  }
0x54: {  	[tilespmem:s25+$0x120] =	vst v5;
	v4 =	vmax.f32 v4, $0.0e+00;
	v2 =	vadd.f32 v2, v7  }
0x55: {  	[tilespmem:s25+$0x130] =	vst v4;
	v3 =	vmax.f32 v3, $0.0e+00;
	v1 =	vadd.f32 v1, v6  }
0x56: {  	[tilespmem:s25+$0x140] =	vst v3;
	v2 =	vmax.f32 v2, $0.0e+00;
	v0 =	vadd.f32 v0, v63  }
0x57: {  	s24 =	sadd.s32 $0x1, s24;
	[tilespmem:s25+$0x150] =	vst v2;
	v1 =	vmax.f32 v1, $0.0e+00  }
0x58: {  	p1 =	sne.s32 s24, $0x7D;
	[tilespmem:s25+$0x160] =	vst v1;
	v0 =	vmax.f32 v0, $0.0e+00  }
.Ltmp1:
0x59: {  	[tilespmem:s25+$0x170] =	vst v0;
	(pc) =	sbr.rel @p1 .LBB2_2-.Ltmp1, $4  }
0x5a: {  	[spmem:s2] =	stream.indirect.scatter.add.f32 [tilespmem:s19], [sflag:$0x3], $0x80, s3, s18, $0xb8;
	[tilespmem:$0x18980] =	vst v63  }
0x5b: {  	_ =	swait.ge [sflag:s15], $0x2800  }
0x5c: {  	[sflag:s15] =	ssyncset.done $0x0  }
0x5d: {  	[sflag:s15] =	ssyncadd.s32 $0xFFFFD800  }
0x5e: {  	[bflag:$0x0] =	sbarrier.arrive $0xFFFF  }
0x5f: {  	[hbm:s11], [sflag:s8] =	dma.local [spmem:s14], $0x2700  }
0x60: {  	s23 =	sadd.s32 $0x1, s23;
	_ =	swait.ge [sflag:s15], $0x2700  }
0x61: {  	p1 =	sne.s32 s23, s13;
	[sflag:s15] =	ssyncset.done $0x0  }
.Ltmp2:
0x62: {  	s24 =	simm.s32 @!p0 $0x3;
	[sflag:s15] =	ssyncadd.s32 $0xFFFFD900;
	(pc) =	sbr.rel @p1 .LBB2_1-.Ltmp2, $4  }
0x63: {  	[hbm:s12], [sflag:s8] =	dma.local @!p0 [spmem:s16], $0x100  }
0x64: {  	_ =	swait.ge @!p0 [sflag:s24], $0x100  }
0x65: {  	[sflag:s24] =	ssyncset.done @!p0 $0x0  }
0x66: {  	[sflag:s24] =	ssyncadd.s32 @!p0 $0xFFFFFF00  }
0x67: {  	_ =	sfence.sel $0x180000  }
0x68: {  	[bflag:$0x0] =	sbarrier.arrive $0xFFFF  }
0x69: {  	_ =	strace $0x90000050  }
0x6a: {  	s0 =	sadd.s32 @!p0 $0x100000, s0;
	[bflag:$0x2] =	sbarrier.arrive $0xFFFF  }
0x6b: {  	[sflag:s0] =	ssyncadd.tile.s32 @!p0 $0x1;
	_ =	shalt  }
.Lfunc_end2:
_tile_overlayer_lowered:
.L_overlay_start_2:
0x6c: {  	(tag) =	ssettag $0x2  }
0x6d: {  	s0 =	rddreg [dreg:$0x0];
	s2 =	stileid.u32  }
0x6e: {  	s1 =	rddreg [dreg:$0x1];
	p0 =	sne.s32 s2, $0x0  }
0x6f: {  	s3 =	rddreg [dreg:$0x2];
	[bflag:$0x3] =	sbarrier.arrive $0xFFFF;
	s2 =	simm.s32 @!p0 $0x1C03  }
0x70: {  	[timem:s3], [sflag:s2] =	dma.local @!p0 [hbm:s0], s1  }
0x71: {  	s0 =	simm.s32 @!p0 $0x3  }
0x72: {  	_ =	swait.ge @!p0 [sflag:s0], s1  }
0x73: {  	s1 =	ssub.s32 @!p0 $0x0, s1;
	[sflag:s0] =	ssyncset.done @!p0 $0x0  }
0x74: {  	[sflag:s0] =	ssyncadd.s32 @!p0 s1  }
0x75: {  	[bflag:$0x3] =	sbarrier.arrive $0xFFFF  }
0x76: {  	_ =	shalt  }

// kernel: kernel.29.cloned.1.call-start
scs
__scs_entry_jumppad:
0x0: {  	(pc) =	sbr.rel $0x88, $3  }
0x1: {  	(tag) =	ssettag $0x0;
	lr =	simm.s32 $0x1  }
0x2: {  	[smem:$0x3F90] =	sst lr;
	_ =	strace $0xD0000000  }
0x3: {  	_ = 	snop  }
0x4: {  	_ = 	snop  }
0x5: {  	_ = 	snop  }
0x6: {  	_ = 	snop  }
0x7: {  	_ = 	snop  }
__scs_overlays_trampoline_lowered:
0x8: {  	[smem:$0x3F9F] =	sst s0  }
0x9: {  	[smem:$0x3FA0] =	sst s1  }
0xa: {  	[smem:$0x3FA1] =	sst s2  }
0xb: {  	[smem:$0x3FA2] =	sst s3  }
0xc: {  	[smem:$0x3FA3] =	sst s4  }
0xd: {  	[smem:$0x3FA4] =	sst s5  }
0xe: {  	[smem:$0x3FA5] =	sst s6  }
0xf: {  	[smem:$0x3FA6] =	sst s7  }
0x10: {  	[smem:$0x3FA7] =	sst s8  }
0x11: {  	[smem:$0x3FA8] =	sst s9;
	s0 =	simm.s32 @!p0 $0x0  }
0x12: {  	s1 =	sld [smem:$0x3F8E];
	s0 =	simm.s32 @p0 $0x1  }
0x13: {  	[smem:$0x3FA9] =	sst s0;
	s0 =	simm.s32 @!p1 $0x0  }
0x14: {  	s2 =	sld [smem:$0x3F8D];
	s0 =	simm.s32 @p1 $0x1  }
0x15: {  	[smem:$0x3FAA] =	sst s0;
	s0 =	simm.s32 @!p2 $0x0  }
0x16: {  	s3 =	sld [smem:$0x3FDB];
	s0 =	simm.s32 @p2 $0x1  }
0x17: {  	s4 =	simm.s32 $0x1BF5;
	[smem:$0x3FAC] =	sst s0  }
0x18: {  	s0 =	sld [smem:$0x3F8F];
	_ =	swait.ge [sflag:s4], $0x0  }
0x19: {  	s7 =	sld [smem:$0x3F90]  }
0x1a: {  	s8 =	sadd.s32 $0xFFFFE003, lr  }
0x1b: {  	s9 =	sadd.s32 $0xFFFFFEF7, lr;
	s5 =	simm.s32 $0xFFFFFFFF;
	p2 =	slt.u32 s8, $0xFFFFF086  }
0x1c: {  	p1 =	slt.u32 s9, $0xF7A;
	s5 =	simm.s32 @!p2 $0x0  }
0x1d: {  	s5 =	simm.s32 @p1 $0x1;
	p0 =	seq.s32 s7, s2  }
0x1e: {  	s7 =	smul.u32 @!p0 $0xF7A, s2;
	p2 =	seq.s32 @!p0 s5, $0x0  }
0x1f: {  	s9 =	smul.u32 $0xF7A, s1;
	s8 =	simm.s32 @!p0 $0x1BF5;
	p2 =	por !p2, p0  }
0x20: {  	[sflag:s8] =	ssyncset.s32 @!p0 $0xFFFFF086;
	s6 =	sadd.s32 @!p0 s3, s7;
	s7 =	simm.s32 @!p0 $0x108  }
0x21: {  	s3 =	sadd.s32 s3, s9;
	s6 =	sadd.s32 @!p0 $0x88, s6;
	s7 =	simm.s32 @p2 $0x1082  }
0x22: {  	[simem:s7], [sflag:s8] =	dma.local @!p0 [hbm:s6], $0xF7A  }
0x23: {  	s9 =	sor.u32 $0xD0000000, s2;
	s6 =	simm.s32 $0x108;
	_ =	swait.ge @!p0 [sflag:s8], $0x0  }
0x24: {  	s3 =	sadd.s32 $0x88, s3;
	s6 =	simm.s32 @!p1 $0x1082;
	[sflag:s4] =	ssyncset.s32 $0xFFFFF086  }
0x25: {  	[simem:s6], [sflag:s4] =	dma.local [hbm:s3], $0xF7A  }
0x26: {  	[smem:$0x3F90] =	sst s1;
	(tag) =	ssettag s2;
	_ =	strace s9  }
0x27: {  	s1 =	sld [smem:$0x3FA0]  }
0x28: {  	s2 =	sld [smem:$0x3FA1]  }
0x29: {  	s4 =	sld [smem:$0x3FA3]  }
0x2a: {  	p0 =	seq.s32 s5, $0x0;
	s5 =	sld [smem:$0x3FA4]  }
0x2b: {  	s6 =	sld [smem:$0x3FA5]  }
0x2c: {  	s7 =	sld [smem:$0x3FA6]  }
0x2d: {  	s3 =	simm.s32 $0x108;
	s8 =	sld [smem:$0x3FA7]  }
0x2e: {  	s3 =	simm.s32 @!p0 $0x1082;
	s9 =	sld [smem:$0x3FA8]  }
0x2f: {  	lr =	sadd.s32 s0, s3;
	s0 =	sld [smem:$0x3F9F]  }
0x30: {  	s3 =	sld [smem:$0x3FA2]  }
0x31: {  	[smem:$0x3FAB] =	sst s10  }
0x32: {  	s10 =	sld [smem:$0x3FA9];
	_ =	sdelay $0x3  }
0x33: {  	p0 =	seq.s32 s10, $0x1;
	s10 =	sld [smem:$0x3FAB];
	_ =	sdelay $0x3  }
0x34: {  	[smem:$0x3FAB] =	sst s10  }
0x35: {  	s10 =	sld [smem:$0x3FAA];
	_ =	sdelay $0x3  }
0x36: {  	p1 =	seq.s32 s10, $0x1;
	s10 =	sld [smem:$0x3FAB];
	_ =	sdelay $0x3  }
0x37: {  	[smem:$0x3FAB] =	sst s10  }
0x38: {  	s10 =	sld [smem:$0x3FAC]  }
0x39: {  	_ = 	snop;
	(pc) =	sbr.ind lr, $3  }
0x3a: {  	_ = 	snop  }
0x3b: {  	_ = 	snop  }
0x3c: {  	p2 =	seq.s32 s10, $0x1;
	s10 =	sld [smem:$0x3FAB]  }
0x3d: {  	_ =	shalt  }
0x3e: {  	_ =	shalt  }
0x3f: {  	_ =	shalt  }
0x40: {  	_ =	shalt  }
0x41: {  	_ =	shalt  }
0x42: {  	_ =	shalt  }
0x43: {  	_ =	shalt  }
0x44: {  	_ =	shalt  }
0x45: {  	_ =	shalt  }
0x46: {  	_ =	shalt  }
0x47: {  	_ =	shalt  }
0x48: {  	_ =	shalt  }
0x49: {  	_ =	shalt  }
0x4a: {  	_ =	shalt  }
0x4b: {  	_ =	shalt  }
0x4c: {  	_ =	shalt  }
0x4d: {  	_ =	shalt  }
0x4e: {  	_ =	shalt  }
0x4f: {  	_ =	shalt  }
0x50: {  	_ =	shalt  }
0x51: {  	_ =	shalt  }
0x52: {  	_ =	shalt  }
0x53: {  	_ =	shalt  }
0x54: {  	_ =	shalt  }
0x55: {  	_ =	shalt  }
0x56: {  	_ =	shalt  }
0x57: {  	_ =	shalt  }
0x58: {  	_ =	shalt  }
0x59: {  	_ =	shalt  }
0x5a: {  	_ =	shalt  }
0x5b: {  	_ =	shalt  }
0x5c: {  	_ =	shalt  }
0x5d: {  	_ =	shalt  }
0x5e: {  	_ =	shalt  }
0x5f: {  	_ =	shalt  }
0x60: {  	_ =	shalt  }
0x61: {  	_ =	shalt  }
0x62: {  	_ =	shalt  }
0x63: {  	_ =	shalt  }
0x64: {  	_ =	shalt  }
0x65: {  	_ =	shalt  }
0x66: {  	_ =	shalt  }
0x67: {  	_ =	shalt  }
0x68: {  	_ =	shalt  }
0x69: {  	_ =	shalt  }
0x6a: {  	_ =	shalt  }
0x6b: {  	_ =	shalt  }
0x6c: {  	_ =	shalt  }
0x6d: {  	_ =	shalt  }
0x6e: {  	_ =	shalt  }
0x6f: {  	_ =	shalt  }
0x70: {  	_ =	shalt  }
0x71: {  	_ =	shalt  }
0x72: {  	_ =	shalt  }
0x73: {  	_ =	shalt  }
0x74: {  	_ =	shalt  }
0x75: {  	_ =	shalt  }
0x76: {  	_ =	shalt  }
0x77: {  	_ =	shalt  }
0x78: {  	_ =	shalt  }
0x79: {  	_ =	shalt  }
0x7a: {  	_ =	shalt  }
0x7b: {  	_ =	shalt  }
0x7c: {  	_ =	shalt  }
0x7d: {  	_ =	shalt  }
0x7e: {  	_ =	shalt  }
0x7f: {  	_ =	shalt  }
0x80: {  	_ =	shalt  }
0x81: {  	_ =	shalt  }
0x82: {  	_ =	shalt  }
0x83: {  	_ =	shalt  }
0x84: {  	_ =	shalt  }
0x85: {  	_ =	shalt  }
0x86: {  	_ =	shalt  }
0x87: {  	_ =	shalt  }
.Lfunc_end0:
.L_simem_size_0:
called_computation.4_lowered:
.L_overlay_start_0:
0x88: {  	s2 =	sld [smem:$0x3FD9]  }
0x89: {  	s3 =	sld [smem:$0x3FFE];
	_ =	sdelay $0x1  }
0x8a: {  	s1 =	srdreg.scid  }
0x8b: {  	s0 =	sand.u32 $0x1, s1  }
0x8c: {  	s17 =	sshll.u32 s0, $0xA;
	s2 =	sadd.s32 s3, s2  }
0x8d: {  	s2 =	sadd.s32 s2, s17  }
0x8e: {  	[smem:$0x3FB7] =	sst s2  }
0x8f: {  	_ = 	snop  }
0x90: {  	s2 =	sld [smem:$0x3FD0];
	(tm) =	ssettm $0x1  }
0x91: {  	s18 =	sld [smem:$0x3FFB];
	_ =	sdelay $0x3  }
0x92: {  	_ =	strace s18  }
0x93: {  	s3 =	sld [smem:$0x3FFC];
	_ =	sdelay $0x3  }
0x94: {  	_ =	strace s3  }
0x95: {  	s3 =	sld [smem:$0x3FFD];
	_ =	sdelay $0x3  }
0x96: {  	_ =	strace s3  }
0x97: {  	_ =	strace $0x8FFFFFFF  }
0x98: {  	s19 =	sld [smem:$0x3FDB];
	_ =	sdelay $0x1  }
0x99: {  	s4 =	simm.s32 $_scs_section_size  }
0x9a: {  	s5 =	simm.s32 $_size__tile_overlayer_lowered;
	s6 =	simm.s32 $_tile_overlayer_lowered  }
0x9b: {  	s22 =	simm.s32 $0x1BFF;
	s21 =	sshll.u32 s6, $0x1;
	s3 =	sadd.s32 s4, s19  }
0x9c: {  	s7 =	simm.s32 $0x0;
	s20 =	sshll.u32 s5, $0x1;
	s5 =	sadd.s32 s21, s3  }
0x9d: {  	[timem:s7], [sflag:s22] =	dma.local [hbm:s5], s20  }
0x9e: {  	_ =	swait.ge [sflag:s22], s20  }
0x9f: {  	s4 =	ssub.s32 $0x0, s20;
	[sflag:s22] =	ssyncset.done $0x0  }
0xa0: {  	[sflag:s22] =	ssyncadd.s32 s4;
	_ =	sdelay $0x1  }
0xa1: {  	s23 =	simm.s32 $0x1B8B  }
0xa2: {  	_ =	swait.ge [sflag:s23], $0x1  }
0xa3: {  	[sflag:s23] =	ssyncset.done $0x0  }
0xa4: {  	s25 =	simm.s32 $0x1B8E;
	s24 =	sld [smem:$0x3FFE];
	[sflag:s23] =	ssyncadd.s32 $0xFFFFFFFF  }
0xa5: {  	s26 =	simm.s32 $execute0_lowered;
	[smem:$0x3FD2] =	sst s25  }
0xa6: {  	s5 =	sshll.u32 s26, $0x1;
	_ =	strace $0x80000052;
	[dreg:$0x1] =	wrdreg $0xFFFFFFFF  }
0xa7: {  	s28 =	simm.s32 $_size_execute0_lowered;
	s3 =	sadd.s32 s3, s5;
	[dreg:$0x0] =	wrdreg $0x0  }
0xa8: {  	s5 =	sshll.u32 s28, $0x1;
	[dreg:$0x2] =	wrdreg s3  }
0xa9: {  	[dreg:$0x3] =	wrdreg s5  }
0xaa: {  	[dreg:$0x4] =	wrdreg $0xC0  }
0xab: {  	_ =	task [dreg:s7], $0x5FFFF  }
0xac: {  	[dreg:$0x1] =	wrdreg $0xFFFFFFFF  }
0xad: {  	[dreg:$0x0] =	wrdreg $0x60  }
0xae: {  	[dreg:$0x2] =	wrdreg s24  }
0xaf: {  	[dreg:$0x3] =	wrdreg s2  }
0xb0: {  	[dreg:$0x4] =	wrdreg $0x51000  }
0xb1: {  	[dreg:$0x5] =	wrdreg $0x9  }
0xb2: {  	_ =	task.clear_ibuf [dreg:s7], $0x6FFFF;
	_ =	strace $0x90000052  }
0xb3: {  	s29 =	simm.s32 $0x9;
	_ =	strace $0x80000054  }
0xb4: {  	_ =	swait.ge [sflag:s29], $0x1  }
0xb5: {  	[sflag:s29] =	ssyncadd.s32 $0xFFFFFFFF  }
0xb6: {  	_ =	strace $0x90000054  }
0xb7: {  	_ =	sfence  }
0xb8: {  	s30 =	sld [smem:$0x0];
	_ =	sdelay $0x2  }
0xb9: {  	s31 =	sshll.u32 s1, $0xD;
	s1 =	sshrl.u32 s1, $0x2  }
0xba: {  	s3 =	sand.u32 $0x4000, s31;
	s1 =	sadd.s32 s1, s30  }
0xbb: {  	s0 =	sor.u32 s3, s0;
	s1 =	sshll.u32 s1, $0x11  }
0xbc: {  	s0 =	sor.u32 s1, s0  }
0xbd: {  	s0 =	sadd.s32 $0x8F2B, s0  }
0xbe: {  	[sflag:s0] =	ssyncadd.remote.s32 $0x1  }
0xbf: {  	_ =	sfence.sel $0xFFFF  }
0xc0: {  	[dreg:$0x0] =	wrdreg $0xFFFFFFFF;
	(pc) =	sbr.abs _section_cstart, $3  }
0xc1: {  	[dreg:$0x1] =	wrdreg $0xFFFFFFFF  }
0xc2: {  	_ =	task.clear_ibuf [dreg:s7], $0x2FFFF;
	_ =	strace $0x9FFFFFFF  }
0xc3: {  	(tm) =	ssettm $0x7FFFFFFF  }
tec
execute0_lowered:
.L_overlay_start_1:
0x0: {  	(tag) =	ssettag $0x1  }
0x1: {  	s9 =	rddreg [dreg:$0x0]  }
0x2: {  	s1 =	rddreg [dreg:$0x1]  }
0x3: {  	s2 =	rddreg [dreg:$0x2]  }
0x4: {  	s0 =	rddreg [dreg:$0x3];
	s3 =	simm.s32 $0x0  }
0x5: {  	s14 =	stileid.u32;
	s6 =	srdreg.scid;
	s19 =	simm.s32 $0x100  }
0x6: {  	s20 =	simm.s32 $0x2900;
	s21 =	simm.s32 $0x1;
	s22 =	simm.s32 $0x2  }
0x7: {  	s23 =	simm.s32 $0x0;
	[smem:$0x7FF] =	sst s3;
	s4 =	sadd.s32 $0x8BA00, s9  }
0x8: {  	s10 =	smul.u32 $0x13800, s14;
	s5 =	sadd.s32 $0x16400, s9;
	s11 =	sand.u32 $0x1, s6  }
0x9: {  	s7 =	smul.u32 $0x4E000, s14;
	s6 =	sadd.s32 $0xC600, s9;
	s15 =	sadd.s32 $0xE0800, s9  }
0xa: {  	s29 =	sshll.u32 s14, $0x6;
	s17 =	sadd.s32 $0x138000, s2;
	s18 =	sshll.u32 s14, $0x1  }
0xb: {  	p0 =	sne.s32 s14, $0x0;
	_ =	strace $0x80000053;
	s12 =	ssub.s32 $0x2, s11  }
0xc: {  	s30 =	smul.u32 $0x138800, s11;
	s11 =	sor.u32 s11, s18;
	s18 =	simm.s32 $0x50  }
0xd: {  	s8 =	sshrl.u32 s10, $0x3;
	s13 =	sshrl.u32 s12, $0x1;
	s7 =	sshrl.u32 s7, $0x2  }
0xe: {  	s8 =	sadd.s32 s8, s9;
	s13 =	ssub.s32 s12, s13;
	s16 =	sadd.s32 s7, s2  }
0xf: {  	s9 =	sadd.s32 $0x8B800, s9;
	s10 =	sadd.s32 s10, s30;
	s12 =	sshrl.u32 s30, $0x3  }
0x10: {  	s7 =	sadd.s32 $0x64800, s8;
	s8 =	sor.u32 $0x1C03, s29;
	s31 =	sshrl.u32 s10, $0x3  }
0x11: {  	s12 =	sadd.s32 s15, s12;
	s10 =	smul.u32 $0x2710, s11;
	s13 =	smax.u32 s13, $0x1  }
0x12: {  	s14 =	sshrl.u32 s16, $0x3;
	s16 =	sshrl.u32 @!p0 s17, $0x3;
	s17 =	simm.s32 $0x80  }
0x13: {  	s11 =	sadd.s32 s15, s31;
	s12 =	sadd.s32 $0x27000, s12;
	s15 =	simm.s32 $0x3  }
.LBB2_1:
0x14: {  	[spmem:s14], [sflag:s8] =	dma.local [hbm:s7], $0x2700  }
0x15: {  	_ =	swait.ge [sflag:s15], $0x2700  }
0x16: {  	[sflag:s15] =	ssyncset.done $0x0  }
0x17: {  	s24 =	simm.s32 @!p0 $0x3;
	[sflag:s15] =	ssyncadd.s32 $0xFFFFD900  }
0x18: {  	[spmem:s16], [sflag:s8] =	dma.local @!p0 [hbm:s9], $0x100  }
0x19: {  	_ =	swait.ge @!p0 [sflag:s24], $0x100  }
0x1a: {  	[sflag:s24] =	ssyncset.done @!p0 $0x0  }
0x1b: {  	[sflag:s24] =	ssyncadd.s32 @!p0 $0xFFFFFF00  }
0x1c: {  	s24 =	simm.s32 $0x0;
	[bflag:$0x0] =	sbarrier.arrive $0xFFFF  }
.LBB2_2:
0x1d: {  	s25 =	smul.u32 $0x50, s24;
	_ =	sdelay $0x1  }
0x1e: {  	s25 =	sadd.s32 s10, s25  }
0x1f: {  	s25 =	sshrl.u32 s25, $0x3  }
0x20: {  	s28 =	simm.s32 $0x0;
	s26 =	sadd.s32 s6, s25  }
0x21: {  	[tilespmem:s28], [sflag:$0x3] =	stream.linear.gather [hbm4b:s26+s28], $0x50, $0x38;
	[tilespmem:$0x18980] =	vst v63  }
0x22: {  	_ =	swait.ge [sflag:s15], $0x50  }
0x23: {  	[sflag:s15] =	ssyncset.done $0x0  }
0x24: {  	s25 =	sadd.s32 s1, s25;
	[sflag:s15] =	ssyncadd.s32 $0xFFFFFFB0  }
0x25: {  	[tilespmem:s17], [sflag:$0x3] =	stream.linear.gather [hbm4b:s25+s28], $0x50, $0x38;
	[tilespmem:$0x18980] =	vst v63  }
0x26: {  	_ =	swait.ge [sflag:s15], $0x50  }
0x27: {  	[sflag:s15] =	ssyncset.done $0x0  }
0x28: {  	[sflag:s15] =	ssyncadd.s32 $0xFFFFFFB0  }
0x29: {  	[tilespmem:s19], [sflag:$0x1] =	stream.indirect.gather [hbm4b:s4+s18], $0x80, s28, s18, $0xb8;
	[tilespmem:$0x18980] =	vst v63  }
0x2a: {  	_ = 	snop  }
0x2b: {  	[tilespmem:s20], [sflag:$0x2] =	stream.indirect.gather [hbm4b:s5+s18], $0x80, s17, s18, $0xb8;
	[tilespmem:$0x18980] =	vst v63  }
0x2c: {  	_ =	swait.ge [sflag:s21], $0x2800  }
0x2d: {  	[sflag:s21] =	ssyncset.done $0x0  }
0x2e: {  	[sflag:s21] =	ssyncadd.s32 $0xFFFFD800  }
0x2f: {  	_ =	swait.ge [sflag:s22], $0x2800  }
0x30: {  	[sflag:s22] =	ssyncset.done $0x0  }
0x31: {  	s25 =	simm.s32 $0x0;
	[sflag:s22] =	ssyncadd.s32 $0xFFFFD800  }
0x32: {  	v6 =	vld [tilespmem:s25+$0x2900]  }
0x33: {  	v11 =	vld [tilespmem:s25+$0x2910]  }
0x34: {  	v5 =	vld [tilespmem:s25+$0x2920]  }
0x35: {  	v4 =	vld [tilespmem:s25+$0x2930]  }
0x36: {  	v3 =	vld [tilespmem:s25+$0x2940]  }
0x37: {  	v2 =	vld [tilespmem:s25+$0x2950]  }
0x38: {  	v1 =	vld [tilespmem:s25+$0x2960]  }
0x39: {  	v0 =	vld [tilespmem:s25+$0x2970]  }
0x3a: {  	v12 =	vld [tilespmem:s25+$0x100]  }
0x3b: {  	v13 =	vld [tilespmem:s25+$0x110]  }
0x3c: {  	v10 =	vld [tilespmem:s25+$0x120]  }
0x3d: {  	v9 =	vld [tilespmem:s25+$0x130]  }
0x3e: {  	v8 =	vld [tilespmem:s25+$0x140]  }
0x3f: {  	v7 =	vld [tilespmem:s25+$0x150];
	v12 =	vadd.f32 v6, v12  }
0x40: {  	s26 =	simm.s32 $0x200;
	v11 =	vadd.f32 v11, v13;
	v6 =	vld [tilespmem:s25+$0x160]  }
.LBB2_3:
0x41: {  	s28 =	sshra.s32 s26, $0x2;
	p1 =	sne.s32 s26, $0x9E00;
	v12 =	vmax.f32 v12, $0.0e+00;
	v5 =	vadd.f32 v5, v10;
	v10 =	vld [tilespmem:s25+$0x170]  }
0x42: {  	v13 =	vld [tilespmem:s28+$0x2900];
	[tilespmem:s25+$0x100] =	vst v12;
	v11 =	vmax.f32 v11, $0.0e+00;
	v4 =	vadd.f32 v4, v9  }
0x43: {  	v14 =	vld [tilespmem:s28+$0x2910];
	[tilespmem:s25+$0x110] =	vst v11;
	v9 =	vmax.f32 v5, $0.0e+00;
	v3 =	vadd.f32 v3, v8  }
0x44: {  	v5 =	vld [tilespmem:s28+$0x2920];
	[tilespmem:s25+$0x120] =	vst v9;
	v8 =	vmax.f32 v4, $0.0e+00;
	v2 =	vadd.f32 v2, v7  }
0x45: {  	v4 =	vld [tilespmem:s28+$0x2930];
	[tilespmem:s25+$0x130] =	vst v8;
	v7 =	vmax.f32 v3, $0.0e+00;
	v1 =	vadd.f32 v1, v6  }
0x46: {  	v3 =	vld [tilespmem:s28+$0x2940];
	[tilespmem:s25+$0x140] =	vst v7;
	v6 =	vmax.f32 v2, $0.0e+00;
	v0 =	vadd.f32 v0, v10  }
0x47: {  	v2 =	vld [tilespmem:s28+$0x2950];
	[tilespmem:s25+$0x150] =	vst v6;
	v6 =	vmax.f32 v1, $0.0e+00  }
0x48: {  	v1 =	vld [tilespmem:s28+$0x2960];
	[tilespmem:s25+$0x160] =	vst v6;
	v6 =	vmax.f32 v0, $0.0e+00  }
0x49: {  	v0 =	vld [tilespmem:s28+$0x2970];
	[tilespmem:s25+$0x170] =	vst v6;
	s25 =	smov.u32 s28  }
0x4a: {  	v6 =	vld [tilespmem:s25+$0x100]  }
0x4b: {  	v11 =	vld [tilespmem:s25+$0x110]  }
.Ltmp0:
0x4c: {  	v10 =	vld [tilespmem:s25+$0x120];
	(pc) =	sbr.rel @p1 .LBB2_3-.Ltmp0, $4  }
0x4d: {  	v9 =	vld [tilespmem:s25+$0x130]  }
0x4e: {  	v8 =	vld [tilespmem:s25+$0x140]  }
0x4f: {  	v12 =	vadd.f32 v13, v6;
	v7 =	vld [tilespmem:s25+$0x150]  }
0x50: {  	s26 =	sadd.s32 $0x200, s26;
	v11 =	vadd.f32 v14, v11;
	v6 =	vld [tilespmem:s25+$0x160]  }
0x51: {  	v12 =	vmax.f32 v12, $0.0e+00;
	v5 =	vadd.f32 v5, v10;
	v63 =	vld [tilespmem:s25+$0x170]  }
0x52: {  	[tilespmem:s25+$0x100] =	vst v12;
	v11 =	vmax.f32 v11, $0.0e+00;
	v4 =	vadd.f32 v4, v9  }
0x53: {  	[tilespmem:s25+$0x110] =	vst v11;
	v5 =	vmax.f32 v5, $0.0e+00;
	v3 =	vadd.f32 v3, v8  }
0x54: {  	[tilespmem:s25+$0x120] =	vst v5;
	v4 =	vmax.f32 v4, $0.0e+00;
	v2 =	vadd.f32 v2, v7  }
0x55: {  	[tilespmem:s25+$0x130] =	vst v4;
	v3 =	vmax.f32 v3, $0.0e+00;
	v1 =	vadd.f32 v1, v6  }
0x56: {  	[tilespmem:s25+$0x140] =	vst v3;
	v2 =	vmax.f32 v2, $0.0e+00;
	v0 =	vadd.f32 v0, v63  }
0x57: {  	s24 =	sadd.s32 $0x1, s24;
	[tilespmem:s25+$0x150] =	vst v2;
	v1 =	vmax.f32 v1, $0.0e+00  }
0x58: {  	p1 =	sne.s32 s24, $0x7D;
	[tilespmem:s25+$0x160] =	vst v1;
	v0 =	vmax.f32 v0, $0.0e+00  }
.Ltmp1:
0x59: {  	[tilespmem:s25+$0x170] =	vst v0;
	(pc) =	sbr.rel @p1 .LBB2_2-.Ltmp1, $4  }
0x5a: {  	[spmem:s2] =	stream.indirect.scatter.add.f32 [tilespmem:s19], [sflag:$0x3], $0x80, s3, s18, $0xb8;
	[tilespmem:$0x18980] =	vst v63  }
0x5b: {  	_ =	swait.ge [sflag:s15], $0x2800  }
0x5c: {  	[sflag:s15] =	ssyncset.done $0x0  }
0x5d: {  	[sflag:s15] =	ssyncadd.s32 $0xFFFFD800  }
0x5e: {  	[bflag:$0x0] =	sbarrier.arrive $0xFFFF  }
0x5f: {  	[hbm:s11], [sflag:s8] =	dma.local [spmem:s14], $0x2700  }
0x60: {  	s23 =	sadd.s32 $0x1, s23;
	_ =	swait.ge [sflag:s15], $0x2700  }
0x61: {  	p1 =	sne.s32 s23, s13;
	[sflag:s15] =	ssyncset.done $0x0  }
.Ltmp2:
0x62: {  	s24 =	simm.s32 @!p0 $0x3;
	[sflag:s15] =	ssyncadd.s32 $0xFFFFD900;
	(pc) =	sbr.rel @p1 .LBB2_1-.Ltmp2, $4  }
0x63: {  	[hbm:s12], [sflag:s8] =	dma.local @!p0 [spmem:s16], $0x100  }
0x64: {  	_ =	swait.ge @!p0 [sflag:s24], $0x100  }
0x65: {  	[sflag:s24] =	ssyncset.done @!p0 $0x0  }
0x66: {  	[sflag:s24] =	ssyncadd.s32 @!p0 $0xFFFFFF00  }
0x67: {  	_ =	sfence.sel $0x180000  }
0x68: {  	[bflag:$0x0] =	sbarrier.arrive $0xFFFF  }
0x69: {  	_ =	strace $0x90000053  }
0x6a: {  	s0 =	sadd.s32 @!p0 $0x100000, s0;
	[bflag:$0x2] =	sbarrier.arrive $0xFFFF  }
0x6b: {  	[sflag:s0] =	ssyncadd.tile.s32 @!p0 $0x1;
	_ =	shalt  }
.Lfunc_end2:
_tile_overlayer_lowered:
.L_overlay_start_2:
0x6c: {  	(tag) =	ssettag $0x2  }
0x6d: {  	s0 =	rddreg [dreg:$0x0];
	s2 =	stileid.u32  }
0x6e: {  	s1 =	rddreg [dreg:$0x1];
	p0 =	sne.s32 s2, $0x0  }
0x6f: {  	s3 =	rddreg [dreg:$0x2];
	[bflag:$0x3] =	sbarrier.arrive $0xFFFF;
	s2 =	simm.s32 @!p0 $0x1C03  }
0x70: {  	[timem:s3], [sflag:s2] =	dma.local @!p0 [hbm:s0], s1  }
0x71: {  	s0 =	simm.s32 @!p0 $0x3  }
0x72: {  	_ =	swait.ge @!p0 [sflag:s0], s1  }
0x73: {  	s1 =	ssub.s32 @!p0 $0x0, s1;
	[sflag:s0] =	ssyncset.done @!p0 $0x0  }
0x74: {  	[sflag:s0] =	ssyncadd.s32 @!p0 s1  }
0x75: {  	[bflag:$0x3] =	sbarrier.arrive $0xFFFF  }
0x76: {  	_ =	shalt  }

// kernel: kernel.32.cloned.1.call-start
scs
__scs_entry_jumppad:
0x0: {  	(pc) =	sbr.rel $0x88, $3  }
0x1: {  	(tag) =	ssettag $0x0;
	lr =	simm.s32 $0x1  }
0x2: {  	[smem:$0x3F90] =	sst lr;
	_ =	strace $0xD0000000  }
0x3: {  	_ = 	snop  }
0x4: {  	_ = 	snop  }
0x5: {  	_ = 	snop  }
0x6: {  	_ = 	snop  }
0x7: {  	_ = 	snop  }
__scs_overlays_trampoline_lowered:
0x8: {  	[smem:$0x3F9F] =	sst s0  }
0x9: {  	[smem:$0x3FA0] =	sst s1  }
0xa: {  	[smem:$0x3FA1] =	sst s2  }
0xb: {  	[smem:$0x3FA2] =	sst s3  }
0xc: {  	[smem:$0x3FA3] =	sst s4  }
0xd: {  	[smem:$0x3FA4] =	sst s5  }
0xe: {  	[smem:$0x3FA5] =	sst s6  }
0xf: {  	[smem:$0x3FA6] =	sst s7  }
0x10: {  	[smem:$0x3FA7] =	sst s8  }
0x11: {  	[smem:$0x3FA8] =	sst s9;
	s0 =	simm.s32 @!p0 $0x0  }
0x12: {  	s1 =	sld [smem:$0x3F8E];
	s0 =	simm.s32 @p0 $0x1  }
0x13: {  	[smem:$0x3FA9] =	sst s0;
	s0 =	simm.s32 @!p1 $0x0  }
0x14: {  	s2 =	sld [smem:$0x3F8D];
	s0 =	simm.s32 @p1 $0x1  }
0x15: {  	[smem:$0x3FAA] =	sst s0;
	s0 =	simm.s32 @!p2 $0x0  }
0x16: {  	s3 =	sld [smem:$0x3FDB];
	s0 =	simm.s32 @p2 $0x1  }
0x17: {  	s4 =	simm.s32 $0x1BF5;
	[smem:$0x3FAC] =	sst s0  }
0x18: {  	s0 =	sld [smem:$0x3F8F];
	_ =	swait.ge [sflag:s4], $0x0  }
0x19: {  	s7 =	sld [smem:$0x3F90]  }
0x1a: {  	s8 =	sadd.s32 $0xFFFFE003, lr  }
0x1b: {  	s9 =	sadd.s32 $0xFFFFFEF7, lr;
	s5 =	simm.s32 $0xFFFFFFFF;
	p2 =	slt.u32 s8, $0xFFFFF086  }
0x1c: {  	p1 =	slt.u32 s9, $0xF7A;
	s5 =	simm.s32 @!p2 $0x0  }
0x1d: {  	s5 =	simm.s32 @p1 $0x1;
	p0 =	seq.s32 s7, s2  }
0x1e: {  	s7 =	smul.u32 @!p0 $0xF7A, s2;
	p2 =	seq.s32 @!p0 s5, $0x0  }
0x1f: {  	s9 =	smul.u32 $0xF7A, s1;
	s8 =	simm.s32 @!p0 $0x1BF5;
	p2 =	por !p2, p0  }
0x20: {  	[sflag:s8] =	ssyncset.s32 @!p0 $0xFFFFF086;
	s6 =	sadd.s32 @!p0 s3, s7;
	s7 =	simm.s32 @!p0 $0x108  }
0x21: {  	s3 =	sadd.s32 s3, s9;
	s6 =	sadd.s32 @!p0 $0x88, s6;
	s7 =	simm.s32 @p2 $0x1082  }
0x22: {  	[simem:s7], [sflag:s8] =	dma.local @!p0 [hbm:s6], $0xF7A  }
0x23: {  	s9 =	sor.u32 $0xD0000000, s2;
	s6 =	simm.s32 $0x108;
	_ =	swait.ge @!p0 [sflag:s8], $0x0  }
0x24: {  	s3 =	sadd.s32 $0x88, s3;
	s6 =	simm.s32 @!p1 $0x1082;
	[sflag:s4] =	ssyncset.s32 $0xFFFFF086  }
0x25: {  	[simem:s6], [sflag:s4] =	dma.local [hbm:s3], $0xF7A  }
0x26: {  	[smem:$0x3F90] =	sst s1;
	(tag) =	ssettag s2;
	_ =	strace s9  }
0x27: {  	s1 =	sld [smem:$0x3FA0]  }
0x28: {  	s2 =	sld [smem:$0x3FA1]  }
0x29: {  	s4 =	sld [smem:$0x3FA3]  }
0x2a: {  	p0 =	seq.s32 s5, $0x0;
	s5 =	sld [smem:$0x3FA4]  }
0x2b: {  	s6 =	sld [smem:$0x3FA5]  }
0x2c: {  	s7 =	sld [smem:$0x3FA6]  }
0x2d: {  	s3 =	simm.s32 $0x108;
	s8 =	sld [smem:$0x3FA7]  }
0x2e: {  	s3 =	simm.s32 @!p0 $0x1082;
	s9 =	sld [smem:$0x3FA8]  }
0x2f: {  	lr =	sadd.s32 s0, s3;
	s0 =	sld [smem:$0x3F9F]  }
0x30: {  	s3 =	sld [smem:$0x3FA2]  }
0x31: {  	[smem:$0x3FAB] =	sst s10  }
0x32: {  	s10 =	sld [smem:$0x3FA9];
	_ =	sdelay $0x3  }
0x33: {  	p0 =	seq.s32 s10, $0x1;
	s10 =	sld [smem:$0x3FAB];
	_ =	sdelay $0x3  }
0x34: {  	[smem:$0x3FAB] =	sst s10  }
0x35: {  	s10 =	sld [smem:$0x3FAA];
	_ =	sdelay $0x3  }
0x36: {  	p1 =	seq.s32 s10, $0x1;
	s10 =	sld [smem:$0x3FAB];
	_ =	sdelay $0x3  }
0x37: {  	[smem:$0x3FAB] =	sst s10  }
0x38: {  	s10 =	sld [smem:$0x3FAC]  }
0x39: {  	_ = 	snop;
	(pc) =	sbr.ind lr, $3  }
0x3a: {  	_ = 	snop  }
0x3b: {  	_ = 	snop  }
0x3c: {  	p2 =	seq.s32 s10, $0x1;
	s10 =	sld [smem:$0x3FAB]  }
0x3d: {  	_ =	shalt  }
0x3e: {  	_ =	shalt  }
0x3f: {  	_ =	shalt  }
0x40: {  	_ =	shalt  }
0x41: {  	_ =	shalt  }
0x42: {  	_ =	shalt  }
0x43: {  	_ =	shalt  }
0x44: {  	_ =	shalt  }
0x45: {  	_ =	shalt  }
0x46: {  	_ =	shalt  }
0x47: {  	_ =	shalt  }
0x48: {  	_ =	shalt  }
0x49: {  	_ =	shalt  }
0x4a: {  	_ =	shalt  }
0x4b: {  	_ =	shalt  }
0x4c: {  	_ =	shalt  }
0x4d: {  	_ =	shalt  }
0x4e: {  	_ =	shalt  }
0x4f: {  	_ =	shalt  }
0x50: {  	_ =	shalt  }
0x51: {  	_ =	shalt  }
0x52: {  	_ =	shalt  }
0x53: {  	_ =	shalt  }
0x54: {  	_ =	shalt  }
0x55: {  	_ =	shalt  }
0x56: {  	_ =	shalt  }
0x57: {  	_ =	shalt  }
0x58: {  	_ =	shalt  }
0x59: {  	_ =	shalt  }
0x5a: {  	_ =	shalt  }
0x5b: {  	_ =	shalt  }
0x5c: {  	_ =	shalt  }
0x5d: {  	_ =	shalt  }
0x5e: {  	_ =	shalt  }
0x5f: {  	_ =	shalt  }
0x60: {  	_ =	shalt  }
0x61: {  	_ =	shalt  }
0x62: {  	_ =	shalt  }
0x63: {  	_ =	shalt  }
0x64: {  	_ =	shalt  }
0x65: {  	_ =	shalt  }
0x66: {  	_ =	shalt  }
0x67: {  	_ =	shalt  }
0x68: {  	_ =	shalt  }
0x69: {  	_ =	shalt  }
0x6a: {  	_ =	shalt  }
0x6b: {  	_ =	shalt  }
0x6c: {  	_ =	shalt  }
0x6d: {  	_ =	shalt  }
0x6e: {  	_ =	shalt  }
0x6f: {  	_ =	shalt  }
0x70: {  	_ =	shalt  }
0x71: {  	_ =	shalt  }
0x72: {  	_ =	shalt  }
0x73: {  	_ =	shalt  }
0x74: {  	_ =	shalt  }
0x75: {  	_ =	shalt  }
0x76: {  	_ =	shalt  }
0x77: {  	_ =	shalt  }
0x78: {  	_ =	shalt  }
0x79: {  	_ =	shalt  }
0x7a: {  	_ =	shalt  }
0x7b: {  	_ =	shalt  }
0x7c: {  	_ =	shalt  }
0x7d: {  	_ =	shalt  }
0x7e: {  	_ =	shalt  }
0x7f: {  	_ =	shalt  }
0x80: {  	_ =	shalt  }
0x81: {  	_ =	shalt  }
0x82: {  	_ =	shalt  }
0x83: {  	_ =	shalt  }
0x84: {  	_ =	shalt  }
0x85: {  	_ =	shalt  }
0x86: {  	_ =	shalt  }
0x87: {  	_ =	shalt  }
.Lfunc_end0:
.L_simem_size_0:
called_computation.5_lowered:
.L_overlay_start_0:
0x88: {  	s2 =	sld [smem:$0x3FD9]  }
0x89: {  	s3 =	sld [smem:$0x3FFE];
	_ =	sdelay $0x1  }
0x8a: {  	s1 =	srdreg.scid  }
0x8b: {  	s0 =	sand.u32 $0x1, s1  }
0x8c: {  	s17 =	sshll.u32 s0, $0xA;
	s2 =	sadd.s32 s3, s2  }
0x8d: {  	s2 =	sadd.s32 s2, s17  }
0x8e: {  	[smem:$0x3FB7] =	sst s2  }
0x8f: {  	_ = 	snop  }
0x90: {  	s2 =	sld [smem:$0x3FD0];
	(tm) =	ssettm $0x1  }
0x91: {  	s18 =	sld [smem:$0x3FFB];
	_ =	sdelay $0x3  }
0x92: {  	_ =	strace s18  }
0x93: {  	s3 =	sld [smem:$0x3FFC];
	_ =	sdelay $0x3  }
0x94: {  	_ =	strace s3  }
0x95: {  	s3 =	sld [smem:$0x3FFD];
	_ =	sdelay $0x3  }
0x96: {  	_ =	strace s3  }
0x97: {  	_ =	strace $0x8FFFFFFF  }
0x98: {  	s19 =	sld [smem:$0x3FDB];
	_ =	sdelay $0x1  }
0x99: {  	s4 =	simm.s32 $_scs_section_size  }
0x9a: {  	s5 =	simm.s32 $_size__tile_overlayer_lowered;
	s6 =	simm.s32 $_tile_overlayer_lowered  }
0x9b: {  	s22 =	simm.s32 $0x1BFF;
	s21 =	sshll.u32 s6, $0x1;
	s3 =	sadd.s32 s4, s19  }
0x9c: {  	s7 =	simm.s32 $0x0;
	s20 =	sshll.u32 s5, $0x1;
	s5 =	sadd.s32 s21, s3  }
0x9d: {  	[timem:s7], [sflag:s22] =	dma.local [hbm:s5], s20  }
0x9e: {  	_ =	swait.ge [sflag:s22], s20  }
0x9f: {  	s4 =	ssub.s32 $0x0, s20;
	[sflag:s22] =	ssyncset.done $0x0  }
0xa0: {  	[sflag:s22] =	ssyncadd.s32 s4;
	_ =	sdelay $0x1  }
0xa1: {  	s23 =	simm.s32 $0x1B8B  }
0xa2: {  	_ =	swait.ge [sflag:s23], $0x1  }
0xa3: {  	[sflag:s23] =	ssyncset.done $0x0  }
0xa4: {  	s25 =	simm.s32 $0x1B8E;
	s24 =	sld [smem:$0x3FFE];
	[sflag:s23] =	ssyncadd.s32 $0xFFFFFFFF  }
0xa5: {  	s26 =	simm.s32 $execute0_lowered;
	[smem:$0x3FD2] =	sst s25  }
0xa6: {  	s5 =	sshll.u32 s26, $0x1;
	_ =	strace $0x80000055;
	[dreg:$0x1] =	wrdreg $0xFFFFFFFF  }
0xa7: {  	s28 =	simm.s32 $_size_execute0_lowered;
	s3 =	sadd.s32 s3, s5;
	[dreg:$0x0] =	wrdreg $0x0  }
0xa8: {  	s5 =	sshll.u32 s28, $0x1;
	[dreg:$0x2] =	wrdreg s3  }
0xa9: {  	[dreg:$0x3] =	wrdreg s5  }
0xaa: {  	[dreg:$0x4] =	wrdreg $0xC0  }
0xab: {  	_ =	task [dreg:s7], $0x5FFFF  }
0xac: {  	[dreg:$0x1] =	wrdreg $0xFFFFFFFF  }
0xad: {  	[dreg:$0x0] =	wrdreg $0x60  }
0xae: {  	[dreg:$0x2] =	wrdreg s24  }
0xaf: {  	[dreg:$0x3] =	wrdreg s2  }
0xb0: {  	[dreg:$0x4] =	wrdreg $0x51000  }
0xb1: {  	[dreg:$0x5] =	wrdreg $0x9  }
0xb2: {  	_ =	task.clear_ibuf [dreg:s7], $0x6FFFF;
	_ =	strace $0x90000055  }
0xb3: {  	s29 =	simm.s32 $0x9;
	_ =	strace $0x80000057  }
0xb4: {  	_ =	swait.ge [sflag:s29], $0x1  }
0xb5: {  	[sflag:s29] =	ssyncadd.s32 $0xFFFFFFFF  }
0xb6: {  	_ =	strace $0x90000057  }
0xb7: {  	_ =	sfence  }
0xb8: {  	s30 =	sld [smem:$0x0];
	_ =	sdelay $0x2  }
0xb9: {  	s31 =	sshll.u32 s1, $0xD;
	s1 =	sshrl.u32 s1, $0x2  }
0xba: {  	s3 =	sand.u32 $0x4000, s31;
	s1 =	sadd.s32 s1, s30  }
0xbb: {  	s0 =	sor.u32 s3, s0;
	s1 =	sshll.u32 s1, $0x11  }
0xbc: {  	s0 =	sor.u32 s1, s0  }
0xbd: {  	s0 =	sadd.s32 $0x8F2B, s0  }
0xbe: {  	[sflag:s0] =	ssyncadd.remote.s32 $0x1  }
0xbf: {  	_ =	sfence.sel $0xFFFF  }
0xc0: {  	[dreg:$0x0] =	wrdreg $0xFFFFFFFF;
	(pc) =	sbr.abs _section_cstart, $3  }
0xc1: {  	[dreg:$0x1] =	wrdreg $0xFFFFFFFF  }
0xc2: {  	_ =	task.clear_ibuf [dreg:s7], $0x2FFFF;
	_ =	strace $0x9FFFFFFF  }
0xc3: {  	(tm) =	ssettm $0x7FFFFFFF  }
tec
execute0_lowered:
.L_overlay_start_1:
0x0: {  	(tag) =	ssettag $0x1  }
0x1: {  	s9 =	rddreg [dreg:$0x0]  }
0x2: {  	s1 =	rddreg [dreg:$0x1]  }
0x3: {  	s2 =	rddreg [dreg:$0x2]  }
0x4: {  	s0 =	rddreg [dreg:$0x3];
	s3 =	simm.s32 $0x0  }
0x5: {  	s14 =	stileid.u32;
	s6 =	srdreg.scid;
	s19 =	simm.s32 $0x100  }
0x6: {  	s20 =	simm.s32 $0x2900;
	s21 =	simm.s32 $0x1;
	s22 =	simm.s32 $0x2  }
0x7: {  	s23 =	simm.s32 $0x0;
	[smem:$0x7FF] =	sst s3;
	s4 =	sadd.s32 $0x16400, s9  }
0x8: {  	s10 =	smul.u32 $0x13800, s14;
	s5 =	sadd.s32 $0x3D600, s9;
	s11 =	sand.u32 $0x1, s6  }
0x9: {  	s7 =	smul.u32 $0x4E000, s14;
	s6 =	sadd.s32 $0xC600, s9;
	s15 =	sadd.s32 $0x8BA00, s9  }
0xa: {  	s29 =	sshll.u32 s14, $0x6;
	s17 =	sadd.s32 $0x138000, s2;
	s18 =	sshll.u32 s14, $0x1  }
0xb: {  	p0 =	sne.s32 s14, $0x0;
	_ =	strace $0x80000056;
	s12 =	ssub.s32 $0x2, s11  }
0xc: {  	s30 =	smul.u32 $0x138800, s11;
	s11 =	sor.u32 s11, s18;
	s18 =	simm.s32 $0x50  }
0xd: {  	s8 =	sshrl.u32 s10, $0x3;
	s13 =	sshrl.u32 s12, $0x1;
	s7 =	sshrl.u32 s7, $0x2  }
0xe: {  	s8 =	sadd.s32 s8, s9;
	s13 =	ssub.s32 s12, s13;
	s16 =	sadd.s32 s7, s2  }
0xf: {  	s9 =	sadd.s32 $0x8B800, s9;
	s10 =	sadd.s32 s10, s30;
	s12 =	sshrl.u32 s30, $0x3  }
0x10: {  	s7 =	sadd.s32 $0x64800, s8;
	s8 =	sor.u32 $0x1C03, s29;
	s31 =	sshrl.u32 s10, $0x3  }
0x11: {  	s12 =	sadd.s32 s15, s12;
	s10 =	smul.u32 $0x2710, s11;
	s13 =	smax.u32 s13, $0x1  }
0x12: {  	s14 =	sshrl.u32 s16, $0x3;
	s16 =	sshrl.u32 @!p0 s17, $0x3;
	s17 =	simm.s32 $0x80  }
0x13: {  	s11 =	sadd.s32 s15, s31;
	s12 =	sadd.s32 $0x27000, s12;
	s15 =	simm.s32 $0x3  }
.LBB2_1:
0x14: {  	[spmem:s14], [sflag:s8] =	dma.local [hbm:s7], $0x2700  }
0x15: {  	_ =	swait.ge [sflag:s15], $0x2700  }
0x16: {  	[sflag:s15] =	ssyncset.done $0x0  }
0x17: {  	s24 =	simm.s32 @!p0 $0x3;
	[sflag:s15] =	ssyncadd.s32 $0xFFFFD900  }
0x18: {  	[spmem:s16], [sflag:s8] =	dma.local @!p0 [hbm:s9], $0x100  }
0x19: {  	_ =	swait.ge @!p0 [sflag:s24], $0x100  }
0x1a: {  	[sflag:s24] =	ssyncset.done @!p0 $0x0  }
0x1b: {  	[sflag:s24] =	ssyncadd.s32 @!p0 $0xFFFFFF00  }
0x1c: {  	s24 =	simm.s32 $0x0;
	[bflag:$0x0] =	sbarrier.arrive $0xFFFF  }
.LBB2_2:
0x1d: {  	s25 =	smul.u32 $0x50, s24;
	_ =	sdelay $0x1  }
0x1e: {  	s25 =	sadd.s32 s10, s25  }
0x1f: {  	s25 =	sshrl.u32 s25, $0x3  }
0x20: {  	s28 =	simm.s32 $0x0;
	s26 =	sadd.s32 s6, s25  }
0x21: {  	[tilespmem:s28], [sflag:$0x3] =	stream.linear.gather [hbm4b:s26+s28], $0x50, $0x38;
	[tilespmem:$0x18980] =	vst v63  }
0x22: {  	_ =	swait.ge [sflag:s15], $0x50  }
0x23: {  	[sflag:s15] =	ssyncset.done $0x0  }
0x24: {  	s25 =	sadd.s32 s1, s25;
	[sflag:s15] =	ssyncadd.s32 $0xFFFFFFB0  }
0x25: {  	[tilespmem:s17], [sflag:$0x3] =	stream.linear.gather [hbm4b:s25+s28], $0x50, $0x38;
	[tilespmem:$0x18980] =	vst v63  }
0x26: {  	_ =	swait.ge [sflag:s15], $0x50  }
0x27: {  	[sflag:s15] =	ssyncset.done $0x0  }
0x28: {  	[sflag:s15] =	ssyncadd.s32 $0xFFFFFFB0  }
0x29: {  	[tilespmem:s19], [sflag:$0x1] =	stream.indirect.gather [hbm4b:s4+s18], $0x80, s28, s18, $0xb8;
	[tilespmem:$0x18980] =	vst v63  }
0x2a: {  	_ = 	snop  }
0x2b: {  	[tilespmem:s20], [sflag:$0x2] =	stream.indirect.gather [hbm4b:s5+s18], $0x80, s17, s18, $0xb8;
	[tilespmem:$0x18980] =	vst v63  }
0x2c: {  	_ =	swait.ge [sflag:s21], $0x2800  }
0x2d: {  	[sflag:s21] =	ssyncset.done $0x0  }
0x2e: {  	[sflag:s21] =	ssyncadd.s32 $0xFFFFD800  }
0x2f: {  	_ =	swait.ge [sflag:s22], $0x2800  }
0x30: {  	[sflag:s22] =	ssyncset.done $0x0  }
0x31: {  	s25 =	simm.s32 $0x0;
	[sflag:s22] =	ssyncadd.s32 $0xFFFFD800  }
0x32: {  	v6 =	vld [tilespmem:s25+$0x2900]  }
0x33: {  	v11 =	vld [tilespmem:s25+$0x2910]  }
0x34: {  	v5 =	vld [tilespmem:s25+$0x2920]  }
0x35: {  	v4 =	vld [tilespmem:s25+$0x2930]  }
0x36: {  	v3 =	vld [tilespmem:s25+$0x2940]  }
0x37: {  	v2 =	vld [tilespmem:s25+$0x2950]  }
0x38: {  	v1 =	vld [tilespmem:s25+$0x2960]  }
0x39: {  	v0 =	vld [tilespmem:s25+$0x2970]  }
0x3a: {  	v12 =	vld [tilespmem:s25+$0x100]  }
0x3b: {  	v13 =	vld [tilespmem:s25+$0x110]  }
0x3c: {  	v10 =	vld [tilespmem:s25+$0x120]  }
0x3d: {  	v9 =	vld [tilespmem:s25+$0x130]  }
0x3e: {  	v8 =	vld [tilespmem:s25+$0x140]  }
0x3f: {  	v7 =	vld [tilespmem:s25+$0x150];
	v12 =	vadd.f32 v6, v12  }
0x40: {  	s26 =	simm.s32 $0x200;
	v11 =	vadd.f32 v11, v13;
	v6 =	vld [tilespmem:s25+$0x160]  }
.LBB2_3:
0x41: {  	s28 =	sshra.s32 s26, $0x2;
	p1 =	sne.s32 s26, $0x9E00;
	v12 =	vmax.f32 v12, $0.0e+00;
	v5 =	vadd.f32 v5, v10;
	v10 =	vld [tilespmem:s25+$0x170]  }
0x42: {  	v13 =	vld [tilespmem:s28+$0x2900];
	[tilespmem:s25+$0x100] =	vst v12;
	v11 =	vmax.f32 v11, $0.0e+00;
	v4 =	vadd.f32 v4, v9  }
0x43: {  	v14 =	vld [tilespmem:s28+$0x2910];
	[tilespmem:s25+$0x110] =	vst v11;
	v9 =	vmax.f32 v5, $0.0e+00;
	v3 =	vadd.f32 v3, v8  }
0x44: {  	v5 =	vld [tilespmem:s28+$0x2920];
	[tilespmem:s25+$0x120] =	vst v9;
	v8 =	vmax.f32 v4, $0.0e+00;
	v2 =	vadd.f32 v2, v7  }
0x45: {  	v4 =	vld [tilespmem:s28+$0x2930];
	[tilespmem:s25+$0x130] =	vst v8;
	v7 =	vmax.f32 v3, $0.0e+00;
	v1 =	vadd.f32 v1, v6  }
0x46: {  	v3 =	vld [tilespmem:s28+$0x2940];
	[tilespmem:s25+$0x140] =	vst v7;
	v6 =	vmax.f32 v2, $0.0e+00;
	v0 =	vadd.f32 v0, v10  }
0x47: {  	v2 =	vld [tilespmem:s28+$0x2950];
	[tilespmem:s25+$0x150] =	vst v6;
	v6 =	vmax.f32 v1, $0.0e+00  }
0x48: {  	v1 =	vld [tilespmem:s28+$0x2960];
	[tilespmem:s25+$0x160] =	vst v6;
	v6 =	vmax.f32 v0, $0.0e+00  }
0x49: {  	v0 =	vld [tilespmem:s28+$0x2970];
	[tilespmem:s25+$0x170] =	vst v6;
	s25 =	smov.u32 s28  }
0x4a: {  	v6 =	vld [tilespmem:s25+$0x100]  }
0x4b: {  	v11 =	vld [tilespmem:s25+$0x110]  }
.Ltmp0:
0x4c: {  	v10 =	vld [tilespmem:s25+$0x120];
	(pc) =	sbr.rel @p1 .LBB2_3-.Ltmp0, $4  }
0x4d: {  	v9 =	vld [tilespmem:s25+$0x130]  }
0x4e: {  	v8 =	vld [tilespmem:s25+$0x140]  }
0x4f: {  	v12 =	vadd.f32 v13, v6;
	v7 =	vld [tilespmem:s25+$0x150]  }
0x50: {  	s26 =	sadd.s32 $0x200, s26;
	v11 =	vadd.f32 v14, v11;
	v6 =	vld [tilespmem:s25+$0x160]  }
0x51: {  	v12 =	vmax.f32 v12, $0.0e+00;
	v5 =	vadd.f32 v5, v10;
	v63 =	vld [tilespmem:s25+$0x170]  }
0x52: {  	[tilespmem:s25+$0x100] =	vst v12;
	v11 =	vmax.f32 v11, $0.0e+00;
	v4 =	vadd.f32 v4, v9  }
0x53: {  	[tilespmem:s25+$0x110] =	vst v11;
	v5 =	vmax.f32 v5, $0.0e+00;
	v3 =	vadd.f32 v3, v8  }
0x54: {  	[tilespmem:s25+$0x120] =	vst v5;
	v4 =	vmax.f32 v4, $0.0e+00;
	v2 =	vadd.f32 v2, v7  }
0x55: {  	[tilespmem:s25+$0x130] =	vst v4;
	v3 =	vmax.f32 v3, $0.0e+00;
	v1 =	vadd.f32 v1, v6  }
0x56: {  	[tilespmem:s25+$0x140] =	vst v3;
	v2 =	vmax.f32 v2, $0.0e+00;
	v0 =	vadd.f32 v0, v63  }
0x57: {  	s24 =	sadd.s32 $0x1, s24;
	[tilespmem:s25+$0x150] =	vst v2;
	v1 =	vmax.f32 v1, $0.0e+00  }
0x58: {  	p1 =	sne.s32 s24, $0x7D;
	[tilespmem:s25+$0x160] =	vst v1;
	v0 =	vmax.f32 v0, $0.0e+00  }
.Ltmp1:
0x59: {  	[tilespmem:s25+$0x170] =	vst v0;
	(pc) =	sbr.rel @p1 .LBB2_2-.Ltmp1, $4  }
0x5a: {  	[spmem:s2] =	stream.indirect.scatter.add.f32 [tilespmem:s19], [sflag:$0x3], $0x80, s3, s18, $0xb8;
	[tilespmem:$0x18980] =	vst v63  }
0x5b: {  	_ =	swait.ge [sflag:s15], $0x2800  }
0x5c: {  	[sflag:s15] =	ssyncset.done $0x0  }
0x5d: {  	[sflag:s15] =	ssyncadd.s32 $0xFFFFD800  }
0x5e: {  	[bflag:$0x0] =	sbarrier.arrive $0xFFFF  }
0x5f: {  	[hbm:s11], [sflag:s8] =	dma.local [spmem:s14], $0x2700  }
0x60: {  	s23 =	sadd.s32 $0x1, s23;
	_ =	swait.ge [sflag:s15], $0x2700  }
0x61: {  	p1 =	sne.s32 s23, s13;
	[sflag:s15] =	ssyncset.done $0x0  }
.Ltmp2:
0x62: {  	s24 =	simm.s32 @!p0 $0x3;
	[sflag:s15] =	ssyncadd.s32 $0xFFFFD900;
	(pc) =	sbr.rel @p1 .LBB2_1-.Ltmp2, $4  }
0x63: {  	[hbm:s12], [sflag:s8] =	dma.local @!p0 [spmem:s16], $0x100  }
0x64: {  	_ =	swait.ge @!p0 [sflag:s24], $0x100  }
0x65: {  	[sflag:s24] =	ssyncset.done @!p0 $0x0  }
0x66: {  	[sflag:s24] =	ssyncadd.s32 @!p0 $0xFFFFFF00  }
0x67: {  	_ =	sfence.sel $0x180000  }
0x68: {  	[bflag:$0x0] =	sbarrier.arrive $0xFFFF  }
0x69: {  	_ =	strace $0x90000056  }
0x6a: {  	s0 =	sadd.s32 @!p0 $0x100000, s0;
	[bflag:$0x2] =	sbarrier.arrive $0xFFFF  }
0x6b: {  	[sflag:s0] =	ssyncadd.tile.s32 @!p0 $0x1;
	_ =	shalt  }
.Lfunc_end2:
_tile_overlayer_lowered:
.L_overlay_start_2:
0x6c: {  	(tag) =	ssettag $0x2  }
0x6d: {  	s0 =	rddreg [dreg:$0x0];
	s2 =	stileid.u32  }
0x6e: {  	s1 =	rddreg [dreg:$0x1];
	p0 =	sne.s32 s2, $0x0  }
0x6f: {  	s3 =	rddreg [dreg:$0x2];
	[bflag:$0x3] =	sbarrier.arrive $0xFFFF;
	s2 =	simm.s32 @!p0 $0x1C03  }
0x70: {  	[timem:s3], [sflag:s2] =	dma.local @!p0 [hbm:s0], s1  }
0x71: {  	s0 =	simm.s32 @!p0 $0x3  }
0x72: {  	_ =	swait.ge @!p0 [sflag:s0], s1  }
0x73: {  	s1 =	ssub.s32 @!p0 $0x0, s1;
	[sflag:s0] =	ssyncset.done @!p0 $0x0  }
0x74: {  	[sflag:s0] =	ssyncadd.s32 @!p0 s1  }
0x75: {  	[bflag:$0x3] =	sbarrier.arrive $0xFFFF  }
0x76: {  	_ =	shalt  }

// kernel: kernel.35.cloned.1.call-start
scs
__scs_entry_jumppad:
0x0: {  	(pc) =	sbr.rel $0x88, $3  }
0x1: {  	(tag) =	ssettag $0x0;
	lr =	simm.s32 $0x1  }
0x2: {  	[smem:$0x3F90] =	sst lr;
	_ =	strace $0xD0000000  }
0x3: {  	_ = 	snop  }
0x4: {  	_ = 	snop  }
0x5: {  	_ = 	snop  }
0x6: {  	_ = 	snop  }
0x7: {  	_ = 	snop  }
__scs_overlays_trampoline_lowered:
0x8: {  	[smem:$0x3F9F] =	sst s0  }
0x9: {  	[smem:$0x3FA0] =	sst s1  }
0xa: {  	[smem:$0x3FA1] =	sst s2  }
0xb: {  	[smem:$0x3FA2] =	sst s3  }
0xc: {  	[smem:$0x3FA3] =	sst s4  }
0xd: {  	[smem:$0x3FA4] =	sst s5  }
0xe: {  	[smem:$0x3FA5] =	sst s6  }
0xf: {  	[smem:$0x3FA6] =	sst s7  }
0x10: {  	[smem:$0x3FA7] =	sst s8  }
0x11: {  	[smem:$0x3FA8] =	sst s9;
	s0 =	simm.s32 @!p0 $0x0  }
0x12: {  	s1 =	sld [smem:$0x3F8E];
	s0 =	simm.s32 @p0 $0x1  }
0x13: {  	[smem:$0x3FA9] =	sst s0;
	s0 =	simm.s32 @!p1 $0x0  }
0x14: {  	s2 =	sld [smem:$0x3F8D];
	s0 =	simm.s32 @p1 $0x1  }
0x15: {  	[smem:$0x3FAA] =	sst s0;
	s0 =	simm.s32 @!p2 $0x0  }
0x16: {  	s3 =	sld [smem:$0x3FDB];
	s0 =	simm.s32 @p2 $0x1  }
0x17: {  	s4 =	simm.s32 $0x1BF5;
	[smem:$0x3FAC] =	sst s0  }
0x18: {  	s0 =	sld [smem:$0x3F8F];
	_ =	swait.ge [sflag:s4], $0x0  }
0x19: {  	s7 =	sld [smem:$0x3F90]  }
0x1a: {  	s8 =	sadd.s32 $0xFFFFE003, lr  }
0x1b: {  	s9 =	sadd.s32 $0xFFFFFEF7, lr;
	s5 =	simm.s32 $0xFFFFFFFF;
	p2 =	slt.u32 s8, $0xFFFFF086  }
0x1c: {  	p1 =	slt.u32 s9, $0xF7A;
	s5 =	simm.s32 @!p2 $0x0  }
0x1d: {  	s5 =	simm.s32 @p1 $0x1;
	p0 =	seq.s32 s7, s2  }
0x1e: {  	s7 =	smul.u32 @!p0 $0xF7A, s2;
	p2 =	seq.s32 @!p0 s5, $0x0  }
0x1f: {  	s9 =	smul.u32 $0xF7A, s1;
	s8 =	simm.s32 @!p0 $0x1BF5;
	p2 =	por !p2, p0  }
0x20: {  	[sflag:s8] =	ssyncset.s32 @!p0 $0xFFFFF086;
	s6 =	sadd.s32 @!p0 s3, s7;
	s7 =	simm.s32 @!p0 $0x108  }
0x21: {  	s3 =	sadd.s32 s3, s9;
	s6 =	sadd.s32 @!p0 $0x88, s6;
	s7 =	simm.s32 @p2 $0x1082  }
0x22: {  	[simem:s7], [sflag:s8] =	dma.local @!p0 [hbm:s6], $0xF7A  }
0x23: {  	s9 =	sor.u32 $0xD0000000, s2;
	s6 =	simm.s32 $0x108;
	_ =	swait.ge @!p0 [sflag:s8], $0x0  }
0x24: {  	s3 =	sadd.s32 $0x88, s3;
	s6 =	simm.s32 @!p1 $0x1082;
	[sflag:s4] =	ssyncset.s32 $0xFFFFF086  }
0x25: {  	[simem:s6], [sflag:s4] =	dma.local [hbm:s3], $0xF7A  }
0x26: {  	[smem:$0x3F90] =	sst s1;
	(tag) =	ssettag s2;
	_ =	strace s9  }
0x27: {  	s1 =	sld [smem:$0x3FA0]  }
0x28: {  	s2 =	sld [smem:$0x3FA1]  }
0x29: {  	s4 =	sld [smem:$0x3FA3]  }
0x2a: {  	p0 =	seq.s32 s5, $0x0;
	s5 =	sld [smem:$0x3FA4]  }
0x2b: {  	s6 =	sld [smem:$0x3FA5]  }
0x2c: {  	s7 =	sld [smem:$0x3FA6]  }
0x2d: {  	s3 =	simm.s32 $0x108;
	s8 =	sld [smem:$0x3FA7]  }
0x2e: {  	s3 =	simm.s32 @!p0 $0x1082;
	s9 =	sld [smem:$0x3FA8]  }
0x2f: {  	lr =	sadd.s32 s0, s3;
	s0 =	sld [smem:$0x3F9F]  }
0x30: {  	s3 =	sld [smem:$0x3FA2]  }
0x31: {  	[smem:$0x3FAB] =	sst s10  }
0x32: {  	s10 =	sld [smem:$0x3FA9];
	_ =	sdelay $0x3  }
0x33: {  	p0 =	seq.s32 s10, $0x1;
	s10 =	sld [smem:$0x3FAB];
	_ =	sdelay $0x3  }
0x34: {  	[smem:$0x3FAB] =	sst s10  }
0x35: {  	s10 =	sld [smem:$0x3FAA];
	_ =	sdelay $0x3  }
0x36: {  	p1 =	seq.s32 s10, $0x1;
	s10 =	sld [smem:$0x3FAB];
	_ =	sdelay $0x3  }
0x37: {  	[smem:$0x3FAB] =	sst s10  }
0x38: {  	s10 =	sld [smem:$0x3FAC]  }
0x39: {  	_ = 	snop;
	(pc) =	sbr.ind lr, $3  }
0x3a: {  	_ = 	snop  }
0x3b: {  	_ = 	snop  }
0x3c: {  	p2 =	seq.s32 s10, $0x1;
	s10 =	sld [smem:$0x3FAB]  }
0x3d: {  	_ =	shalt  }
0x3e: {  	_ =	shalt  }
0x3f: {  	_ =	shalt  }
0x40: {  	_ =	shalt  }
0x41: {  	_ =	shalt  }
0x42: {  	_ =	shalt  }
0x43: {  	_ =	shalt  }
0x44: {  	_ =	shalt  }
0x45: {  	_ =	shalt  }
0x46: {  	_ =	shalt  }
0x47: {  	_ =	shalt  }
0x48: {  	_ =	shalt  }
0x49: {  	_ =	shalt  }
0x4a: {  	_ =	shalt  }
0x4b: {  	_ =	shalt  }
0x4c: {  	_ =	shalt  }
0x4d: {  	_ =	shalt  }
0x4e: {  	_ =	shalt  }
0x4f: {  	_ =	shalt  }
0x50: {  	_ =	shalt  }
0x51: {  	_ =	shalt  }
0x52: {  	_ =	shalt  }
0x53: {  	_ =	shalt  }
0x54: {  	_ =	shalt  }
0x55: {  	_ =	shalt  }
0x56: {  	_ =	shalt  }
0x57: {  	_ =	shalt  }
0x58: {  	_ =	shalt  }
0x59: {  	_ =	shalt  }
0x5a: {  	_ =	shalt  }
0x5b: {  	_ =	shalt  }
0x5c: {  	_ =	shalt  }
0x5d: {  	_ =	shalt  }
0x5e: {  	_ =	shalt  }
0x5f: {  	_ =	shalt  }
0x60: {  	_ =	shalt  }
0x61: {  	_ =	shalt  }
0x62: {  	_ =	shalt  }
0x63: {  	_ =	shalt  }
0x64: {  	_ =	shalt  }
0x65: {  	_ =	shalt  }
0x66: {  	_ =	shalt  }
0x67: {  	_ =	shalt  }
0x68: {  	_ =	shalt  }
0x69: {  	_ =	shalt  }
0x6a: {  	_ =	shalt  }
0x6b: {  	_ =	shalt  }
0x6c: {  	_ =	shalt  }
0x6d: {  	_ =	shalt  }
0x6e: {  	_ =	shalt  }
0x6f: {  	_ =	shalt  }
0x70: {  	_ =	shalt  }
0x71: {  	_ =	shalt  }
0x72: {  	_ =	shalt  }
0x73: {  	_ =	shalt  }
0x74: {  	_ =	shalt  }
0x75: {  	_ =	shalt  }
0x76: {  	_ =	shalt  }
0x77: {  	_ =	shalt  }
0x78: {  	_ =	shalt  }
0x79: {  	_ =	shalt  }
0x7a: {  	_ =	shalt  }
0x7b: {  	_ =	shalt  }
0x7c: {  	_ =	shalt  }
0x7d: {  	_ =	shalt  }
0x7e: {  	_ =	shalt  }
0x7f: {  	_ =	shalt  }
0x80: {  	_ =	shalt  }
0x81: {  	_ =	shalt  }
0x82: {  	_ =	shalt  }
0x83: {  	_ =	shalt  }
0x84: {  	_ =	shalt  }
0x85: {  	_ =	shalt  }
0x86: {  	_ =	shalt  }
0x87: {  	_ =	shalt  }
.Lfunc_end0:
.L_simem_size_0:
called_computation.6_lowered:
.L_overlay_start_0:
0x88: {  	s2 =	sld [smem:$0x3FD9]  }
0x89: {  	s3 =	sld [smem:$0x3FFE];
	_ =	sdelay $0x1  }
0x8a: {  	s1 =	srdreg.scid  }
0x8b: {  	s0 =	sand.u32 $0x1, s1  }
0x8c: {  	s17 =	sshll.u32 s0, $0xA;
	s2 =	sadd.s32 s3, s2  }
0x8d: {  	s2 =	sadd.s32 s2, s17  }
0x8e: {  	[smem:$0x3FB7] =	sst s2  }
0x8f: {  	_ = 	snop  }
0x90: {  	s2 =	sld [smem:$0x3FD0];
	(tm) =	ssettm $0x1  }
0x91: {  	s18 =	sld [smem:$0x3FFB];
	_ =	sdelay $0x3  }
0x92: {  	_ =	strace s18  }
0x93: {  	s3 =	sld [smem:$0x3FFC];
	_ =	sdelay $0x3  }
0x94: {  	_ =	strace s3  }
0x95: {  	s3 =	sld [smem:$0x3FFD];
	_ =	sdelay $0x3  }
0x96: {  	_ =	strace s3  }
0x97: {  	_ =	strace $0x8FFFFFFF  }
0x98: {  	s19 =	sld [smem:$0x3FDB];
	_ =	sdelay $0x1  }
0x99: {  	s4 =	simm.s32 $_scs_section_size  }
0x9a: {  	s5 =	simm.s32 $_size__tile_overlayer_lowered;
	s6 =	simm.s32 $_tile_overlayer_lowered  }
0x9b: {  	s22 =	simm.s32 $0x1BFF;
	s21 =	sshll.u32 s6, $0x1;
	s3 =	sadd.s32 s4, s19  }
0x9c: {  	s7 =	simm.s32 $0x0;
	s20 =	sshll.u32 s5, $0x1;
	s5 =	sadd.s32 s21, s3  }
0x9d: {  	[timem:s7], [sflag:s22] =	dma.local [hbm:s5], s20  }
0x9e: {  	_ =	swait.ge [sflag:s22], s20  }
0x9f: {  	s4 =	ssub.s32 $0x0, s20;
	[sflag:s22] =	ssyncset.done $0x0  }
0xa0: {  	[sflag:s22] =	ssyncadd.s32 s4;
	_ =	sdelay $0x1  }
0xa1: {  	s23 =	simm.s32 $0x1B8B  }
0xa2: {  	_ =	swait.ge [sflag:s23], $0x1  }
0xa3: {  	[sflag:s23] =	ssyncset.done $0x0  }
0xa4: {  	s25 =	simm.s32 $0x1B8E;
	s24 =	sld [smem:$0x3FFE];
	[sflag:s23] =	ssyncadd.s32 $0xFFFFFFFF  }
0xa5: {  	s26 =	simm.s32 $execute0_lowered;
	[smem:$0x3FD2] =	sst s25  }
0xa6: {  	s5 =	sshll.u32 s26, $0x1;
	_ =	strace $0x80000058;
	[dreg:$0x1] =	wrdreg $0xFFFFFFFF  }
0xa7: {  	s28 =	simm.s32 $_size_execute0_lowered;
	s3 =	sadd.s32 s3, s5;
	[dreg:$0x0] =	wrdreg $0x0  }
0xa8: {  	s5 =	sshll.u32 s28, $0x1;
	[dreg:$0x2] =	wrdreg s3  }
0xa9: {  	[dreg:$0x3] =	wrdreg s5  }
0xaa: {  	[dreg:$0x4] =	wrdreg $0xC0  }
0xab: {  	_ =	task [dreg:s7], $0x5FFFF  }
0xac: {  	[dreg:$0x1] =	wrdreg $0xFFFFFFFF  }
0xad: {  	[dreg:$0x0] =	wrdreg $0x60  }
0xae: {  	[dreg:$0x2] =	wrdreg s24  }
0xaf: {  	[dreg:$0x3] =	wrdreg s2  }
0xb0: {  	[dreg:$0x4] =	wrdreg $0x51000  }
0xb1: {  	[dreg:$0x5] =	wrdreg $0x9  }
0xb2: {  	_ =	task.clear_ibuf [dreg:s7], $0x6FFFF;
	_ =	strace $0x90000058  }
0xb3: {  	s29 =	simm.s32 $0x9;
	_ =	strace $0x8000005A  }
0xb4: {  	_ =	swait.ge [sflag:s29], $0x1  }
0xb5: {  	[sflag:s29] =	ssyncadd.s32 $0xFFFFFFFF  }
0xb6: {  	_ =	strace $0x9000005A  }
0xb7: {  	_ =	sfence  }
0xb8: {  	s30 =	sld [smem:$0x0];
	_ =	sdelay $0x2  }
0xb9: {  	s31 =	sshll.u32 s1, $0xD;
	s1 =	sshrl.u32 s1, $0x2  }
0xba: {  	s3 =	sand.u32 $0x4000, s31;
	s1 =	sadd.s32 s1, s30  }
0xbb: {  	s0 =	sor.u32 s3, s0;
	s1 =	sshll.u32 s1, $0x11  }
0xbc: {  	s0 =	sor.u32 s1, s0  }
0xbd: {  	s0 =	sadd.s32 $0x8F2B, s0  }
0xbe: {  	[sflag:s0] =	ssyncadd.remote.s32 $0x1  }
0xbf: {  	_ =	sfence.sel $0xFFFF  }
0xc0: {  	[dreg:$0x0] =	wrdreg $0xFFFFFFFF;
	(pc) =	sbr.abs _section_cstart, $3  }
0xc1: {  	[dreg:$0x1] =	wrdreg $0xFFFFFFFF  }
0xc2: {  	_ =	task.clear_ibuf [dreg:s7], $0x2FFFF;
	_ =	strace $0x9FFFFFFF  }
0xc3: {  	(tm) =	ssettm $0x7FFFFFFF  }
tec
execute0_lowered:
.L_overlay_start_1:
0x0: {  	(tag) =	ssettag $0x1  }
0x1: {  	s9 =	rddreg [dreg:$0x0]  }
0x2: {  	s1 =	rddreg [dreg:$0x1]  }
0x3: {  	s2 =	rddreg [dreg:$0x2]  }
0x4: {  	s0 =	rddreg [dreg:$0x3];
	s3 =	simm.s32 $0x0  }
0x5: {  	s14 =	stileid.u32;
	s6 =	srdreg.scid;
	s19 =	simm.s32 $0x100  }
0x6: {  	s20 =	simm.s32 $0x2900;
	s21 =	simm.s32 $0x1;
	s22 =	simm.s32 $0x2  }
0x7: {  	s23 =	simm.s32 $0x0;
	[smem:$0x7FF] =	sst s3;
	s4 =	sadd.s32 $0x16400, s9  }
0x8: {  	s10 =	smul.u32 $0x13800, s14;
	s5 =	sadd.s32 $0x3D600, s9;
	s11 =	sand.u32 $0x1, s6  }
0x9: {  	s7 =	smul.u32 $0x4E000, s14;
	s6 =	sadd.s32 $0xC600, s9;
	s15 =	sadd.s32 $0x8BA00, s9  }
0xa: {  	s29 =	sshll.u32 s14, $0x6;
	s17 =	sadd.s32 $0x138000, s2;
	s18 =	sshll.u32 s14, $0x1  }
0xb: {  	p0 =	sne.s32 s14, $0x0;
	_ =	strace $0x80000059;
	s12 =	ssub.s32 $0x2, s11  }
0xc: {  	s30 =	smul.u32 $0x138800, s11;
	s11 =	sor.u32 s11, s18;
	s18 =	simm.s32 $0x50  }
0xd: {  	s8 =	sshrl.u32 s10, $0x3;
	s13 =	sshrl.u32 s12, $0x1;
	s7 =	sshrl.u32 s7, $0x2  }
0xe: {  	s8 =	sadd.s32 s8, s9;
	s13 =	ssub.s32 s12, s13;
	s16 =	sadd.s32 s7, s2  }
0xf: {  	s9 =	sadd.s32 $0x8B800, s9;
	s10 =	sadd.s32 s10, s30;
	s12 =	sshrl.u32 s30, $0x3  }
0x10: {  	s7 =	sadd.s32 $0x64800, s8;
	s8 =	sor.u32 $0x1C03, s29;
	s31 =	sshrl.u32 s10, $0x3  }
0x11: {  	s12 =	sadd.s32 s15, s12;
	s10 =	smul.u32 $0x2710, s11;
	s13 =	smax.u32 s13, $0x1  }
0x12: {  	s14 =	sshrl.u32 s16, $0x3;
	s16 =	sshrl.u32 @!p0 s17, $0x3;
	s17 =	simm.s32 $0x80  }
0x13: {  	s11 =	sadd.s32 s15, s31;
	s12 =	sadd.s32 $0x27000, s12;
	s15 =	simm.s32 $0x3  }
.LBB2_1:
0x14: {  	[spmem:s14], [sflag:s8] =	dma.local [hbm:s7], $0x2700  }
0x15: {  	_ =	swait.ge [sflag:s15], $0x2700  }
0x16: {  	[sflag:s15] =	ssyncset.done $0x0  }
0x17: {  	s24 =	simm.s32 @!p0 $0x3;
	[sflag:s15] =	ssyncadd.s32 $0xFFFFD900  }
0x18: {  	[spmem:s16], [sflag:s8] =	dma.local @!p0 [hbm:s9], $0x100  }
0x19: {  	_ =	swait.ge @!p0 [sflag:s24], $0x100  }
0x1a: {  	[sflag:s24] =	ssyncset.done @!p0 $0x0  }
0x1b: {  	[sflag:s24] =	ssyncadd.s32 @!p0 $0xFFFFFF00  }
0x1c: {  	s24 =	simm.s32 $0x0;
	[bflag:$0x0] =	sbarrier.arrive $0xFFFF  }
.LBB2_2:
0x1d: {  	s25 =	smul.u32 $0x50, s24;
	_ =	sdelay $0x1  }
0x1e: {  	s25 =	sadd.s32 s10, s25  }
0x1f: {  	s25 =	sshrl.u32 s25, $0x3  }
0x20: {  	s28 =	simm.s32 $0x0;
	s26 =	sadd.s32 s6, s25  }
0x21: {  	[tilespmem:s28], [sflag:$0x3] =	stream.linear.gather [hbm4b:s26+s28], $0x50, $0x38;
	[tilespmem:$0x18980] =	vst v63  }
0x22: {  	_ =	swait.ge [sflag:s15], $0x50  }
0x23: {  	[sflag:s15] =	ssyncset.done $0x0  }
0x24: {  	s25 =	sadd.s32 s1, s25;
	[sflag:s15] =	ssyncadd.s32 $0xFFFFFFB0  }
0x25: {  	[tilespmem:s17], [sflag:$0x3] =	stream.linear.gather [hbm4b:s25+s28], $0x50, $0x38;
	[tilespmem:$0x18980] =	vst v63  }
0x26: {  	_ =	swait.ge [sflag:s15], $0x50  }
0x27: {  	[sflag:s15] =	ssyncset.done $0x0  }
0x28: {  	[sflag:s15] =	ssyncadd.s32 $0xFFFFFFB0  }
0x29: {  	[tilespmem:s19], [sflag:$0x1] =	stream.indirect.gather [hbm4b:s4+s18], $0x80, s28, s18, $0xb8;
	[tilespmem:$0x18980] =	vst v63  }
0x2a: {  	_ = 	snop  }
0x2b: {  	[tilespmem:s20], [sflag:$0x2] =	stream.indirect.gather [hbm4b:s5+s18], $0x80, s17, s18, $0xb8;
	[tilespmem:$0x18980] =	vst v63  }
0x2c: {  	_ =	swait.ge [sflag:s21], $0x2800  }
0x2d: {  	[sflag:s21] =	ssyncset.done $0x0  }
0x2e: {  	[sflag:s21] =	ssyncadd.s32 $0xFFFFD800  }
0x2f: {  	_ =	swait.ge [sflag:s22], $0x2800  }
0x30: {  	[sflag:s22] =	ssyncset.done $0x0  }
0x31: {  	s25 =	simm.s32 $0x0;
	[sflag:s22] =	ssyncadd.s32 $0xFFFFD800  }
0x32: {  	v6 =	vld [tilespmem:s25+$0x2900]  }
0x33: {  	v11 =	vld [tilespmem:s25+$0x2910]  }
0x34: {  	v5 =	vld [tilespmem:s25+$0x2920]  }
0x35: {  	v4 =	vld [tilespmem:s25+$0x2930]  }
0x36: {  	v3 =	vld [tilespmem:s25+$0x2940]  }
0x37: {  	v2 =	vld [tilespmem:s25+$0x2950]  }
0x38: {  	v1 =	vld [tilespmem:s25+$0x2960]  }
0x39: {  	v0 =	vld [tilespmem:s25+$0x2970]  }
0x3a: {  	v12 =	vld [tilespmem:s25+$0x100]  }
0x3b: {  	v13 =	vld [tilespmem:s25+$0x110]  }
0x3c: {  	v10 =	vld [tilespmem:s25+$0x120]  }
0x3d: {  	v9 =	vld [tilespmem:s25+$0x130]  }
0x3e: {  	v8 =	vld [tilespmem:s25+$0x140]  }
0x3f: {  	v7 =	vld [tilespmem:s25+$0x150];
	v12 =	vadd.f32 v6, v12  }
0x40: {  	s26 =	simm.s32 $0x200;
	v11 =	vadd.f32 v11, v13;
	v6 =	vld [tilespmem:s25+$0x160]  }
.LBB2_3:
0x41: {  	s28 =	sshra.s32 s26, $0x2;
	p1 =	sne.s32 s26, $0x9E00;
	v12 =	vmax.f32 v12, $0.0e+00;
	v5 =	vadd.f32 v5, v10;
	v10 =	vld [tilespmem:s25+$0x170]  }
0x42: {  	v13 =	vld [tilespmem:s28+$0x2900];
	[tilespmem:s25+$0x100] =	vst v12;
	v11 =	vmax.f32 v11, $0.0e+00;
	v4 =	vadd.f32 v4, v9  }
0x43: {  	v14 =	vld [tilespmem:s28+$0x2910];
	[tilespmem:s25+$0x110] =	vst v11;
	v9 =	vmax.f32 v5, $0.0e+00;
	v3 =	vadd.f32 v3, v8  }
0x44: {  	v5 =	vld [tilespmem:s28+$0x2920];
	[tilespmem:s25+$0x120] =	vst v9;
	v8 =	vmax.f32 v4, $0.0e+00;
	v2 =	vadd.f32 v2, v7  }
0x45: {  	v4 =	vld [tilespmem:s28+$0x2930];
	[tilespmem:s25+$0x130] =	vst v8;
	v7 =	vmax.f32 v3, $0.0e+00;
	v1 =	vadd.f32 v1, v6  }
0x46: {  	v3 =	vld [tilespmem:s28+$0x2940];
	[tilespmem:s25+$0x140] =	vst v7;
	v6 =	vmax.f32 v2, $0.0e+00;
	v0 =	vadd.f32 v0, v10  }
0x47: {  	v2 =	vld [tilespmem:s28+$0x2950];
	[tilespmem:s25+$0x150] =	vst v6;
	v6 =	vmax.f32 v1, $0.0e+00  }
0x48: {  	v1 =	vld [tilespmem:s28+$0x2960];
	[tilespmem:s25+$0x160] =	vst v6;
	v6 =	vmax.f32 v0, $0.0e+00  }
0x49: {  	v0 =	vld [tilespmem:s28+$0x2970];
	[tilespmem:s25+$0x170] =	vst v6;
	s25 =	smov.u32 s28  }
0x4a: {  	v6 =	vld [tilespmem:s25+$0x100]  }
0x4b: {  	v11 =	vld [tilespmem:s25+$0x110]  }
.Ltmp0:
0x4c: {  	v10 =	vld [tilespmem:s25+$0x120];
	(pc) =	sbr.rel @p1 .LBB2_3-.Ltmp0, $4  }
0x4d: {  	v9 =	vld [tilespmem:s25+$0x130]  }
0x4e: {  	v8 =	vld [tilespmem:s25+$0x140]  }
0x4f: {  	v12 =	vadd.f32 v13, v6;
	v7 =	vld [tilespmem:s25+$0x150]  }
0x50: {  	s26 =	sadd.s32 $0x200, s26;
	v11 =	vadd.f32 v14, v11;
	v6 =	vld [tilespmem:s25+$0x160]  }
0x51: {  	v12 =	vmax.f32 v12, $0.0e+00;
	v5 =	vadd.f32 v5, v10;
	v63 =	vld [tilespmem:s25+$0x170]  }
0x52: {  	[tilespmem:s25+$0x100] =	vst v12;
	v11 =	vmax.f32 v11, $0.0e+00;
	v4 =	vadd.f32 v4, v9  }
0x53: {  	[tilespmem:s25+$0x110] =	vst v11;
	v5 =	vmax.f32 v5, $0.0e+00;
	v3 =	vadd.f32 v3, v8  }
0x54: {  	[tilespmem:s25+$0x120] =	vst v5;
	v4 =	vmax.f32 v4, $0.0e+00;
	v2 =	vadd.f32 v2, v7  }
0x55: {  	[tilespmem:s25+$0x130] =	vst v4;
	v3 =	vmax.f32 v3, $0.0e+00;
	v1 =	vadd.f32 v1, v6  }
0x56: {  	[tilespmem:s25+$0x140] =	vst v3;
	v2 =	vmax.f32 v2, $0.0e+00;
	v0 =	vadd.f32 v0, v63  }
0x57: {  	s24 =	sadd.s32 $0x1, s24;
	[tilespmem:s25+$0x150] =	vst v2;
	v1 =	vmax.f32 v1, $0.0e+00  }
0x58: {  	p1 =	sne.s32 s24, $0x7D;
	[tilespmem:s25+$0x160] =	vst v1;
	v0 =	vmax.f32 v0, $0.0e+00  }
.Ltmp1:
0x59: {  	[tilespmem:s25+$0x170] =	vst v0;
	(pc) =	sbr.rel @p1 .LBB2_2-.Ltmp1, $4  }
0x5a: {  	[spmem:s2] =	stream.indirect.scatter.add.f32 [tilespmem:s19], [sflag:$0x3], $0x80, s3, s18, $0xb8;
	[tilespmem:$0x18980] =	vst v63  }
0x5b: {  	_ =	swait.ge [sflag:s15], $0x2800  }
0x5c: {  	[sflag:s15] =	ssyncset.done $0x0  }
0x5d: {  	[sflag:s15] =	ssyncadd.s32 $0xFFFFD800  }
0x5e: {  	[bflag:$0x0] =	sbarrier.arrive $0xFFFF  }
0x5f: {  	[hbm:s11], [sflag:s8] =	dma.local [spmem:s14], $0x2700  }
0x60: {  	s23 =	sadd.s32 $0x1, s23;
	_ =	swait.ge [sflag:s15], $0x2700  }
0x61: {  	p1 =	sne.s32 s23, s13;
	[sflag:s15] =	ssyncset.done $0x0  }
.Ltmp2:
0x62: {  	s24 =	simm.s32 @!p0 $0x3;
	[sflag:s15] =	ssyncadd.s32 $0xFFFFD900;
	(pc) =	sbr.rel @p1 .LBB2_1-.Ltmp2, $4  }
0x63: {  	[hbm:s12], [sflag:s8] =	dma.local @!p0 [spmem:s16], $0x100  }
0x64: {  	_ =	swait.ge @!p0 [sflag:s24], $0x100  }
0x65: {  	[sflag:s24] =	ssyncset.done @!p0 $0x0  }
0x66: {  	[sflag:s24] =	ssyncadd.s32 @!p0 $0xFFFFFF00  }
0x67: {  	_ =	sfence.sel $0x180000  }
0x68: {  	[bflag:$0x0] =	sbarrier.arrive $0xFFFF  }
0x69: {  	_ =	strace $0x90000059  }
0x6a: {  	s0 =	sadd.s32 @!p0 $0x100000, s0;
	[bflag:$0x2] =	sbarrier.arrive $0xFFFF  }
0x6b: {  	[sflag:s0] =	ssyncadd.tile.s32 @!p0 $0x1;
	_ =	shalt  }
.Lfunc_end2:
_tile_overlayer_lowered:
.L_overlay_start_2:
0x6c: {  	(tag) =	ssettag $0x2  }
0x6d: {  	s0 =	rddreg [dreg:$0x0];
	s2 =	stileid.u32  }
0x6e: {  	s1 =	rddreg [dreg:$0x1];
	p0 =	sne.s32 s2, $0x0  }
0x6f: {  	s3 =	rddreg [dreg:$0x2];
	[bflag:$0x3] =	sbarrier.arrive $0xFFFF;
	s2 =	simm.s32 @!p0 $0x1C03  }
0x70: {  	[timem:s3], [sflag:s2] =	dma.local @!p0 [hbm:s0], s1  }
0x71: {  	s0 =	simm.s32 @!p0 $0x3  }
0x72: {  	_ =	swait.ge @!p0 [sflag:s0], s1  }
0x73: {  	s1 =	ssub.s32 @!p0 $0x0, s1;
	[sflag:s0] =	ssyncset.done @!p0 $0x0  }
0x74: {  	[sflag:s0] =	ssyncadd.s32 @!p0 s1  }
0x75: {  	[bflag:$0x3] =	sbarrier.arrive $0xFFFF  }
0x76: {  	_ =	shalt  }

</sc_bundles>
